<compile_context>
chip_gen: v7x
topology: tpu7x:2x2x1
jax: 0.10.2.dev20260603
libtpu: 0.0.44.dev20260713+nightly
codegen_flags: <defaults>
</compile_context>

<pallas_src>
import jax
import jax.numpy as jnp
from jax import lax
from jax.experimental import pallas as pl
from jax.experimental.pallas import tpu as pltpu
from jax.experimental.pallas import tpu_sc as plsc

N = 10000
E = 320000
D_IN = 128
D_OUT = 64

NC = 2
NS = 16
NW = NC * NS
E_PAD = 327680
EPW = E_PAD // NW
STRIPE = 640
NROW = NS * STRIPE
SROWS = 40



_SC_MESH = plsc.VectorSubcoreMesh(core_axis_name="c", subcore_axis_name="s")


def _make_segsum(w, ch, rb, nhalf, name):
    jpw = EPW // ch
    jph = jpw // nhalf

    def body(y_hbm, src_hbm, dst_hbm, out_hbm, srcv, dstv, rows, acc, gsem):
        c = lax.axis_index("c")
        s = lax.axis_index("s")
        wid = s * NC + c

        def zrow(r, _):
            for q in range(w // 16):
                rows[r, pl.ds(q * 16, 16)] = jnp.zeros((16,), jnp.float32)
            return 0

        lax.fori_loop(0, SROWS, zrow, 0)

        def zchunk(k, _):
            pltpu.sync_copy(rows.at[pl.ds(0, SROWS)],
                            acc.at[pl.ds(s * STRIPE + k * SROWS, SROWS)])
            return 0

        lax.fori_loop(0, STRIPE // SROWS, zchunk, 0)
        plsc.subcore_barrier()

        def gslot(j):
            return pl.ds(lax.rem(j, rb) * ch, ch)

        def half(h, _):
            base = wid * jpw + h * jph
            pltpu.sync_copy(src_hbm.at[pl.ds(base, jph)], srcv)
            pltpu.sync_copy(dst_hbm.at[pl.ds(base, jph)], dstv)
            for j in range(rb - 1):
                pltpu.async_copy(y_hbm.at[srcv.at[j]], rows.at[gslot(j)],
                                 gsem)

            def ibody(j, _):
                pltpu.make_async_copy(y_hbm.at[srcv.at[j]],
                                      rows.at[gslot(j)], gsem).wait()
                jn = lax.min(j + rb - 1, jph - 1)

                @pl.when(j + rb - 1 < jph)
                def _():
                    pltpu.async_copy(y_hbm.at[srcv.at[jn]],
                                     rows.at[gslot(jn)], gsem)

                pltpu.sync_copy(rows.at[gslot(j)], acc.at[dstv.at[j]],
                                add=True)
                return 0

            lax.fori_loop(0, jph, ibody, 0)
            return 0

        lax.fori_loop(0, nhalf, half, 0)
        plsc.subcore_barrier()

        def ochunk(k, _):
            r0 = s * STRIPE + k * SROWS
            pltpu.sync_copy(acc.at[pl.ds(r0, SROWS)],
                            rows.at[pl.ds(0, SROWS)])
            pltpu.sync_copy(rows.at[pl.ds(0, SROWS)],
                            out_hbm.at[pl.ds(c * NROW + r0, SROWS)])
            return 0

        lax.fori_loop(0, STRIPE // SROWS, ochunk, 0)

    return pl.kernel(
        body,
        out_type=[jax.ShapeDtypeStruct((2 * NROW, w), jnp.float32)],
        mesh=_SC_MESH,
        scratch_types=[
            pltpu.VMEM((jph, ch), jnp.int32),
            pltpu.VMEM((jph, ch), jnp.int32),
            pltpu.VMEM((rb * ch, w), jnp.float32),
            pltpu.VMEM_SHARED((NROW, w), jnp.float32),
            pltpu.SemaphoreType.DMA,
        ],
        compiler_params=pltpu.CompilerParams(use_tc_tiling_on_sc=False),
        name=name,
    )


CH2 = 128
_segsum64 = _make_segsum(D_OUT, CH2, 4, 2, "segsum64")

DWD = 16
_DEG_JPW = EPW // CH2
_DEG_K = 8


def _deg_body(dst_hbm, deg_hbm, dstv, ones, dstage, dacc, ssem):
    c = lax.axis_index("c")
    s = lax.axis_index("s")
    wid = s * NC + c

    def orow(r, _):
        ones[r, pl.ds(0, 16)] = jnp.ones((16,), jnp.float32)
        return 0

    lax.fori_loop(0, CH2, orow, 0)

    def zrow(r, _):
        dstage[r, pl.ds(0, 16)] = jnp.zeros((16,), jnp.float32)
        return 0

    lax.fori_loop(0, SROWS, zrow, 0)

    def zchunk(k, _):
        pltpu.sync_copy(dstage,
                        dacc.at[pl.ds(s * STRIPE + k * SROWS, SROWS)])
        return 0

    lax.fori_loop(0, STRIPE // SROWS, zchunk, 0)

    pltpu.sync_copy(dst_hbm.at[pl.ds(wid * _DEG_JPW, _DEG_JPW)], dstv)
    plsc.subcore_barrier()

    def group(g, _):
        for i in range(_DEG_K):
            pltpu.async_copy(ones, dacc.at[dstv.at[g * _DEG_K + i]], ssem,
                             add=True)
        for i in range(_DEG_K):
            pltpu.make_async_copy(ones, dacc.at[dstv.at[g * _DEG_K + i]],
                                  ssem).wait()
        return 0

    lax.fori_loop(0, _DEG_JPW // _DEG_K, group, 0)
    plsc.subcore_barrier()

    def ochunk(k, _):
        r0 = s * STRIPE + k * SROWS
        pltpu.sync_copy(dacc.at[pl.ds(r0, SROWS)], dstage)
        pltpu.sync_copy(dstage, deg_hbm.at[pl.ds(c * NROW + r0, SROWS)])
        return 0

    lax.fori_loop(0, STRIPE // SROWS, ochunk, 0)


_degscatter = pl.kernel(
    _deg_body,
    out_type=[jax.ShapeDtypeStruct((2 * NROW, DWD), jnp.float32)],
    mesh=_SC_MESH,
    scratch_types=[
        pltpu.VMEM((_DEG_JPW, CH2), jnp.int32),
        pltpu.VMEM((CH2, DWD), jnp.float32),
        pltpu.VMEM((SROWS, DWD), jnp.float32),
        pltpu.VMEM_SHARED((NROW, DWD), jnp.float32),
        pltpu.SemaphoreType.DMA,
    ],
    compiler_params=pltpu.CompilerParams(use_tc_tiling_on_sc=False),
    name="degscatter",
)



BR = 2560


def _row_spec(w):
    return pl.BlockSpec((BR, w), lambda i: (i, 0))


def _full_spec(a, b):
    return pl.BlockSpec((a, b), lambda i: (0, 0))


def _prep_body(x_ref, wl_ref, wr_ref, y_ref, z_ref):
    x = x_ref[...]
    y_ref[...] = jnp.dot(x, wl_ref[...], preferred_element_type=jnp.float32)
    z_ref[...] = jnp.dot(x, wr_ref[...], preferred_element_type=jnp.float32)


def _mean_norm(sw, d, b, z):
    s = sw[:, :D_OUT]
    dg = jnp.sum(d, axis=1, keepdims=True) * (1.0 / DWD)
    dg = jnp.maximum(dg, 1.0)
    pre = s / dg + b + z
    nrm = jnp.sqrt(jnp.sum(pre * pre, axis=1, keepdims=True))
    return pre / jnp.maximum(nrm, 1e-12)


def _comb2_y(s0_ref, s1_ref, d0_ref, d1_ref, b_ref, z_ref, wl_ref, y_ref):
    h = _mean_norm(s0_ref[...] + s1_ref[...], d0_ref[...] + d1_ref[...],
                   b_ref[...], z_ref[...])
    y_ref[...] = jnp.dot(h, wl_ref[...], preferred_element_type=jnp.float32)


def _comb2_z(s0_ref, s1_ref, d0_ref, d1_ref, b_ref, z_ref, wr_ref, z2_ref):
    h = _mean_norm(s0_ref[...] + s1_ref[...], d0_ref[...] + d1_ref[...],
                   b_ref[...], z_ref[...])
    z2_ref[...] = jnp.dot(h, wr_ref[...], preferred_element_type=jnp.float32)


def _comb_fc_y(s0_ref, s1_ref, d0_ref, d1_ref, b_ref, z_ref, fcw_ref,
               fcb_ref, wl_ref, y_ref):
    x1 = _mean_norm(s0_ref[...] + s1_ref[...], d0_ref[...] + d1_ref[...],
                    b_ref[...], z_ref[...])
    xb = (jnp.dot(x1, fcw_ref[...], preferred_element_type=jnp.float32)
          + fcb_ref[...])
    y_ref[...] = jnp.dot(xb, wl_ref[...], preferred_element_type=jnp.float32)


def _comb_fc_rest(s0_ref, s1_ref, d0_ref, d1_ref, b_ref, z_ref, fcw_ref,
                  fcb_ref, wr_ref, x1_ref, z2_ref):
    x1 = _mean_norm(s0_ref[...] + s1_ref[...], d0_ref[...] + d1_ref[...],
                    b_ref[...], z_ref[...])
    x1_ref[...] = x1
    xb = (jnp.dot(x1, fcw_ref[...], preferred_element_type=jnp.float32)
          + fcb_ref[...])
    z2_ref[...] = jnp.dot(xb, wr_ref[...], preferred_element_type=jnp.float32)


def _comb_h2_h(s0_ref, s1_ref, d0_ref, d1_ref, b_ref, z_ref, h2_ref):
    h2_ref[...] = _mean_norm(s0_ref[...] + s1_ref[...],
                             d0_ref[...] + d1_ref[...],
                             b_ref[...], z_ref[...])


def _matmul_z(h_ref, wr_ref, z_ref):
    z_ref[...] = jnp.dot(h_ref[...], wr_ref[...],
                         preferred_element_type=jnp.float32)


def _final_body(s0_ref, s1_ref, d0_ref, d1_ref, b_ref, z_ref, wl_ref,
                out_ref):
    mean_src = s0_ref[...] + s1_ref[...]
    dg = jnp.sum(d0_ref[...] + d1_ref[...], axis=1,
                 keepdims=True) * (1.0 / DWD)
    dg = jnp.maximum(dg, 1.0)
    mean = mean_src / dg
    pre = (jnp.dot(mean, wl_ref[...], preferred_element_type=jnp.float32)
           + b_ref[...] + z_ref[...])
    nrm = jnp.sqrt(jnp.sum(pre * pre, axis=1, keepdims=True))
    out_ref[...] = pre / jnp.maximum(nrm, 1e-12)


def _grid_call(body, in_specs, out_specs, out_shapes):
    return pl.pallas_call(
        body,
        grid=(NROW // BR,),
        in_specs=in_specs,
        out_specs=out_specs,
        out_shape=out_shapes,
    )



def kernel(features1, edge_index1,
           enc1_Wl, enc1_bl, enc1_Wr,
           enc2_Wl, enc2_bl, enc2_Wr,
           fc_W, fc_b,
           dec1_Wl, dec1_bl, dec1_Wr,
           dec2_Wl, dec2_bl, dec2_Wr):
    f32 = jnp.float32
    src = edge_index1[0].astype(jnp.int32)
    dst = edge_index1[1].astype(jnp.int32)
    pad = E_PAD - E
    pad_src = jnp.arange(pad, dtype=jnp.int32) % N
    pad_dst = N + (jnp.arange(pad, dtype=jnp.int32) % (NROW - N))
    src_p = jnp.concatenate([src, pad_src])
    dst_p = jnp.concatenate([dst, pad_dst])
    srcB = src_p.reshape(E_PAD // CH2, CH2)
    dstB = dst_p.reshape(E_PAD // CH2, CH2)
    x0 = jnp.concatenate([features1, jnp.zeros((NROW - N, D_IN), f32)])

    w1l = enc1_Wl.T.astype(f32)
    w1r = enc1_Wr.T.astype(f32)
    w2l = enc2_Wl.T.astype(f32)
    w2r = enc2_Wr.T.astype(f32)
    fcw = fc_W.T.astype(f32)
    w3l = dec1_Wl.T.astype(f32)
    w3r = dec1_Wr.T.astype(f32)
    w4l = dec2_Wl.T.astype(f32)
    w4r = dec2_Wr.T.astype(f32)
    b1 = enc1_bl.reshape(1, D_OUT)
    b2 = enc2_bl.reshape(1, D_OUT)
    fcb = fc_b.reshape(1, D_OUT)
    b3 = dec1_bl.reshape(1, D_OUT)
    b4 = dec2_bl.reshape(1, D_IN)

    degp = _degscatter(dstB)[0]
    d0, d1 = degp[:NROW], degp[NROW:]

    y1, z1 = _grid_call(
        _prep_body,
        [_row_spec(D_IN), _full_spec(D_IN, D_OUT), _full_spec(D_IN, D_OUT)],
        [_row_spec(D_OUT), _row_spec(D_OUT)],
        [jax.ShapeDtypeStruct((NROW, D_OUT), f32)] * 2,
    )(x0, w1l, w1r)

    sp = _segsum64(y1, srcB, dstB)[0]

    comb_in = [_row_spec(D_OUT), _row_spec(D_OUT), _row_spec(DWD),
               _row_spec(DWD), _full_spec(1, D_OUT), _row_spec(D_OUT)]
    y2 = _grid_call(
        _comb2_y,
        comb_in + [_full_spec(D_OUT, D_OUT)],
        _row_spec(D_OUT),
        jax.ShapeDtypeStruct((NROW, D_OUT), f32),
    )(sp[:NROW], sp[NROW:], d0, d1, b1, z1, w2l)
    z2 = _grid_call(
        _comb2_z,
        comb_in + [_full_spec(D_OUT, D_OUT)],
        _row_spec(D_OUT),
        jax.ShapeDtypeStruct((NROW, D_OUT), f32),
    )(sp[:NROW], sp[NROW:], d0, d1, b1, z1, w2r)

    sp2 = _segsum64(y2, srcB, dstB)[0]

    y3 = _grid_call(
        _comb_fc_y,
        comb_in + [_full_spec(D_OUT, D_OUT), _full_spec(1, D_OUT),
                   _full_spec(D_OUT, D_OUT)],
        _row_spec(D_OUT),
        jax.ShapeDtypeStruct((NROW, D_OUT), f32),
    )(sp2[:NROW], sp2[NROW:], d0, d1, b2, z2, fcw, fcb, w3l)
    x1f, z3 = _grid_call(
        _comb_fc_rest,
        comb_in + [_full_spec(D_OUT, D_OUT), _full_spec(1, D_OUT),
                   _full_spec(D_OUT, D_OUT)],
        [_row_spec(D_OUT), _row_spec(D_OUT)],
        [jax.ShapeDtypeStruct((NROW, D_OUT), f32)] * 2,
    )(sp2[:NROW], sp2[NROW:], d0, d1, b2, z2, fcw, fcb, w3r)

    sp3 = _segsum64(y3, srcB, dstB)[0]

    h2 = _grid_call(
        _comb_h2_h,
        comb_in,
        _row_spec(D_OUT),
        jax.ShapeDtypeStruct((NROW, D_OUT), f32),
    )(sp3[:NROW], sp3[NROW:], d0, d1, b3, z3)
    z4 = _grid_call(
        _matmul_z,
        [_row_spec(D_OUT), _full_spec(D_OUT, D_IN)],
        _row_spec(D_IN),
        jax.ShapeDtypeStruct((NROW, D_IN), f32),
    )(h2, w4r)

    sp4 = _segsum64(h2, srcB, dstB)[0]

    x1_rec = _grid_call(
        _final_body,
        [_row_spec(D_OUT), _row_spec(D_OUT), _row_spec(DWD),
         _row_spec(DWD), _full_spec(1, D_IN), _row_spec(D_IN),
         _full_spec(D_OUT, D_IN)],
        _row_spec(D_IN),
        jax.ShapeDtypeStruct((NROW, D_IN), f32),
    )(sp4[:NROW], sp4[NROW:], d0, d1, b4, z4, w4l)

    return (x1f[:N], x1_rec[:N])

# --- scband reference (transcript-rebuilt; emitter-appended) ---
"""Pipeline reference for scband-smart-1m-22316650070987 (READ-ONLY COPY).

The authoritative reference and input builder live on the scoring server;
editing this copy changes nothing except your own understanding.
"""

import jax, jax.numpy as jnp
import numpy as np

N = 10000
E = 320000
D_IN = 128
D_OUT = 64


def _sage_conv(x, src, dst, Wl, bl, Wr):
    # PyG SAGEConv with aggr='mean', normalize=True:
    # out = lin_l(mean_{j in N(i)} x_j) + lin_r(x_i); out = l2_normalize(out)
    msgs = jnp.take(x, src, axis=0)
    agg = jax.ops.segment_sum(msgs, dst, num_segments=x.shape[0])
    deg = jax.ops.segment_sum(jnp.ones_like(dst, dtype=x.dtype), dst, num_segments=x.shape[0])
    mean = agg / jnp.clip(deg, 1.0)[:, None]
    out = mean @ Wl.T + bl + x @ Wr.T
    nrm = jnp.linalg.norm(out, axis=-1, keepdims=True)
    return out / jnp.clip(nrm, 1e-12)


def setup_inputs(seed: int = 0) -> dict:
    key = jax.random.key(seed)
    ks = jax.random.split(key, 20)
    inp = {}
    inp["features1"] = jax.random.normal(ks[0], (N, D_IN), dtype=jnp.float32)
    inp["edge_index1"] = jax.random.randint(ks[1], (2, E), 0, N, dtype=jnp.int64 if jax.config.jax_enable_x64 else jnp.int32)
    s = 0.05
    # Encoder conv1: 128 -> 64 ; conv2: 64 -> 64
    inp["enc1_Wl"] = jax.random.normal(ks[2], (D_OUT, D_IN), dtype=jnp.float32) * s
    inp["enc1_bl"] = jnp.zeros((D_OUT,), dtype=jnp.float32)
    inp["enc1_Wr"] = jax.random.normal(ks[3], (D_OUT, D_IN), dtype=jnp.float32) * s
    inp["enc2_Wl"] = jax.random.normal(ks[4], (D_OUT, D_OUT), dtype=jnp.float32) * s
    inp["enc2_bl"] = jnp.zeros((D_OUT,), dtype=jnp.float32)
    inp["enc2_Wr"] = jax.random.normal(ks[5], (D_OUT, D_OUT), dtype=jnp.float32) * s
    # fc: 64 -> 64
    inp["fc_W"] = jax.random.normal(ks[6], (D_OUT, D_OUT), dtype=jnp.float32) * s
    inp["fc_b"] = jnp.zeros((D_OUT,), dtype=jnp.float32)
    # Decoder conv1: 64 -> 64 ; conv2: 64 -> 128
    inp["dec1_Wl"] = jax.random.normal(ks[7], (D_OUT, D_OUT), dtype=jnp.float32) * s
    inp["dec1_bl"] = jnp.zeros((D_OUT,), dtype=jnp.float32)
    inp["dec1_Wr"] = jax.random.normal(ks[8], (D_OUT, D_OUT), dtype=jnp.float32) * s
    inp["dec2_Wl"] = jax.random.normal(ks[9], (D_IN, D_OUT), dtype=jnp.float32) * s
    inp["dec2_bl"] = jnp.zeros((D_IN,), dtype=jnp.float32)
    inp["dec2_Wr"] = jax.random.normal(ks[10], (D_IN, D_OUT), dtype=jnp.float32) * s
    return inp


def reference(features1, edge_index1,
              enc1_Wl, enc1_bl, enc1_Wr,
              enc2_Wl, enc2_bl, enc2_Wr,
              fc_W, fc_b,
              dec1_Wl, dec1_bl, dec1_Wr,
              dec2_Wl, dec2_bl, dec2_Wr):
    src = edge_index1[0]
    dst = edge_index1[1]
    # Encoder
    h = _sage_conv(features1, src, dst, enc1_Wl, enc1_bl, enc1_Wr)
    x1 = _sage_conv(h, src, dst, enc2_Wl, enc2_bl, enc2_Wr)
    # Bottleneck fc
    x = x1 @ fc_W.T + fc_b
    # Decoder
    h2 = _sage_conv(x, src, dst, dec1_Wl, dec1_bl, dec1_Wr)
    x1_rec = _sage_conv(h2, src, dst, dec2_Wl, dec2_bl, dec2_Wr)
    return (x1, x1_rec)

if __name__ == "__main__":
    import jax
    _d = setup_inputs()
    print(jax.jit(kernel)(*tuple(_d.values())))

</pallas_src>

<mosaic_0001>
#map = affine_map<(d0, d1) -> (0, 0)>
module attributes {stable_mosaic.version = 14 : i64} {
  func.func @segsum64(%arg0: i32, %arg1: i32, %arg2: memref<10240x64xf32, #tpu.memory_space<hbm>>, %arg3: memref<2560x128xi32, #tpu.memory_space<hbm>>, %arg4: memref<2560x128xi32, #tpu.memory_space<hbm>>, %arg5: memref<20480x64xf32, #tpu.memory_space<hbm>>, %arg6: memref<40x128xi32, #tpu.memory_space<vmem>>, %arg7: memref<40x128xi32, #tpu.memory_space<vmem>>, %arg8: memref<512x64xf32, #tpu.memory_space<vmem>>, %arg9: memref<10240x64xf32, #tpu.memory_space<vmem_shared>>, %arg10: memref<!tpu.dma_semaphore, #tpu.memory_space<semaphore_mem>>) attributes {dimension_semantics = [#tpu.dimension_semantics<core_parallel>, #tpu.dimension_semantics<subcore_parallel>], iteration_bounds = array<i64: 2, 16>, scalar_prefetch = 0 : i64, scratch_operands = 5 : i64, tpu.core_type = #tpu.core_type<sc_vector_subcore>, window_params = [{transform_indices = #map}, {transform_indices = #map}, {transform_indices = #map}, {transform_indices = #map}]} {
    %mul3A = arith.constant 2 : i32
    %mul3A_0 = arith.muli %arg1, %mul3A : i32
    %add3A = arith.addi %mul3A_0, %arg0 : i32
    %scan3A = arith.constant 0 : i32
    %scan3A_1 = arith.constant 0 : i32
    %scan3A_2 = arith.constant 40 : i32
    %scan3A_3 = arith.addi %scan3A_1, %scan3A_2 : i32
    %scan3A_4 = arith.constant 1 : i32
    %scan3A_5 = scf.for %scan3A_29 = %scan3A_1 to %scan3A_3 step %scan3A_4 iter_args(%scan3A_30 = %scan3A) -> (i32)  : i32 {
      %broadcast_in_dim3A = arith.constant 0.000000e+00 : f32
      %broadcast_in_dim3A_31 = vector.broadcast %broadcast_in_dim3A : f32 to vector<16xf32>
      %swap3A = arith.index_cast %scan3A_29 : i32 to index
      %swap3A_32 = arith.constant 0 : index
      %swap3A_33 = tpu.vector_load %arg8[%swap3A, %swap3A_32] {strides = array<i32>} : memref<512x64xf32, #tpu.memory_space<vmem>>, vector<1x16xf32>,
      %swap3A_34 = vector.shape_cast %swap3A_33 : vector<1x16xf32> to vector<16xf32>
      %swap3A_35 = vector.shape_cast %broadcast_in_dim3A_31 : vector<16xf32> to vector<1x16xf32>
      tpu.vector_store %arg8[%swap3A, %swap3A_32], %swap3A_35 {strides = array<i32>} : memref<512x64xf32, #tpu.memory_space<vmem>>, vector<1x16xf32>,
      %broadcast_in_dim3A_36 = arith.constant 0.000000e+00 : f32
      %broadcast_in_dim3A_37 = vector.broadcast %broadcast_in_dim3A_36 : f32 to vector<16xf32>
      %swap3A_38 = arith.index_cast %scan3A_29 : i32 to index
      %swap3A_39 = arith.constant 16 : index
      %swap3A_40 = tpu.vector_load %arg8[%swap3A_38, %swap3A_39] {strides = array<i32>} : memref<512x64xf32, #tpu.memory_space<vmem>>, vector<1x16xf32>,
      %swap3A_41 = vector.shape_cast %swap3A_40 : vector<1x16xf32> to vector<16xf32>
      %swap3A_42 = vector.shape_cast %broadcast_in_dim3A_37 : vector<16xf32> to vector<1x16xf32>
      tpu.vector_store %arg8[%swap3A_38, %swap3A_39], %swap3A_42 {strides = array<i32>} : memref<512x64xf32, #tpu.memory_space<vmem>>, vector<1x16xf32>,
      %broadcast_in_dim3A_43 = arith.constant 0.000000e+00 : f32
      %broadcast_in_dim3A_44 = vector.broadcast %broadcast_in_dim3A_43 : f32 to vector<16xf32>
      %swap3A_45 = arith.index_cast %scan3A_29 : i32 to index
      %swap3A_46 = arith.constant 32 : index
      %swap3A_47 = tpu.vector_load %arg8[%swap3A_45, %swap3A_46] {strides = array<i32>} : memref<512x64xf32, #tpu.memory_space<vmem>>, vector<1x16xf32>,
      %swap3A_48 = vector.shape_cast %swap3A_47 : vector<1x16xf32> to vector<16xf32>
      %swap3A_49 = vector.shape_cast %broadcast_in_dim3A_44 : vector<16xf32> to vector<1x16xf32>
      tpu.vector_store %arg8[%swap3A_45, %swap3A_46], %swap3A_49 {strides = array<i32>} : memref<512x64xf32, #tpu.memory_space<vmem>>, vector<1x16xf32>,
      %broadcast_in_dim3A_50 = arith.constant 0.000000e+00 : f32
      %broadcast_in_dim3A_51 = vector.broadcast %broadcast_in_dim3A_50 : f32 to vector<16xf32>
      %swap3A_52 = arith.index_cast %scan3A_29 : i32 to index
      %swap3A_53 = arith.constant 48 : index
      %swap3A_54 = tpu.vector_load %arg8[%swap3A_52, %swap3A_53] {strides = array<i32>} : memref<512x64xf32, #tpu.memory_space<vmem>>, vector<1x16xf32>,
      %swap3A_55 = vector.shape_cast %swap3A_54 : vector<1x16xf32> to vector<16xf32>
      %swap3A_56 = vector.shape_cast %broadcast_in_dim3A_51 : vector<16xf32> to vector<1x16xf32>
      tpu.vector_store %arg8[%swap3A_52, %swap3A_53], %swap3A_56 {strides = array<i32>} : memref<512x64xf32, #tpu.memory_space<vmem>>, vector<1x16xf32>,
      %scan3A_57 = arith.constant 0 : i32
      scf.yield %scan3A_57 : i32
    }
    %scan3A_6 = arith.constant 40 : i32
    %scan3A_7 = arith.constant 0 : i32
    %scan3A_8 = arith.constant 0 : i32
    %scan3A_9 = arith.constant 16 : i32
    %scan3A_10 = arith.addi %scan3A_8, %scan3A_9 : i32
    %scan3A_11 = arith.constant 1 : i32
    %scan3A_12 = scf.for %scan3A_29 = %scan3A_8 to %scan3A_10 step %scan3A_11 iter_args(%scan3A_30 = %scan3A_7) -> (i32)  : i32 {
      %mul3A_31 = arith.constant 640 : i32
      %mul3A_32 = arith.muli %arg1, %mul3A_31 : i32
      %mul3A_33 = arith.constant 40 : i32
      %mul3A_34 = arith.muli %scan3A_29, %mul3A_33 : i32
      %add3A_35 = arith.addi %mul3A_32, %mul3A_34 : i32
      "tpu.region"() ({
        %run_scoped3A = tpu.sem_alloc : memref<!tpu.dma_semaphore, #tpu.memory_space<semaphore_mem>>
        %dma_start3A = arith.constant 0 : i32
        %dma_start3A_37 = arith.constant 0 : i32
        %dma_start3A_38 = tpu.memref_slice %arg8[%dma_start3A, %dma_start3A_37] : memref<512x64xf32, #tpu.memory_space<vmem>> -> memref<40x64xf32, #tpu.memory_space<vmem>>
        %dma_start3A_39 = arith.constant 0 : i32
        %dma_start3A_40 = tpu.memref_slice %arg9[%add3A_35, %dma_start3A_39] : memref<10240x64xf32, #tpu.memory_space<vmem_shared>> -> memref<40x64xf32, #tpu.memory_space<vmem_shared>>
        %dma_start3A_41 = arith.constant 0 : i32
        %dma_start3A_42 = tpu.memref_slice %arg9[%add3A_35, %dma_start3A_41] : memref<10240x64xf32, #tpu.memory_space<vmem_shared>> -> memref<40x64xf32, #tpu.memory_space<vmem_shared>>
        %dma_start3A_43 = arith.constant 0 : i32
        %dma_start3A_44 = arith.constant 0 : i32
        %dma_start3A_45 = tpu.memref_slice %arg8[%dma_start3A_43, %dma_start3A_44] : memref<512x64xf32, #tpu.memory_space<vmem>> -> memref<40x64xf32, #tpu.memory_space<vmem>>
        tpu.enqueue_dma source(%dma_start3A_45 : memref<40x64xf32, #tpu.memory_space<vmem>>) target(%dma_start3A_42 : memref<40x64xf32, #tpu.memory_space<vmem_shared>>) target_semaphore(%run_scoped3A : memref<!tpu.dma_semaphore, #tpu.memory_space<semaphore_mem>>)
        %dma_wait3A = arith.constant 0 : i32
        %dma_wait3A_46 = arith.constant 0 : i32
        %dma_wait3A_47 = tpu.memref_slice %arg8[%dma_wait3A, %dma_wait3A_46] : memref<512x64xf32, #tpu.memory_space<vmem>> -> memref<40x64xf32, #tpu.memory_space<vmem>>
        %dma_wait3A_48 = arith.constant 0 : i32
        %dma_wait3A_49 = tpu.memref_slice %arg9[%add3A_35, %dma_wait3A_48] : memref<10240x64xf32, #tpu.memory_space<vmem_shared>> -> memref<40x64xf32, #tpu.memory_space<vmem_shared>>
        %dma_wait3A_50 = arith.constant 0 : i32
        %dma_wait3A_51 = tpu.memref_slice %arg9[%add3A_35, %dma_wait3A_50] : memref<10240x64xf32, #tpu.memory_space<vmem_shared>> -> memref<40x64xf32, #tpu.memory_space<vmem_shared>>
        %dma_wait3A_52 = arith.constant 0 : i32
        %dma_wait3A_53 = arith.constant 0 : i32
        %dma_wait3A_54 = tpu.memref_slice %arg8[%dma_wait3A_52, %dma_wait3A_53] : memref<512x64xf32, #tpu.memory_space<vmem>> -> memref<40x64xf32, #tpu.memory_space<vmem>>
        tpu.wait_dma2 semaphore(%run_scoped3A : memref<!tpu.dma_semaphore, #tpu.memory_space<semaphore_mem>>) src(%dma_wait3A_54 : memref<40x64xf32, #tpu.memory_space<vmem>>) dst(%dma_wait3A_51 : memref<40x64xf32, #tpu.memory_space<vmem_shared>>)
        tpu.yield
      }) : () -> ()
      %scan3A_36 = arith.constant 0 : i32
      scf.yield %scan3A_36 : i32
    }
    %scan3A_13 = arith.constant 16 : i32
    %barrier3A = arith.constant 0 : index
    tpu.barrier barrier_id(%barrier3A)
    %scan3A_14 = arith.constant 0 : i32
    %scan3A_15 = arith.constant 0 : i32
    %scan3A_16 = arith.constant 2 : i32
    %scan3A_17 = arith.addi %scan3A_15, %scan3A_16 : i32
    %scan3A_18 = arith.constant 1 : i32
    %scan3A_19 = scf.for %scan3A_29 = %scan3A_15 to %scan3A_17 step %scan3A_18 iter_args(%scan3A_30 = %scan3A_14) -> (i32)  : i32 {
      %mul3A_31 = arith.constant 80 : i32
      %mul3A_32 = arith.muli %add3A, %mul3A_31 : i32
      %mul3A_33 = arith.constant 40 : i32
      %mul3A_34 = arith.muli %scan3A_29, %mul3A_33 : i32
      %add3A_35 = arith.addi %mul3A_32, %mul3A_34 : i32
      "tpu.region"() ({
        %run_scoped3A = tpu.sem_alloc : memref<!tpu.dma_semaphore, #tpu.memory_space<semaphore_mem>>
        %dma_start3A_84 = arith.constant 0 : i32
        %dma_start3A_85 = tpu.memref_slice %arg3[%add3A_35, %dma_start3A_84] : memref<2560x128xi32, #tpu.memory_space<hbm>> -> memref<40x128xi32, #tpu.memory_space<hbm>>
        %dma_start3A_86 = arith.constant 0 : i32
        %dma_start3A_87 = tpu.memref_slice %arg3[%add3A_35, %dma_start3A_86] : memref<2560x128xi32, #tpu.memory_space<hbm>> -> memref<40x128xi32, #tpu.memory_space<hbm>>
        tpu.enqueue_dma source(%dma_start3A_87 : memref<40x128xi32, #tpu.memory_space<hbm>>) target(%arg6 : memref<40x128xi32, #tpu.memory_space<vmem>>) target_semaphore(%run_scoped3A : memref<!tpu.dma_semaphore, #tpu.memory_space<semaphore_mem>>)
        %dma_wait3A = arith.constant 0 : i32
        %dma_wait3A_88 = tpu.memref_slice %arg3[%add3A_35, %dma_wait3A] : memref<2560x128xi32, #tpu.memory_space<hbm>> -> memref<40x128xi32, #tpu.memory_space<hbm>>
        %dma_wait3A_89 = arith.constant 0 : i32
        %dma_wait3A_90 = tpu.memref_slice %arg3[%add3A_35, %dma_wait3A_89] : memref<2560x128xi32, #tpu.memory_space<hbm>> -> memref<40x128xi32, #tpu.memory_space<hbm>>
        tpu.wait_dma2 semaphore(%run_scoped3A : memref<!tpu.dma_semaphore, #tpu.memory_space<semaphore_mem>>) src(%dma_wait3A_90 : memref<40x128xi32, #tpu.memory_space<hbm>>) dst(%arg6 : memref<40x128xi32, #tpu.memory_space<vmem>>)
        tpu.yield
      }) : () -> ()
      "tpu.region"() ({
        %run_scoped3A = tpu.sem_alloc : memref<!tpu.dma_semaphore, #tpu.memory_space<semaphore_mem>>
        %dma_start3A_84 = arith.constant 0 : i32
        %dma_start3A_85 = tpu.memref_slice %arg4[%add3A_35, %dma_start3A_84] : memref<2560x128xi32, #tpu.memory_space<hbm>> -> memref<40x128xi32, #tpu.memory_space<hbm>>
        %dma_start3A_86 = arith.constant 0 : i32
        %dma_start3A_87 = tpu.memref_slice %arg4[%add3A_35, %dma_start3A_86] : memref<2560x128xi32, #tpu.memory_space<hbm>> -> memref<40x128xi32, #tpu.memory_space<hbm>>
        tpu.enqueue_dma source(%dma_start3A_87 : memref<40x128xi32, #tpu.memory_space<hbm>>) target(%arg7 : memref<40x128xi32, #tpu.memory_space<vmem>>) target_semaphore(%run_scoped3A : memref<!tpu.dma_semaphore, #tpu.memory_space<semaphore_mem>>)
        %dma_wait3A = arith.constant 0 : i32
        %dma_wait3A_88 = tpu.memref_slice %arg4[%add3A_35, %dma_wait3A] : memref<2560x128xi32, #tpu.memory_space<hbm>> -> memref<40x128xi32, #tpu.memory_space<hbm>>
        %dma_wait3A_89 = arith.constant 0 : i32
        %dma_wait3A_90 = tpu.memref_slice %arg4[%add3A_35, %dma_wait3A_89] : memref<2560x128xi32, #tpu.memory_space<hbm>> -> memref<40x128xi32, #tpu.memory_space<hbm>>
        tpu.wait_dma2 semaphore(%run_scoped3A : memref<!tpu.dma_semaphore, #tpu.memory_space<semaphore_mem>>) src(%dma_wait3A_90 : memref<40x128xi32, #tpu.memory_space<hbm>>) dst(%arg7 : memref<40x128xi32, #tpu.memory_space<vmem>>)
        tpu.yield
      }) : () -> ()
      %rem3A = arith.constant 0 : i32
      %rem3A_36 = arith.constant 4 : i32
      %rem3A_37 = arith.remsi %rem3A, %rem3A_36 : i32
      %mul3A_38 = arith.constant 128 : i32
      %mul3A_39 = arith.muli %rem3A_37, %mul3A_38 : i32
      %dma_start3A = arith.constant 0 : i32
      %dma_start3A_40 = arith.constant 0 : i32
      %dma_start3A_41 = tpu.memref_slice %arg8[%mul3A_39, %dma_start3A_40] : memref<512x64xf32, #tpu.memory_space<vmem>> -> memref<128x64xf32, #tpu.memory_space<vmem>>
      %dma_start3A_42 = arith.constant 0 : i32
      %dma_start3A_43 = tpu.memref_slice %arg6[%dma_start3A, %dma_start3A_42] : memref<40x128xi32, #tpu.memory_space<vmem>> -> memref<1x128xi32, #tpu.memory_space<vmem>>
      %dma_start3A_44 = tpu.memref_squeeze %dma_start3A_43 : memref<1x128xi32, #tpu.memory_space<vmem>> -> memref<128xi32, #tpu.memory_space<vmem>>
      %dma_start3A_45 = arith.constant 0 : i32
      %dma_start3A_46 = arith.constant 0 : i32
      %dma_start3A_47 = tpu.memref_slice %arg2[%dma_start3A_45, %dma_start3A_46] : memref<10240x64xf32, #tpu.memory_space<hbm>> -> memref<10240x64xf32, #tpu.memory_space<hbm>>
      tpu.enqueue_indirect_dma source(%dma_start3A_47 : memref<10240x64xf32, #tpu.memory_space<hbm>>) target(%dma_start3A_41 : memref<128x64xf32, #tpu.memory_space<vmem>>) offsets(%dma_start3A_44 : memref<128xi32, #tpu.memory_space<vmem>>) semaphore(%arg10 : memref<!tpu.dma_semaphore, #tpu.memory_space<semaphore_mem>>)
      %rem3A_48 = arith.constant 1 : i32
      %rem3A_49 = arith.constant 4 : i32
      %rem3A_50 = arith.remsi %rem3A_48, %rem3A_49 : i32
      %mul3A_51 = arith.constant 128 : i32
      %mul3A_52 = arith.muli %rem3A_50, %mul3A_51 : i32
      %dma_start3A_53 = arith.constant 1 : i32
      %dma_start3A_54 = arith.constant 0 : i32
      %dma_start3A_55 = tpu.memref_slice %arg8[%mul3A_52, %dma_start3A_54] : memref<512x64xf32, #tpu.memory_space<vmem>> -> memref<128x64xf32, #tpu.memory_space<vmem>>
      %dma_start3A_56 = arith.constant 0 : i32
      %dma_start3A_57 = tpu.memref_slice %arg6[%dma_start3A_53, %dma_start3A_56] : memref<40x128xi32, #tpu.memory_space<vmem>> -> memref<1x128xi32, #tpu.memory_space<vmem>>
      %dma_start3A_58 = tpu.memref_squeeze %dma_start3A_57 : memref<1x128xi32, #tpu.memory_space<vmem>> -> memref<128xi32, #tpu.memory_space<vmem>>
      %dma_start3A_59 = arith.constant 0 : i32
      %dma_start3A_60 = arith.constant 0 : i32
      %dma_start3A_61 = tpu.memref_slice %arg2[%dma_start3A_59, %dma_start3A_60] : memref<10240x64xf32, #tpu.memory_space<hbm>> -> memref<10240x64xf32, #tpu.memory_space<hbm>>
      tpu.enqueue_indirect_dma source(%dma_start3A_61 : memref<10240x64xf32, #tpu.memory_space<hbm>>) target(%dma_start3A_55 : memref<128x64xf32, #tpu.memory_space<vmem>>) offsets(%dma_start3A_58 : memref<128xi32, #tpu.memory_space<vmem>>) semaphore(%arg10 : memref<!tpu.dma_semaphore, #tpu.memory_space<semaphore_mem>>)
      %rem3A_62 = arith.constant 2 : i32
      %rem3A_63 = arith.constant 4 : i32
      %rem3A_64 = arith.remsi %rem3A_62, %rem3A_63 : i32
      %mul3A_65 = arith.constant 128 : i32
      %mul3A_66 = arith.muli %rem3A_64, %mul3A_65 : i32
      %dma_start3A_67 = arith.constant 2 : i32
      %dma_start3A_68 = arith.constant 0 : i32
      %dma_start3A_69 = tpu.memref_slice %arg8[%mul3A_66, %dma_start3A_68] : memref<512x64xf32, #tpu.memory_space<vmem>> -> memref<128x64xf32, #tpu.memory_space<vmem>>
      %dma_start3A_70 = arith.constant 0 : i32
      %dma_start3A_71 = tpu.memref_slice %arg6[%dma_start3A_67, %dma_start3A_70] : memref<40x128xi32, #tpu.memory_space<vmem>> -> memref<1x128xi32, #tpu.memory_space<vmem>>
      %dma_start3A_72 = tpu.memref_squeeze %dma_start3A_71 : memref<1x128xi32, #tpu.memory_space<vmem>> -> memref<128xi32, #tpu.memory_space<vmem>>
      %dma_start3A_73 = arith.constant 0 : i32
      %dma_start3A_74 = arith.constant 0 : i32
      %dma_start3A_75 = tpu.memref_slice %arg2[%dma_start3A_73, %dma_start3A_74] : memref<10240x64xf32, #tpu.memory_space<hbm>> -> memref<10240x64xf32, #tpu.memory_space<hbm>>
      tpu.enqueue_indirect_dma source(%dma_start3A_75 : memref<10240x64xf32, #tpu.memory_space<hbm>>) target(%dma_start3A_69 : memref<128x64xf32, #tpu.memory_space<vmem>>) offsets(%dma_start3A_72 : memref<128xi32, #tpu.memory_space<vmem>>) semaphore(%arg10 : memref<!tpu.dma_semaphore, #tpu.memory_space<semaphore_mem>>)
      %scan3A_76 = arith.constant 0 : i32
      %scan3A_77 = arith.constant 0 : i32
      %scan3A_78 = arith.constant 40 : i32
      %scan3A_79 = arith.addi %scan3A_77, %scan3A_78 : i32
      %scan3A_80 = arith.constant 1 : i32
      %scan3A_81 = scf.for %scan3A_84 = %scan3A_77 to %scan3A_79 step %scan3A_80 iter_args(%scan3A_85 = %scan3A_76) -> (i32)  : i32 {
        %rem3A_86 = arith.constant 4 : i32
        %rem3A_87 = arith.remsi %scan3A_84, %rem3A_86 : i32
        %mul3A_88 = arith.constant 128 : i32
        %mul3A_89 = arith.muli %rem3A_87, %mul3A_88 : i32
        %dma_wait3A = arith.constant 0 : i32
        %dma_wait3A_90 = tpu.memref_slice %arg8[%mul3A_89, %dma_wait3A] : memref<512x64xf32, #tpu.memory_space<vmem>> -> memref<128x64xf32, #tpu.memory_space<vmem>>
        %dma_wait3A_91 = arith.constant 0 : i32
        %dma_wait3A_92 = tpu.memref_slice %arg6[%scan3A_84, %dma_wait3A_91] : memref<40x128xi32, #tpu.memory_space<vmem>> -> memref<1x128xi32, #tpu.memory_space<vmem>>
        %dma_wait3A_93 = tpu.memref_squeeze %dma_wait3A_92 : memref<1x128xi32, #tpu.memory_space<vmem>> -> memref<128xi32, #tpu.memory_space<vmem>>
        %dma_wait3A_94 = arith.constant 0 : i32
        %dma_wait3A_95 = arith.constant 0 : i32
        %dma_wait3A_96 = tpu.memref_slice %arg2[%dma_wait3A_94, %dma_wait3A_95] : memref<10240x64xf32, #tpu.memory_space<hbm>> -> memref<10240x64xf32, #tpu.memory_space<hbm>>
        tpu.wait_indirect_dma semaphore(%arg10 : memref<!tpu.dma_semaphore, #tpu.memory_space<semaphore_mem>>) src(%dma_wait3A_96 : memref<10240x64xf32, #tpu.memory_space<hbm>>) dst(%dma_wait3A_90 : memref<128x64xf32, #tpu.memory_space<vmem>>)
        %add3A_97 = arith.constant 4 : i32
        %add3A_98 = arith.addi %scan3A_84, %add3A_97 : i32
        %sub3A = arith.constant 1 : i32
        %sub3A_99 = arith.subi %add3A_98, %sub3A : i32
        %min3A = arith.constant 39 : i32
        %min3A_100 = arith.minsi %sub3A_99, %min3A : i32
        %add3A_101 = arith.constant 4 : i32
        %add3A_102 = arith.addi %scan3A_84, %add3A_101 : i32
        %sub3A_103 = arith.constant 1 : i32
        %sub3A_104 = arith.subi %add3A_102, %sub3A_103 : i32
        %lt3A = arith.constant 40 : i32
        %lt3A_105 = arith.cmpi slt, %sub3A_104, %lt3A : i32
        %convert_element_type3A = arith.extui %lt3A_105 : i1 to i32
        %cond3A = arith.constant 0 : i32
        %cond3A_106 = arith.cmpi ne, %convert_element_type3A, %cond3A : i32
        scf.if %cond3A_106 {
          %rem3A_112 = arith.constant 4 : i32
          %rem3A_113 = arith.remsi %min3A_100, %rem3A_112 : i32
          %mul3A_114 = arith.constant 128 : i32
          %mul3A_115 = arith.muli %rem3A_113, %mul3A_114 : i32
          %dma_start3A_116 = arith.constant 0 : i32
          %dma_start3A_117 = tpu.memref_slice %arg8[%mul3A_115, %dma_start3A_116] : memref<512x64xf32, #tpu.memory_space<vmem>> -> memref<128x64xf32, #tpu.memory_space<vmem>>
          %dma_start3A_118 = arith.constant 0 : i32
          %dma_start3A_119 = tpu.memref_slice %arg6[%min3A_100, %dma_start3A_118] : memref<40x128xi32, #tpu.memory_space<vmem>> -> memref<1x128xi32, #tpu.memory_space<vmem>>
          %dma_start3A_120 = tpu.memref_squeeze %dma_start3A_119 : memref<1x128xi32, #tpu.memory_space<vmem>> -> memref<128xi32, #tpu.memory_space<vmem>>
          %dma_start3A_121 = arith.constant 0 : i32
          %dma_start3A_122 = arith.constant 0 : i32
          %dma_start3A_123 = tpu.memref_slice %arg2[%dma_start3A_121, %dma_start3A_122] : memref<10240x64xf32, #tpu.memory_space<hbm>> -> memref<10240x64xf32, #tpu.memory_space<hbm>>
          tpu.enqueue_indirect_dma source(%dma_start3A_123 : memref<10240x64xf32, #tpu.memory_space<hbm>>) target(%dma_start3A_117 : memref<128x64xf32, #tpu.memory_space<vmem>>) offsets(%dma_start3A_120 : memref<128xi32, #tpu.memory_space<vmem>>) semaphore(%arg10 : memref<!tpu.dma_semaphore, #tpu.memory_space<semaphore_mem>>)
        } else {
        }
        %rem3A_107 = arith.constant 4 : i32
        %rem3A_108 = arith.remsi %scan3A_84, %rem3A_107 : i32
        %mul3A_109 = arith.constant 128 : i32
        %mul3A_110 = arith.muli %rem3A_108, %mul3A_109 : i32
        "tpu.region"() ({
          %run_scoped3A = tpu.sem_alloc : memref<!tpu.dma_semaphore, #tpu.memory_space<semaphore_mem>>
          %dma_start3A_112 = arith.constant 0 : i32
          %dma_start3A_113 = tpu.memref_slice %arg8[%mul3A_110, %dma_start3A_112] : memref<512x64xf32, #tpu.memory_space<vmem>> -> memref<128x64xf32, #tpu.memory_space<vmem>>
          %dma_start3A_114 = arith.constant 0 : i32
          %dma_start3A_115 = tpu.memref_slice %arg7[%scan3A_84, %dma_start3A_114] : memref<40x128xi32, #tpu.memory_space<vmem>> -> memref<1x128xi32, #tpu.memory_space<vmem>>
          %dma_start3A_116 = tpu.memref_squeeze %dma_start3A_115 : memref<1x128xi32, #tpu.memory_space<vmem>> -> memref<128xi32, #tpu.memory_space<vmem>>
          %dma_start3A_117 = arith.constant 0 : i32
          %dma_start3A_118 = arith.constant 0 : i32
          %dma_start3A_119 = tpu.memref_slice %arg9[%dma_start3A_117, %dma_start3A_118] : memref<10240x64xf32, #tpu.memory_space<vmem_shared>> -> memref<10240x64xf32, #tpu.memory_space<vmem_shared>>
          tpu.enqueue_indirect_dma source(%dma_start3A_113 : memref<128x64xf32, #tpu.memory_space<vmem>>) target(%dma_start3A_119 : memref<10240x64xf32, #tpu.memory_space<vmem_shared>>) offsets(%dma_start3A_116 : memref<128xi32, #tpu.memory_space<vmem>>) semaphore(%run_scoped3A : memref<!tpu.dma_semaphore, #tpu.memory_space<semaphore_mem>>) {add = true}
          %dma_wait3A_120 = arith.constant 0 : i32
          %dma_wait3A_121 = tpu.memref_slice %arg8[%mul3A_110, %dma_wait3A_120] : memref<512x64xf32, #tpu.memory_space<vmem>> -> memref<128x64xf32, #tpu.memory_space<vmem>>
          %dma_wait3A_122 = arith.constant 0 : i32
          %dma_wait3A_123 = tpu.memref_slice %arg7[%scan3A_84, %dma_wait3A_122] : memref<40x128xi32, #tpu.memory_space<vmem>> -> memref<1x128xi32, #tpu.memory_space<vmem>>
          %dma_wait3A_124 = tpu.memref_squeeze %dma_wait3A_123 : memref<1x128xi32, #tpu.memory_space<vmem>> -> memref<128xi32, #tpu.memory_space<vmem>>
          %dma_wait3A_125 = arith.constant 0 : i32
          %dma_wait3A_126 = arith.constant 0 : i32
          %dma_wait3A_127 = tpu.memref_slice %arg9[%dma_wait3A_125, %dma_wait3A_126] : memref<10240x64xf32, #tpu.memory_space<vmem_shared>> -> memref<10240x64xf32, #tpu.memory_space<vmem_shared>>
          tpu.wait_indirect_dma semaphore(%run_scoped3A : memref<!tpu.dma_semaphore, #tpu.memory_space<semaphore_mem>>) src(%dma_wait3A_121 : memref<128x64xf32, #tpu.memory_space<vmem>>) dst(%dma_wait3A_127 : memref<10240x64xf32, #tpu.memory_space<vmem_shared>>)
          tpu.yield
        }) : () -> ()
        %scan3A_111 = arith.constant 0 : i32
        scf.yield %scan3A_111 : i32
      }
      %scan3A_82 = arith.constant 40 : i32
      %scan3A_83 = arith.constant 0 : i32
      scf.yield %scan3A_83 : i32
    }
    %scan3A_20 = arith.constant 2 : i32
    %barrier3A_21 = arith.constant 0 : index
    tpu.barrier barrier_id(%barrier3A_21)
    %scan3A_22 = arith.constant 0 : i32
    %scan3A_23 = arith.constant 0 : i32
    %scan3A_24 = arith.constant 16 : i32
    %scan3A_25 = arith.addi %scan3A_23, %scan3A_24 : i32
    %scan3A_26 = arith.constant 1 : i32
    %scan3A_27 = scf.for %scan3A_29 = %scan3A_23 to %scan3A_25 step %scan3A_26 iter_args(%scan3A_30 = %scan3A_22) -> (i32)  : i32 {
      %mul3A_31 = arith.constant 640 : i32
      %mul3A_32 = arith.muli %arg1, %mul3A_31 : i32
      %mul3A_33 = arith.constant 40 : i32
      %mul3A_34 = arith.muli %scan3A_29, %mul3A_33 : i32
      %add3A_35 = arith.addi %mul3A_32, %mul3A_34 : i32
      "tpu.region"() ({
        %run_scoped3A = tpu.sem_alloc : memref<!tpu.dma_semaphore, #tpu.memory_space<semaphore_mem>>
        %dma_start3A = arith.constant 0 : i32
        %dma_start3A_40 = arith.constant 0 : i32
        %dma_start3A_41 = tpu.memref_slice %arg8[%dma_start3A, %dma_start3A_40] : memref<512x64xf32, #tpu.memory_space<vmem>> -> memref<40x64xf32, #tpu.memory_space<vmem>>
        %dma_start3A_42 = arith.constant 0 : i32
        %dma_start3A_43 = tpu.memref_slice %arg9[%add3A_35, %dma_start3A_42] : memref<10240x64xf32, #tpu.memory_space<vmem_shared>> -> memref<40x64xf32, #tpu.memory_space<vmem_shared>>
        %dma_start3A_44 = arith.constant 0 : i32
        %dma_start3A_45 = arith.constant 0 : i32
        %dma_start3A_46 = tpu.memref_slice %arg8[%dma_start3A_44, %dma_start3A_45] : memref<512x64xf32, #tpu.memory_space<vmem>> -> memref<40x64xf32, #tpu.memory_space<vmem>>
        %dma_start3A_47 = arith.constant 0 : i32
        %dma_start3A_48 = tpu.memref_slice %arg9[%add3A_35, %dma_start3A_47] : memref<10240x64xf32, #tpu.memory_space<vmem_shared>> -> memref<40x64xf32, #tpu.memory_space<vmem_shared>>
        tpu.enqueue_dma source(%dma_start3A_48 : memref<40x64xf32, #tpu.memory_space<vmem_shared>>) target(%dma_start3A_46 : memref<40x64xf32, #tpu.memory_space<vmem>>) target_semaphore(%run_scoped3A : memref<!tpu.dma_semaphore, #tpu.memory_space<semaphore_mem>>)
        %dma_wait3A = arith.constant 0 : i32
        %dma_wait3A_49 = arith.constant 0 : i32
        %dma_wait3A_50 = tpu.memref_slice %arg8[%dma_wait3A, %dma_wait3A_49] : memref<512x64xf32, #tpu.memory_space<vmem>> -> memref<40x64xf32, #tpu.memory_space<vmem>>
        %dma_wait3A_51 = arith.constant 0 : i32
        %dma_wait3A_52 = tpu.memref_slice %arg9[%add3A_35, %dma_wait3A_51] : memref<10240x64xf32, #tpu.memory_space<vmem_shared>> -> memref<40x64xf32, #tpu.memory_space<vmem_shared>>
        %dma_wait3A_53 = arith.constant 0 : i32
        %dma_wait3A_54 = arith.constant 0 : i32
        %dma_wait3A_55 = tpu.memref_slice %arg8[%dma_wait3A_53, %dma_wait3A_54] : memref<512x64xf32, #tpu.memory_space<vmem>> -> memref<40x64xf32, #tpu.memory_space<vmem>>
        %dma_wait3A_56 = arith.constant 0 : i32
        %dma_wait3A_57 = tpu.memref_slice %arg9[%add3A_35, %dma_wait3A_56] : memref<10240x64xf32, #tpu.memory_space<vmem_shared>> -> memref<40x64xf32, #tpu.memory_space<vmem_shared>>
        tpu.wait_dma2 semaphore(%run_scoped3A : memref<!tpu.dma_semaphore, #tpu.memory_space<semaphore_mem>>) src(%dma_wait3A_57 : memref<40x64xf32, #tpu.memory_space<vmem_shared>>) dst(%dma_wait3A_55 : memref<40x64xf32, #tpu.memory_space<vmem>>)
        tpu.yield
      }) : () -> ()
      %mul3A_36 = arith.constant 10240 : i32
      %mul3A_37 = arith.muli %arg0, %mul3A_36 : i32
      %add3A_38 = arith.addi %mul3A_37, %add3A_35 : i32
      "tpu.region"() ({
        %run_scoped3A = tpu.sem_alloc : memref<!tpu.dma_semaphore, #tpu.memory_space<semaphore_mem>>
        %dma_start3A = arith.constant 0 : i32
        %dma_start3A_40 = arith.constant 0 : i32
        %dma_start3A_41 = tpu.memref_slice %arg8[%dma_start3A, %dma_start3A_40] : memref<512x64xf32, #tpu.memory_space<vmem>> -> memref<40x64xf32, #tpu.memory_space<vmem>>
        %dma_start3A_42 = arith.constant 0 : i32
        %dma_start3A_43 = tpu.memref_slice %arg5[%add3A_38, %dma_start3A_42] : memref<20480x64xf32, #tpu.memory_space<hbm>> -> memref<40x64xf32, #tpu.memory_space<hbm>>
        %dma_start3A_44 = arith.constant 0 : i32
        %dma_start3A_45 = tpu.memref_slice %arg5[%add3A_38, %dma_start3A_44] : memref<20480x64xf32, #tpu.memory_space<hbm>> -> memref<40x64xf32, #tpu.memory_space<hbm>>
        %dma_start3A_46 = arith.constant 0 : i32
        %dma_start3A_47 = arith.constant 0 : i32
        %dma_start3A_48 = tpu.memref_slice %arg8[%dma_start3A_46, %dma_start3A_47] : memref<512x64xf32, #tpu.memory_space<vmem>> -> memref<40x64xf32, #tpu.memory_space<vmem>>
        tpu.enqueue_dma source(%dma_start3A_48 : memref<40x64xf32, #tpu.memory_space<vmem>>) target(%dma_start3A_45 : memref<40x64xf32, #tpu.memory_space<hbm>>) target_semaphore(%run_scoped3A : memref<!tpu.dma_semaphore, #tpu.memory_space<semaphore_mem>>)
        %dma_wait3A = arith.constant 0 : i32
        %dma_wait3A_49 = arith.constant 0 : i32
        %dma_wait3A_50 = tpu.memref_slice %arg8[%dma_wait3A, %dma_wait3A_49] : memref<512x64xf32, #tpu.memory_space<vmem>> -> memref<40x64xf32, #tpu.memory_space<vmem>>
        %dma_wait3A_51 = arith.constant 0 : i32
        %dma_wait3A_52 = tpu.memref_slice %arg5[%add3A_38, %dma_wait3A_51] : memref<20480x64xf32, #tpu.memory_space<hbm>> -> memref<40x64xf32, #tpu.memory_space<hbm>>
        %dma_wait3A_53 = arith.constant 0 : i32
        %dma_wait3A_54 = tpu.memref_slice %arg5[%add3A_38, %dma_wait3A_53] : memref<20480x64xf32, #tpu.memory_space<hbm>> -> memref<40x64xf32, #tpu.memory_space<hbm>>
        %dma_wait3A_55 = arith.constant 0 : i32
        %dma_wait3A_56 = arith.constant 0 : i32
        %dma_wait3A_57 = tpu.memref_slice %arg8[%dma_wait3A_55, %dma_wait3A_56] : memref<512x64xf32, #tpu.memory_space<vmem>> -> memref<40x64xf32, #tpu.memory_space<vmem>>
        tpu.wait_dma2 semaphore(%run_scoped3A : memref<!tpu.dma_semaphore, #tpu.memory_space<semaphore_mem>>) src(%dma_wait3A_57 : memref<40x64xf32, #tpu.memory_space<vmem>>) dst(%dma_wait3A_54 : memref<40x64xf32, #tpu.memory_space<hbm>>)
        tpu.yield
      }) : () -> ()
      %scan3A_39 = arith.constant 0 : i32
      scf.yield %scan3A_39 : i32
    }
    %scan3A_28 = arith.constant 16 : i32
    return
  }
}

#map = affine_map<(d0, d1) -> (0, 0)>
module attributes {stable_mosaic.version = 14 : i64} {
  func.func @segsum64(%arg0: i32, %arg1: i32, %arg2: memref<10240x64xf32, #tpu.memory_space<hbm>>, %arg3: memref<2560x128xi32, #tpu.memory_space<hbm>>, %arg4: memref<2560x128xi32, #tpu.memory_space<hbm>>, %arg5: memref<20480x64xf32, #tpu.memory_space<hbm>>, %arg6: memref<40x128xi32, #tpu.memory_space<vmem>>, %arg7: memref<40x128xi32, #tpu.memory_space<vmem>>, %arg8: memref<512x64xf32, #tpu.memory_space<vmem>>, %arg9: memref<10240x64xf32, #tpu.memory_space<vmem_shared>>, %arg10: memref<!tpu.dma_semaphore, #tpu.memory_space<semaphore_mem>>) attributes {dimension_semantics = [#tpu.dimension_semantics<core_parallel>, #tpu.dimension_semantics<subcore_parallel>], iteration_bounds = array<i64: 2, 16>, scalar_prefetch = 0 : i64, scratch_operands = 5 : i64, tpu.core_type = #tpu.core_type<sc_vector_subcore>, window_params = [{transform_indices = #map}, {transform_indices = #map}, {transform_indices = #map}, {transform_indices = #map}]} {
    %mul3A = arith.constant 2 : i32
    %mul3A_0 = arith.muli %arg1, %mul3A : i32
    %add3A = arith.addi %mul3A_0, %arg0 : i32
    %scan3A = arith.constant 0 : i32
    %scan3A_1 = arith.constant 0 : i32
    %scan3A_2 = arith.constant 40 : i32
    %scan3A_3 = arith.addi %scan3A_1, %scan3A_2 : i32
    %scan3A_4 = arith.constant 1 : i32
    %scan3A_5 = scf.for %scan3A_29 = %scan3A_1 to %scan3A_3 step %scan3A_4 iter_args(%scan3A_30 = %scan3A) -> (i32)  : i32 {
      %broadcast_in_dim3A = arith.constant 0.000000e+00 : f32
      %broadcast_in_dim3A_31 = vector.broadcast %broadcast_in_dim3A : f32 to vector<16xf32>
      %swap3A = arith.index_cast %scan3A_29 : i32 to index
      %swap3A_32 = arith.constant 0 : index
      %swap3A_33 = tpu.vector_load %arg8[%swap3A, %swap3A_32] {strides = array<i32>} : memref<512x64xf32, #tpu.memory_space<vmem>>, vector<1x16xf32>,
      %swap3A_34 = vector.shape_cast %swap3A_33 : vector<1x16xf32> to vector<16xf32>
      %swap3A_35 = vector.shape_cast %broadcast_in_dim3A_31 : vector<16xf32> to vector<1x16xf32>
      tpu.vector_store %arg8[%swap3A, %swap3A_32], %swap3A_35 {strides = array<i32>} : memref<512x64xf32, #tpu.memory_space<vmem>>, vector<1x16xf32>,
      %broadcast_in_dim3A_36 = arith.constant 0.000000e+00 : f32
      %broadcast_in_dim3A_37 = vector.broadcast %broadcast_in_dim3A_36 : f32 to vector<16xf32>
      %swap3A_38 = arith.index_cast %scan3A_29 : i32 to index
      %swap3A_39 = arith.constant 16 : index
      %swap3A_40 = tpu.vector_load %arg8[%swap3A_38, %swap3A_39] {strides = array<i32>} : memref<512x64xf32, #tpu.memory_space<vmem>>, vector<1x16xf32>,
      %swap3A_41 = vector.shape_cast %swap3A_40 : vector<1x16xf32> to vector<16xf32>
      %swap3A_42 = vector.shape_cast %broadcast_in_dim3A_37 : vector<16xf32> to vector<1x16xf32>
      tpu.vector_store %arg8[%swap3A_38, %swap3A_39], %swap3A_42 {strides = array<i32>} : memref<512x64xf32, #tpu.memory_space<vmem>>, vector<1x16xf32>,
      %broadcast_in_dim3A_43 = arith.constant 0.000000e+00 : f32
      %broadcast_in_dim3A_44 = vector.broadcast %broadcast_in_dim3A_43 : f32 to vector<16xf32>
      %swap3A_45 = arith.index_cast %scan3A_29 : i32 to index
      %swap3A_46 = arith.constant 32 : index
      %swap3A_47 = tpu.vector_load %arg8[%swap3A_45, %swap3A_46] {strides = array<i32>} : memref<512x64xf32, #tpu.memory_space<vmem>>, vector<1x16xf32>,
      %swap3A_48 = vector.shape_cast %swap3A_47 : vector<1x16xf32> to vector<16xf32>
      %swap3A_49 = vector.shape_cast %broadcast_in_dim3A_44 : vector<16xf32> to vector<1x16xf32>
      tpu.vector_store %arg8[%swap3A_45, %swap3A_46], %swap3A_49 {strides = array<i32>} : memref<512x64xf32, #tpu.memory_space<vmem>>, vector<1x16xf32>,
      %broadcast_in_dim3A_50 = arith.constant 0.000000e+00 : f32
      %broadcast_in_dim3A_51 = vector.broadcast %broadcast_in_dim3A_50 : f32 to vector<16xf32>
      %swap3A_52 = arith.index_cast %scan3A_29 : i32 to index
      %swap3A_53 = arith.constant 48 : index
      %swap3A_54 = tpu.vector_load %arg8[%swap3A_52, %swap3A_53] {strides = array<i32>} : memref<512x64xf32, #tpu.memory_space<vmem>>, vector<1x16xf32>,
      %swap3A_55 = vector.shape_cast %swap3A_54 : vector<1x16xf32> to vector<16xf32>
      %swap3A_56 = vector.shape_cast %broadcast_in_dim3A_51 : vector<16xf32> to vector<1x16xf32>
      tpu.vector_store %arg8[%swap3A_52, %swap3A_53], %swap3A_56 {strides = array<i32>} : memref<512x64xf32, #tpu.memory_space<vmem>>, vector<1x16xf32>,
      %scan3A_57 = arith.constant 0 : i32
      scf.yield %scan3A_57 : i32
    }
    %scan3A_6 = arith.constant 40 : i32
    %scan3A_7 = arith.constant 0 : i32
    %scan3A_8 = arith.constant 0 : i32
    %scan3A_9 = arith.constant 16 : i32
    %scan3A_10 = arith.addi %scan3A_8, %scan3A_9 : i32
    %scan3A_11 = arith.constant 1 : i32
    %scan3A_12 = scf.for %scan3A_29 = %scan3A_8 to %scan3A_10 step %scan3A_11 iter_args(%scan3A_30 = %scan3A_7) -> (i32)  : i32 {
      %mul3A_31 = arith.constant 640 : i32
      %mul3A_32 = arith.muli %arg1, %mul3A_31 : i32
      %mul3A_33 = arith.constant 40 : i32
      %mul3A_34 = arith.muli %scan3A_29, %mul3A_33 : i32
      %add3A_35 = arith.addi %mul3A_32, %mul3A_34 : i32
      "tpu.region"() ({
        %run_scoped3A = tpu.sem_alloc : memref<!tpu.dma_semaphore, #tpu.memory_space<semaphore_mem>>
        %dma_start3A = arith.constant 0 : i32
        %dma_start3A_37 = arith.constant 0 : i32
        %dma_start3A_38 = tpu.memref_slice %arg8[%dma_start3A, %dma_start3A_37] : memref<512x64xf32, #tpu.memory_space<vmem>> -> memref<40x64xf32, #tpu.memory_space<vmem>>
        %dma_start3A_39 = arith.constant 0 : i32
        %dma_start3A_40 = tpu.memref_slice %arg9[%add3A_35, %dma_start3A_39] : memref<10240x64xf32, #tpu.memory_space<vmem_shared>> -> memref<40x64xf32, #tpu.memory_space<vmem_shared>>
        %dma_start3A_41 = arith.constant 0 : i32
        %dma_start3A_42 = tpu.memref_slice %arg9[%add3A_35, %dma_start3A_41] : memref<10240x64xf32, #tpu.memory_space<vmem_shared>> -> memref<40x64xf32, #tpu.memory_space<vmem_shared>>
        %dma_start3A_43 = arith.constant 0 : i32
        %dma_start3A_44 = arith.constant 0 : i32
        %dma_start3A_45 = tpu.memref_slice %arg8[%dma_start3A_43, %dma_start3A_44] : memref<512x64xf32, #tpu.memory_space<vmem>> -> memref<40x64xf32, #tpu.memory_space<vmem>>
        tpu.enqueue_dma source(%dma_start3A_45 : memref<40x64xf32, #tpu.memory_space<vmem>>) target(%dma_start3A_42 : memref<40x64xf32, #tpu.memory_space<vmem_shared>>) target_semaphore(%run_scoped3A : memref<!tpu.dma_semaphore, #tpu.memory_space<semaphore_mem>>)
        %dma_wait3A = arith.constant 0 : i32
        %dma_wait3A_46 = arith.constant 0 : i32
        %dma_wait3A_47 = tpu.memref_slice %arg8[%dma_wait3A, %dma_wait3A_46] : memref<512x64xf32, #tpu.memory_space<vmem>> -> memref<40x64xf32, #tpu.memory_space<vmem>>
        %dma_wait3A_48 = arith.constant 0 : i32
        %dma_wait3A_49 = tpu.memref_slice %arg9[%add3A_35, %dma_wait3A_48] : memref<10240x64xf32, #tpu.memory_space<vmem_shared>> -> memref<40x64xf32, #tpu.memory_space<vmem_shared>>
        %dma_wait3A_50 = arith.constant 0 : i32
        %dma_wait3A_51 = tpu.memref_slice %arg9[%add3A_35, %dma_wait3A_50] : memref<10240x64xf32, #tpu.memory_space<vmem_shared>> -> memref<40x64xf32, #tpu.memory_space<vmem_shared>>
        %dma_wait3A_52 = arith.constant 0 : i32
        %dma_wait3A_53 = arith.constant 0 : i32
        %dma_wait3A_54 = tpu.memref_slice %arg8[%dma_wait3A_52, %dma_wait3A_53] : memref<512x64xf32, #tpu.memory_space<vmem>> -> memref<40x64xf32, #tpu.memory_space<vmem>>
        tpu.wait_dma2 semaphore(%run_scoped3A : memref<!tpu.dma_semaphore, #tpu.memory_space<semaphore_mem>>) src(%dma_wait3A_54 : memref<40x64xf32, #tpu.memory_space<vmem>>) dst(%dma_wait3A_51 : memref<40x64xf32, #tpu.memory_space<vmem_shared>>)
        tpu.yield
      }) : () -> ()
      %scan3A_36 = arith.constant 0 : i32
      scf.yield %scan3A_36 : i32
    }
    %scan3A_13 = arith.constant 16 : i32
    %barrier3A = arith.constant 0 : index
    tpu.barrier barrier_id(%barrier3A)
    %scan3A_14 = arith.constant 0 : i32
    %scan3A_15 = arith.constant 0 : i32
    %scan3A_16 = arith.constant 2 : i32
    %scan3A_17 = arith.addi %scan3A_15, %scan3A_16 : i32
    %scan3A_18 = arith.constant 1 : i32
    %scan3A_19 = scf.for %scan3A_29 = %scan3A_15 to %scan3A_17 step %scan3A_18 iter_args(%scan3A_30 = %scan3A_14) -> (i32)  : i32 {
      %mul3A_31 = arith.constant 80 : i32
      %mul3A_32 = arith.muli %add3A, %mul3A_31 : i32
      %mul3A_33 = arith.constant 40 : i32
      %mul3A_34 = arith.muli %scan3A_29, %mul3A_33 : i32
      %add3A_35 = arith.addi %mul3A_32, %mul3A_34 : i32
      "tpu.region"() ({
        %run_scoped3A = tpu.sem_alloc : memref<!tpu.dma_semaphore, #tpu.memory_space<semaphore_mem>>
        %dma_start3A_84 = arith.constant 0 : i32
        %dma_start3A_85 = tpu.memref_slice %arg3[%add3A_35, %dma_start3A_84] : memref<2560x128xi32, #tpu.memory_space<hbm>> -> memref<40x128xi32, #tpu.memory_space<hbm>>
        %dma_start3A_86 = arith.constant 0 : i32
        %dma_start3A_87 = tpu.memref_slice %arg3[%add3A_35, %dma_start3A_86] : memref<2560x128xi32, #tpu.memory_space<hbm>> -> memref<40x128xi32, #tpu.memory_space<hbm>>
        tpu.enqueue_dma source(%dma_start3A_87 : memref<40x128xi32, #tpu.memory_space<hbm>>) target(%arg6 : memref<40x128xi32, #tpu.memory_space<vmem>>) target_semaphore(%run_scoped3A : memref<!tpu.dma_semaphore, #tpu.memory_space<semaphore_mem>>)
        %dma_wait3A = arith.constant 0 : i32
        %dma_wait3A_88 = tpu.memref_slice %arg3[%add3A_35, %dma_wait3A] : memref<2560x128xi32, #tpu.memory_space<hbm>> -> memref<40x128xi32, #tpu.memory_space<hbm>>
        %dma_wait3A_89 = arith.constant 0 : i32
        %dma_wait3A_90 = tpu.memref_slice %arg3[%add3A_35, %dma_wait3A_89] : memref<2560x128xi32, #tpu.memory_space<hbm>> -> memref<40x128xi32, #tpu.memory_space<hbm>>
        tpu.wait_dma2 semaphore(%run_scoped3A : memref<!tpu.dma_semaphore, #tpu.memory_space<semaphore_mem>>) src(%dma_wait3A_90 : memref<40x128xi32, #tpu.memory_space<hbm>>) dst(%arg6 : memref<40x128xi32, #tpu.memory_space<vmem>>)
        tpu.yield
      }) : () -> ()
      "tpu.region"() ({
        %run_scoped3A = tpu.sem_alloc : memref<!tpu.dma_semaphore, #tpu.memory_space<semaphore_mem>>
        %dma_start3A_84 = arith.constant 0 : i32
        %dma_start3A_85 = tpu.memref_slice %arg4[%add3A_35, %dma_start3A_84] : memref<2560x128xi32, #tpu.memory_space<hbm>> -> memref<40x128xi32, #tpu.memory_space<hbm>>
        %dma_start3A_86 = arith.constant 0 : i32
        %dma_start3A_87 = tpu.memref_slice %arg4[%add3A_35, %dma_start3A_86] : memref<2560x128xi32, #tpu.memory_space<hbm>> -> memref<40x128xi32, #tpu.memory_space<hbm>>
        tpu.enqueue_dma source(%dma_start3A_87 : memref<40x128xi32, #tpu.memory_space<hbm>>) target(%arg7 : memref<40x128xi32, #tpu.memory_space<vmem>>) target_semaphore(%run_scoped3A : memref<!tpu.dma_semaphore, #tpu.memory_space<semaphore_mem>>)
        %dma_wait3A = arith.constant 0 : i32
        %dma_wait3A_88 = tpu.memref_slice %arg4[%add3A_35, %dma_wait3A] : memref<2560x128xi32, #tpu.memory_space<hbm>> -> memref<40x128xi32, #tpu.memory_space<hbm>>
        %dma_wait3A_89 = arith.constant 0 : i32
        %dma_wait3A_90 = tpu.memref_slice %arg4[%add3A_35, %dma_wait3A_89] : memref<2560x128xi32, #tpu.memory_space<hbm>> -> memref<40x128xi32, #tpu.memory_space<hbm>>
        tpu.wait_dma2 semaphore(%run_scoped3A : memref<!tpu.dma_semaphore, #tpu.memory_space<semaphore_mem>>) src(%dma_wait3A_90 : memref<40x128xi32, #tpu.memory_space<hbm>>) dst(%arg7 : memref<40x128xi32, #tpu.memory_space<vmem>>)
        tpu.yield
      }) : () -> ()
      %rem3A = arith.constant 0 : i32
      %rem3A_36 = arith.constant 4 : i32
      %rem3A_37 = arith.remsi %rem3A, %rem3A_36 : i32
      %mul3A_38 = arith.constant 128 : i32
      %mul3A_39 = arith.muli %rem3A_37, %mul3A_38 : i32
      %dma_start3A = arith.constant 0 : i32
      %dma_start3A_40 = arith.constant 0 : i32
      %dma_start3A_41 = tpu.memref_slice %arg8[%mul3A_39, %dma_start3A_40] : memref<512x64xf32, #tpu.memory_space<vmem>> -> memref<128x64xf32, #tpu.memory_space<vmem>>
      %dma_start3A_42 = arith.constant 0 : i32
      %dma_start3A_43 = tpu.memref_slice %arg6[%dma_start3A, %dma_start3A_42] : memref<40x128xi32, #tpu.memory_space<vmem>> -> memref<1x128xi32, #tpu.memory_space<vmem>>
      %dma_start3A_44 = tpu.memref_squeeze %dma_start3A_43 : memref<1x128xi32, #tpu.memory_space<vmem>> -> memref<128xi32, #tpu.memory_space<vmem>>
      %dma_start3A_45 = arith.constant 0 : i32
      %dma_start3A_46 = arith.constant 0 : i32
      %dma_start3A_47 = tpu.memref_slice %arg2[%dma_start3A_45, %dma_start3A_46] : memref<10240x64xf32, #tpu.memory_space<hbm>> -> memref<10240x64xf32, #tpu.memory_space<hbm>>
      tpu.enqueue_indirect_dma source(%dma_start3A_47 : memref<10240x64xf32, #tpu.memory_space<hbm>>) target(%dma_start3A_41 : memref<128x64xf32, #tpu.memory_space<vmem>>) offsets(%dma_start3A_44 : memref<128xi32, #tpu.memory_space<vmem>>) semaphore(%arg10 : memref<!tpu.dma_semaphore, #tpu.memory_space<semaphore_mem>>)
      %rem3A_48 = arith.constant 1 : i32
      %rem3A_49 = arith.constant 4 : i32
      %rem3A_50 = arith.remsi %rem3A_48, %rem3A_49 : i32
      %mul3A_51 = arith.constant 128 : i32
      %mul3A_52 = arith.muli %rem3A_50, %mul3A_51 : i32
      %dma_start3A_53 = arith.constant 1 : i32
      %dma_start3A_54 = arith.constant 0 : i32
      %dma_start3A_55 = tpu.memref_slice %arg8[%mul3A_52, %dma_start3A_54] : memref<512x64xf32, #tpu.memory_space<vmem>> -> memref<128x64xf32, #tpu.memory_space<vmem>>
      %dma_start3A_56 = arith.constant 0 : i32
      %dma_start3A_57 = tpu.memref_slice %arg6[%dma_start3A_53, %dma_start3A_56] : memref<40x128xi32, #tpu.memory_space<vmem>> -> memref<1x128xi32, #tpu.memory_space<vmem>>
      %dma_start3A_58 = tpu.memref_squeeze %dma_start3A_57 : memref<1x128xi32, #tpu.memory_space<vmem>> -> memref<128xi32, #tpu.memory_space<vmem>>
      %dma_start3A_59 = arith.constant 0 : i32
      %dma_start3A_60 = arith.constant 0 : i32
      %dma_start3A_61 = tpu.memref_slice %arg2[%dma_start3A_59, %dma_start3A_60] : memref<10240x64xf32, #tpu.memory_space<hbm>> -> memref<10240x64xf32, #tpu.memory_space<hbm>>
      tpu.enqueue_indirect_dma source(%dma_start3A_61 : memref<10240x64xf32, #tpu.memory_space<hbm>>) target(%dma_start3A_55 : memref<128x64xf32, #tpu.memory_space<vmem>>) offsets(%dma_start3A_58 : memref<128xi32, #tpu.memory_space<vmem>>) semaphore(%arg10 : memref<!tpu.dma_semaphore, #tpu.memory_space<semaphore_mem>>)
      %rem3A_62 = arith.constant 2 : i32
      %rem3A_63 = arith.constant 4 : i32
      %rem3A_64 = arith.remsi %rem3A_62, %rem3A_63 : i32
      %mul3A_65 = arith.constant 128 : i32
      %mul3A_66 = arith.muli %rem3A_64, %mul3A_65 : i32
      %dma_start3A_67 = arith.constant 2 : i32
      %dma_start3A_68 = arith.constant 0 : i32
      %dma_start3A_69 = tpu.memref_slice %arg8[%mul3A_66, %dma_start3A_68] : memref<512x64xf32, #tpu.memory_space<vmem>> -> memref<128x64xf32, #tpu.memory_space<vmem>>
      %dma_start3A_70 = arith.constant 0 : i32
      %dma_start3A_71 = tpu.memref_slice %arg6[%dma_start3A_67, %dma_start3A_70] : memref<40x128xi32, #tpu.memory_space<vmem>> -> memref<1x128xi32, #tpu.memory_space<vmem>>
      %dma_start3A_72 = tpu.memref_squeeze %dma_start3A_71 : memref<1x128xi32, #tpu.memory_space<vmem>> -> memref<128xi32, #tpu.memory_space<vmem>>
      %dma_start3A_73 = arith.constant 0 : i32
      %dma_start3A_74 = arith.constant 0 : i32
      %dma_start3A_75 = tpu.memref_slice %arg2[%dma_start3A_73, %dma_start3A_74] : memref<10240x64xf32, #tpu.memory_space<hbm>> -> memref<10240x64xf32, #tpu.memory_space<hbm>>
      tpu.enqueue_indirect_dma source(%dma_start3A_75 : memref<10240x64xf32, #tpu.memory_space<hbm>>) target(%dma_start3A_69 : memref<128x64xf32, #tpu.memory_space<vmem>>) offsets(%dma_start3A_72 : memref<128xi32, #tpu.memory_space<vmem>>) semaphore(%arg10 : memref<!tpu.dma_semaphore, #tpu.memory_space<semaphore_mem>>)
      %scan3A_76 = arith.constant 0 : i32
      %scan3A_77 = arith.constant 0 : i32
      %scan3A_78 = arith.constant 40 : i32
      %scan3A_79 = arith.addi %scan3A_77, %scan3A_78 : i32
      %scan3A_80 = arith.constant 1 : i32
      %scan3A_81 = scf.for %scan3A_84 = %scan3A_77 to %scan3A_79 step %scan3A_80 iter_args(%scan3A_85 = %scan3A_76) -> (i32)  : i32 {
        %rem3A_86 = arith.constant 4 : i32
        %rem3A_87 = arith.remsi %scan3A_84, %rem3A_86 : i32
        %mul3A_88 = arith.constant 128 : i32
        %mul3A_89 = arith.muli %rem3A_87, %mul3A_88 : i32
        %dma_wait3A = arith.constant 0 : i32
        %dma_wait3A_90 = tpu.memref_slice %arg8[%mul3A_89, %dma_wait3A] : memref<512x64xf32, #tpu.memory_space<vmem>> -> memref<128x64xf32, #tpu.memory_space<vmem>>
        %dma_wait3A_91 = arith.constant 0 : i32
        %dma_wait3A_92 = tpu.memref_slice %arg6[%scan3A_84, %dma_wait3A_91] : memref<40x128xi32, #tpu.memory_space<vmem>> -> memref<1x128xi32, #tpu.memory_space<vmem>>
        %dma_wait3A_93 = tpu.memref_squeeze %dma_wait3A_92 : memref<1x128xi32, #tpu.memory_space<vmem>> -> memref<128xi32, #tpu.memory_space<vmem>>
        %dma_wait3A_94 = arith.constant 0 : i32
        %dma_wait3A_95 = arith.constant 0 : i32
        %dma_wait3A_96 = tpu.memref_slice %arg2[%dma_wait3A_94, %dma_wait3A_95] : memref<10240x64xf32, #tpu.memory_space<hbm>> -> memref<10240x64xf32, #tpu.memory_space<hbm>>
        tpu.wait_indirect_dma semaphore(%arg10 : memref<!tpu.dma_semaphore, #tpu.memory_space<semaphore_mem>>) src(%dma_wait3A_96 : memref<10240x64xf32, #tpu.memory_space<hbm>>) dst(%dma_wait3A_90 : memref<128x64xf32, #tpu.memory_space<vmem>>)
        %add3A_97 = arith.constant 4 : i32
        %add3A_98 = arith.addi %scan3A_84, %add3A_97 : i32
        %sub3A = arith.constant 1 : i32
        %sub3A_99 = arith.subi %add3A_98, %sub3A : i32
        %min3A = arith.constant 39 : i32
        %min3A_100 = arith.minsi %sub3A_99, %min3A : i32
        %add3A_101 = arith.constant 4 : i32
        %add3A_102 = arith.addi %scan3A_84, %add3A_101 : i32
        %sub3A_103 = arith.constant 1 : i32
        %sub3A_104 = arith.subi %add3A_102, %sub3A_103 : i32
        %lt3A = arith.constant 40 : i32
        %lt3A_105 = arith.cmpi slt, %sub3A_104, %lt3A : i32
        %convert_element_type3A = arith.extui %lt3A_105 : i1 to i32
        %cond3A = arith.constant 0 : i32
        %cond3A_106 = arith.cmpi ne, %convert_element_type3A, %cond3A : i32
        scf.if %cond3A_106 {
          %rem3A_112 = arith.constant 4 : i32
          %rem3A_113 = arith.remsi %min3A_100, %rem3A_112 : i32
          %mul3A_114 = arith.constant 128 : i32
          %mul3A_115 = arith.muli %rem3A_113, %mul3A_114 : i32
          %dma_start3A_116 = arith.constant 0 : i32
          %dma_start3A_117 = tpu.memref_slice %arg8[%mul3A_115, %dma_start3A_116] : memref<512x64xf32, #tpu.memory_space<vmem>> -> memref<128x64xf32, #tpu.memory_space<vmem>>
          %dma_start3A_118 = arith.constant 0 : i32
          %dma_start3A_119 = tpu.memref_slice %arg6[%min3A_100, %dma_start3A_118] : memref<40x128xi32, #tpu.memory_space<vmem>> -> memref<1x128xi32, #tpu.memory_space<vmem>>
          %dma_start3A_120 = tpu.memref_squeeze %dma_start3A_119 : memref<1x128xi32, #tpu.memory_space<vmem>> -> memref<128xi32, #tpu.memory_space<vmem>>
          %dma_start3A_121 = arith.constant 0 : i32
          %dma_start3A_122 = arith.constant 0 : i32
          %dma_start3A_123 = tpu.memref_slice %arg2[%dma_start3A_121, %dma_start3A_122] : memref<10240x64xf32, #tpu.memory_space<hbm>> -> memref<10240x64xf32, #tpu.memory_space<hbm>>
          tpu.enqueue_indirect_dma source(%dma_start3A_123 : memref<10240x64xf32, #tpu.memory_space<hbm>>) target(%dma_start3A_117 : memref<128x64xf32, #tpu.memory_space<vmem>>) offsets(%dma_start3A_120 : memref<128xi32, #tpu.memory_space<vmem>>) semaphore(%arg10 : memref<!tpu.dma_semaphore, #tpu.memory_space<semaphore_mem>>)
        } else {
        }
        %rem3A_107 = arith.constant 4 : i32
        %rem3A_108 = arith.remsi %scan3A_84, %rem3A_107 : i32
        %mul3A_109 = arith.constant 128 : i32
        %mul3A_110 = arith.muli %rem3A_108, %mul3A_109 : i32
        "tpu.region"() ({
          %run_scoped3A = tpu.sem_alloc : memref<!tpu.dma_semaphore, #tpu.memory_space<semaphore_mem>>
          %dma_start3A_112 = arith.constant 0 : i32
          %dma_start3A_113 = tpu.memref_slice %arg8[%mul3A_110, %dma_start3A_112] : memref<512x64xf32, #tpu.memory_space<vmem>> -> memref<128x64xf32, #tpu.memory_space<vmem>>
          %dma_start3A_114 = arith.constant 0 : i32
          %dma_start3A_115 = tpu.memref_slice %arg7[%scan3A_84, %dma_start3A_114] : memref<40x128xi32, #tpu.memory_space<vmem>> -> memref<1x128xi32, #tpu.memory_space<vmem>>
          %dma_start3A_116 = tpu.memref_squeeze %dma_start3A_115 : memref<1x128xi32, #tpu.memory_space<vmem>> -> memref<128xi32, #tpu.memory_space<vmem>>
          %dma_start3A_117 = arith.constant 0 : i32
          %dma_start3A_118 = arith.constant 0 : i32
          %dma_start3A_119 = tpu.memref_slice %arg9[%dma_start3A_117, %dma_start3A_118] : memref<10240x64xf32, #tpu.memory_space<vmem_shared>> -> memref<10240x64xf32, #tpu.memory_space<vmem_shared>>
          tpu.enqueue_indirect_dma source(%dma_start3A_113 : memref<128x64xf32, #tpu.memory_space<vmem>>) target(%dma_start3A_119 : memref<10240x64xf32, #tpu.memory_space<vmem_shared>>) offsets(%dma_start3A_116 : memref<128xi32, #tpu.memory_space<vmem>>) semaphore(%run_scoped3A : memref<!tpu.dma_semaphore, #tpu.memory_space<semaphore_mem>>) {add = true}
          %dma_wait3A_120 = arith.constant 0 : i32
          %dma_wait3A_121 = tpu.memref_slice %arg8[%mul3A_110, %dma_wait3A_120] : memref<512x64xf32, #tpu.memory_space<vmem>> -> memref<128x64xf32, #tpu.memory_space<vmem>>
          %dma_wait3A_122 = arith.constant 0 : i32
          %dma_wait3A_123 = tpu.memref_slice %arg7[%scan3A_84, %dma_wait3A_122] : memref<40x128xi32, #tpu.memory_space<vmem>> -> memref<1x128xi32, #tpu.memory_space<vmem>>
          %dma_wait3A_124 = tpu.memref_squeeze %dma_wait3A_123 : memref<1x128xi32, #tpu.memory_space<vmem>> -> memref<128xi32, #tpu.memory_space<vmem>>
          %dma_wait3A_125 = arith.constant 0 : i32
          %dma_wait3A_126 = arith.constant 0 : i32
          %dma_wait3A_127 = tpu.memref_slice %arg9[%dma_wait3A_125, %dma_wait3A_126] : memref<10240x64xf32, #tpu.memory_space<vmem_shared>> -> memref<10240x64xf32, #tpu.memory_space<vmem_shared>>
          tpu.wait_indirect_dma semaphore(%run_scoped3A : memref<!tpu.dma_semaphore, #tpu.memory_space<semaphore_mem>>) src(%dma_wait3A_121 : memref<128x64xf32, #tpu.memory_space<vmem>>) dst(%dma_wait3A_127 : memref<10240x64xf32, #tpu.memory_space<vmem_shared>>)
          tpu.yield
        }) : () -> ()
        %scan3A_111 = arith.constant 0 : i32
        scf.yield %scan3A_111 : i32
      }
      %scan3A_82 = arith.constant 40 : i32
      %scan3A_83 = arith.constant 0 : i32
      scf.yield %scan3A_83 : i32
    }
    %scan3A_20 = arith.constant 2 : i32
    %barrier3A_21 = arith.constant 0 : index
    tpu.barrier barrier_id(%barrier3A_21)
    %scan3A_22 = arith.constant 0 : i32
    %scan3A_23 = arith.constant 0 : i32
    %scan3A_24 = arith.constant 16 : i32
    %scan3A_25 = arith.addi %scan3A_23, %scan3A_24 : i32
    %scan3A_26 = arith.constant 1 : i32
    %scan3A_27 = scf.for %scan3A_29 = %scan3A_23 to %scan3A_25 step %scan3A_26 iter_args(%scan3A_30 = %scan3A_22) -> (i32)  : i32 {
      %mul3A_31 = arith.constant 640 : i32
      %mul3A_32 = arith.muli %arg1, %mul3A_31 : i32
      %mul3A_33 = arith.constant 40 : i32
      %mul3A_34 = arith.muli %scan3A_29, %mul3A_33 : i32
      %add3A_35 = arith.addi %mul3A_32, %mul3A_34 : i32
      "tpu.region"() ({
        %run_scoped3A = tpu.sem_alloc : memref<!tpu.dma_semaphore, #tpu.memory_space<semaphore_mem>>
        %dma_start3A = arith.constant 0 : i32
        %dma_start3A_40 = arith.constant 0 : i32
        %dma_start3A_41 = tpu.memref_slice %arg8[%dma_start3A, %dma_start3A_40] : memref<512x64xf32, #tpu.memory_space<vmem>> -> memref<40x64xf32, #tpu.memory_space<vmem>>
        %dma_start3A_42 = arith.constant 0 : i32
        %dma_start3A_43 = tpu.memref_slice %arg9[%add3A_35, %dma_start3A_42] : memref<10240x64xf32, #tpu.memory_space<vmem_shared>> -> memref<40x64xf32, #tpu.memory_space<vmem_shared>>
        %dma_start3A_44 = arith.constant 0 : i32
        %dma_start3A_45 = arith.constant 0 : i32
        %dma_start3A_46 = tpu.memref_slice %arg8[%dma_start3A_44, %dma_start3A_45] : memref<512x64xf32, #tpu.memory_space<vmem>> -> memref<40x64xf32, #tpu.memory_space<vmem>>
        %dma_start3A_47 = arith.constant 0 : i32
        %dma_start3A_48 = tpu.memref_slice %arg9[%add3A_35, %dma_start3A_47] : memref<10240x64xf32, #tpu.memory_space<vmem_shared>> -> memref<40x64xf32, #tpu.memory_space<vmem_shared>>
        tpu.enqueue_dma source(%dma_start3A_48 : memref<40x64xf32, #tpu.memory_space<vmem_shared>>) target(%dma_start3A_46 : memref<40x64xf32, #tpu.memory_space<vmem>>) target_semaphore(%run_scoped3A : memref<!tpu.dma_semaphore, #tpu.memory_space<semaphore_mem>>)
        %dma_wait3A = arith.constant 0 : i32
        %dma_wait3A_49 = arith.constant 0 : i32
        %dma_wait3A_50 = tpu.memref_slice %arg8[%dma_wait3A, %dma_wait3A_49] : memref<512x64xf32, #tpu.memory_space<vmem>> -> memref<40x64xf32, #tpu.memory_space<vmem>>
        %dma_wait3A_51 = arith.constant 0 : i32
        %dma_wait3A_52 = tpu.memref_slice %arg9[%add3A_35, %dma_wait3A_51] : memref<10240x64xf32, #tpu.memory_space<vmem_shared>> -> memref<40x64xf32, #tpu.memory_space<vmem_shared>>
        %dma_wait3A_53 = arith.constant 0 : i32
        %dma_wait3A_54 = arith.constant 0 : i32
        %dma_wait3A_55 = tpu.memref_slice %arg8[%dma_wait3A_53, %dma_wait3A_54] : memref<512x64xf32, #tpu.memory_space<vmem>> -> memref<40x64xf32, #tpu.memory_space<vmem>>
        %dma_wait3A_56 = arith.constant 0 : i32
        %dma_wait3A_57 = tpu.memref_slice %arg9[%add3A_35, %dma_wait3A_56] : memref<10240x64xf32, #tpu.memory_space<vmem_shared>> -> memref<40x64xf32, #tpu.memory_space<vmem_shared>>
        tpu.wait_dma2 semaphore(%run_scoped3A : memref<!tpu.dma_semaphore, #tpu.memory_space<semaphore_mem>>) src(%dma_wait3A_57 : memref<40x64xf32, #tpu.memory_space<vmem_shared>>) dst(%dma_wait3A_55 : memref<40x64xf32, #tpu.memory_space<vmem>>)
        tpu.yield
      }) : () -> ()
      %mul3A_36 = arith.constant 10240 : i32
      %mul3A_37 = arith.muli %arg0, %mul3A_36 : i32
      %add3A_38 = arith.addi %mul3A_37, %add3A_35 : i32
      "tpu.region"() ({
        %run_scoped3A = tpu.sem_alloc : memref<!tpu.dma_semaphore, #tpu.memory_space<semaphore_mem>>
        %dma_start3A = arith.constant 0 : i32
        %dma_start3A_40 = arith.constant 0 : i32
        %dma_start3A_41 = tpu.memref_slice %arg8[%dma_start3A, %dma_start3A_40] : memref<512x64xf32, #tpu.memory_space<vmem>> -> memref<40x64xf32, #tpu.memory_space<vmem>>
        %dma_start3A_42 = arith.constant 0 : i32
        %dma_start3A_43 = tpu.memref_slice %arg5[%add3A_38, %dma_start3A_42] : memref<20480x64xf32, #tpu.memory_space<hbm>> -> memref<40x64xf32, #tpu.memory_space<hbm>>
        %dma_start3A_44 = arith.constant 0 : i32
        %dma_start3A_45 = tpu.memref_slice %arg5[%add3A_38, %dma_start3A_44] : memref<20480x64xf32, #tpu.memory_space<hbm>> -> memref<40x64xf32, #tpu.memory_space<hbm>>
        %dma_start3A_46 = arith.constant 0 : i32
        %dma_start3A_47 = arith.constant 0 : i32
        %dma_start3A_48 = tpu.memref_slice %arg8[%dma_start3A_46, %dma_start3A_47] : memref<512x64xf32, #tpu.memory_space<vmem>> -> memref<40x64xf32, #tpu.memory_space<vmem>>
        tpu.enqueue_dma source(%dma_start3A_48 : memref<40x64xf32, #tpu.memory_space<vmem>>) target(%dma_start3A_45 : memref<40x64xf32, #tpu.memory_space<hbm>>) target_semaphore(%run_scoped3A : memref<!tpu.dma_semaphore, #tpu.memory_space<semaphore_mem>>)
        %dma_wait3A = arith.constant 0 : i32
        %dma_wait3A_49 = arith.constant 0 : i32
        %dma_wait3A_50 = tpu.memref_slice %arg8[%dma_wait3A, %dma_wait3A_49] : memref<512x64xf32, #tpu.memory_space<vmem>> -> memref<40x64xf32, #tpu.memory_space<vmem>>
        %dma_wait3A_51 = arith.constant 0 : i32
        %dma_wait3A_52 = tpu.memref_slice %arg5[%add3A_38, %dma_wait3A_51] : memref<20480x64xf32, #tpu.memory_space<hbm>> -> memref<40x64xf32, #tpu.memory_space<hbm>>
        %dma_wait3A_53 = arith.constant 0 : i32
        %dma_wait3A_54 = tpu.memref_slice %arg5[%add3A_38, %dma_wait3A_53] : memref<20480x64xf32, #tpu.memory_space<hbm>> -> memref<40x64xf32, #tpu.memory_space<hbm>>
        %dma_wait3A_55 = arith.constant 0 : i32
        %dma_wait3A_56 = arith.constant 0 : i32
        %dma_wait3A_57 = tpu.memref_slice %arg8[%dma_wait3A_55, %dma_wait3A_56] : memref<512x64xf32, #tpu.memory_space<vmem>> -> memref<40x64xf32, #tpu.memory_space<vmem>>
        tpu.wait_dma2 semaphore(%run_scoped3A : memref<!tpu.dma_semaphore, #tpu.memory_space<semaphore_mem>>) src(%dma_wait3A_57 : memref<40x64xf32, #tpu.memory_space<vmem>>) dst(%dma_wait3A_54 : memref<40x64xf32, #tpu.memory_space<hbm>>)
        tpu.yield
      }) : () -> ()
      %scan3A_39 = arith.constant 0 : i32
      scf.yield %scan3A_39 : i32
    }
    %scan3A_28 = arith.constant 16 : i32
    return
  }
}

#map = affine_map<(d0, d1) -> (0, 0)>
module attributes {stable_mosaic.version = 14 : i64} {
  func.func @degscatter(%arg0: i32, %arg1: i32, %arg2: memref<2560x128xi32, #tpu.memory_space<hbm>>, %arg3: memref<20480x16xf32, #tpu.memory_space<hbm>>, %arg4: memref<80x128xi32, #tpu.memory_space<vmem>>, %arg5: memref<128x16xf32, #tpu.memory_space<vmem>>, %arg6: memref<40x16xf32, #tpu.memory_space<vmem>>, %arg7: memref<10240x16xf32, #tpu.memory_space<vmem_shared>>, %arg8: memref<!tpu.dma_semaphore, #tpu.memory_space<semaphore_mem>>) attributes {dimension_semantics = [#tpu.dimension_semantics<core_parallel>, #tpu.dimension_semantics<subcore_parallel>], iteration_bounds = array<i64: 2, 16>, scalar_prefetch = 0 : i64, scratch_operands = 5 : i64, tpu.core_type = #tpu.core_type<sc_vector_subcore>, window_params = [{transform_indices = #map}, {transform_indices = #map}]} {
    %mul3A = arith.constant 2 : i32
    %mul3A_0 = arith.muli %arg1, %mul3A : i32
    %add3A = arith.addi %mul3A_0, %arg0 : i32
    %scan3A = arith.constant 0 : i32
    %scan3A_1 = arith.constant 0 : i32
    %scan3A_2 = arith.constant 128 : i32
    %scan3A_3 = arith.addi %scan3A_1, %scan3A_2 : i32
    %scan3A_4 = arith.constant 1 : i32
    %scan3A_5 = scf.for %scan3A_38 = %scan3A_1 to %scan3A_3 step %scan3A_4 iter_args(%scan3A_39 = %scan3A) -> (i32)  : i32 {
      %broadcast_in_dim3A = arith.constant 1.000000e+00 : f32
      %broadcast_in_dim3A_40 = vector.broadcast %broadcast_in_dim3A : f32 to vector<16xf32>
      %swap3A = arith.index_cast %scan3A_38 : i32 to index
      %swap3A_41 = arith.constant 0 : index
      %swap3A_42 = tpu.vector_load %arg5[%swap3A, %swap3A_41] {strides = array<i32>} : memref<128x16xf32, #tpu.memory_space<vmem>>, vector<1x16xf32>,
      %swap3A_43 = vector.shape_cast %swap3A_42 : vector<1x16xf32> to vector<16xf32>
      %swap3A_44 = vector.shape_cast %broadcast_in_dim3A_40 : vector<16xf32> to vector<1x16xf32>
      tpu.vector_store %arg5[%swap3A, %swap3A_41], %swap3A_44 {strides = array<i32>} : memref<128x16xf32, #tpu.memory_space<vmem>>, vector<1x16xf32>,
      %scan3A_45 = arith.constant 0 : i32
      scf.yield %scan3A_45 : i32
    }
    %scan3A_6 = arith.constant 128 : i32
    %scan3A_7 = arith.constant 0 : i32
    %scan3A_8 = arith.constant 0 : i32
    %scan3A_9 = arith.constant 40 : i32
    %scan3A_10 = arith.addi %scan3A_8, %scan3A_9 : i32
    %scan3A_11 = arith.constant 1 : i32
    %scan3A_12 = scf.for %scan3A_38 = %scan3A_8 to %scan3A_10 step %scan3A_11 iter_args(%scan3A_39 = %scan3A_7) -> (i32)  : i32 {
      %broadcast_in_dim3A = arith.constant 0.000000e+00 : f32
      %broadcast_in_dim3A_40 = vector.broadcast %broadcast_in_dim3A : f32 to vector<16xf32>
      %swap3A = arith.index_cast %scan3A_38 : i32 to index
      %swap3A_41 = arith.constant 0 : index
      %swap3A_42 = tpu.vector_load %arg6[%swap3A, %swap3A_41] {strides = array<i32>} : memref<40x16xf32, #tpu.memory_space<vmem>>, vector<1x16xf32>,
      %swap3A_43 = vector.shape_cast %swap3A_42 : vector<1x16xf32> to vector<16xf32>
      %swap3A_44 = vector.shape_cast %broadcast_in_dim3A_40 : vector<16xf32> to vector<1x16xf32>
      tpu.vector_store %arg6[%swap3A, %swap3A_41], %swap3A_44 {strides = array<i32>} : memref<40x16xf32, #tpu.memory_space<vmem>>, vector<1x16xf32>,
      %scan3A_45 = arith.constant 0 : i32
      scf.yield %scan3A_45 : i32
    }
    %scan3A_13 = arith.constant 40 : i32
    %scan3A_14 = arith.constant 0 : i32
    %scan3A_15 = arith.constant 0 : i32
    %scan3A_16 = arith.constant 16 : i32
    %scan3A_17 = arith.addi %scan3A_15, %scan3A_16 : i32
    %scan3A_18 = arith.constant 1 : i32
    %scan3A_19 = scf.for %scan3A_38 = %scan3A_15 to %scan3A_17 step %scan3A_18 iter_args(%scan3A_39 = %scan3A_14) -> (i32)  : i32 {
      %mul3A_40 = arith.constant 640 : i32
      %mul3A_41 = arith.muli %arg1, %mul3A_40 : i32
      %mul3A_42 = arith.constant 40 : i32
      %mul3A_43 = arith.muli %scan3A_38, %mul3A_42 : i32
      %add3A_44 = arith.addi %mul3A_41, %mul3A_43 : i32
      "tpu.region"() ({
        %run_scoped3A = tpu.sem_alloc : memref<!tpu.dma_semaphore, #tpu.memory_space<semaphore_mem>>
        %dma_start3A = arith.constant 0 : i32
        %dma_start3A_46 = tpu.memref_slice %arg7[%add3A_44, %dma_start3A] : memref<10240x16xf32, #tpu.memory_space<vmem_shared>> -> memref<40x16xf32, #tpu.memory_space<vmem_shared>>
        %dma_start3A_47 = arith.constant 0 : i32
        %dma_start3A_48 = tpu.memref_slice %arg7[%add3A_44, %dma_start3A_47] : memref<10240x16xf32, #tpu.memory_space<vmem_shared>> -> memref<40x16xf32, #tpu.memory_space<vmem_shared>>
        tpu.enqueue_dma source(%arg6 : memref<40x16xf32, #tpu.memory_space<vmem>>) target(%dma_start3A_48 : memref<40x16xf32, #tpu.memory_space<vmem_shared>>) target_semaphore(%run_scoped3A : memref<!tpu.dma_semaphore, #tpu.memory_space<semaphore_mem>>)
        %dma_wait3A = arith.constant 0 : i32
        %dma_wait3A_49 = tpu.memref_slice %arg7[%add3A_44, %dma_wait3A] : memref<10240x16xf32, #tpu.memory_space<vmem_shared>> -> memref<40x16xf32, #tpu.memory_space<vmem_shared>>
        %dma_wait3A_50 = arith.constant 0 : i32
        %dma_wait3A_51 = tpu.memref_slice %arg7[%add3A_44, %dma_wait3A_50] : memref<10240x16xf32, #tpu.memory_space<vmem_shared>> -> memref<40x16xf32, #tpu.memory_space<vmem_shared>>
        tpu.wait_dma2 semaphore(%run_scoped3A : memref<!tpu.dma_semaphore, #tpu.memory_space<semaphore_mem>>) src(%arg6 : memref<40x16xf32, #tpu.memory_space<vmem>>) dst(%dma_wait3A_51 : memref<40x16xf32, #tpu.memory_space<vmem_shared>>)
        tpu.yield
      }) : () -> ()
      %scan3A_45 = arith.constant 0 : i32
      scf.yield %scan3A_45 : i32
    }
    %scan3A_20 = arith.constant 16 : i32
    %mul3A_21 = arith.constant 80 : i32
    %mul3A_22 = arith.muli %add3A, %mul3A_21 : i32
    "tpu.region"() ({
      %run_scoped3A = tpu.sem_alloc : memref<!tpu.dma_semaphore, #tpu.memory_space<semaphore_mem>>
      %dma_start3A = arith.constant 0 : i32
      %dma_start3A_38 = tpu.memref_slice %arg2[%mul3A_22, %dma_start3A] : memref<2560x128xi32, #tpu.memory_space<hbm>> -> memref<80x128xi32, #tpu.memory_space<hbm>>
      %dma_start3A_39 = arith.constant 0 : i32
      %dma_start3A_40 = tpu.memref_slice %arg2[%mul3A_22, %dma_start3A_39] : memref<2560x128xi32, #tpu.memory_space<hbm>> -> memref<80x128xi32, #tpu.memory_space<hbm>>
      tpu.enqueue_dma source(%dma_start3A_40 : memref<80x128xi32, #tpu.memory_space<hbm>>) target(%arg4 : memref<80x128xi32, #tpu.memory_space<vmem>>) target_semaphore(%run_scoped3A : memref<!tpu.dma_semaphore, #tpu.memory_space<semaphore_mem>>)
      %dma_wait3A = arith.constant 0 : i32
      %dma_wait3A_41 = tpu.memref_slice %arg2[%mul3A_22, %dma_wait3A] : memref<2560x128xi32, #tpu.memory_space<hbm>> -> memref<80x128xi32, #tpu.memory_space<hbm>>
      %dma_wait3A_42 = arith.constant 0 : i32
      %dma_wait3A_43 = tpu.memref_slice %arg2[%mul3A_22, %dma_wait3A_42] : memref<2560x128xi32, #tpu.memory_space<hbm>> -> memref<80x128xi32, #tpu.memory_space<hbm>>
      tpu.wait_dma2 semaphore(%run_scoped3A : memref<!tpu.dma_semaphore, #tpu.memory_space<semaphore_mem>>) src(%dma_wait3A_43 : memref<80x128xi32, #tpu.memory_space<hbm>>) dst(%arg4 : memref<80x128xi32, #tpu.memory_space<vmem>>)
      tpu.yield
    }) : () -> ()
    %barrier3A = arith.constant 0 : index
    tpu.barrier barrier_id(%barrier3A)
    %scan3A_23 = arith.constant 0 : i32
    %scan3A_24 = arith.constant 0 : i32
    %scan3A_25 = arith.constant 10 : i32
    %scan3A_26 = arith.addi %scan3A_24, %scan3A_25 : i32
    %scan3A_27 = arith.constant 1 : i32
    %scan3A_28 = scf.for %scan3A_38 = %scan3A_24 to %scan3A_26 step %scan3A_27 iter_args(%scan3A_39 = %scan3A_23) -> (i32)  : i32 {
      %mul3A_40 = arith.constant 8 : i32
      %mul3A_41 = arith.muli %scan3A_38, %mul3A_40 : i32
      %add3A_42 = arith.constant 0 : i32
      %add3A_43 = arith.addi %mul3A_41, %add3A_42 : i32
      %dma_start3A = arith.constant 0 : i32
      %dma_start3A_44 = tpu.memref_slice %arg4[%add3A_43, %dma_start3A] : memref<80x128xi32, #tpu.memory_space<vmem>> -> memref<1x128xi32, #tpu.memory_space<vmem>>
      %dma_start3A_45 = tpu.memref_squeeze %dma_start3A_44 : memref<1x128xi32, #tpu.memory_space<vmem>> -> memref<128xi32, #tpu.memory_space<vmem>>
      %dma_start3A_46 = arith.constant 0 : i32
      %dma_start3A_47 = arith.constant 0 : i32
      %dma_start3A_48 = tpu.memref_slice %arg7[%dma_start3A_46, %dma_start3A_47] : memref<10240x16xf32, #tpu.memory_space<vmem_shared>> -> memref<10240x16xf32, #tpu.memory_space<vmem_shared>>
      tpu.enqueue_indirect_dma source(%arg5 : memref<128x16xf32, #tpu.memory_space<vmem>>) target(%dma_start3A_48 : memref<10240x16xf32, #tpu.memory_space<vmem_shared>>) offsets(%dma_start3A_45 : memref<128xi32, #tpu.memory_space<vmem>>) semaphore(%arg8 : memref<!tpu.dma_semaphore, #tpu.memory_space<semaphore_mem>>) {add = true}
      %mul3A_49 = arith.constant 8 : i32
      %mul3A_50 = arith.muli %scan3A_38, %mul3A_49 : i32
      %add3A_51 = arith.constant 1 : i32
      %add3A_52 = arith.addi %mul3A_50, %add3A_51 : i32
      %dma_start3A_53 = arith.constant 0 : i32
      %dma_start3A_54 = tpu.memref_slice %arg4[%add3A_52, %dma_start3A_53] : memref<80x128xi32, #tpu.memory_space<vmem>> -> memref<1x128xi32, #tpu.memory_space<vmem>>
      %dma_start3A_55 = tpu.memref_squeeze %dma_start3A_54 : memref<1x128xi32, #tpu.memory_space<vmem>> -> memref<128xi32, #tpu.memory_space<vmem>>
      %dma_start3A_56 = arith.constant 0 : i32
      %dma_start3A_57 = arith.constant 0 : i32
      %dma_start3A_58 = tpu.memref_slice %arg7[%dma_start3A_56, %dma_start3A_57] : memref<10240x16xf32, #tpu.memory_space<vmem_shared>> -> memref<10240x16xf32, #tpu.memory_space<vmem_shared>>
      tpu.enqueue_indirect_dma source(%arg5 : memref<128x16xf32, #tpu.memory_space<vmem>>) target(%dma_start3A_58 : memref<10240x16xf32, #tpu.memory_space<vmem_shared>>) offsets(%dma_start3A_55 : memref<128xi32, #tpu.memory_space<vmem>>) semaphore(%arg8 : memref<!tpu.dma_semaphore, #tpu.memory_space<semaphore_mem>>) {add = true}
      %mul3A_59 = arith.constant 8 : i32
      %mul3A_60 = arith.muli %scan3A_38, %mul3A_59 : i32
      %add3A_61 = arith.constant 2 : i32
      %add3A_62 = arith.addi %mul3A_60, %add3A_61 : i32
      %dma_start3A_63 = arith.constant 0 : i32
      %dma_start3A_64 = tpu.memref_slice %arg4[%add3A_62, %dma_start3A_63] : memref<80x128xi32, #tpu.memory_space<vmem>> -> memref<1x128xi32, #tpu.memory_space<vmem>>
      %dma_start3A_65 = tpu.memref_squeeze %dma_start3A_64 : memref<1x128xi32, #tpu.memory_space<vmem>> -> memref<128xi32, #tpu.memory_space<vmem>>
      %dma_start3A_66 = arith.constant 0 : i32
      %dma_start3A_67 = arith.constant 0 : i32
      %dma_start3A_68 = tpu.memref_slice %arg7[%dma_start3A_66, %dma_start3A_67] : memref<10240x16xf32, #tpu.memory_space<vmem_shared>> -> memref<10240x16xf32, #tpu.memory_space<vmem_shared>>
      tpu.enqueue_indirect_dma source(%arg5 : memref<128x16xf32, #tpu.memory_space<vmem>>) target(%dma_start3A_68 : memref<10240x16xf32, #tpu.memory_space<vmem_shared>>) offsets(%dma_start3A_65 : memref<128xi32, #tpu.memory_space<vmem>>) semaphore(%arg8 : memref<!tpu.dma_semaphore, #tpu.memory_space<semaphore_mem>>) {add = true}
      %mul3A_69 = arith.constant 8 : i32
      %mul3A_70 = arith.muli %scan3A_38, %mul3A_69 : i32
      %add3A_71 = arith.constant 3 : i32
      %add3A_72 = arith.addi %mul3A_70, %add3A_71 : i32
      %dma_start3A_73 = arith.constant 0 : i32
      %dma_start3A_74 = tpu.memref_slice %arg4[%add3A_72, %dma_start3A_73] : memref<80x128xi32, #tpu.memory_space<vmem>> -> memref<1x128xi32, #tpu.memory_space<vmem>>
      %dma_start3A_75 = tpu.memref_squeeze %dma_start3A_74 : memref<1x128xi32, #tpu.memory_space<vmem>> -> memref<128xi32, #tpu.memory_space<vmem>>
      %dma_start3A_76 = arith.constant 0 : i32
      %dma_start3A_77 = arith.constant 0 : i32
      %dma_start3A_78 = tpu.memref_slice %arg7[%dma_start3A_76, %dma_start3A_77] : memref<10240x16xf32, #tpu.memory_space<vmem_shared>> -> memref<10240x16xf32, #tpu.memory_space<vmem_shared>>
      tpu.enqueue_indirect_dma source(%arg5 : memref<128x16xf32, #tpu.memory_space<vmem>>) target(%dma_start3A_78 : memref<10240x16xf32, #tpu.memory_space<vmem_shared>>) offsets(%dma_start3A_75 : memref<128xi32, #tpu.memory_space<vmem>>) semaphore(%arg8 : memref<!tpu.dma_semaphore, #tpu.memory_space<semaphore_mem>>) {add = true}
      %mul3A_79 = arith.constant 8 : i32
      %mul3A_80 = arith.muli %scan3A_38, %mul3A_79 : i32
      %add3A_81 = arith.constant 4 : i32
      %add3A_82 = arith.addi %mul3A_80, %add3A_81 : i32
      %dma_start3A_83 = arith.constant 0 : i32
      %dma_start3A_84 = tpu.memref_slice %arg4[%add3A_82, %dma_start3A_83] : memref<80x128xi32, #tpu.memory_space<vmem>> -> memref<1x128xi32, #tpu.memory_space<vmem>>
      %dma_start3A_85 = tpu.memref_squeeze %dma_start3A_84 : memref<1x128xi32, #tpu.memory_space<vmem>> -> memref<128xi32, #tpu.memory_space<vmem>>
      %dma_start3A_86 = arith.constant 0 : i32
      %dma_start3A_87 = arith.constant 0 : i32
      %dma_start3A_88 = tpu.memref_slice %arg7[%dma_start3A_86, %dma_start3A_87] : memref<10240x16xf32, #tpu.memory_space<vmem_shared>> -> memref<10240x16xf32, #tpu.memory_space<vmem_shared>>
      tpu.enqueue_indirect_dma source(%arg5 : memref<128x16xf32, #tpu.memory_space<vmem>>) target(%dma_start3A_88 : memref<10240x16xf32, #tpu.memory_space<vmem_shared>>) offsets(%dma_start3A_85 : memref<128xi32, #tpu.memory_space<vmem>>) semaphore(%arg8 : memref<!tpu.dma_semaphore, #tpu.memory_space<semaphore_mem>>) {add = true}
      %mul3A_89 = arith.constant 8 : i32
      %mul3A_90 = arith.muli %scan3A_38, %mul3A_89 : i32
      %add3A_91 = arith.constant 5 : i32
      %add3A_92 = arith.addi %mul3A_90, %add3A_91 : i32
      %dma_start3A_93 = arith.constant 0 : i32
      %dma_start3A_94 = tpu.memref_slice %arg4[%add3A_92, %dma_start3A_93] : memref<80x128xi32, #tpu.memory_space<vmem>> -> memref<1x128xi32, #tpu.memory_space<vmem>>
      %dma_start3A_95 = tpu.memref_squeeze %dma_start3A_94 : memref<1x128xi32, #tpu.memory_space<vmem>> -> memref<128xi32, #tpu.memory_space<vmem>>
      %dma_start3A_96 = arith.constant 0 : i32
      %dma_start3A_97 = arith.constant 0 : i32
      %dma_start3A_98 = tpu.memref_slice %arg7[%dma_start3A_96, %dma_start3A_97] : memref<10240x16xf32, #tpu.memory_space<vmem_shared>> -> memref<10240x16xf32, #tpu.memory_space<vmem_shared>>
      tpu.enqueue_indirect_dma source(%arg5 : memref<128x16xf32, #tpu.memory_space<vmem>>) target(%dma_start3A_98 : memref<10240x16xf32, #tpu.memory_space<vmem_shared>>) offsets(%dma_start3A_95 : memref<128xi32, #tpu.memory_space<vmem>>) semaphore(%arg8 : memref<!tpu.dma_semaphore, #tpu.memory_space<semaphore_mem>>) {add = true}
      %mul3A_99 = arith.constant 8 : i32
      %mul3A_100 = arith.muli %scan3A_38, %mul3A_99 : i32
      %add3A_101 = arith.constant 6 : i32
      %add3A_102 = arith.addi %mul3A_100, %add3A_101 : i32
      %dma_start3A_103 = arith.constant 0 : i32
      %dma_start3A_104 = tpu.memref_slice %arg4[%add3A_102, %dma_start3A_103] : memref<80x128xi32, #tpu.memory_space<vmem>> -> memref<1x128xi32, #tpu.memory_space<vmem>>
      %dma_start3A_105 = tpu.memref_squeeze %dma_start3A_104 : memref<1x128xi32, #tpu.memory_space<vmem>> -> memref<128xi32, #tpu.memory_space<vmem>>
      %dma_start3A_106 = arith.constant 0 : i32
      %dma_start3A_107 = arith.constant 0 : i32
      %dma_start3A_108 = tpu.memref_slice %arg7[%dma_start3A_106, %dma_start3A_107] : memref<10240x16xf32, #tpu.memory_space<vmem_shared>> -> memref<10240x16xf32, #tpu.memory_space<vmem_shared>>
      tpu.enqueue_indirect_dma source(%arg5 : memref<128x16xf32, #tpu.memory_space<vmem>>) target(%dma_start3A_108 : memref<10240x16xf32, #tpu.memory_space<vmem_shared>>) offsets(%dma_start3A_105 : memref<128xi32, #tpu.memory_space<vmem>>) semaphore(%arg8 : memref<!tpu.dma_semaphore, #tpu.memory_space<semaphore_mem>>) {add = true}
      %mul3A_109 = arith.constant 8 : i32
      %mul3A_110 = arith.muli %scan3A_38, %mul3A_109 : i32
      %add3A_111 = arith.constant 7 : i32
      %add3A_112 = arith.addi %mul3A_110, %add3A_111 : i32
      %dma_start3A_113 = arith.constant 0 : i32
      %dma_start3A_114 = tpu.memref_slice %arg4[%add3A_112, %dma_start3A_113] : memref<80x128xi32, #tpu.memory_space<vmem>> -> memref<1x128xi32, #tpu.memory_space<vmem>>
      %dma_start3A_115 = tpu.memref_squeeze %dma_start3A_114 : memref<1x128xi32, #tpu.memory_space<vmem>> -> memref<128xi32, #tpu.memory_space<vmem>>
      %dma_start3A_116 = arith.constant 0 : i32
      %dma_start3A_117 = arith.constant 0 : i32
      %dma_start3A_118 = tpu.memref_slice %arg7[%dma_start3A_116, %dma_start3A_117] : memref<10240x16xf32, #tpu.memory_space<vmem_shared>> -> memref<10240x16xf32, #tpu.memory_space<vmem_shared>>
      tpu.enqueue_indirect_dma source(%arg5 : memref<128x16xf32, #tpu.memory_space<vmem>>) target(%dma_start3A_118 : memref<10240x16xf32, #tpu.memory_space<vmem_shared>>) offsets(%dma_start3A_115 : memref<128xi32, #tpu.memory_space<vmem>>) semaphore(%arg8 : memref<!tpu.dma_semaphore, #tpu.memory_space<semaphore_mem>>) {add = true}
      %mul3A_119 = arith.constant 8 : i32
      %mul3A_120 = arith.muli %scan3A_38, %mul3A_119 : i32
      %add3A_121 = arith.constant 0 : i32
      %add3A_122 = arith.addi %mul3A_120, %add3A_121 : i32
      %dma_wait3A = arith.constant 0 : i32
      %dma_wait3A_123 = tpu.memref_slice %arg4[%add3A_122, %dma_wait3A] : memref<80x128xi32, #tpu.memory_space<vmem>> -> memref<1x128xi32, #tpu.memory_space<vmem>>
      %dma_wait3A_124 = tpu.memref_squeeze %dma_wait3A_123 : memref<1x128xi32, #tpu.memory_space<vmem>> -> memref<128xi32, #tpu.memory_space<vmem>>
      %dma_wait3A_125 = arith.constant 0 : i32
      %dma_wait3A_126 = arith.constant 0 : i32
      %dma_wait3A_127 = tpu.memref_slice %arg7[%dma_wait3A_125, %dma_wait3A_126] : memref<10240x16xf32, #tpu.memory_space<vmem_shared>> -> memref<10240x16xf32, #tpu.memory_space<vmem_shared>>
      tpu.wait_indirect_dma semaphore(%arg8 : memref<!tpu.dma_semaphore, #tpu.memory_space<semaphore_mem>>) src(%arg5 : memref<128x16xf32, #tpu.memory_space<vmem>>) dst(%dma_wait3A_127 : memref<10240x16xf32, #tpu.memory_space<vmem_shared>>)
      %mul3A_128 = arith.constant 8 : i32
      %mul3A_129 = arith.muli %scan3A_38, %mul3A_128 : i32
      %add3A_130 = arith.constant 1 : i32
      %add3A_131 = arith.addi %mul3A_129, %add3A_130 : i32
      %dma_wait3A_132 = arith.constant 0 : i32
      %dma_wait3A_133 = tpu.memref_slice %arg4[%add3A_131, %dma_wait3A_132] : memref<80x128xi32, #tpu.memory_space<vmem>> -> memref<1x128xi32, #tpu.memory_space<vmem>>
      %dma_wait3A_134 = tpu.memref_squeeze %dma_wait3A_133 : memref<1x128xi32, #tpu.memory_space<vmem>> -> memref<128xi32, #tpu.memory_space<vmem>>
      %dma_wait3A_135 = arith.constant 0 : i32
      %dma_wait3A_136 = arith.constant 0 : i32
      %dma_wait3A_137 = tpu.memref_slice %arg7[%dma_wait3A_135, %dma_wait3A_136] : memref<10240x16xf32, #tpu.memory_space<vmem_shared>> -> memref<10240x16xf32, #tpu.memory_space<vmem_shared>>
      tpu.wait_indirect_dma semaphore(%arg8 : memref<!tpu.dma_semaphore, #tpu.memory_space<semaphore_mem>>) src(%arg5 : memref<128x16xf32, #tpu.memory_space<vmem>>) dst(%dma_wait3A_137 : memref<10240x16xf32, #tpu.memory_space<vmem_shared>>)
      %mul3A_138 = arith.constant 8 : i32
      %mul3A_139 = arith.muli %scan3A_38, %mul3A_138 : i32
      %add3A_140 = arith.constant 2 : i32
      %add3A_141 = arith.addi %mul3A_139, %add3A_140 : i32
      %dma_wait3A_142 = arith.constant 0 : i32
      %dma_wait3A_143 = tpu.memref_slice %arg4[%add3A_141, %dma_wait3A_142] : memref<80x128xi32, #tpu.memory_space<vmem>> -> memref<1x128xi32, #tpu.memory_space<vmem>>
      %dma_wait3A_144 = tpu.memref_squeeze %dma_wait3A_143 : memref<1x128xi32, #tpu.memory_space<vmem>> -> memref<128xi32, #tpu.memory_space<vmem>>
      %dma_wait3A_145 = arith.constant 0 : i32
      %dma_wait3A_146 = arith.constant 0 : i32
      %dma_wait3A_147 = tpu.memref_slice %arg7[%dma_wait3A_145, %dma_wait3A_146] : memref<10240x16xf32, #tpu.memory_space<vmem_shared>> -> memref<10240x16xf32, #tpu.memory_space<vmem_shared>>
      tpu.wait_indirect_dma semaphore(%arg8 : memref<!tpu.dma_semaphore, #tpu.memory_space<semaphore_mem>>) src(%arg5 : memref<128x16xf32, #tpu.memory_space<vmem>>) dst(%dma_wait3A_147 : memref<10240x16xf32, #tpu.memory_space<vmem_shared>>)
      %mul3A_148 = arith.constant 8 : i32
      %mul3A_149 = arith.muli %scan3A_38, %mul3A_148 : i32
      %add3A_150 = arith.constant 3 : i32
      %add3A_151 = arith.addi %mul3A_149, %add3A_150 : i32
      %dma_wait3A_152 = arith.constant 0 : i32
      %dma_wait3A_153 = tpu.memref_slice %arg4[%add3A_151, %dma_wait3A_152] : memref<80x128xi32, #tpu.memory_space<vmem>> -> memref<1x128xi32, #tpu.memory_space<vmem>>
      %dma_wait3A_154 = tpu.memref_squeeze %dma_wait3A_153 : memref<1x128xi32, #tpu.memory_space<vmem>> -> memref<128xi32, #tpu.memory_space<vmem>>
      %dma_wait3A_155 = arith.constant 0 : i32
      %dma_wait3A_156 = arith.constant 0 : i32
      %dma_wait3A_157 = tpu.memref_slice %arg7[%dma_wait3A_155, %dma_wait3A_156] : memref<10240x16xf32, #tpu.memory_space<vmem_shared>> -> memref<10240x16xf32, #tpu.memory_space<vmem_shared>>
      tpu.wait_indirect_dma semaphore(%arg8 : memref<!tpu.dma_semaphore, #tpu.memory_space<semaphore_mem>>) src(%arg5 : memref<128x16xf32, #tpu.memory_space<vmem>>) dst(%dma_wait3A_157 : memref<10240x16xf32, #tpu.memory_space<vmem_shared>>)
      %mul3A_158 = arith.constant 8 : i32
      %mul3A_159 = arith.muli %scan3A_38, %mul3A_158 : i32
      %add3A_160 = arith.constant 4 : i32
      %add3A_161 = arith.addi %mul3A_159, %add3A_160 : i32
      %dma_wait3A_162 = arith.constant 0 : i32
      %dma_wait3A_163 = tpu.memref_slice %arg4[%add3A_161, %dma_wait3A_162] : memref<80x128xi32, #tpu.memory_space<vmem>> -> memref<1x128xi32, #tpu.memory_space<vmem>>
      %dma_wait3A_164 = tpu.memref_squeeze %dma_wait3A_163 : memref<1x128xi32, #tpu.memory_space<vmem>> -> memref<128xi32, #tpu.memory_space<vmem>>
      %dma_wait3A_165 = arith.constant 0 : i32
      %dma_wait3A_166 = arith.constant 0 : i32
      %dma_wait3A_167 = tpu.memref_slice %arg7[%dma_wait3A_165, %dma_wait3A_166] : memref<10240x16xf32, #tpu.memory_space<vmem_shared>> -> memref<10240x16xf32, #tpu.memory_space<vmem_shared>>
      tpu.wait_indirect_dma semaphore(%arg8 : memref<!tpu.dma_semaphore, #tpu.memory_space<semaphore_mem>>) src(%arg5 : memref<128x16xf32, #tpu.memory_space<vmem>>) dst(%dma_wait3A_167 : memref<10240x16xf32, #tpu.memory_space<vmem_shared>>)
      %mul3A_168 = arith.constant 8 : i32
      %mul3A_169 = arith.muli %scan3A_38, %mul3A_168 : i32
      %add3A_170 = arith.constant 5 : i32
      %add3A_171 = arith.addi %mul3A_169, %add3A_170 : i32
      %dma_wait3A_172 = arith.constant 0 : i32
      %dma_wait3A_173 = tpu.memref_slice %arg4[%add3A_171, %dma_wait3A_172] : memref<80x128xi32, #tpu.memory_space<vmem>> -> memref<1x128xi32, #tpu.memory_space<vmem>>
      %dma_wait3A_174 = tpu.memref_squeeze %dma_wait3A_173 : memref<1x128xi32, #tpu.memory_space<vmem>> -> memref<128xi32, #tpu.memory_space<vmem>>
      %dma_wait3A_175 = arith.constant 0 : i32
      %dma_wait3A_176 = arith.constant 0 : i32
      %dma_wait3A_177 = tpu.memref_slice %arg7[%dma_wait3A_175, %dma_wait3A_176] : memref<10240x16xf32, #tpu.memory_space<vmem_shared>> -> memref<10240x16xf32, #tpu.memory_space<vmem_shared>>
      tpu.wait_indirect_dma semaphore(%arg8 : memref<!tpu.dma_semaphore, #tpu.memory_space<semaphore_mem>>) src(%arg5 : memref<128x16xf32, #tpu.memory_space<vmem>>) dst(%dma_wait3A_177 : memref<10240x16xf32, #tpu.memory_space<vmem_shared>>)
      %mul3A_178 = arith.constant 8 : i32
      %mul3A_179 = arith.muli %scan3A_38, %mul3A_178 : i32
      %add3A_180 = arith.constant 6 : i32
      %add3A_181 = arith.addi %mul3A_179, %add3A_180 : i32
      %dma_wait3A_182 = arith.constant 0 : i32
      %dma_wait3A_183 = tpu.memref_slice %arg4[%add3A_181, %dma_wait3A_182] : memref<80x128xi32, #tpu.memory_space<vmem>> -> memref<1x128xi32, #tpu.memory_space<vmem>>
      %dma_wait3A_184 = tpu.memref_squeeze %dma_wait3A_183 : memref<1x128xi32, #tpu.memory_space<vmem>> -> memref<128xi32, #tpu.memory_space<vmem>>
      %dma_wait3A_185 = arith.constant 0 : i32
      %dma_wait3A_186 = arith.constant 0 : i32
      %dma_wait3A_187 = tpu.memref_slice %arg7[%dma_wait3A_185, %dma_wait3A_186] : memref<10240x16xf32, #tpu.memory_space<vmem_shared>> -> memref<10240x16xf32, #tpu.memory_space<vmem_shared>>
      tpu.wait_indirect_dma semaphore(%arg8 : memref<!tpu.dma_semaphore, #tpu.memory_space<semaphore_mem>>) src(%arg5 : memref<128x16xf32, #tpu.memory_space<vmem>>) dst(%dma_wait3A_187 : memref<10240x16xf32, #tpu.memory_space<vmem_shared>>)
      %mul3A_188 = arith.constant 8 : i32
      %mul3A_189 = arith.muli %scan3A_38, %mul3A_188 : i32
      %add3A_190 = arith.constant 7 : i32
      %add3A_191 = arith.addi %mul3A_189, %add3A_190 : i32
      %dma_wait3A_192 = arith.constant 0 : i32
      %dma_wait3A_193 = tpu.memref_slice %arg4[%add3A_191, %dma_wait3A_192] : memref<80x128xi32, #tpu.memory_space<vmem>> -> memref<1x128xi32, #tpu.memory_space<vmem>>
      %dma_wait3A_194 = tpu.memref_squeeze %dma_wait3A_193 : memref<1x128xi32, #tpu.memory_space<vmem>> -> memref<128xi32, #tpu.memory_space<vmem>>
      %dma_wait3A_195 = arith.constant 0 : i32
      %dma_wait3A_196 = arith.constant 0 : i32
      %dma_wait3A_197 = tpu.memref_slice %arg7[%dma_wait3A_195, %dma_wait3A_196] : memref<10240x16xf32, #tpu.memory_space<vmem_shared>> -> memref<10240x16xf32, #tpu.memory_space<vmem_shared>>
      tpu.wait_indirect_dma semaphore(%arg8 : memref<!tpu.dma_semaphore, #tpu.memory_space<semaphore_mem>>) src(%arg5 : memref<128x16xf32, #tpu.memory_space<vmem>>) dst(%dma_wait3A_197 : memref<10240x16xf32, #tpu.memory_space<vmem_shared>>)
      %scan3A_198 = arith.constant 0 : i32
      scf.yield %scan3A_198 : i32
    }
    %scan3A_29 = arith.constant 10 : i32
    %barrier3A_30 = arith.constant 0 : index
    tpu.barrier barrier_id(%barrier3A_30)
    %scan3A_31 = arith.constant 0 : i32
    %scan3A_32 = arith.constant 0 : i32
    %scan3A_33 = arith.constant 16 : i32
    %scan3A_34 = arith.addi %scan3A_32, %scan3A_33 : i32
    %scan3A_35 = arith.constant 1 : i32
    %scan3A_36 = scf.for %scan3A_38 = %scan3A_32 to %scan3A_34 step %scan3A_35 iter_args(%scan3A_39 = %scan3A_31) -> (i32)  : i32 {
      %mul3A_40 = arith.constant 640 : i32
      %mul3A_41 = arith.muli %arg1, %mul3A_40 : i32
      %mul3A_42 = arith.constant 40 : i32
      %mul3A_43 = arith.muli %scan3A_38, %mul3A_42 : i32
      %add3A_44 = arith.addi %mul3A_41, %mul3A_43 : i32
      "tpu.region"() ({
        %run_scoped3A = tpu.sem_alloc : memref<!tpu.dma_semaphore, #tpu.memory_space<semaphore_mem>>
        %dma_start3A = arith.constant 0 : i32
        %dma_start3A_49 = tpu.memref_slice %arg7[%add3A_44, %dma_start3A] : memref<10240x16xf32, #tpu.memory_space<vmem_shared>> -> memref<40x16xf32, #tpu.memory_space<vmem_shared>>
        %dma_start3A_50 = arith.constant 0 : i32
        %dma_start3A_51 = tpu.memref_slice %arg7[%add3A_44, %dma_start3A_50] : memref<10240x16xf32, #tpu.memory_space<vmem_shared>> -> memref<40x16xf32, #tpu.memory_space<vmem_shared>>
        tpu.enqueue_dma source(%dma_start3A_51 : memref<40x16xf32, #tpu.memory_space<vmem_shared>>) target(%arg6 : memref<40x16xf32, #tpu.memory_space<vmem>>) target_semaphore(%run_scoped3A : memref<!tpu.dma_semaphore, #tpu.memory_space<semaphore_mem>>)
        %dma_wait3A = arith.constant 0 : i32
        %dma_wait3A_52 = tpu.memref_slice %arg7[%add3A_44, %dma_wait3A] : memref<10240x16xf32, #tpu.memory_space<vmem_shared>> -> memref<40x16xf32, #tpu.memory_space<vmem_shared>>
        %dma_wait3A_53 = arith.constant 0 : i32
        %dma_wait3A_54 = tpu.memref_slice %arg7[%add3A_44, %dma_wait3A_53] : memref<10240x16xf32, #tpu.memory_space<vmem_shared>> -> memref<40x16xf32, #tpu.memory_space<vmem_shared>>
        tpu.wait_dma2 semaphore(%run_scoped3A : memref<!tpu.dma_semaphore, #tpu.memory_space<semaphore_mem>>) src(%dma_wait3A_54 : memref<40x16xf32, #tpu.memory_space<vmem_shared>>) dst(%arg6 : memref<40x16xf32, #tpu.memory_space<vmem>>)
        tpu.yield
      }) : () -> ()
      %mul3A_45 = arith.constant 10240 : i32
      %mul3A_46 = arith.muli %arg0, %mul3A_45 : i32
      %add3A_47 = arith.addi %mul3A_46, %add3A_44 : i32
      "tpu.region"() ({
        %run_scoped3A = tpu.sem_alloc : memref<!tpu.dma_semaphore, #tpu.memory_space<semaphore_mem>>
        %dma_start3A = arith.constant 0 : i32
        %dma_start3A_49 = tpu.memref_slice %arg3[%add3A_47, %dma_start3A] : memref<20480x16xf32, #tpu.memory_space<hbm>> -> memref<40x16xf32, #tpu.memory_space<hbm>>
        %dma_start3A_50 = arith.constant 0 : i32
        %dma_start3A_51 = tpu.memref_slice %arg3[%add3A_47, %dma_start3A_50] : memref<20480x16xf32, #tpu.memory_space<hbm>> -> memref<40x16xf32, #tpu.memory_space<hbm>>
        tpu.enqueue_dma source(%arg6 : memref<40x16xf32, #tpu.memory_space<vmem>>) target(%dma_start3A_51 : memref<40x16xf32, #tpu.memory_space<hbm>>) target_semaphore(%run_scoped3A : memref<!tpu.dma_semaphore, #tpu.memory_space<semaphore_mem>>)
        %dma_wait3A = arith.constant 0 : i32
        %dma_wait3A_52 = tpu.memref_slice %arg3[%add3A_47, %dma_wait3A] : memref<20480x16xf32, #tpu.memory_space<hbm>> -> memref<40x16xf32, #tpu.memory_space<hbm>>
        %dma_wait3A_53 = arith.constant 0 : i32
        %dma_wait3A_54 = tpu.memref_slice %arg3[%add3A_47, %dma_wait3A_53] : memref<20480x16xf32, #tpu.memory_space<hbm>> -> memref<40x16xf32, #tpu.memory_space<hbm>>
        tpu.wait_dma2 semaphore(%run_scoped3A : memref<!tpu.dma_semaphore, #tpu.memory_space<semaphore_mem>>) src(%arg6 : memref<40x16xf32, #tpu.memory_space<vmem>>) dst(%dma_wait3A_54 : memref<40x16xf32, #tpu.memory_space<hbm>>)
        tpu.yield
      }) : () -> ()
      %scan3A_48 = arith.constant 0 : i32
      scf.yield %scan3A_48 : i32
    }
    %scan3A_37 = arith.constant 16 : i32
    return
  }
}

#map = affine_map<(d0, d1) -> (0, 0)>
module attributes {stable_mosaic.version = 14 : i64} {
  func.func @segsum64(%arg0: i32, %arg1: i32, %arg2: memref<10240x64xf32, #tpu.memory_space<hbm>>, %arg3: memref<2560x128xi32, #tpu.memory_space<hbm>>, %arg4: memref<2560x128xi32, #tpu.memory_space<hbm>>, %arg5: memref<20480x64xf32, #tpu.memory_space<hbm>>, %arg6: memref<40x128xi32, #tpu.memory_space<vmem>>, %arg7: memref<40x128xi32, #tpu.memory_space<vmem>>, %arg8: memref<512x64xf32, #tpu.memory_space<vmem>>, %arg9: memref<10240x64xf32, #tpu.memory_space<vmem_shared>>, %arg10: memref<!tpu.dma_semaphore, #tpu.memory_space<semaphore_mem>>) attributes {dimension_semantics = [#tpu.dimension_semantics<core_parallel>, #tpu.dimension_semantics<subcore_parallel>], iteration_bounds = array<i64: 2, 16>, scalar_prefetch = 0 : i64, scratch_operands = 5 : i64, tpu.core_type = #tpu.core_type<sc_vector_subcore>, window_params = [{transform_indices = #map}, {transform_indices = #map}, {transform_indices = #map}, {transform_indices = #map}]} {
    %mul3A = arith.constant 2 : i32
    %mul3A_0 = arith.muli %arg1, %mul3A : i32
    %add3A = arith.addi %mul3A_0, %arg0 : i32
    %scan3A = arith.constant 0 : i32
    %scan3A_1 = arith.constant 0 : i32
    %scan3A_2 = arith.constant 40 : i32
    %scan3A_3 = arith.addi %scan3A_1, %scan3A_2 : i32
    %scan3A_4 = arith.constant 1 : i32
    %scan3A_5 = scf.for %scan3A_29 = %scan3A_1 to %scan3A_3 step %scan3A_4 iter_args(%scan3A_30 = %scan3A) -> (i32)  : i32 {
      %broadcast_in_dim3A = arith.constant 0.000000e+00 : f32
      %broadcast_in_dim3A_31 = vector.broadcast %broadcast_in_dim3A : f32 to vector<16xf32>
      %swap3A = arith.index_cast %scan3A_29 : i32 to index
      %swap3A_32 = arith.constant 0 : index
      %swap3A_33 = tpu.vector_load %arg8[%swap3A, %swap3A_32] {strides = array<i32>} : memref<512x64xf32, #tpu.memory_space<vmem>>, vector<1x16xf32>,
      %swap3A_34 = vector.shape_cast %swap3A_33 : vector<1x16xf32> to vector<16xf32>
      %swap3A_35 = vector.shape_cast %broadcast_in_dim3A_31 : vector<16xf32> to vector<1x16xf32>
      tpu.vector_store %arg8[%swap3A, %swap3A_32], %swap3A_35 {strides = array<i32>} : memref<512x64xf32, #tpu.memory_space<vmem>>, vector<1x16xf32>,
      %broadcast_in_dim3A_36 = arith.constant 0.000000e+00 : f32
      %broadcast_in_dim3A_37 = vector.broadcast %broadcast_in_dim3A_36 : f32 to vector<16xf32>
      %swap3A_38 = arith.index_cast %scan3A_29 : i32 to index
      %swap3A_39 = arith.constant 16 : index
      %swap3A_40 = tpu.vector_load %arg8[%swap3A_38, %swap3A_39] {strides = array<i32>} : memref<512x64xf32, #tpu.memory_space<vmem>>, vector<1x16xf32>,
      %swap3A_41 = vector.shape_cast %swap3A_40 : vector<1x16xf32> to vector<16xf32>
      %swap3A_42 = vector.shape_cast %broadcast_in_dim3A_37 : vector<16xf32> to vector<1x16xf32>
      tpu.vector_store %arg8[%swap3A_38, %swap3A_39], %swap3A_42 {strides = array<i32>} : memref<512x64xf32, #tpu.memory_space<vmem>>, vector<1x16xf32>,
      %broadcast_in_dim3A_43 = arith.constant 0.000000e+00 : f32
      %broadcast_in_dim3A_44 = vector.broadcast %broadcast_in_dim3A_43 : f32 to vector<16xf32>
      %swap3A_45 = arith.index_cast %scan3A_29 : i32 to index
      %swap3A_46 = arith.constant 32 : index
      %swap3A_47 = tpu.vector_load %arg8[%swap3A_45, %swap3A_46] {strides = array<i32>} : memref<512x64xf32, #tpu.memory_space<vmem>>, vector<1x16xf32>,
      %swap3A_48 = vector.shape_cast %swap3A_47 : vector<1x16xf32> to vector<16xf32>
      %swap3A_49 = vector.shape_cast %broadcast_in_dim3A_44 : vector<16xf32> to vector<1x16xf32>
      tpu.vector_store %arg8[%swap3A_45, %swap3A_46], %swap3A_49 {strides = array<i32>} : memref<512x64xf32, #tpu.memory_space<vmem>>, vector<1x16xf32>,
      %broadcast_in_dim3A_50 = arith.constant 0.000000e+00 : f32
      %broadcast_in_dim3A_51 = vector.broadcast %broadcast_in_dim3A_50 : f32 to vector<16xf32>
      %swap3A_52 = arith.index_cast %scan3A_29 : i32 to index
      %swap3A_53 = arith.constant 48 : index
      %swap3A_54 = tpu.vector_load %arg8[%swap3A_52, %swap3A_53] {strides = array<i32>} : memref<512x64xf32, #tpu.memory_space<vmem>>, vector<1x16xf32>,
      %swap3A_55 = vector.shape_cast %swap3A_54 : vector<1x16xf32> to vector<16xf32>
      %swap3A_56 = vector.shape_cast %broadcast_in_dim3A_51 : vector<16xf32> to vector<1x16xf32>
      tpu.vector_store %arg8[%swap3A_52, %swap3A_53], %swap3A_56 {strides = array<i32>} : memref<512x64xf32, #tpu.memory_space<vmem>>, vector<1x16xf32>,
      %scan3A_57 = arith.constant 0 : i32
      scf.yield %scan3A_57 : i32
    }
    %scan3A_6 = arith.constant 40 : i32
    %scan3A_7 = arith.constant 0 : i32
    %scan3A_8 = arith.constant 0 : i32
    %scan3A_9 = arith.constant 16 : i32
    %scan3A_10 = arith.addi %scan3A_8, %scan3A_9 : i32
    %scan3A_11 = arith.constant 1 : i32
    %scan3A_12 = scf.for %scan3A_29 = %scan3A_8 to %scan3A_10 step %scan3A_11 iter_args(%scan3A_30 = %scan3A_7) -> (i32)  : i32 {
      %mul3A_31 = arith.constant 640 : i32
      %mul3A_32 = arith.muli %arg1, %mul3A_31 : i32
      %mul3A_33 = arith.constant 40 : i32
      %mul3A_34 = arith.muli %scan3A_29, %mul3A_33 : i32
      %add3A_35 = arith.addi %mul3A_32, %mul3A_34 : i32
      "tpu.region"() ({
        %run_scoped3A = tpu.sem_alloc : memref<!tpu.dma_semaphore, #tpu.memory_space<semaphore_mem>>
        %dma_start3A = arith.constant 0 : i32
        %dma_start3A_37 = arith.constant 0 : i32
        %dma_start3A_38 = tpu.memref_slice %arg8[%dma_start3A, %dma_start3A_37] : memref<512x64xf32, #tpu.memory_space<vmem>> -> memref<40x64xf32, #tpu.memory_space<vmem>>
        %dma_start3A_39 = arith.constant 0 : i32
        %dma_start3A_40 = tpu.memref_slice %arg9[%add3A_35, %dma_start3A_39] : memref<10240x64xf32, #tpu.memory_space<vmem_shared>> -> memref<40x64xf32, #tpu.memory_space<vmem_shared>>
        %dma_start3A_41 = arith.constant 0 : i32
        %dma_start3A_42 = tpu.memref_slice %arg9[%add3A_35, %dma_start3A_41] : memref<10240x64xf32, #tpu.memory_space<vmem_shared>> -> memref<40x64xf32, #tpu.memory_space<vmem_shared>>
        %dma_start3A_43 = arith.constant 0 : i32
        %dma_start3A_44 = arith.constant 0 : i32
        %dma_start3A_45 = tpu.memref_slice %arg8[%dma_start3A_43, %dma_start3A_44] : memref<512x64xf32, #tpu.memory_space<vmem>> -> memref<40x64xf32, #tpu.memory_space<vmem>>
        tpu.enqueue_dma source(%dma_start3A_45 : memref<40x64xf32, #tpu.memory_space<vmem>>) target(%dma_start3A_42 : memref<40x64xf32, #tpu.memory_space<vmem_shared>>) target_semaphore(%run_scoped3A : memref<!tpu.dma_semaphore, #tpu.memory_space<semaphore_mem>>)
        %dma_wait3A = arith.constant 0 : i32
        %dma_wait3A_46 = arith.constant 0 : i32
        %dma_wait3A_47 = tpu.memref_slice %arg8[%dma_wait3A, %dma_wait3A_46] : memref<512x64xf32, #tpu.memory_space<vmem>> -> memref<40x64xf32, #tpu.memory_space<vmem>>
        %dma_wait3A_48 = arith.constant 0 : i32
        %dma_wait3A_49 = tpu.memref_slice %arg9[%add3A_35, %dma_wait3A_48] : memref<10240x64xf32, #tpu.memory_space<vmem_shared>> -> memref<40x64xf32, #tpu.memory_space<vmem_shared>>
        %dma_wait3A_50 = arith.constant 0 : i32
        %dma_wait3A_51 = tpu.memref_slice %arg9[%add3A_35, %dma_wait3A_50] : memref<10240x64xf32, #tpu.memory_space<vmem_shared>> -> memref<40x64xf32, #tpu.memory_space<vmem_shared>>
        %dma_wait3A_52 = arith.constant 0 : i32
        %dma_wait3A_53 = arith.constant 0 : i32
        %dma_wait3A_54 = tpu.memref_slice %arg8[%dma_wait3A_52, %dma_wait3A_53] : memref<512x64xf32, #tpu.memory_space<vmem>> -> memref<40x64xf32, #tpu.memory_space<vmem>>
        tpu.wait_dma2 semaphore(%run_scoped3A : memref<!tpu.dma_semaphore, #tpu.memory_space<semaphore_mem>>) src(%dma_wait3A_54 : memref<40x64xf32, #tpu.memory_space<vmem>>) dst(%dma_wait3A_51 : memref<40x64xf32, #tpu.memory_space<vmem_shared>>)
        tpu.yield
      }) : () -> ()
      %scan3A_36 = arith.constant 0 : i32
      scf.yield %scan3A_36 : i32
    }
    %scan3A_13 = arith.constant 16 : i32
    %barrier3A = arith.constant 0 : index
    tpu.barrier barrier_id(%barrier3A)
    %scan3A_14 = arith.constant 0 : i32
    %scan3A_15 = arith.constant 0 : i32
    %scan3A_16 = arith.constant 2 : i32
    %scan3A_17 = arith.addi %scan3A_15, %scan3A_16 : i32
    %scan3A_18 = arith.constant 1 : i32
    %scan3A_19 = scf.for %scan3A_29 = %scan3A_15 to %scan3A_17 step %scan3A_18 iter_args(%scan3A_30 = %scan3A_14) -> (i32)  : i32 {
      %mul3A_31 = arith.constant 80 : i32
      %mul3A_32 = arith.muli %add3A, %mul3A_31 : i32
      %mul3A_33 = arith.constant 40 : i32
      %mul3A_34 = arith.muli %scan3A_29, %mul3A_33 : i32
      %add3A_35 = arith.addi %mul3A_32, %mul3A_34 : i32
      "tpu.region"() ({
        %run_scoped3A = tpu.sem_alloc : memref<!tpu.dma_semaphore, #tpu.memory_space<semaphore_mem>>
        %dma_start3A_84 = arith.constant 0 : i32
        %dma_start3A_85 = tpu.memref_slice %arg3[%add3A_35, %dma_start3A_84] : memref<2560x128xi32, #tpu.memory_space<hbm>> -> memref<40x128xi32, #tpu.memory_space<hbm>>
        %dma_start3A_86 = arith.constant 0 : i32
        %dma_start3A_87 = tpu.memref_slice %arg3[%add3A_35, %dma_start3A_86] : memref<2560x128xi32, #tpu.memory_space<hbm>> -> memref<40x128xi32, #tpu.memory_space<hbm>>
        tpu.enqueue_dma source(%dma_start3A_87 : memref<40x128xi32, #tpu.memory_space<hbm>>) target(%arg6 : memref<40x128xi32, #tpu.memory_space<vmem>>) target_semaphore(%run_scoped3A : memref<!tpu.dma_semaphore, #tpu.memory_space<semaphore_mem>>)
        %dma_wait3A = arith.constant 0 : i32
        %dma_wait3A_88 = tpu.memref_slice %arg3[%add3A_35, %dma_wait3A] : memref<2560x128xi32, #tpu.memory_space<hbm>> -> memref<40x128xi32, #tpu.memory_space<hbm>>
        %dma_wait3A_89 = arith.constant 0 : i32
        %dma_wait3A_90 = tpu.memref_slice %arg3[%add3A_35, %dma_wait3A_89] : memref<2560x128xi32, #tpu.memory_space<hbm>> -> memref<40x128xi32, #tpu.memory_space<hbm>>
        tpu.wait_dma2 semaphore(%run_scoped3A : memref<!tpu.dma_semaphore, #tpu.memory_space<semaphore_mem>>) src(%dma_wait3A_90 : memref<40x128xi32, #tpu.memory_space<hbm>>) dst(%arg6 : memref<40x128xi32, #tpu.memory_space<vmem>>)
        tpu.yield
      }) : () -> ()
      "tpu.region"() ({
        %run_scoped3A = tpu.sem_alloc : memref<!tpu.dma_semaphore, #tpu.memory_space<semaphore_mem>>
        %dma_start3A_84 = arith.constant 0 : i32
        %dma_start3A_85 = tpu.memref_slice %arg4[%add3A_35, %dma_start3A_84] : memref<2560x128xi32, #tpu.memory_space<hbm>> -> memref<40x128xi32, #tpu.memory_space<hbm>>
        %dma_start3A_86 = arith.constant 0 : i32
        %dma_start3A_87 = tpu.memref_slice %arg4[%add3A_35, %dma_start3A_86] : memref<2560x128xi32, #tpu.memory_space<hbm>> -> memref<40x128xi32, #tpu.memory_space<hbm>>
        tpu.enqueue_dma source(%dma_start3A_87 : memref<40x128xi32, #tpu.memory_space<hbm>>) target(%arg7 : memref<40x128xi32, #tpu.memory_space<vmem>>) target_semaphore(%run_scoped3A : memref<!tpu.dma_semaphore, #tpu.memory_space<semaphore_mem>>)
        %dma_wait3A = arith.constant 0 : i32
        %dma_wait3A_88 = tpu.memref_slice %arg4[%add3A_35, %dma_wait3A] : memref<2560x128xi32, #tpu.memory_space<hbm>> -> memref<40x128xi32, #tpu.memory_space<hbm>>
        %dma_wait3A_89 = arith.constant 0 : i32
        %dma_wait3A_90 = tpu.memref_slice %arg4[%add3A_35, %dma_wait3A_89] : memref<2560x128xi32, #tpu.memory_space<hbm>> -> memref<40x128xi32, #tpu.memory_space<hbm>>
        tpu.wait_dma2 semaphore(%run_scoped3A : memref<!tpu.dma_semaphore, #tpu.memory_space<semaphore_mem>>) src(%dma_wait3A_90 : memref<40x128xi32, #tpu.memory_space<hbm>>) dst(%arg7 : memref<40x128xi32, #tpu.memory_space<vmem>>)
        tpu.yield
      }) : () -> ()
      %rem3A = arith.constant 0 : i32
      %rem3A_36 = arith.constant 4 : i32
      %rem3A_37 = arith.remsi %rem3A, %rem3A_36 : i32
      %mul3A_38 = arith.constant 128 : i32
      %mul3A_39 = arith.muli %rem3A_37, %mul3A_38 : i32
      %dma_start3A = arith.constant 0 : i32
      %dma_start3A_40 = arith.constant 0 : i32
      %dma_start3A_41 = tpu.memref_slice %arg8[%mul3A_39, %dma_start3A_40] : memref<512x64xf32, #tpu.memory_space<vmem>> -> memref<128x64xf32, #tpu.memory_space<vmem>>
      %dma_start3A_42 = arith.constant 0 : i32
      %dma_start3A_43 = tpu.memref_slice %arg6[%dma_start3A, %dma_start3A_42] : memref<40x128xi32, #tpu.memory_space<vmem>> -> memref<1x128xi32, #tpu.memory_space<vmem>>
      %dma_start3A_44 = tpu.memref_squeeze %dma_start3A_43 : memref<1x128xi32, #tpu.memory_space<vmem>> -> memref<128xi32, #tpu.memory_space<vmem>>
      %dma_start3A_45 = arith.constant 0 : i32
      %dma_start3A_46 = arith.constant 0 : i32
      %dma_start3A_47 = tpu.memref_slice %arg2[%dma_start3A_45, %dma_start3A_46] : memref<10240x64xf32, #tpu.memory_space<hbm>> -> memref<10240x64xf32, #tpu.memory_space<hbm>>
      tpu.enqueue_indirect_dma source(%dma_start3A_47 : memref<10240x64xf32, #tpu.memory_space<hbm>>) target(%dma_start3A_41 : memref<128x64xf32, #tpu.memory_space<vmem>>) offsets(%dma_start3A_44 : memref<128xi32, #tpu.memory_space<vmem>>) semaphore(%arg10 : memref<!tpu.dma_semaphore, #tpu.memory_space<semaphore_mem>>)
      %rem3A_48 = arith.constant 1 : i32
      %rem3A_49 = arith.constant 4 : i32
      %rem3A_50 = arith.remsi %rem3A_48, %rem3A_49 : i32
      %mul3A_51 = arith.constant 128 : i32
      %mul3A_52 = arith.muli %rem3A_50, %mul3A_51 : i32
      %dma_start3A_53 = arith.constant 1 : i32
      %dma_start3A_54 = arith.constant 0 : i32
      %dma_start3A_55 = tpu.memref_slice %arg8[%mul3A_52, %dma_start3A_54] : memref<512x64xf32, #tpu.memory_space<vmem>> -> memref<128x64xf32, #tpu.memory_space<vmem>>
      %dma_start3A_56 = arith.constant 0 : i32
      %dma_start3A_57 = tpu.memref_slice %arg6[%dma_start3A_53, %dma_start3A_56] : memref<40x128xi32, #tpu.memory_space<vmem>> -> memref<1x128xi32, #tpu.memory_space<vmem>>
      %dma_start3A_58 = tpu.memref_squeeze %dma_start3A_57 : memref<1x128xi32, #tpu.memory_space<vmem>> -> memref<128xi32, #tpu.memory_space<vmem>>
      %dma_start3A_59 = arith.constant 0 : i32
      %dma_start3A_60 = arith.constant 0 : i32
      %dma_start3A_61 = tpu.memref_slice %arg2[%dma_start3A_59, %dma_start3A_60] : memref<10240x64xf32, #tpu.memory_space<hbm>> -> memref<10240x64xf32, #tpu.memory_space<hbm>>
      tpu.enqueue_indirect_dma source(%dma_start3A_61 : memref<10240x64xf32, #tpu.memory_space<hbm>>) target(%dma_start3A_55 : memref<128x64xf32, #tpu.memory_space<vmem>>) offsets(%dma_start3A_58 : memref<128xi32, #tpu.memory_space<vmem>>) semaphore(%arg10 : memref<!tpu.dma_semaphore, #tpu.memory_space<semaphore_mem>>)
      %rem3A_62 = arith.constant 2 : i32
      %rem3A_63 = arith.constant 4 : i32
      %rem3A_64 = arith.remsi %rem3A_62, %rem3A_63 : i32
      %mul3A_65 = arith.constant 128 : i32
      %mul3A_66 = arith.muli %rem3A_64, %mul3A_65 : i32
      %dma_start3A_67 = arith.constant 2 : i32
      %dma_start3A_68 = arith.constant 0 : i32
      %dma_start3A_69 = tpu.memref_slice %arg8[%mul3A_66, %dma_start3A_68] : memref<512x64xf32, #tpu.memory_space<vmem>> -> memref<128x64xf32, #tpu.memory_space<vmem>>
      %dma_start3A_70 = arith.constant 0 : i32
      %dma_start3A_71 = tpu.memref_slice %arg6[%dma_start3A_67, %dma_start3A_70] : memref<40x128xi32, #tpu.memory_space<vmem>> -> memref<1x128xi32, #tpu.memory_space<vmem>>
      %dma_start3A_72 = tpu.memref_squeeze %dma_start3A_71 : memref<1x128xi32, #tpu.memory_space<vmem>> -> memref<128xi32, #tpu.memory_space<vmem>>
      %dma_start3A_73 = arith.constant 0 : i32
      %dma_start3A_74 = arith.constant 0 : i32
      %dma_start3A_75 = tpu.memref_slice %arg2[%dma_start3A_73, %dma_start3A_74] : memref<10240x64xf32, #tpu.memory_space<hbm>> -> memref<10240x64xf32, #tpu.memory_space<hbm>>
      tpu.enqueue_indirect_dma source(%dma_start3A_75 : memref<10240x64xf32, #tpu.memory_space<hbm>>) target(%dma_start3A_69 : memref<128x64xf32, #tpu.memory_space<vmem>>) offsets(%dma_start3A_72 : memref<128xi32, #tpu.memory_space<vmem>>) semaphore(%arg10 : memref<!tpu.dma_semaphore, #tpu.memory_space<semaphore_mem>>)
      %scan3A_76 = arith.constant 0 : i32
      %scan3A_77 = arith.constant 0 : i32
      %scan3A_78 = arith.constant 40 : i32
      %scan3A_79 = arith.addi %scan3A_77, %scan3A_78 : i32
      %scan3A_80 = arith.constant 1 : i32
      %scan3A_81 = scf.for %scan3A_84 = %scan3A_77 to %scan3A_79 step %scan3A_80 iter_args(%scan3A_85 = %scan3A_76) -> (i32)  : i32 {
        %rem3A_86 = arith.constant 4 : i32
        %rem3A_87 = arith.remsi %scan3A_84, %rem3A_86 : i32
        %mul3A_88 = arith.constant 128 : i32
        %mul3A_89 = arith.muli %rem3A_87, %mul3A_88 : i32
        %dma_wait3A = arith.constant 0 : i32
        %dma_wait3A_90 = tpu.memref_slice %arg8[%mul3A_89, %dma_wait3A] : memref<512x64xf32, #tpu.memory_space<vmem>> -> memref<128x64xf32, #tpu.memory_space<vmem>>
        %dma_wait3A_91 = arith.constant 0 : i32
        %dma_wait3A_92 = tpu.memref_slice %arg6[%scan3A_84, %dma_wait3A_91] : memref<40x128xi32, #tpu.memory_space<vmem>> -> memref<1x128xi32, #tpu.memory_space<vmem>>
        %dma_wait3A_93 = tpu.memref_squeeze %dma_wait3A_92 : memref<1x128xi32, #tpu.memory_space<vmem>> -> memref<128xi32, #tpu.memory_space<vmem>>
        %dma_wait3A_94 = arith.constant 0 : i32
        %dma_wait3A_95 = arith.constant 0 : i32
        %dma_wait3A_96 = tpu.memref_slice %arg2[%dma_wait3A_94, %dma_wait3A_95] : memref<10240x64xf32, #tpu.memory_space<hbm>> -> memref<10240x64xf32, #tpu.memory_space<hbm>>
        tpu.wait_indirect_dma semaphore(%arg10 : memref<!tpu.dma_semaphore, #tpu.memory_space<semaphore_mem>>) src(%dma_wait3A_96 : memref<10240x64xf32, #tpu.memory_space<hbm>>) dst(%dma_wait3A_90 : memref<128x64xf32, #tpu.memory_space<vmem>>)
        %add3A_97 = arith.constant 4 : i32
        %add3A_98 = arith.addi %scan3A_84, %add3A_97 : i32
        %sub3A = arith.constant 1 : i32
        %sub3A_99 = arith.subi %add3A_98, %sub3A : i32
        %min3A = arith.constant 39 : i32
        %min3A_100 = arith.minsi %sub3A_99, %min3A : i32
        %add3A_101 = arith.constant 4 : i32
        %add3A_102 = arith.addi %scan3A_84, %add3A_101 : i32
        %sub3A_103 = arith.constant 1 : i32
        %sub3A_104 = arith.subi %add3A_102, %sub3A_103 : i32
        %lt3A = arith.constant 40 : i32
        %lt3A_105 = arith.cmpi slt, %sub3A_104, %lt3A : i32
        %convert_element_type3A = arith.extui %lt3A_105 : i1 to i32
        %cond3A = arith.constant 0 : i32
        %cond3A_106 = arith.cmpi ne, %convert_element_type3A, %cond3A : i32
        scf.if %cond3A_106 {
          %rem3A_112 = arith.constant 4 : i32
          %rem3A_113 = arith.remsi %min3A_100, %rem3A_112 : i32
          %mul3A_114 = arith.constant 128 : i32
          %mul3A_115 = arith.muli %rem3A_113, %mul3A_114 : i32
          %dma_start3A_116 = arith.constant 0 : i32
          %dma_start3A_117 = tpu.memref_slice %arg8[%mul3A_115, %dma_start3A_116] : memref<512x64xf32, #tpu.memory_space<vmem>> -> memref<128x64xf32, #tpu.memory_space<vmem>>
          %dma_start3A_118 = arith.constant 0 : i32
          %dma_start3A_119 = tpu.memref_slice %arg6[%min3A_100, %dma_start3A_118] : memref<40x128xi32, #tpu.memory_space<vmem>> -> memref<1x128xi32, #tpu.memory_space<vmem>>
          %dma_start3A_120 = tpu.memref_squeeze %dma_start3A_119 : memref<1x128xi32, #tpu.memory_space<vmem>> -> memref<128xi32, #tpu.memory_space<vmem>>
          %dma_start3A_121 = arith.constant 0 : i32
          %dma_start3A_122 = arith.constant 0 : i32
          %dma_start3A_123 = tpu.memref_slice %arg2[%dma_start3A_121, %dma_start3A_122] : memref<10240x64xf32, #tpu.memory_space<hbm>> -> memref<10240x64xf32, #tpu.memory_space<hbm>>
          tpu.enqueue_indirect_dma source(%dma_start3A_123 : memref<10240x64xf32, #tpu.memory_space<hbm>>) target(%dma_start3A_117 : memref<128x64xf32, #tpu.memory_space<vmem>>) offsets(%dma_start3A_120 : memref<128xi32, #tpu.memory_space<vmem>>) semaphore(%arg10 : memref<!tpu.dma_semaphore, #tpu.memory_space<semaphore_mem>>)
        } else {
        }
        %rem3A_107 = arith.constant 4 : i32
        %rem3A_108 = arith.remsi %scan3A_84, %rem3A_107 : i32
        %mul3A_109 = arith.constant 128 : i32
        %mul3A_110 = arith.muli %rem3A_108, %mul3A_109 : i32
        "tpu.region"() ({
          %run_scoped3A = tpu.sem_alloc : memref<!tpu.dma_semaphore, #tpu.memory_space<semaphore_mem>>
          %dma_start3A_112 = arith.constant 0 : i32
          %dma_start3A_113 = tpu.memref_slice %arg8[%mul3A_110, %dma_start3A_112] : memref<512x64xf32, #tpu.memory_space<vmem>> -> memref<128x64xf32, #tpu.memory_space<vmem>>
          %dma_start3A_114 = arith.constant 0 : i32
          %dma_start3A_115 = tpu.memref_slice %arg7[%scan3A_84, %dma_start3A_114] : memref<40x128xi32, #tpu.memory_space<vmem>> -> memref<1x128xi32, #tpu.memory_space<vmem>>
          %dma_start3A_116 = tpu.memref_squeeze %dma_start3A_115 : memref<1x128xi32, #tpu.memory_space<vmem>> -> memref<128xi32, #tpu.memory_space<vmem>>
          %dma_start3A_117 = arith.constant 0 : i32
          %dma_start3A_118 = arith.constant 0 : i32
          %dma_start3A_119 = tpu.memref_slice %arg9[%dma_start3A_117, %dma_start3A_118] : memref<10240x64xf32, #tpu.memory_space<vmem_shared>> -> memref<10240x64xf32, #tpu.memory_space<vmem_shared>>
          tpu.enqueue_indirect_dma source(%dma_start3A_113 : memref<128x64xf32, #tpu.memory_space<vmem>>) target(%dma_start3A_119 : memref<10240x64xf32, #tpu.memory_space<vmem_shared>>) offsets(%dma_start3A_116 : memref<128xi32, #tpu.memory_space<vmem>>) semaphore(%run_scoped3A : memref<!tpu.dma_semaphore, #tpu.memory_space<semaphore_mem>>) {add = true}
          %dma_wait3A_120 = arith.constant 0 : i32
          %dma_wait3A_121 = tpu.memref_slice %arg8[%mul3A_110, %dma_wait3A_120] : memref<512x64xf32, #tpu.memory_space<vmem>> -> memref<128x64xf32, #tpu.memory_space<vmem>>
          %dma_wait3A_122 = arith.constant 0 : i32
          %dma_wait3A_123 = tpu.memref_slice %arg7[%scan3A_84, %dma_wait3A_122] : memref<40x128xi32, #tpu.memory_space<vmem>> -> memref<1x128xi32, #tpu.memory_space<vmem>>
          %dma_wait3A_124 = tpu.memref_squeeze %dma_wait3A_123 : memref<1x128xi32, #tpu.memory_space<vmem>> -> memref<128xi32, #tpu.memory_space<vmem>>
          %dma_wait3A_125 = arith.constant 0 : i32
          %dma_wait3A_126 = arith.constant 0 : i32
          %dma_wait3A_127 = tpu.memref_slice %arg9[%dma_wait3A_125, %dma_wait3A_126] : memref<10240x64xf32, #tpu.memory_space<vmem_shared>> -> memref<10240x64xf32, #tpu.memory_space<vmem_shared>>
          tpu.wait_indirect_dma semaphore(%run_scoped3A : memref<!tpu.dma_semaphore, #tpu.memory_space<semaphore_mem>>) src(%dma_wait3A_121 : memref<128x64xf32, #tpu.memory_space<vmem>>) dst(%dma_wait3A_127 : memref<10240x64xf32, #tpu.memory_space<vmem_shared>>)
          tpu.yield
        }) : () -> ()
        %scan3A_111 = arith.constant 0 : i32
        scf.yield %scan3A_111 : i32
      }
      %scan3A_82 = arith.constant 40 : i32
      %scan3A_83 = arith.constant 0 : i32
      scf.yield %scan3A_83 : i32
    }
    %scan3A_20 = arith.constant 2 : i32
    %barrier3A_21 = arith.constant 0 : index
    tpu.barrier barrier_id(%barrier3A_21)
    %scan3A_22 = arith.constant 0 : i32
    %scan3A_23 = arith.constant 0 : i32
    %scan3A_24 = arith.constant 16 : i32
    %scan3A_25 = arith.addi %scan3A_23, %scan3A_24 : i32
    %scan3A_26 = arith.constant 1 : i32
    %scan3A_27 = scf.for %scan3A_29 = %scan3A_23 to %scan3A_25 step %scan3A_26 iter_args(%scan3A_30 = %scan3A_22) -> (i32)  : i32 {
      %mul3A_31 = arith.constant 640 : i32
      %mul3A_32 = arith.muli %arg1, %mul3A_31 : i32
      %mul3A_33 = arith.constant 40 : i32
      %mul3A_34 = arith.muli %scan3A_29, %mul3A_33 : i32
      %add3A_35 = arith.addi %mul3A_32, %mul3A_34 : i32
      "tpu.region"() ({
        %run_scoped3A = tpu.sem_alloc : memref<!tpu.dma_semaphore, #tpu.memory_space<semaphore_mem>>
        %dma_start3A = arith.constant 0 : i32
        %dma_start3A_40 = arith.constant 0 : i32
        %dma_start3A_41 = tpu.memref_slice %arg8[%dma_start3A, %dma_start3A_40] : memref<512x64xf32, #tpu.memory_space<vmem>> -> memref<40x64xf32, #tpu.memory_space<vmem>>
        %dma_start3A_42 = arith.constant 0 : i32
        %dma_start3A_43 = tpu.memref_slice %arg9[%add3A_35, %dma_start3A_42] : memref<10240x64xf32, #tpu.memory_space<vmem_shared>> -> memref<40x64xf32, #tpu.memory_space<vmem_shared>>
        %dma_start3A_44 = arith.constant 0 : i32
        %dma_start3A_45 = arith.constant 0 : i32
        %dma_start3A_46 = tpu.memref_slice %arg8[%dma_start3A_44, %dma_start3A_45] : memref<512x64xf32, #tpu.memory_space<vmem>> -> memref<40x64xf32, #tpu.memory_space<vmem>>
        %dma_start3A_47 = arith.constant 0 : i32
        %dma_start3A_48 = tpu.memref_slice %arg9[%add3A_35, %dma_start3A_47] : memref<10240x64xf32, #tpu.memory_space<vmem_shared>> -> memref<40x64xf32, #tpu.memory_space<vmem_shared>>
        tpu.enqueue_dma source(%dma_start3A_48 : memref<40x64xf32, #tpu.memory_space<vmem_shared>>) target(%dma_start3A_46 : memref<40x64xf32, #tpu.memory_space<vmem>>) target_semaphore(%run_scoped3A : memref<!tpu.dma_semaphore, #tpu.memory_space<semaphore_mem>>)
        %dma_wait3A = arith.constant 0 : i32
        %dma_wait3A_49 = arith.constant 0 : i32
        %dma_wait3A_50 = tpu.memref_slice %arg8[%dma_wait3A, %dma_wait3A_49] : memref<512x64xf32, #tpu.memory_space<vmem>> -> memref<40x64xf32, #tpu.memory_space<vmem>>
        %dma_wait3A_51 = arith.constant 0 : i32
        %dma_wait3A_52 = tpu.memref_slice %arg9[%add3A_35, %dma_wait3A_51] : memref<10240x64xf32, #tpu.memory_space<vmem_shared>> -> memref<40x64xf32, #tpu.memory_space<vmem_shared>>
        %dma_wait3A_53 = arith.constant 0 : i32
        %dma_wait3A_54 = arith.constant 0 : i32
        %dma_wait3A_55 = tpu.memref_slice %arg8[%dma_wait3A_53, %dma_wait3A_54] : memref<512x64xf32, #tpu.memory_space<vmem>> -> memref<40x64xf32, #tpu.memory_space<vmem>>
        %dma_wait3A_56 = arith.constant 0 : i32
        %dma_wait3A_57 = tpu.memref_slice %arg9[%add3A_35, %dma_wait3A_56] : memref<10240x64xf32, #tpu.memory_space<vmem_shared>> -> memref<40x64xf32, #tpu.memory_space<vmem_shared>>
        tpu.wait_dma2 semaphore(%run_scoped3A : memref<!tpu.dma_semaphore, #tpu.memory_space<semaphore_mem>>) src(%dma_wait3A_57 : memref<40x64xf32, #tpu.memory_space<vmem_shared>>) dst(%dma_wait3A_55 : memref<40x64xf32, #tpu.memory_space<vmem>>)
        tpu.yield
      }) : () -> ()
      %mul3A_36 = arith.constant 10240 : i32
      %mul3A_37 = arith.muli %arg0, %mul3A_36 : i32
      %add3A_38 = arith.addi %mul3A_37, %add3A_35 : i32
      "tpu.region"() ({
        %run_scoped3A = tpu.sem_alloc : memref<!tpu.dma_semaphore, #tpu.memory_space<semaphore_mem>>
        %dma_start3A = arith.constant 0 : i32
        %dma_start3A_40 = arith.constant 0 : i32
        %dma_start3A_41 = tpu.memref_slice %arg8[%dma_start3A, %dma_start3A_40] : memref<512x64xf32, #tpu.memory_space<vmem>> -> memref<40x64xf32, #tpu.memory_space<vmem>>
        %dma_start3A_42 = arith.constant 0 : i32
        %dma_start3A_43 = tpu.memref_slice %arg5[%add3A_38, %dma_start3A_42] : memref<20480x64xf32, #tpu.memory_space<hbm>> -> memref<40x64xf32, #tpu.memory_space<hbm>>
        %dma_start3A_44 = arith.constant 0 : i32
        %dma_start3A_45 = tpu.memref_slice %arg5[%add3A_38, %dma_start3A_44] : memref<20480x64xf32, #tpu.memory_space<hbm>> -> memref<40x64xf32, #tpu.memory_space<hbm>>
        %dma_start3A_46 = arith.constant 0 : i32
        %dma_start3A_47 = arith.constant 0 : i32
        %dma_start3A_48 = tpu.memref_slice %arg8[%dma_start3A_46, %dma_start3A_47] : memref<512x64xf32, #tpu.memory_space<vmem>> -> memref<40x64xf32, #tpu.memory_space<vmem>>
        tpu.enqueue_dma source(%dma_start3A_48 : memref<40x64xf32, #tpu.memory_space<vmem>>) target(%dma_start3A_45 : memref<40x64xf32, #tpu.memory_space<hbm>>) target_semaphore(%run_scoped3A : memref<!tpu.dma_semaphore, #tpu.memory_space<semaphore_mem>>)
        %dma_wait3A = arith.constant 0 : i32
        %dma_wait3A_49 = arith.constant 0 : i32
        %dma_wait3A_50 = tpu.memref_slice %arg8[%dma_wait3A, %dma_wait3A_49] : memref<512x64xf32, #tpu.memory_space<vmem>> -> memref<40x64xf32, #tpu.memory_space<vmem>>
        %dma_wait3A_51 = arith.constant 0 : i32
        %dma_wait3A_52 = tpu.memref_slice %arg5[%add3A_38, %dma_wait3A_51] : memref<20480x64xf32, #tpu.memory_space<hbm>> -> memref<40x64xf32, #tpu.memory_space<hbm>>
        %dma_wait3A_53 = arith.constant 0 : i32
        %dma_wait3A_54 = tpu.memref_slice %arg5[%add3A_38, %dma_wait3A_53] : memref<20480x64xf32, #tpu.memory_space<hbm>> -> memref<40x64xf32, #tpu.memory_space<hbm>>
        %dma_wait3A_55 = arith.constant 0 : i32
        %dma_wait3A_56 = arith.constant 0 : i32
        %dma_wait3A_57 = tpu.memref_slice %arg8[%dma_wait3A_55, %dma_wait3A_56] : memref<512x64xf32, #tpu.memory_space<vmem>> -> memref<40x64xf32, #tpu.memory_space<vmem>>
        tpu.wait_dma2 semaphore(%run_scoped3A : memref<!tpu.dma_semaphore, #tpu.memory_space<semaphore_mem>>) src(%dma_wait3A_57 : memref<40x64xf32, #tpu.memory_space<vmem>>) dst(%dma_wait3A_54 : memref<40x64xf32, #tpu.memory_space<hbm>>)
        tpu.yield
      }) : () -> ()
      %scan3A_39 = arith.constant 0 : i32
      scf.yield %scan3A_39 : i32
    }
    %scan3A_28 = arith.constant 16 : i32
    return
  }
}

#map = affine_map<(d0, d1) -> (0, 0)>
module attributes {stable_mosaic.version = 14 : i64} {
  func.func @segsum64(%arg0: i32, %arg1: i32, %arg2: memref<10240x64xf32, #tpu.memory_space<hbm>>, %arg3: memref<2560x128xi32, #tpu.memory_space<hbm>>, %arg4: memref<2560x128xi32, #tpu.memory_space<hbm>>, %arg5: memref<20480x64xf32, #tpu.memory_space<hbm>>, %arg6: memref<40x128xi32, #tpu.memory_space<vmem>>, %arg7: memref<40x128xi32, #tpu.memory_space<vmem>>, %arg8: memref<512x64xf32, #tpu.memory_space<vmem>>, %arg9: memref<10240x64xf32, #tpu.memory_space<vmem_shared>>, %arg10: memref<!tpu.dma_semaphore, #tpu.memory_space<semaphore_mem>>) attributes {dimension_semantics = [#tpu.dimension_semantics<core_parallel>, #tpu.dimension_semantics<subcore_parallel>], iteration_bounds = array<i64: 2, 16>, scalar_prefetch = 0 : i64, scratch_operands = 5 : i64, tpu.core_type = #tpu.core_type<sc_vector_subcore>, window_params = [{transform_indices = #map}, {transform_indices = #map}, {transform_indices = #map}, {transform_indices = #map}]} {
    %mul3A = arith.constant 2 : i32
    %mul3A_0 = arith.muli %arg1, %mul3A : i32
    %add3A = arith.addi %mul3A_0, %arg0 : i32
    %scan3A = arith.constant 0 : i32
    %scan3A_1 = arith.constant 0 : i32
    %scan3A_2 = arith.constant 40 : i32
    %scan3A_3 = arith.addi %scan3A_1, %scan3A_2 : i32
    %scan3A_4 = arith.constant 1 : i32
    %scan3A_5 = scf.for %scan3A_29 = %scan3A_1 to %scan3A_3 step %scan3A_4 iter_args(%scan3A_30 = %scan3A) -> (i32)  : i32 {
      %broadcast_in_dim3A = arith.constant 0.000000e+00 : f32
      %broadcast_in_dim3A_31 = vector.broadcast %broadcast_in_dim3A : f32 to vector<16xf32>
      %swap3A = arith.index_cast %scan3A_29 : i32 to index
      %swap3A_32 = arith.constant 0 : index
      %swap3A_33 = tpu.vector_load %arg8[%swap3A, %swap3A_32] {strides = array<i32>} : memref<512x64xf32, #tpu.memory_space<vmem>>, vector<1x16xf32>,
      %swap3A_34 = vector.shape_cast %swap3A_33 : vector<1x16xf32> to vector<16xf32>
      %swap3A_35 = vector.shape_cast %broadcast_in_dim3A_31 : vector<16xf32> to vector<1x16xf32>
      tpu.vector_store %arg8[%swap3A, %swap3A_32], %swap3A_35 {strides = array<i32>} : memref<512x64xf32, #tpu.memory_space<vmem>>, vector<1x16xf32>,
      %broadcast_in_dim3A_36 = arith.constant 0.000000e+00 : f32
      %broadcast_in_dim3A_37 = vector.broadcast %broadcast_in_dim3A_36 : f32 to vector<16xf32>
      %swap3A_38 = arith.index_cast %scan3A_29 : i32 to index
      %swap3A_39 = arith.constant 16 : index
      %swap3A_40 = tpu.vector_load %arg8[%swap3A_38, %swap3A_39] {strides = array<i32>} : memref<512x64xf32, #tpu.memory_space<vmem>>, vector<1x16xf32>,
      %swap3A_41 = vector.shape_cast %swap3A_40 : vector<1x16xf32> to vector<16xf32>
      %swap3A_42 = vector.shape_cast %broadcast_in_dim3A_37 : vector<16xf32> to vector<1x16xf32>
      tpu.vector_store %arg8[%swap3A_38, %swap3A_39], %swap3A_42 {strides = array<i32>} : memref<512x64xf32, #tpu.memory_space<vmem>>, vector<1x16xf32>,
      %broadcast_in_dim3A_43 = arith.constant 0.000000e+00 : f32
      %broadcast_in_dim3A_44 = vector.broadcast %broadcast_in_dim3A_43 : f32 to vector<16xf32>
      %swap3A_45 = arith.index_cast %scan3A_29 : i32 to index
      %swap3A_46 = arith.constant 32 : index
      %swap3A_47 = tpu.vector_load %arg8[%swap3A_45, %swap3A_46] {strides = array<i32>} : memref<512x64xf32, #tpu.memory_space<vmem>>, vector<1x16xf32>,
      %swap3A_48 = vector.shape_cast %swap3A_47 : vector<1x16xf32> to vector<16xf32>
      %swap3A_49 = vector.shape_cast %broadcast_in_dim3A_44 : vector<16xf32> to vector<1x16xf32>
      tpu.vector_store %arg8[%swap3A_45, %swap3A_46], %swap3A_49 {strides = array<i32>} : memref<512x64xf32, #tpu.memory_space<vmem>>, vector<1x16xf32>,
      %broadcast_in_dim3A_50 = arith.constant 0.000000e+00 : f32
      %broadcast_in_dim3A_51 = vector.broadcast %broadcast_in_dim3A_50 : f32 to vector<16xf32>
      %swap3A_52 = arith.index_cast %scan3A_29 : i32 to index
      %swap3A_53 = arith.constant 48 : index
      %swap3A_54 = tpu.vector_load %arg8[%swap3A_52, %swap3A_53] {strides = array<i32>} : memref<512x64xf32, #tpu.memory_space<vmem>>, vector<1x16xf32>,
      %swap3A_55 = vector.shape_cast %swap3A_54 : vector<1x16xf32> to vector<16xf32>
      %swap3A_56 = vector.shape_cast %broadcast_in_dim3A_51 : vector<16xf32> to vector<1x16xf32>
      tpu.vector_store %arg8[%swap3A_52, %swap3A_53], %swap3A_56 {strides = array<i32>} : memref<512x64xf32, #tpu.memory_space<vmem>>, vector<1x16xf32>,
      %scan3A_57 = arith.constant 0 : i32
      scf.yield %scan3A_57 : i32
    }
    %scan3A_6 = arith.constant 40 : i32
    %scan3A_7 = arith.constant 0 : i32
    %scan3A_8 = arith.constant 0 : i32
    %scan3A_9 = arith.constant 16 : i32
    %scan3A_10 = arith.addi %scan3A_8, %scan3A_9 : i32
    %scan3A_11 = arith.constant 1 : i32
    %scan3A_12 = scf.for %scan3A_29 = %scan3A_8 to %scan3A_10 step %scan3A_11 iter_args(%scan3A_30 = %scan3A_7) -> (i32)  : i32 {
      %mul3A_31 = arith.constant 640 : i32
      %mul3A_32 = arith.muli %arg1, %mul3A_31 : i32
      %mul3A_33 = arith.constant 40 : i32
      %mul3A_34 = arith.muli %scan3A_29, %mul3A_33 : i32
      %add3A_35 = arith.addi %mul3A_32, %mul3A_34 : i32
      "tpu.region"() ({
        %run_scoped3A = tpu.sem_alloc : memref<!tpu.dma_semaphore, #tpu.memory_space<semaphore_mem>>
        %dma_start3A = arith.constant 0 : i32
        %dma_start3A_37 = arith.constant 0 : i32
        %dma_start3A_38 = tpu.memref_slice %arg8[%dma_start3A, %dma_start3A_37] : memref<512x64xf32, #tpu.memory_space<vmem>> -> memref<40x64xf32, #tpu.memory_space<vmem>>
        %dma_start3A_39 = arith.constant 0 : i32
        %dma_start3A_40 = tpu.memref_slice %arg9[%add3A_35, %dma_start3A_39] : memref<10240x64xf32, #tpu.memory_space<vmem_shared>> -> memref<40x64xf32, #tpu.memory_space<vmem_shared>>
        %dma_start3A_41 = arith.constant 0 : i32
        %dma_start3A_42 = tpu.memref_slice %arg9[%add3A_35, %dma_start3A_41] : memref<10240x64xf32, #tpu.memory_space<vmem_shared>> -> memref<40x64xf32, #tpu.memory_space<vmem_shared>>
        %dma_start3A_43 = arith.constant 0 : i32
        %dma_start3A_44 = arith.constant 0 : i32
        %dma_start3A_45 = tpu.memref_slice %arg8[%dma_start3A_43, %dma_start3A_44] : memref<512x64xf32, #tpu.memory_space<vmem>> -> memref<40x64xf32, #tpu.memory_space<vmem>>
        tpu.enqueue_dma source(%dma_start3A_45 : memref<40x64xf32, #tpu.memory_space<vmem>>) target(%dma_start3A_42 : memref<40x64xf32, #tpu.memory_space<vmem_shared>>) target_semaphore(%run_scoped3A : memref<!tpu.dma_semaphore, #tpu.memory_space<semaphore_mem>>)
        %dma_wait3A = arith.constant 0 : i32
        %dma_wait3A_46 = arith.constant 0 : i32
        %dma_wait3A_47 = tpu.memref_slice %arg8[%dma_wait3A, %dma_wait3A_46] : memref<512x64xf32, #tpu.memory_space<vmem>> -> memref<40x64xf32, #tpu.memory_space<vmem>>
        %dma_wait3A_48 = arith.constant 0 : i32
        %dma_wait3A_49 = tpu.memref_slice %arg9[%add3A_35, %dma_wait3A_48] : memref<10240x64xf32, #tpu.memory_space<vmem_shared>> -> memref<40x64xf32, #tpu.memory_space<vmem_shared>>
        %dma_wait3A_50 = arith.constant 0 : i32
        %dma_wait3A_51 = tpu.memref_slice %arg9[%add3A_35, %dma_wait3A_50] : memref<10240x64xf32, #tpu.memory_space<vmem_shared>> -> memref<40x64xf32, #tpu.memory_space<vmem_shared>>
        %dma_wait3A_52 = arith.constant 0 : i32
        %dma_wait3A_53 = arith.constant 0 : i32
        %dma_wait3A_54 = tpu.memref_slice %arg8[%dma_wait3A_52, %dma_wait3A_53] : memref<512x64xf32, #tpu.memory_space<vmem>> -> memref<40x64xf32, #tpu.memory_space<vmem>>
        tpu.wait_dma2 semaphore(%run_scoped3A : memref<!tpu.dma_semaphore, #tpu.memory_space<semaphore_mem>>) src(%dma_wait3A_54 : memref<40x64xf32, #tpu.memory_space<vmem>>) dst(%dma_wait3A_51 : memref<40x64xf32, #tpu.memory_space<vmem_shared>>)
        tpu.yield
      }) : () -> ()
      %scan3A_36 = arith.constant 0 : i32
      scf.yield %scan3A_36 : i32
    }
    %scan3A_13 = arith.constant 16 : i32
    %barrier3A = arith.constant 0 : index
    tpu.barrier barrier_id(%barrier3A)
    %scan3A_14 = arith.constant 0 : i32
    %scan3A_15 = arith.constant 0 : i32
    %scan3A_16 = arith.constant 2 : i32
    %scan3A_17 = arith.addi %scan3A_15, %scan3A_16 : i32
    %scan3A_18 = arith.constant 1 : i32
    %scan3A_19 = scf.for %scan3A_29 = %scan3A_15 to %scan3A_17 step %scan3A_18 iter_args(%scan3A_30 = %scan3A_14) -> (i32)  : i32 {
      %mul3A_31 = arith.constant 80 : i32
      %mul3A_32 = arith.muli %add3A, %mul3A_31 : i32
      %mul3A_33 = arith.constant 40 : i32
      %mul3A_34 = arith.muli %scan3A_29, %mul3A_33 : i32
      %add3A_35 = arith.addi %mul3A_32, %mul3A_34 : i32
      "tpu.region"() ({
        %run_scoped3A = tpu.sem_alloc : memref<!tpu.dma_semaphore, #tpu.memory_space<semaphore_mem>>
        %dma_start3A_84 = arith.constant 0 : i32
        %dma_start3A_85 = tpu.memref_slice %arg3[%add3A_35, %dma_start3A_84] : memref<2560x128xi32, #tpu.memory_space<hbm>> -> memref<40x128xi32, #tpu.memory_space<hbm>>
        %dma_start3A_86 = arith.constant 0 : i32
        %dma_start3A_87 = tpu.memref_slice %arg3[%add3A_35, %dma_start3A_86] : memref<2560x128xi32, #tpu.memory_space<hbm>> -> memref<40x128xi32, #tpu.memory_space<hbm>>
        tpu.enqueue_dma source(%dma_start3A_87 : memref<40x128xi32, #tpu.memory_space<hbm>>) target(%arg6 : memref<40x128xi32, #tpu.memory_space<vmem>>) target_semaphore(%run_scoped3A : memref<!tpu.dma_semaphore, #tpu.memory_space<semaphore_mem>>)
        %dma_wait3A = arith.constant 0 : i32
        %dma_wait3A_88 = tpu.memref_slice %arg3[%add3A_35, %dma_wait3A] : memref<2560x128xi32, #tpu.memory_space<hbm>> -> memref<40x128xi32, #tpu.memory_space<hbm>>
        %dma_wait3A_89 = arith.constant 0 : i32
        %dma_wait3A_90 = tpu.memref_slice %arg3[%add3A_35, %dma_wait3A_89] : memref<2560x128xi32, #tpu.memory_space<hbm>> -> memref<40x128xi32, #tpu.memory_space<hbm>>
        tpu.wait_dma2 semaphore(%run_scoped3A : memref<!tpu.dma_semaphore, #tpu.memory_space<semaphore_mem>>) src(%dma_wait3A_90 : memref<40x128xi32, #tpu.memory_space<hbm>>) dst(%arg6 : memref<40x128xi32, #tpu.memory_space<vmem>>)
        tpu.yield
      }) : () -> ()
      "tpu.region"() ({
        %run_scoped3A = tpu.sem_alloc : memref<!tpu.dma_semaphore, #tpu.memory_space<semaphore_mem>>
        %dma_start3A_84 = arith.constant 0 : i32
        %dma_start3A_85 = tpu.memref_slice %arg4[%add3A_35, %dma_start3A_84] : memref<2560x128xi32, #tpu.memory_space<hbm>> -> memref<40x128xi32, #tpu.memory_space<hbm>>
        %dma_start3A_86 = arith.constant 0 : i32
        %dma_start3A_87 = tpu.memref_slice %arg4[%add3A_35, %dma_start3A_86] : memref<2560x128xi32, #tpu.memory_space<hbm>> -> memref<40x128xi32, #tpu.memory_space<hbm>>
        tpu.enqueue_dma source(%dma_start3A_87 : memref<40x128xi32, #tpu.memory_space<hbm>>) target(%arg7 : memref<40x128xi32, #tpu.memory_space<vmem>>) target_semaphore(%run_scoped3A : memref<!tpu.dma_semaphore, #tpu.memory_space<semaphore_mem>>)
        %dma_wait3A = arith.constant 0 : i32
        %dma_wait3A_88 = tpu.memref_slice %arg4[%add3A_35, %dma_wait3A] : memref<2560x128xi32, #tpu.memory_space<hbm>> -> memref<40x128xi32, #tpu.memory_space<hbm>>
        %dma_wait3A_89 = arith.constant 0 : i32
        %dma_wait3A_90 = tpu.memref_slice %arg4[%add3A_35, %dma_wait3A_89] : memref<2560x128xi32, #tpu.memory_space<hbm>> -> memref<40x128xi32, #tpu.memory_space<hbm>>
        tpu.wait_dma2 semaphore(%run_scoped3A : memref<!tpu.dma_semaphore, #tpu.memory_space<semaphore_mem>>) src(%dma_wait3A_90 : memref<40x128xi32, #tpu.memory_space<hbm>>) dst(%arg7 : memref<40x128xi32, #tpu.memory_space<vmem>>)
        tpu.yield
      }) : () -> ()
      %rem3A = arith.constant 0 : i32
      %rem3A_36 = arith.constant 4 : i32
      %rem3A_37 = arith.remsi %rem3A, %rem3A_36 : i32
      %mul3A_38 = arith.constant 128 : i32
      %mul3A_39 = arith.muli %rem3A_37, %mul3A_38 : i32
      %dma_start3A = arith.constant 0 : i32
      %dma_start3A_40 = arith.constant 0 : i32
      %dma_start3A_41 = tpu.memref_slice %arg8[%mul3A_39, %dma_start3A_40] : memref<512x64xf32, #tpu.memory_space<vmem>> -> memref<128x64xf32, #tpu.memory_space<vmem>>
      %dma_start3A_42 = arith.constant 0 : i32
      %dma_start3A_43 = tpu.memref_slice %arg6[%dma_start3A, %dma_start3A_42] : memref<40x128xi32, #tpu.memory_space<vmem>> -> memref<1x128xi32, #tpu.memory_space<vmem>>
      %dma_start3A_44 = tpu.memref_squeeze %dma_start3A_43 : memref<1x128xi32, #tpu.memory_space<vmem>> -> memref<128xi32, #tpu.memory_space<vmem>>
      %dma_start3A_45 = arith.constant 0 : i32
      %dma_start3A_46 = arith.constant 0 : i32
      %dma_start3A_47 = tpu.memref_slice %arg2[%dma_start3A_45, %dma_start3A_46] : memref<10240x64xf32, #tpu.memory_space<hbm>> -> memref<10240x64xf32, #tpu.memory_space<hbm>>
      tpu.enqueue_indirect_dma source(%dma_start3A_47 : memref<10240x64xf32, #tpu.memory_space<hbm>>) target(%dma_start3A_41 : memref<128x64xf32, #tpu.memory_space<vmem>>) offsets(%dma_start3A_44 : memref<128xi32, #tpu.memory_space<vmem>>) semaphore(%arg10 : memref<!tpu.dma_semaphore, #tpu.memory_space<semaphore_mem>>)
      %rem3A_48 = arith.constant 1 : i32
      %rem3A_49 = arith.constant 4 : i32
      %rem3A_50 = arith.remsi %rem3A_48, %rem3A_49 : i32
      %mul3A_51 = arith.constant 128 : i32
      %mul3A_52 = arith.muli %rem3A_50, %mul3A_51 : i32
      %dma_start3A_53 = arith.constant 1 : i32
      %dma_start3A_54 = arith.constant 0 : i32
      %dma_start3A_55 = tpu.memref_slice %arg8[%mul3A_52, %dma_start3A_54] : memref<512x64xf32, #tpu.memory_space<vmem>> -> memref<128x64xf32, #tpu.memory_space<vmem>>
      %dma_start3A_56 = arith.constant 0 : i32
      %dma_start3A_57 = tpu.memref_slice %arg6[%dma_start3A_53, %dma_start3A_56] : memref<40x128xi32, #tpu.memory_space<vmem>> -> memref<1x128xi32, #tpu.memory_space<vmem>>
      %dma_start3A_58 = tpu.memref_squeeze %dma_start3A_57 : memref<1x128xi32, #tpu.memory_space<vmem>> -> memref<128xi32, #tpu.memory_space<vmem>>
      %dma_start3A_59 = arith.constant 0 : i32
      %dma_start3A_60 = arith.constant 0 : i32
      %dma_start3A_61 = tpu.memref_slice %arg2[%dma_start3A_59, %dma_start3A_60] : memref<10240x64xf32, #tpu.memory_space<hbm>> -> memref<10240x64xf32, #tpu.memory_space<hbm>>
      tpu.enqueue_indirect_dma source(%dma_start3A_61 : memref<10240x64xf32, #tpu.memory_space<hbm>>) target(%dma_start3A_55 : memref<128x64xf32, #tpu.memory_space<vmem>>) offsets(%dma_start3A_58 : memref<128xi32, #tpu.memory_space<vmem>>) semaphore(%arg10 : memref<!tpu.dma_semaphore, #tpu.memory_space<semaphore_mem>>)
      %rem3A_62 = arith.constant 2 : i32
      %rem3A_63 = arith.constant 4 : i32
      %rem3A_64 = arith.remsi %rem3A_62, %rem3A_63 : i32
      %mul3A_65 = arith.constant 128 : i32
      %mul3A_66 = arith.muli %rem3A_64, %mul3A_65 : i32
      %dma_start3A_67 = arith.constant 2 : i32
      %dma_start3A_68 = arith.constant 0 : i32
      %dma_start3A_69 = tpu.memref_slice %arg8[%mul3A_66, %dma_start3A_68] : memref<512x64xf32, #tpu.memory_space<vmem>> -> memref<128x64xf32, #tpu.memory_space<vmem>>
      %dma_start3A_70 = arith.constant 0 : i32
      %dma_start3A_71 = tpu.memref_slice %arg6[%dma_start3A_67, %dma_start3A_70] : memref<40x128xi32, #tpu.memory_space<vmem>> -> memref<1x128xi32, #tpu.memory_space<vmem>>
      %dma_start3A_72 = tpu.memref_squeeze %dma_start3A_71 : memref<1x128xi32, #tpu.memory_space<vmem>> -> memref<128xi32, #tpu.memory_space<vmem>>
      %dma_start3A_73 = arith.constant 0 : i32
      %dma_start3A_74 = arith.constant 0 : i32
      %dma_start3A_75 = tpu.memref_slice %arg2[%dma_start3A_73, %dma_start3A_74] : memref<10240x64xf32, #tpu.memory_space<hbm>> -> memref<10240x64xf32, #tpu.memory_space<hbm>>
      tpu.enqueue_indirect_dma source(%dma_start3A_75 : memref<10240x64xf32, #tpu.memory_space<hbm>>) target(%dma_start3A_69 : memref<128x64xf32, #tpu.memory_space<vmem>>) offsets(%dma_start3A_72 : memref<128xi32, #tpu.memory_space<vmem>>) semaphore(%arg10 : memref<!tpu.dma_semaphore, #tpu.memory_space<semaphore_mem>>)
      %scan3A_76 = arith.constant 0 : i32
      %scan3A_77 = arith.constant 0 : i32
      %scan3A_78 = arith.constant 40 : i32
      %scan3A_79 = arith.addi %scan3A_77, %scan3A_78 : i32
      %scan3A_80 = arith.constant 1 : i32
      %scan3A_81 = scf.for %scan3A_84 = %scan3A_77 to %scan3A_79 step %scan3A_80 iter_args(%scan3A_85 = %scan3A_76) -> (i32)  : i32 {
        %rem3A_86 = arith.constant 4 : i32
        %rem3A_87 = arith.remsi %scan3A_84, %rem3A_86 : i32
        %mul3A_88 = arith.constant 128 : i32
        %mul3A_89 = arith.muli %rem3A_87, %mul3A_88 : i32
        %dma_wait3A = arith.constant 0 : i32
        %dma_wait3A_90 = tpu.memref_slice %arg8[%mul3A_89, %dma_wait3A] : memref<512x64xf32, #tpu.memory_space<vmem>> -> memref<128x64xf32, #tpu.memory_space<vmem>>
        %dma_wait3A_91 = arith.constant 0 : i32
        %dma_wait3A_92 = tpu.memref_slice %arg6[%scan3A_84, %dma_wait3A_91] : memref<40x128xi32, #tpu.memory_space<vmem>> -> memref<1x128xi32, #tpu.memory_space<vmem>>
        %dma_wait3A_93 = tpu.memref_squeeze %dma_wait3A_92 : memref<1x128xi32, #tpu.memory_space<vmem>> -> memref<128xi32, #tpu.memory_space<vmem>>
        %dma_wait3A_94 = arith.constant 0 : i32
        %dma_wait3A_95 = arith.constant 0 : i32
        %dma_wait3A_96 = tpu.memref_slice %arg2[%dma_wait3A_94, %dma_wait3A_95] : memref<10240x64xf32, #tpu.memory_space<hbm>> -> memref<10240x64xf32, #tpu.memory_space<hbm>>
        tpu.wait_indirect_dma semaphore(%arg10 : memref<!tpu.dma_semaphore, #tpu.memory_space<semaphore_mem>>) src(%dma_wait3A_96 : memref<10240x64xf32, #tpu.memory_space<hbm>>) dst(%dma_wait3A_90 : memref<128x64xf32, #tpu.memory_space<vmem>>)
        %add3A_97 = arith.constant 4 : i32
        %add3A_98 = arith.addi %scan3A_84, %add3A_97 : i32
        %sub3A = arith.constant 1 : i32
        %sub3A_99 = arith.subi %add3A_98, %sub3A : i32
        %min3A = arith.constant 39 : i32
        %min3A_100 = arith.minsi %sub3A_99, %min3A : i32
        %add3A_101 = arith.constant 4 : i32
        %add3A_102 = arith.addi %scan3A_84, %add3A_101 : i32
        %sub3A_103 = arith.constant 1 : i32
        %sub3A_104 = arith.subi %add3A_102, %sub3A_103 : i32
        %lt3A = arith.constant 40 : i32
        %lt3A_105 = arith.cmpi slt, %sub3A_104, %lt3A : i32
        %convert_element_type3A = arith.extui %lt3A_105 : i1 to i32
        %cond3A = arith.constant 0 : i32
        %cond3A_106 = arith.cmpi ne, %convert_element_type3A, %cond3A : i32
        scf.if %cond3A_106 {
          %rem3A_112 = arith.constant 4 : i32
          %rem3A_113 = arith.remsi %min3A_100, %rem3A_112 : i32
          %mul3A_114 = arith.constant 128 : i32
          %mul3A_115 = arith.muli %rem3A_113, %mul3A_114 : i32
          %dma_start3A_116 = arith.constant 0 : i32
          %dma_start3A_117 = tpu.memref_slice %arg8[%mul3A_115, %dma_start3A_116] : memref<512x64xf32, #tpu.memory_space<vmem>> -> memref<128x64xf32, #tpu.memory_space<vmem>>
          %dma_start3A_118 = arith.constant 0 : i32
          %dma_start3A_119 = tpu.memref_slice %arg6[%min3A_100, %dma_start3A_118] : memref<40x128xi32, #tpu.memory_space<vmem>> -> memref<1x128xi32, #tpu.memory_space<vmem>>
          %dma_start3A_120 = tpu.memref_squeeze %dma_start3A_119 : memref<1x128xi32, #tpu.memory_space<vmem>> -> memref<128xi32, #tpu.memory_space<vmem>>
          %dma_start3A_121 = arith.constant 0 : i32
          %dma_start3A_122 = arith.constant 0 : i32
          %dma_start3A_123 = tpu.memref_slice %arg2[%dma_start3A_121, %dma_start3A_122] : memref<10240x64xf32, #tpu.memory_space<hbm>> -> memref<10240x64xf32, #tpu.memory_space<hbm>>
          tpu.enqueue_indirect_dma source(%dma_start3A_123 : memref<10240x64xf32, #tpu.memory_space<hbm>>) target(%dma_start3A_117 : memref<128x64xf32, #tpu.memory_space<vmem>>) offsets(%dma_start3A_120 : memref<128xi32, #tpu.memory_space<vmem>>) semaphore(%arg10 : memref<!tpu.dma_semaphore, #tpu.memory_space<semaphore_mem>>)
        } else {
        }
        %rem3A_107 = arith.constant 4 : i32
        %rem3A_108 = arith.remsi %scan3A_84, %rem3A_107 : i32
        %mul3A_109 = arith.constant 128 : i32
        %mul3A_110 = arith.muli %rem3A_108, %mul3A_109 : i32
        "tpu.region"() ({
          %run_scoped3A = tpu.sem_alloc : memref<!tpu.dma_semaphore, #tpu.memory_space<semaphore_mem>>
          %dma_start3A_112 = arith.constant 0 : i32
          %dma_start3A_113 = tpu.memref_slice %arg8[%mul3A_110, %dma_start3A_112] : memref<512x64xf32, #tpu.memory_space<vmem>> -> memref<128x64xf32, #tpu.memory_space<vmem>>
          %dma_start3A_114 = arith.constant 0 : i32
          %dma_start3A_115 = tpu.memref_slice %arg7[%scan3A_84, %dma_start3A_114] : memref<40x128xi32, #tpu.memory_space<vmem>> -> memref<1x128xi32, #tpu.memory_space<vmem>>
          %dma_start3A_116 = tpu.memref_squeeze %dma_start3A_115 : memref<1x128xi32, #tpu.memory_space<vmem>> -> memref<128xi32, #tpu.memory_space<vmem>>
          %dma_start3A_117 = arith.constant 0 : i32
          %dma_start3A_118 = arith.constant 0 : i32
          %dma_start3A_119 = tpu.memref_slice %arg9[%dma_start3A_117, %dma_start3A_118] : memref<10240x64xf32, #tpu.memory_space<vmem_shared>> -> memref<10240x64xf32, #tpu.memory_space<vmem_shared>>
          tpu.enqueue_indirect_dma source(%dma_start3A_113 : memref<128x64xf32, #tpu.memory_space<vmem>>) target(%dma_start3A_119 : memref<10240x64xf32, #tpu.memory_space<vmem_shared>>) offsets(%dma_start3A_116 : memref<128xi32, #tpu.memory_space<vmem>>) semaphore(%run_scoped3A : memref<!tpu.dma_semaphore, #tpu.memory_space<semaphore_mem>>) {add = true}
          %dma_wait3A_120 = arith.constant 0 : i32
          %dma_wait3A_121 = tpu.memref_slice %arg8[%mul3A_110, %dma_wait3A_120] : memref<512x64xf32, #tpu.memory_space<vmem>> -> memref<128x64xf32, #tpu.memory_space<vmem>>
          %dma_wait3A_122 = arith.constant 0 : i32
          %dma_wait3A_123 = tpu.memref_slice %arg7[%scan3A_84, %dma_wait3A_122] : memref<40x128xi32, #tpu.memory_space<vmem>> -> memref<1x128xi32, #tpu.memory_space<vmem>>
          %dma_wait3A_124 = tpu.memref_squeeze %dma_wait3A_123 : memref<1x128xi32, #tpu.memory_space<vmem>> -> memref<128xi32, #tpu.memory_space<vmem>>
          %dma_wait3A_125 = arith.constant 0 : i32
          %dma_wait3A_126 = arith.constant 0 : i32
          %dma_wait3A_127 = tpu.memref_slice %arg9[%dma_wait3A_125, %dma_wait3A_126] : memref<10240x64xf32, #tpu.memory_space<vmem_shared>> -> memref<10240x64xf32, #tpu.memory_space<vmem_shared>>
          tpu.wait_indirect_dma semaphore(%run_scoped3A : memref<!tpu.dma_semaphore, #tpu.memory_space<semaphore_mem>>) src(%dma_wait3A_121 : memref<128x64xf32, #tpu.memory_space<vmem>>) dst(%dma_wait3A_127 : memref<10240x64xf32, #tpu.memory_space<vmem_shared>>)
          tpu.yield
        }) : () -> ()
        %scan3A_111 = arith.constant 0 : i32
        scf.yield %scan3A_111 : i32
      }
      %scan3A_82 = arith.constant 40 : i32
      %scan3A_83 = arith.constant 0 : i32
      scf.yield %scan3A_83 : i32
    }
    %scan3A_20 = arith.constant 2 : i32
    %barrier3A_21 = arith.constant 0 : index
    tpu.barrier barrier_id(%barrier3A_21)
    %scan3A_22 = arith.constant 0 : i32
    %scan3A_23 = arith.constant 0 : i32
    %scan3A_24 = arith.constant 16 : i32
    %scan3A_25 = arith.addi %scan3A_23, %scan3A_24 : i32
    %scan3A_26 = arith.constant 1 : i32
    %scan3A_27 = scf.for %scan3A_29 = %scan3A_23 to %scan3A_25 step %scan3A_26 iter_args(%scan3A_30 = %scan3A_22) -> (i32)  : i32 {
      %mul3A_31 = arith.constant 640 : i32
      %mul3A_32 = arith.muli %arg1, %mul3A_31 : i32
      %mul3A_33 = arith.constant 40 : i32
      %mul3A_34 = arith.muli %scan3A_29, %mul3A_33 : i32
      %add3A_35 = arith.addi %mul3A_32, %mul3A_34 : i32
      "tpu.region"() ({
        %run_scoped3A = tpu.sem_alloc : memref<!tpu.dma_semaphore, #tpu.memory_space<semaphore_mem>>
        %dma_start3A = arith.constant 0 : i32
        %dma_start3A_40 = arith.constant 0 : i32
        %dma_start3A_41 = tpu.memref_slice %arg8[%dma_start3A, %dma_start3A_40] : memref<512x64xf32, #tpu.memory_space<vmem>> -> memref<40x64xf32, #tpu.memory_space<vmem>>
        %dma_start3A_42 = arith.constant 0 : i32
        %dma_start3A_43 = tpu.memref_slice %arg9[%add3A_35, %dma_start3A_42] : memref<10240x64xf32, #tpu.memory_space<vmem_shared>> -> memref<40x64xf32, #tpu.memory_space<vmem_shared>>
        %dma_start3A_44 = arith.constant 0 : i32
        %dma_start3A_45 = arith.constant 0 : i32
        %dma_start3A_46 = tpu.memref_slice %arg8[%dma_start3A_44, %dma_start3A_45] : memref<512x64xf32, #tpu.memory_space<vmem>> -> memref<40x64xf32, #tpu.memory_space<vmem>>
        %dma_start3A_47 = arith.constant 0 : i32
        %dma_start3A_48 = tpu.memref_slice %arg9[%add3A_35, %dma_start3A_47] : memref<10240x64xf32, #tpu.memory_space<vmem_shared>> -> memref<40x64xf32, #tpu.memory_space<vmem_shared>>
        tpu.enqueue_dma source(%dma_start3A_48 : memref<40x64xf32, #tpu.memory_space<vmem_shared>>) target(%dma_start3A_46 : memref<40x64xf32, #tpu.memory_space<vmem>>) target_semaphore(%run_scoped3A : memref<!tpu.dma_semaphore, #tpu.memory_space<semaphore_mem>>)
        %dma_wait3A = arith.constant 0 : i32
        %dma_wait3A_49 = arith.constant 0 : i32
        %dma_wait3A_50 = tpu.memref_slice %arg8[%dma_wait3A, %dma_wait3A_49] : memref<512x64xf32, #tpu.memory_space<vmem>> -> memref<40x64xf32, #tpu.memory_space<vmem>>
        %dma_wait3A_51 = arith.constant 0 : i32
        %dma_wait3A_52 = tpu.memref_slice %arg9[%add3A_35, %dma_wait3A_51] : memref<10240x64xf32, #tpu.memory_space<vmem_shared>> -> memref<40x64xf32, #tpu.memory_space<vmem_shared>>
        %dma_wait3A_53 = arith.constant 0 : i32
        %dma_wait3A_54 = arith.constant 0 : i32
        %dma_wait3A_55 = tpu.memref_slice %arg8[%dma_wait3A_53, %dma_wait3A_54] : memref<512x64xf32, #tpu.memory_space<vmem>> -> memref<40x64xf32, #tpu.memory_space<vmem>>
        %dma_wait3A_56 = arith.constant 0 : i32
        %dma_wait3A_57 = tpu.memref_slice %arg9[%add3A_35, %dma_wait3A_56] : memref<10240x64xf32, #tpu.memory_space<vmem_shared>> -> memref<40x64xf32, #tpu.memory_space<vmem_shared>>
        tpu.wait_dma2 semaphore(%run_scoped3A : memref<!tpu.dma_semaphore, #tpu.memory_space<semaphore_mem>>) src(%dma_wait3A_57 : memref<40x64xf32, #tpu.memory_space<vmem_shared>>) dst(%dma_wait3A_55 : memref<40x64xf32, #tpu.memory_space<vmem>>)
        tpu.yield
      }) : () -> ()
      %mul3A_36 = arith.constant 10240 : i32
      %mul3A_37 = arith.muli %arg0, %mul3A_36 : i32
      %add3A_38 = arith.addi %mul3A_37, %add3A_35 : i32
      "tpu.region"() ({
        %run_scoped3A = tpu.sem_alloc : memref<!tpu.dma_semaphore, #tpu.memory_space<semaphore_mem>>
        %dma_start3A = arith.constant 0 : i32
        %dma_start3A_40 = arith.constant 0 : i32
        %dma_start3A_41 = tpu.memref_slice %arg8[%dma_start3A, %dma_start3A_40] : memref<512x64xf32, #tpu.memory_space<vmem>> -> memref<40x64xf32, #tpu.memory_space<vmem>>
        %dma_start3A_42 = arith.constant 0 : i32
        %dma_start3A_43 = tpu.memref_slice %arg5[%add3A_38, %dma_start3A_42] : memref<20480x64xf32, #tpu.memory_space<hbm>> -> memref<40x64xf32, #tpu.memory_space<hbm>>
        %dma_start3A_44 = arith.constant 0 : i32
        %dma_start3A_45 = tpu.memref_slice %arg5[%add3A_38, %dma_start3A_44] : memref<20480x64xf32, #tpu.memory_space<hbm>> -> memref<40x64xf32, #tpu.memory_space<hbm>>
        %dma_start3A_46 = arith.constant 0 : i32
        %dma_start3A_47 = arith.constant 0 : i32
        %dma_start3A_48 = tpu.memref_slice %arg8[%dma_start3A_46, %dma_start3A_47] : memref<512x64xf32, #tpu.memory_space<vmem>> -> memref<40x64xf32, #tpu.memory_space<vmem>>
        tpu.enqueue_dma source(%dma_start3A_48 : memref<40x64xf32, #tpu.memory_space<vmem>>) target(%dma_start3A_45 : memref<40x64xf32, #tpu.memory_space<hbm>>) target_semaphore(%run_scoped3A : memref<!tpu.dma_semaphore, #tpu.memory_space<semaphore_mem>>)
        %dma_wait3A = arith.constant 0 : i32
        %dma_wait3A_49 = arith.constant 0 : i32
        %dma_wait3A_50 = tpu.memref_slice %arg8[%dma_wait3A, %dma_wait3A_49] : memref<512x64xf32, #tpu.memory_space<vmem>> -> memref<40x64xf32, #tpu.memory_space<vmem>>
        %dma_wait3A_51 = arith.constant 0 : i32
        %dma_wait3A_52 = tpu.memref_slice %arg5[%add3A_38, %dma_wait3A_51] : memref<20480x64xf32, #tpu.memory_space<hbm>> -> memref<40x64xf32, #tpu.memory_space<hbm>>
        %dma_wait3A_53 = arith.constant 0 : i32
        %dma_wait3A_54 = tpu.memref_slice %arg5[%add3A_38, %dma_wait3A_53] : memref<20480x64xf32, #tpu.memory_space<hbm>> -> memref<40x64xf32, #tpu.memory_space<hbm>>
        %dma_wait3A_55 = arith.constant 0 : i32
        %dma_wait3A_56 = arith.constant 0 : i32
        %dma_wait3A_57 = tpu.memref_slice %arg8[%dma_wait3A_55, %dma_wait3A_56] : memref<512x64xf32, #tpu.memory_space<vmem>> -> memref<40x64xf32, #tpu.memory_space<vmem>>
        tpu.wait_dma2 semaphore(%run_scoped3A : memref<!tpu.dma_semaphore, #tpu.memory_space<semaphore_mem>>) src(%dma_wait3A_57 : memref<40x64xf32, #tpu.memory_space<vmem>>) dst(%dma_wait3A_54 : memref<40x64xf32, #tpu.memory_space<hbm>>)
        tpu.yield
      }) : () -> ()
      %scan3A_39 = arith.constant 0 : i32
      scf.yield %scan3A_39 : i32
    }
    %scan3A_28 = arith.constant 16 : i32
    return
  }
}

module attributes {stable_mosaic.version = 14 : i64} {
  func.func @_prep_body(%arg0: i32, %arg1: memref<2560x128xf32, #tpu.memory_space<vmem>>, %arg2: memref<128x64xf32, #tpu.memory_space<vmem>>, %arg3: memref<128x64xf32, #tpu.memory_space<vmem>>, %arg4: memref<2560x64xf32, #tpu.memory_space<vmem>>, %arg5: memref<2560x64xf32, #tpu.memory_space<vmem>>) attributes {dimension_semantics = [#tpu.dimension_semantics<arbitrary>], iteration_bounds = array<i64: 4>, scalar_prefetch = 0 : i64, scratch_operands = 0 : i64, tpu.core_type = #tpu.core_type<tc>, window_params = [{transform_indices = @transform_0, window_bounds = array<i64: 2560, 128>}, {pipeline_mode = #tpu.pipeline_mode<synchronous>, transform_indices = @transform_1, window_bounds = array<i64: 128, 64>}, {pipeline_mode = #tpu.pipeline_mode<synchronous>, transform_indices = @transform_2, window_bounds = array<i64: 128, 64>}, {transform_indices = @transform_3, window_bounds = array<i64: 2560, 64>}, {transform_indices = @transform_4, window_bounds = array<i64: 2560, 64>}]} {
    %get3A = arith.constant 0 : index
    %get3A_0 = arith.constant 0 : index
    %get3A_1 = vector.load %arg1[%get3A, %get3A_0] : memref<2560x128xf32, #tpu.memory_space<vmem>>, vector<2560x128xf32>
    %get3A_2 = arith.constant 0 : index
    %get3A_3 = arith.constant 0 : index
    %get3A_4 = vector.load %arg2[%get3A_2, %get3A_3] : memref<128x64xf32, #tpu.memory_space<vmem>>, vector<128x64xf32>
    %dot_general3A = arith.constant dense<0.000000e+00> : vector<2560x64xf32>
    %dot_general3A_5 = tpu.matmul %get3A_1, %get3A_4, %dot_general3A {dimension_numbers = #tpu.dot_dimension_numbers<[1], [0], [0], [1], [0, 0, 1, 1], [], []>, transpose_lhs_hint = false} : vector<2560x128xf32>, vector<128x64xf32>, vector<2560x64xf32> -> vector<2560x64xf32>
    %swap3A = arith.constant 0 : index
    %swap3A_6 = arith.constant 0 : index
    %swap3A_7 = vector.load %arg4[%swap3A, %swap3A_6] : memref<2560x64xf32, #tpu.memory_space<vmem>>, vector<2560x64xf32>
    tpu.vector_store %arg4[%swap3A, %swap3A_6], %dot_general3A_5 {strides = array<i32>} : memref<2560x64xf32, #tpu.memory_space<vmem>>, vector<2560x64xf32>,
    %get3A_8 = arith.constant 0 : index
    %get3A_9 = arith.constant 0 : index
    %get3A_10 = vector.load %arg3[%get3A_8, %get3A_9] : memref<128x64xf32, #tpu.memory_space<vmem>>, vector<128x64xf32>
    %dot_general3A_11 = arith.constant dense<0.000000e+00> : vector<2560x64xf32>
    %dot_general3A_12 = tpu.matmul %get3A_1, %get3A_10, %dot_general3A_11 {dimension_numbers = #tpu.dot_dimension_numbers<[1], [0], [0], [1], [0, 0, 1, 1], [], []>, transpose_lhs_hint = false} : vector<2560x128xf32>, vector<128x64xf32>, vector<2560x64xf32> -> vector<2560x64xf32>
    %swap3A_13 = arith.constant 0 : index
    %swap3A_14 = arith.constant 0 : index
    %swap3A_15 = vector.load %arg5[%swap3A_13, %swap3A_14] : memref<2560x64xf32, #tpu.memory_space<vmem>>, vector<2560x64xf32>
    tpu.vector_store %arg5[%swap3A_13, %swap3A_14], %dot_general3A_12 {strides = array<i32>} : memref<2560x64xf32, #tpu.memory_space<vmem>>, vector<2560x64xf32>,
    return
  }
  func.func @transform_0(%arg0: i32) -> (i32, i32) {
    %c0_i32 = arith.constant 0 : i32
    %c0_i32_0 = arith.constant 0 : i32
    return %arg0, %c0_i32 : i32, i32
  }
  func.func @transform_1(%arg0: i32) -> (i32, i32) {
    %c0_i32 = arith.constant 0 : i32
    %c0_i32_0 = arith.constant 0 : i32
    %c0_i32_1 = arith.constant 0 : i32
    return %c0_i32, %c0_i32_0 : i32, i32
  }
  func.func @transform_2(%arg0: i32) -> (i32, i32) {
    %c0_i32 = arith.constant 0 : i32
    %c0_i32_0 = arith.constant 0 : i32
    %c0_i32_1 = arith.constant 0 : i32
    return %c0_i32, %c0_i32_0 : i32, i32
  }
  func.func @transform_3(%arg0: i32) -> (i32, i32) {
    %c0_i32 = arith.constant 0 : i32
    %c0_i32_0 = arith.constant 0 : i32
    return %arg0, %c0_i32 : i32, i32
  }
  func.func @transform_4(%arg0: i32) -> (i32, i32) {
    %c0_i32 = arith.constant 0 : i32
    %c0_i32_0 = arith.constant 0 : i32
    return %arg0, %c0_i32 : i32, i32
  }
}

module attributes {stable_mosaic.version = 14 : i64} {
  func.func @_comb2_y(%arg0: i32, %arg1: memref<2560x64xf32, #tpu.memory_space<vmem>>, %arg2: memref<2560x64xf32, #tpu.memory_space<vmem>>, %arg3: memref<2560x16xf32, #tpu.memory_space<vmem>>, %arg4: memref<2560x16xf32, #tpu.memory_space<vmem>>, %arg5: memref<1x64xf32, #tpu.memory_space<vmem>>, %arg6: memref<2560x64xf32, #tpu.memory_space<vmem>>, %arg7: memref<64x64xf32, #tpu.memory_space<vmem>>, %arg8: memref<2560x64xf32, #tpu.memory_space<vmem>>) attributes {dimension_semantics = [#tpu.dimension_semantics<arbitrary>], iteration_bounds = array<i64: 4>, scalar_prefetch = 0 : i64, scratch_operands = 0 : i64, tpu.core_type = #tpu.core_type<tc>, window_params = [{transform_indices = @transform_0, window_bounds = array<i64: 2560, 64>}, {transform_indices = @transform_1, window_bounds = array<i64: 2560, 64>}, {transform_indices = @transform_2, window_bounds = array<i64: 2560, 16>}, {transform_indices = @transform_3, window_bounds = array<i64: 2560, 16>}, {pipeline_mode = #tpu.pipeline_mode<synchronous>, transform_indices = @transform_4, window_bounds = array<i64: 1, 64>}, {transform_indices = @transform_5, window_bounds = array<i64: 2560, 64>}, {pipeline_mode = #tpu.pipeline_mode<synchronous>, transform_indices = @transform_6, window_bounds = array<i64: 64, 64>}, {transform_indices = @transform_7, window_bounds = array<i64: 2560, 64>}]} {
    %get3A = arith.constant 0 : index
    %get3A_0 = arith.constant 0 : index
    %get3A_1 = vector.load %arg1[%get3A, %get3A_0] : memref<2560x64xf32, #tpu.memory_space<vmem>>, vector<2560x64xf32>
    %get3A_2 = arith.constant 0 : index
    %get3A_3 = arith.constant 0 : index
    %get3A_4 = vector.load %arg2[%get3A_2, %get3A_3] : memref<2560x64xf32, #tpu.memory_space<vmem>>, vector<2560x64xf32>
    %add3A = arith.addf %get3A_1, %get3A_4 : vector<2560x64xf32>
    %get3A_5 = arith.constant 0 : index
    %get3A_6 = arith.constant 0 : index
    %get3A_7 = vector.load %arg3[%get3A_5, %get3A_6] : memref<2560x16xf32, #tpu.memory_space<vmem>>, vector<2560x16xf32>
    %get3A_8 = arith.constant 0 : index
    %get3A_9 = arith.constant 0 : index
    %get3A_10 = vector.load %arg4[%get3A_8, %get3A_9] : memref<2560x16xf32, #tpu.memory_space<vmem>>, vector<2560x16xf32>
    %add3A_11 = arith.addf %get3A_7, %get3A_10 : vector<2560x16xf32>
    %get3A_12 = arith.constant 0 : index
    %get3A_13 = arith.constant 0 : index
    %get3A_14 = vector.load %arg5[%get3A_12, %get3A_13] : memref<1x64xf32, #tpu.memory_space<vmem>>, vector<1x64xf32>
    %get3A_15 = arith.constant 0 : index
    %get3A_16 = arith.constant 0 : index
    %get3A_17 = vector.load %arg6[%get3A_15, %get3A_16] : memref<2560x64xf32, #tpu.memory_space<vmem>>, vector<2560x64xf32>
    %reduce_sum3A = arith.constant dense<0.000000e+00> : vector<2560xf32>
    %reduce_sum3A_18 = vector.multi_reduction <add>, %add3A_11, %reduce_sum3A [1] : vector<2560x16xf32> to vector<2560xf32>
    %broadcast_in_dim3A = vector.shape_cast %reduce_sum3A_18 : vector<2560xf32> to vector<2560x1xf32>
    %mul3A = arith.constant 6.250000e-02 : f32
    %mul3A_19 = vector.broadcast %mul3A : f32 to vector<2560x1xf32>
    %mul3A_20 = arith.mulf %broadcast_in_dim3A, %mul3A_19 : vector<2560x1xf32>
    %max3A = arith.constant 1.000000e+00 : f32
    %max3A_21 = vector.broadcast %max3A : f32 to vector<2560x1xf32>
    %max3A_22 = arith.maximumf %mul3A_20, %max3A_21 : vector<2560x1xf32>
    %div3A = vector.broadcast %max3A_22 : vector<2560x1xf32> to vector<2560x64xf32>
    %div3A_23 = arith.divf %add3A, %div3A : vector<2560x64xf32>
    %add3A_24 = vector.broadcast %get3A_14 : vector<1x64xf32> to vector<2560x64xf32>
    %add3A_25 = arith.addf %div3A_23, %add3A_24 : vector<2560x64xf32>
    %add3A_26 = arith.addf %add3A_25, %get3A_17 : vector<2560x64xf32>
    %mul3A_27 = arith.mulf %add3A_26, %add3A_26 : vector<2560x64xf32>
    %reduce_sum3A_28 = arith.constant dense<0.000000e+00> : vector<2560xf32>
    %reduce_sum3A_29 = vector.multi_reduction <add>, %mul3A_27, %reduce_sum3A_28 [1] : vector<2560x64xf32> to vector<2560xf32>
    %broadcast_in_dim3A_30 = vector.shape_cast %reduce_sum3A_29 : vector<2560xf32> to vector<2560x1xf32>
    %sqrt3A = math.sqrt %broadcast_in_dim3A_30 : vector<2560x1xf32>
    %max3A_31 = arith.constant 9.99999996E-13 : f32
    %max3A_32 = vector.broadcast %max3A_31 : f32 to vector<2560x1xf32>
    %max3A_33 = arith.maximumf %sqrt3A, %max3A_32 : vector<2560x1xf32>
    %div3A_34 = vector.broadcast %max3A_33 : vector<2560x1xf32> to vector<2560x64xf32>
    %div3A_35 = arith.divf %add3A_26, %div3A_34 : vector<2560x64xf32>
    %get3A_36 = arith.constant 0 : index
    %get3A_37 = arith.constant 0 : index
    %get3A_38 = vector.load %arg7[%get3A_36, %get3A_37] : memref<64x64xf32, #tpu.memory_space<vmem>>, vector<64x64xf32>
    %dot_general3A = arith.constant dense<0.000000e+00> : vector<2560x64xf32>
    %dot_general3A_39 = tpu.matmul %div3A_35, %get3A_38, %dot_general3A {dimension_numbers = #tpu.dot_dimension_numbers<[1], [0], [0], [1], [0, 0, 1, 1], [], []>, transpose_lhs_hint = false} : vector<2560x64xf32>, vector<64x64xf32>, vector<2560x64xf32> -> vector<2560x64xf32>
    %swap3A = arith.constant 0 : index
    %swap3A_40 = arith.constant 0 : index
    %swap3A_41 = vector.load %arg8[%swap3A, %swap3A_40] : memref<2560x64xf32, #tpu.memory_space<vmem>>, vector<2560x64xf32>
    tpu.vector_store %arg8[%swap3A, %swap3A_40], %dot_general3A_39 {strides = array<i32>} : memref<2560x64xf32, #tpu.memory_space<vmem>>, vector<2560x64xf32>,
    return
  }
  func.func @transform_0(%arg0: i32) -> (i32, i32) {
    %c0_i32 = arith.constant 0 : i32
    %c0_i32_0 = arith.constant 0 : i32
    return %arg0, %c0_i32 : i32, i32
  }
  func.func @transform_1(%arg0: i32) -> (i32, i32) {
    %c0_i32 = arith.constant 0 : i32
    %c0_i32_0 = arith.constant 0 : i32
    return %arg0, %c0_i32 : i32, i32
  }
  func.func @transform_2(%arg0: i32) -> (i32, i32) {
    %c0_i32 = arith.constant 0 : i32
    %c0_i32_0 = arith.constant 0 : i32
    return %arg0, %c0_i32 : i32, i32
  }
  func.func @transform_3(%arg0: i32) -> (i32, i32) {
    %c0_i32 = arith.constant 0 : i32
    %c0_i32_0 = arith.constant 0 : i32
    return %arg0, %c0_i32 : i32, i32
  }
  func.func @transform_4(%arg0: i32) -> (i32, i32) {
    %c0_i32 = arith.constant 0 : i32
    %c0_i32_0 = arith.constant 0 : i32
    %c0_i32_1 = arith.constant 0 : i32
    return %c0_i32, %c0_i32_0 : i32, i32
  }
  func.func @transform_5(%arg0: i32) -> (i32, i32) {
    %c0_i32 = arith.constant 0 : i32
    %c0_i32_0 = arith.constant 0 : i32
    return %arg0, %c0_i32 : i32, i32
  }
  func.func @transform_6(%arg0: i32) -> (i32, i32) {
    %c0_i32 = arith.constant 0 : i32
    %c0_i32_0 = arith.constant 0 : i32
    %c0_i32_1 = arith.constant 0 : i32
    return %c0_i32, %c0_i32_0 : i32, i32
  }
  func.func @transform_7(%arg0: i32) -> (i32, i32) {
    %c0_i32 = arith.constant 0 : i32
    %c0_i32_0 = arith.constant 0 : i32
    return %arg0, %c0_i32 : i32, i32
  }
}

module attributes {stable_mosaic.version = 14 : i64} {
  func.func @_comb2_z(%arg0: i32, %arg1: memref<2560x64xf32, #tpu.memory_space<vmem>>, %arg2: memref<2560x64xf32, #tpu.memory_space<vmem>>, %arg3: memref<2560x16xf32, #tpu.memory_space<vmem>>, %arg4: memref<2560x16xf32, #tpu.memory_space<vmem>>, %arg5: memref<1x64xf32, #tpu.memory_space<vmem>>, %arg6: memref<2560x64xf32, #tpu.memory_space<vmem>>, %arg7: memref<64x64xf32, #tpu.memory_space<vmem>>, %arg8: memref<2560x64xf32, #tpu.memory_space<vmem>>) attributes {dimension_semantics = [#tpu.dimension_semantics<arbitrary>], iteration_bounds = array<i64: 4>, scalar_prefetch = 0 : i64, scratch_operands = 0 : i64, tpu.core_type = #tpu.core_type<tc>, window_params = [{transform_indices = @transform_0, window_bounds = array<i64: 2560, 64>}, {transform_indices = @transform_1, window_bounds = array<i64: 2560, 64>}, {transform_indices = @transform_2, window_bounds = array<i64: 2560, 16>}, {transform_indices = @transform_3, window_bounds = array<i64: 2560, 16>}, {pipeline_mode = #tpu.pipeline_mode<synchronous>, transform_indices = @transform_4, window_bounds = array<i64: 1, 64>}, {transform_indices = @transform_5, window_bounds = array<i64: 2560, 64>}, {pipeline_mode = #tpu.pipeline_mode<synchronous>, transform_indices = @transform_6, window_bounds = array<i64: 64, 64>}, {transform_indices = @transform_7, window_bounds = array<i64: 2560, 64>}]} {
    %get3A = arith.constant 0 : index
    %get3A_0 = arith.constant 0 : index
    %get3A_1 = vector.load %arg1[%get3A, %get3A_0] : memref<2560x64xf32, #tpu.memory_space<vmem>>, vector<2560x64xf32>
    %get3A_2 = arith.constant 0 : index
    %get3A_3 = arith.constant 0 : index
    %get3A_4 = vector.load %arg2[%get3A_2, %get3A_3] : memref<2560x64xf32, #tpu.memory_space<vmem>>, vector<2560x64xf32>
    %add3A = arith.addf %get3A_1, %get3A_4 : vector<2560x64xf32>
    %get3A_5 = arith.constant 0 : index
    %get3A_6 = arith.constant 0 : index
    %get3A_7 = vector.load %arg3[%get3A_5, %get3A_6] : memref<2560x16xf32, #tpu.memory_space<vmem>>, vector<2560x16xf32>
    %get3A_8 = arith.constant 0 : index
    %get3A_9 = arith.constant 0 : index
    %get3A_10 = vector.load %arg4[%get3A_8, %get3A_9] : memref<2560x16xf32, #tpu.memory_space<vmem>>, vector<2560x16xf32>
    %add3A_11 = arith.addf %get3A_7, %get3A_10 : vector<2560x16xf32>
    %get3A_12 = arith.constant 0 : index
    %get3A_13 = arith.constant 0 : index
    %get3A_14 = vector.load %arg5[%get3A_12, %get3A_13] : memref<1x64xf32, #tpu.memory_space<vmem>>, vector<1x64xf32>
    %get3A_15 = arith.constant 0 : index
    %get3A_16 = arith.constant 0 : index
    %get3A_17 = vector.load %arg6[%get3A_15, %get3A_16] : memref<2560x64xf32, #tpu.memory_space<vmem>>, vector<2560x64xf32>
    %reduce_sum3A = arith.constant dense<0.000000e+00> : vector<2560xf32>
    %reduce_sum3A_18 = vector.multi_reduction <add>, %add3A_11, %reduce_sum3A [1] : vector<2560x16xf32> to vector<2560xf32>
    %broadcast_in_dim3A = vector.shape_cast %reduce_sum3A_18 : vector<2560xf32> to vector<2560x1xf32>
    %mul3A = arith.constant 6.250000e-02 : f32
    %mul3A_19 = vector.broadcast %mul3A : f32 to vector<2560x1xf32>
    %mul3A_20 = arith.mulf %broadcast_in_dim3A, %mul3A_19 : vector<2560x1xf32>
    %max3A = arith.constant 1.000000e+00 : f32
    %max3A_21 = vector.broadcast %max3A : f32 to vector<2560x1xf32>
    %max3A_22 = arith.maximumf %mul3A_20, %max3A_21 : vector<2560x1xf32>
    %div3A = vector.broadcast %max3A_22 : vector<2560x1xf32> to vector<2560x64xf32>
    %div3A_23 = arith.divf %add3A, %div3A : vector<2560x64xf32>
    %add3A_24 = vector.broadcast %get3A_14 : vector<1x64xf32> to vector<2560x64xf32>
    %add3A_25 = arith.addf %div3A_23, %add3A_24 : vector<2560x64xf32>
    %add3A_26 = arith.addf %add3A_25, %get3A_17 : vector<2560x64xf32>
    %mul3A_27 = arith.mulf %add3A_26, %add3A_26 : vector<2560x64xf32>
    %reduce_sum3A_28 = arith.constant dense<0.000000e+00> : vector<2560xf32>
    %reduce_sum3A_29 = vector.multi_reduction <add>, %mul3A_27, %reduce_sum3A_28 [1] : vector<2560x64xf32> to vector<2560xf32>
    %broadcast_in_dim3A_30 = vector.shape_cast %reduce_sum3A_29 : vector<2560xf32> to vector<2560x1xf32>
    %sqrt3A = math.sqrt %broadcast_in_dim3A_30 : vector<2560x1xf32>
    %max3A_31 = arith.constant 9.99999996E-13 : f32
    %max3A_32 = vector.broadcast %max3A_31 : f32 to vector<2560x1xf32>
    %max3A_33 = arith.maximumf %sqrt3A, %max3A_32 : vector<2560x1xf32>
    %div3A_34 = vector.broadcast %max3A_33 : vector<2560x1xf32> to vector<2560x64xf32>
    %div3A_35 = arith.divf %add3A_26, %div3A_34 : vector<2560x64xf32>
    %get3A_36 = arith.constant 0 : index
    %get3A_37 = arith.constant 0 : index
    %get3A_38 = vector.load %arg7[%get3A_36, %get3A_37] : memref<64x64xf32, #tpu.memory_space<vmem>>, vector<64x64xf32>
    %dot_general3A = arith.constant dense<0.000000e+00> : vector<2560x64xf32>
    %dot_general3A_39 = tpu.matmul %div3A_35, %get3A_38, %dot_general3A {dimension_numbers = #tpu.dot_dimension_numbers<[1], [0], [0], [1], [0, 0, 1, 1], [], []>, transpose_lhs_hint = false} : vector<2560x64xf32>, vector<64x64xf32>, vector<2560x64xf32> -> vector<2560x64xf32>
    %swap3A = arith.constant 0 : index
    %swap3A_40 = arith.constant 0 : index
    %swap3A_41 = vector.load %arg8[%swap3A, %swap3A_40] : memref<2560x64xf32, #tpu.memory_space<vmem>>, vector<2560x64xf32>
    tpu.vector_store %arg8[%swap3A, %swap3A_40], %dot_general3A_39 {strides = array<i32>} : memref<2560x64xf32, #tpu.memory_space<vmem>>, vector<2560x64xf32>,
    return
  }
  func.func @transform_0(%arg0: i32) -> (i32, i32) {
    %c0_i32 = arith.constant 0 : i32
    %c0_i32_0 = arith.constant 0 : i32
    return %arg0, %c0_i32 : i32, i32
  }
  func.func @transform_1(%arg0: i32) -> (i32, i32) {
    %c0_i32 = arith.constant 0 : i32
    %c0_i32_0 = arith.constant 0 : i32
    return %arg0, %c0_i32 : i32, i32
  }
  func.func @transform_2(%arg0: i32) -> (i32, i32) {
    %c0_i32 = arith.constant 0 : i32
    %c0_i32_0 = arith.constant 0 : i32
    return %arg0, %c0_i32 : i32, i32
  }
  func.func @transform_3(%arg0: i32) -> (i32, i32) {
    %c0_i32 = arith.constant 0 : i32
    %c0_i32_0 = arith.constant 0 : i32
    return %arg0, %c0_i32 : i32, i32
  }
  func.func @transform_4(%arg0: i32) -> (i32, i32) {
    %c0_i32 = arith.constant 0 : i32
    %c0_i32_0 = arith.constant 0 : i32
    %c0_i32_1 = arith.constant 0 : i32
    return %c0_i32, %c0_i32_0 : i32, i32
  }
  func.func @transform_5(%arg0: i32) -> (i32, i32) {
    %c0_i32 = arith.constant 0 : i32
    %c0_i32_0 = arith.constant 0 : i32
    return %arg0, %c0_i32 : i32, i32
  }
  func.func @transform_6(%arg0: i32) -> (i32, i32) {
    %c0_i32 = arith.constant 0 : i32
    %c0_i32_0 = arith.constant 0 : i32
    %c0_i32_1 = arith.constant 0 : i32
    return %c0_i32, %c0_i32_0 : i32, i32
  }
  func.func @transform_7(%arg0: i32) -> (i32, i32) {
    %c0_i32 = arith.constant 0 : i32
    %c0_i32_0 = arith.constant 0 : i32
    return %arg0, %c0_i32 : i32, i32
  }
}

module attributes {stable_mosaic.version = 14 : i64} {
  func.func @_comb_fc_y(%arg0: i32, %arg1: memref<2560x64xf32, #tpu.memory_space<vmem>>, %arg2: memref<2560x64xf32, #tpu.memory_space<vmem>>, %arg3: memref<2560x16xf32, #tpu.memory_space<vmem>>, %arg4: memref<2560x16xf32, #tpu.memory_space<vmem>>, %arg5: memref<1x64xf32, #tpu.memory_space<vmem>>, %arg6: memref<2560x64xf32, #tpu.memory_space<vmem>>, %arg7: memref<64x64xf32, #tpu.memory_space<vmem>>, %arg8: memref<1x64xf32, #tpu.memory_space<vmem>>, %arg9: memref<64x64xf32, #tpu.memory_space<vmem>>, %arg10: memref<2560x64xf32, #tpu.memory_space<vmem>>) attributes {dimension_semantics = [#tpu.dimension_semantics<arbitrary>], iteration_bounds = array<i64: 4>, scalar_prefetch = 0 : i64, scratch_operands = 0 : i64, tpu.core_type = #tpu.core_type<tc>, window_params = [{transform_indices = @transform_0, window_bounds = array<i64: 2560, 64>}, {transform_indices = @transform_1, window_bounds = array<i64: 2560, 64>}, {transform_indices = @transform_2, window_bounds = array<i64: 2560, 16>}, {transform_indices = @transform_3, window_bounds = array<i64: 2560, 16>}, {pipeline_mode = #tpu.pipeline_mode<synchronous>, transform_indices = @transform_4, window_bounds = array<i64: 1, 64>}, {transform_indices = @transform_5, window_bounds = array<i64: 2560, 64>}, {pipeline_mode = #tpu.pipeline_mode<synchronous>, transform_indices = @transform_6, window_bounds = array<i64: 64, 64>}, {pipeline_mode = #tpu.pipeline_mode<synchronous>, transform_indices = @transform_7, window_bounds = array<i64: 1, 64>}, {pipeline_mode = #tpu.pipeline_mode<synchronous>, transform_indices = @transform_8, window_bounds = array<i64: 64, 64>}, {transform_indices = @transform_9, window_bounds = array<i64: 2560, 64>}]} {
    %get3A = arith.constant 0 : index
    %get3A_0 = arith.constant 0 : index
    %get3A_1 = vector.load %arg1[%get3A, %get3A_0] : memref<2560x64xf32, #tpu.memory_space<vmem>>, vector<2560x64xf32>
    %get3A_2 = arith.constant 0 : index
    %get3A_3 = arith.constant 0 : index
    %get3A_4 = vector.load %arg2[%get3A_2, %get3A_3] : memref<2560x64xf32, #tpu.memory_space<vmem>>, vector<2560x64xf32>
    %add3A = arith.addf %get3A_1, %get3A_4 : vector<2560x64xf32>
    %get3A_5 = arith.constant 0 : index
    %get3A_6 = arith.constant 0 : index
    %get3A_7 = vector.load %arg3[%get3A_5, %get3A_6] : memref<2560x16xf32, #tpu.memory_space<vmem>>, vector<2560x16xf32>
    %get3A_8 = arith.constant 0 : index
    %get3A_9 = arith.constant 0 : index
    %get3A_10 = vector.load %arg4[%get3A_8, %get3A_9] : memref<2560x16xf32, #tpu.memory_space<vmem>>, vector<2560x16xf32>
    %add3A_11 = arith.addf %get3A_7, %get3A_10 : vector<2560x16xf32>
    %get3A_12 = arith.constant 0 : index
    %get3A_13 = arith.constant 0 : index
    %get3A_14 = vector.load %arg5[%get3A_12, %get3A_13] : memref<1x64xf32, #tpu.memory_space<vmem>>, vector<1x64xf32>
    %get3A_15 = arith.constant 0 : index
    %get3A_16 = arith.constant 0 : index
    %get3A_17 = vector.load %arg6[%get3A_15, %get3A_16] : memref<2560x64xf32, #tpu.memory_space<vmem>>, vector<2560x64xf32>
    %reduce_sum3A = arith.constant dense<0.000000e+00> : vector<2560xf32>
    %reduce_sum3A_18 = vector.multi_reduction <add>, %add3A_11, %reduce_sum3A [1] : vector<2560x16xf32> to vector<2560xf32>
    %broadcast_in_dim3A = vector.shape_cast %reduce_sum3A_18 : vector<2560xf32> to vector<2560x1xf32>
    %mul3A = arith.constant 6.250000e-02 : f32
    %mul3A_19 = vector.broadcast %mul3A : f32 to vector<2560x1xf32>
    %mul3A_20 = arith.mulf %broadcast_in_dim3A, %mul3A_19 : vector<2560x1xf32>
    %max3A = arith.constant 1.000000e+00 : f32
    %max3A_21 = vector.broadcast %max3A : f32 to vector<2560x1xf32>
    %max3A_22 = arith.maximumf %mul3A_20, %max3A_21 : vector<2560x1xf32>
    %div3A = vector.broadcast %max3A_22 : vector<2560x1xf32> to vector<2560x64xf32>
    %div3A_23 = arith.divf %add3A, %div3A : vector<2560x64xf32>
    %add3A_24 = vector.broadcast %get3A_14 : vector<1x64xf32> to vector<2560x64xf32>
    %add3A_25 = arith.addf %div3A_23, %add3A_24 : vector<2560x64xf32>
    %add3A_26 = arith.addf %add3A_25, %get3A_17 : vector<2560x64xf32>
    %mul3A_27 = arith.mulf %add3A_26, %add3A_26 : vector<2560x64xf32>
    %reduce_sum3A_28 = arith.constant dense<0.000000e+00> : vector<2560xf32>
    %reduce_sum3A_29 = vector.multi_reduction <add>, %mul3A_27, %reduce_sum3A_28 [1] : vector<2560x64xf32> to vector<2560xf32>
    %broadcast_in_dim3A_30 = vector.shape_cast %reduce_sum3A_29 : vector<2560xf32> to vector<2560x1xf32>
    %sqrt3A = math.sqrt %broadcast_in_dim3A_30 : vector<2560x1xf32>
    %max3A_31 = arith.constant 9.99999996E-13 : f32
    %max3A_32 = vector.broadcast %max3A_31 : f32 to vector<2560x1xf32>
    %max3A_33 = arith.maximumf %sqrt3A, %max3A_32 : vector<2560x1xf32>
    %div3A_34 = vector.broadcast %max3A_33 : vector<2560x1xf32> to vector<2560x64xf32>
    %div3A_35 = arith.divf %add3A_26, %div3A_34 : vector<2560x64xf32>
    %get3A_36 = arith.constant 0 : index
    %get3A_37 = arith.constant 0 : index
    %get3A_38 = vector.load %arg7[%get3A_36, %get3A_37] : memref<64x64xf32, #tpu.memory_space<vmem>>, vector<64x64xf32>
    %dot_general3A = arith.constant dense<0.000000e+00> : vector<2560x64xf32>
    %dot_general3A_39 = tpu.matmul %div3A_35, %get3A_38, %dot_general3A {dimension_numbers = #tpu.dot_dimension_numbers<[1], [0], [0], [1], [0, 0, 1, 1], [], []>, transpose_lhs_hint = false} : vector<2560x64xf32>, vector<64x64xf32>, vector<2560x64xf32> -> vector<2560x64xf32>
    %get3A_40 = arith.constant 0 : index
    %get3A_41 = arith.constant 0 : index
    %get3A_42 = vector.load %arg8[%get3A_40, %get3A_41] : memref<1x64xf32, #tpu.memory_space<vmem>>, vector<1x64xf32>
    %add3A_43 = vector.broadcast %get3A_42 : vector<1x64xf32> to vector<2560x64xf32>
    %add3A_44 = arith.addf %dot_general3A_39, %add3A_43 : vector<2560x64xf32>
    %get3A_45 = arith.constant 0 : index
    %get3A_46 = arith.constant 0 : index
    %get3A_47 = vector.load %arg9[%get3A_45, %get3A_46] : memref<64x64xf32, #tpu.memory_space<vmem>>, vector<64x64xf32>
    %dot_general3A_48 = arith.constant dense<0.000000e+00> : vector<2560x64xf32>
    %dot_general3A_49 = tpu.matmul %add3A_44, %get3A_47, %dot_general3A_48 {dimension_numbers = #tpu.dot_dimension_numbers<[1], [0], [0], [1], [0, 0, 1, 1], [], []>, transpose_lhs_hint = false} : vector<2560x64xf32>, vector<64x64xf32>, vector<2560x64xf32> -> vector<2560x64xf32>
    %swap3A = arith.constant 0 : index
    %swap3A_50 = arith.constant 0 : index
    %swap3A_51 = vector.load %arg10[%swap3A, %swap3A_50] : memref<2560x64xf32, #tpu.memory_space<vmem>>, vector<2560x64xf32>
    tpu.vector_store %arg10[%swap3A, %swap3A_50], %dot_general3A_49 {strides = array<i32>} : memref<2560x64xf32, #tpu.memory_space<vmem>>, vector<2560x64xf32>,
    return
  }
  func.func @transform_0(%arg0: i32) -> (i32, i32) {
    %c0_i32 = arith.constant 0 : i32
    %c0_i32_0 = arith.constant 0 : i32
    return %arg0, %c0_i32 : i32, i32
  }
  func.func @transform_1(%arg0: i32) -> (i32, i32) {
    %c0_i32 = arith.constant 0 : i32
    %c0_i32_0 = arith.constant 0 : i32
    return %arg0, %c0_i32 : i32, i32
  }
  func.func @transform_2(%arg0: i32) -> (i32, i32) {
    %c0_i32 = arith.constant 0 : i32
    %c0_i32_0 = arith.constant 0 : i32
    return %arg0, %c0_i32 : i32, i32
  }
  func.func @transform_3(%arg0: i32) -> (i32, i32) {
    %c0_i32 = arith.constant 0 : i32
    %c0_i32_0 = arith.constant 0 : i32
    return %arg0, %c0_i32 : i32, i32
  }
  func.func @transform_4(%arg0: i32) -> (i32, i32) {
    %c0_i32 = arith.constant 0 : i32
    %c0_i32_0 = arith.constant 0 : i32
    %c0_i32_1 = arith.constant 0 : i32
    return %c0_i32, %c0_i32_0 : i32, i32
  }
  func.func @transform_5(%arg0: i32) -> (i32, i32) {
    %c0_i32 = arith.constant 0 : i32
    %c0_i32_0 = arith.constant 0 : i32
    return %arg0, %c0_i32 : i32, i32
  }
  func.func @transform_6(%arg0: i32) -> (i32, i32) {
    %c0_i32 = arith.constant 0 : i32
    %c0_i32_0 = arith.constant 0 : i32
    %c0_i32_1 = arith.constant 0 : i32
    return %c0_i32, %c0_i32_0 : i32, i32
  }
  func.func @transform_7(%arg0: i32) -> (i32, i32) {
    %c0_i32 = arith.constant 0 : i32
    %c0_i32_0 = arith.constant 0 : i32
    %c0_i32_1 = arith.constant 0 : i32
    return %c0_i32, %c0_i32_0 : i32, i32
  }
  func.func @transform_8(%arg0: i32) -> (i32, i32) {
    %c0_i32 = arith.constant 0 : i32
    %c0_i32_0 = arith.constant 0 : i32
    %c0_i32_1 = arith.constant 0 : i32
    return %c0_i32, %c0_i32_0 : i32, i32
  }
  func.func @transform_9(%arg0: i32) -> (i32, i32) {
    %c0_i32 = arith.constant 0 : i32
    %c0_i32_0 = arith.constant 0 : i32
    return %arg0, %c0_i32 : i32, i32
  }
}

module attributes {stable_mosaic.version = 14 : i64} {
  func.func @_comb_fc_rest(%arg0: i32, %arg1: memref<2560x64xf32, #tpu.memory_space<vmem>>, %arg2: memref<2560x64xf32, #tpu.memory_space<vmem>>, %arg3: memref<2560x16xf32, #tpu.memory_space<vmem>>, %arg4: memref<2560x16xf32, #tpu.memory_space<vmem>>, %arg5: memref<1x64xf32, #tpu.memory_space<vmem>>, %arg6: memref<2560x64xf32, #tpu.memory_space<vmem>>, %arg7: memref<64x64xf32, #tpu.memory_space<vmem>>, %arg8: memref<1x64xf32, #tpu.memory_space<vmem>>, %arg9: memref<64x64xf32, #tpu.memory_space<vmem>>, %arg10: memref<2560x64xf32, #tpu.memory_space<vmem>>, %arg11: memref<2560x64xf32, #tpu.memory_space<vmem>>) attributes {dimension_semantics = [#tpu.dimension_semantics<arbitrary>], iteration_bounds = array<i64: 4>, scalar_prefetch = 0 : i64, scratch_operands = 0 : i64, tpu.core_type = #tpu.core_type<tc>, window_params = [{transform_indices = @transform_0, window_bounds = array<i64: 2560, 64>}, {transform_indices = @transform_1, window_bounds = array<i64: 2560, 64>}, {transform_indices = @transform_2, window_bounds = array<i64: 2560, 16>}, {transform_indices = @transform_3, window_bounds = array<i64: 2560, 16>}, {pipeline_mode = #tpu.pipeline_mode<synchronous>, transform_indices = @transform_4, window_bounds = array<i64: 1, 64>}, {transform_indices = @transform_5, window_bounds = array<i64: 2560, 64>}, {pipeline_mode = #tpu.pipeline_mode<synchronous>, transform_indices = @transform_6, window_bounds = array<i64: 64, 64>}, {pipeline_mode = #tpu.pipeline_mode<synchronous>, transform_indices = @transform_7, window_bounds = array<i64: 1, 64>}, {pipeline_mode = #tpu.pipeline_mode<synchronous>, transform_indices = @transform_8, window_bounds = array<i64: 64, 64>}, {transform_indices = @transform_9, window_bounds = array<i64: 2560, 64>}, {transform_indices = @transform_10, window_bounds = array<i64: 2560, 64>}]} {
    %get3A = arith.constant 0 : index
    %get3A_0 = arith.constant 0 : index
    %get3A_1 = vector.load %arg1[%get3A, %get3A_0] : memref<2560x64xf32, #tpu.memory_space<vmem>>, vector<2560x64xf32>
    %get3A_2 = arith.constant 0 : index
    %get3A_3 = arith.constant 0 : index
    %get3A_4 = vector.load %arg2[%get3A_2, %get3A_3] : memref<2560x64xf32, #tpu.memory_space<vmem>>, vector<2560x64xf32>
    %add3A = arith.addf %get3A_1, %get3A_4 : vector<2560x64xf32>
    %get3A_5 = arith.constant 0 : index
    %get3A_6 = arith.constant 0 : index
    %get3A_7 = vector.load %arg3[%get3A_5, %get3A_6] : memref<2560x16xf32, #tpu.memory_space<vmem>>, vector<2560x16xf32>
    %get3A_8 = arith.constant 0 : index
    %get3A_9 = arith.constant 0 : index
    %get3A_10 = vector.load %arg4[%get3A_8, %get3A_9] : memref<2560x16xf32, #tpu.memory_space<vmem>>, vector<2560x16xf32>
    %add3A_11 = arith.addf %get3A_7, %get3A_10 : vector<2560x16xf32>
    %get3A_12 = arith.constant 0 : index
    %get3A_13 = arith.constant 0 : index
    %get3A_14 = vector.load %arg5[%get3A_12, %get3A_13] : memref<1x64xf32, #tpu.memory_space<vmem>>, vector<1x64xf32>
    %get3A_15 = arith.constant 0 : index
    %get3A_16 = arith.constant 0 : index
    %get3A_17 = vector.load %arg6[%get3A_15, %get3A_16] : memref<2560x64xf32, #tpu.memory_space<vmem>>, vector<2560x64xf32>
    %reduce_sum3A = arith.constant dense<0.000000e+00> : vector<2560xf32>
    %reduce_sum3A_18 = vector.multi_reduction <add>, %add3A_11, %reduce_sum3A [1] : vector<2560x16xf32> to vector<2560xf32>
    %broadcast_in_dim3A = vector.shape_cast %reduce_sum3A_18 : vector<2560xf32> to vector<2560x1xf32>
    %mul3A = arith.constant 6.250000e-02 : f32
    %mul3A_19 = vector.broadcast %mul3A : f32 to vector<2560x1xf32>
    %mul3A_20 = arith.mulf %broadcast_in_dim3A, %mul3A_19 : vector<2560x1xf32>
    %max3A = arith.constant 1.000000e+00 : f32
    %max3A_21 = vector.broadcast %max3A : f32 to vector<2560x1xf32>
    %max3A_22 = arith.maximumf %mul3A_20, %max3A_21 : vector<2560x1xf32>
    %div3A = vector.broadcast %max3A_22 : vector<2560x1xf32> to vector<2560x64xf32>
    %div3A_23 = arith.divf %add3A, %div3A : vector<2560x64xf32>
    %add3A_24 = vector.broadcast %get3A_14 : vector<1x64xf32> to vector<2560x64xf32>
    %add3A_25 = arith.addf %div3A_23, %add3A_24 : vector<2560x64xf32>
    %add3A_26 = arith.addf %add3A_25, %get3A_17 : vector<2560x64xf32>
    %mul3A_27 = arith.mulf %add3A_26, %add3A_26 : vector<2560x64xf32>
    %reduce_sum3A_28 = arith.constant dense<0.000000e+00> : vector<2560xf32>
    %reduce_sum3A_29 = vector.multi_reduction <add>, %mul3A_27, %reduce_sum3A_28 [1] : vector<2560x64xf32> to vector<2560xf32>
    %broadcast_in_dim3A_30 = vector.shape_cast %reduce_sum3A_29 : vector<2560xf32> to vector<2560x1xf32>
    %sqrt3A = math.sqrt %broadcast_in_dim3A_30 : vector<2560x1xf32>
    %max3A_31 = arith.constant 9.99999996E-13 : f32
    %max3A_32 = vector.broadcast %max3A_31 : f32 to vector<2560x1xf32>
    %max3A_33 = arith.maximumf %sqrt3A, %max3A_32 : vector<2560x1xf32>
    %div3A_34 = vector.broadcast %max3A_33 : vector<2560x1xf32> to vector<2560x64xf32>
    %div3A_35 = arith.divf %add3A_26, %div3A_34 : vector<2560x64xf32>
    %swap3A = arith.constant 0 : index
    %swap3A_36 = arith.constant 0 : index
    %swap3A_37 = vector.load %arg10[%swap3A, %swap3A_36] : memref<2560x64xf32, #tpu.memory_space<vmem>>, vector<2560x64xf32>
    tpu.vector_store %arg10[%swap3A, %swap3A_36], %div3A_35 {strides = array<i32>} : memref<2560x64xf32, #tpu.memory_space<vmem>>, vector<2560x64xf32>,
    %get3A_38 = arith.constant 0 : index
    %get3A_39 = arith.constant 0 : index
    %get3A_40 = vector.load %arg7[%get3A_38, %get3A_39] : memref<64x64xf32, #tpu.memory_space<vmem>>, vector<64x64xf32>
    %dot_general3A = arith.constant dense<0.000000e+00> : vector<2560x64xf32>
    %dot_general3A_41 = tpu.matmul %div3A_35, %get3A_40, %dot_general3A {dimension_numbers = #tpu.dot_dimension_numbers<[1], [0], [0], [1], [0, 0, 1, 1], [], []>, transpose_lhs_hint = false} : vector<2560x64xf32>, vector<64x64xf32>, vector<2560x64xf32> -> vector<2560x64xf32>
    %get3A_42 = arith.constant 0 : index
    %get3A_43 = arith.constant 0 : index
    %get3A_44 = vector.load %arg8[%get3A_42, %get3A_43] : memref<1x64xf32, #tpu.memory_space<vmem>>, vector<1x64xf32>
    %add3A_45 = vector.broadcast %get3A_44 : vector<1x64xf32> to vector<2560x64xf32>
    %add3A_46 = arith.addf %dot_general3A_41, %add3A_45 : vector<2560x64xf32>
    %get3A_47 = arith.constant 0 : index
    %get3A_48 = arith.constant 0 : index
    %get3A_49 = vector.load %arg9[%get3A_47, %get3A_48] : memref<64x64xf32, #tpu.memory_space<vmem>>, vector<64x64xf32>
    %dot_general3A_50 = arith.constant dense<0.000000e+00> : vector<2560x64xf32>
    %dot_general3A_51 = tpu.matmul %add3A_46, %get3A_49, %dot_general3A_50 {dimension_numbers = #tpu.dot_dimension_numbers<[1], [0], [0], [1], [0, 0, 1, 1], [], []>, transpose_lhs_hint = false} : vector<2560x64xf32>, vector<64x64xf32>, vector<2560x64xf32> -> vector<2560x64xf32>
    %swap3A_52 = arith.constant 0 : index
    %swap3A_53 = arith.constant 0 : index
    %swap3A_54 = vector.load %arg11[%swap3A_52, %swap3A_53] : memref<2560x64xf32, #tpu.memory_space<vmem>>, vector<2560x64xf32>
    tpu.vector_store %arg11[%swap3A_52, %swap3A_53], %dot_general3A_51 {strides = array<i32>} : memref<2560x64xf32, #tpu.memory_space<vmem>>, vector<2560x64xf32>,
    return
  }
  func.func @transform_0(%arg0: i32) -> (i32, i32) {
    %c0_i32 = arith.constant 0 : i32
    %c0_i32_0 = arith.constant 0 : i32
    return %arg0, %c0_i32 : i32, i32
  }
  func.func @transform_1(%arg0: i32) -> (i32, i32) {
    %c0_i32 = arith.constant 0 : i32
    %c0_i32_0 = arith.constant 0 : i32
    return %arg0, %c0_i32 : i32, i32
  }
  func.func @transform_2(%arg0: i32) -> (i32, i32) {
    %c0_i32 = arith.constant 0 : i32
    %c0_i32_0 = arith.constant 0 : i32
    return %arg0, %c0_i32 : i32, i32
  }
  func.func @transform_3(%arg0: i32) -> (i32, i32) {
    %c0_i32 = arith.constant 0 : i32
    %c0_i32_0 = arith.constant 0 : i32
    return %arg0, %c0_i32 : i32, i32
  }
  func.func @transform_4(%arg0: i32) -> (i32, i32) {
    %c0_i32 = arith.constant 0 : i32
    %c0_i32_0 = arith.constant 0 : i32
    %c0_i32_1 = arith.constant 0 : i32
    return %c0_i32, %c0_i32_0 : i32, i32
  }
  func.func @transform_5(%arg0: i32) -> (i32, i32) {
    %c0_i32 = arith.constant 0 : i32
    %c0_i32_0 = arith.constant 0 : i32
    return %arg0, %c0_i32 : i32, i32
  }
  func.func @transform_6(%arg0: i32) -> (i32, i32) {
    %c0_i32 = arith.constant 0 : i32
    %c0_i32_0 = arith.constant 0 : i32
    %c0_i32_1 = arith.constant 0 : i32
    return %c0_i32, %c0_i32_0 : i32, i32
  }
  func.func @transform_7(%arg0: i32) -> (i32, i32) {
    %c0_i32 = arith.constant 0 : i32
    %c0_i32_0 = arith.constant 0 : i32
    %c0_i32_1 = arith.constant 0 : i32
    return %c0_i32, %c0_i32_0 : i32, i32
  }
  func.func @transform_8(%arg0: i32) -> (i32, i32) {
    %c0_i32 = arith.constant 0 : i32
    %c0_i32_0 = arith.constant 0 : i32
    %c0_i32_1 = arith.constant 0 : i32
    return %c0_i32, %c0_i32_0 : i32, i32
  }
  func.func @transform_9(%arg0: i32) -> (i32, i32) {
    %c0_i32 = arith.constant 0 : i32
    %c0_i32_0 = arith.constant 0 : i32
    return %arg0, %c0_i32 : i32, i32
  }
  func.func @transform_10(%arg0: i32) -> (i32, i32) {
    %c0_i32 = arith.constant 0 : i32
    %c0_i32_0 = arith.constant 0 : i32
    return %arg0, %c0_i32 : i32, i32
  }
}

module attributes {stable_mosaic.version = 14 : i64} {
  func.func @_comb_h2_h(%arg0: i32, %arg1: memref<2560x64xf32, #tpu.memory_space<vmem>>, %arg2: memref<2560x64xf32, #tpu.memory_space<vmem>>, %arg3: memref<2560x16xf32, #tpu.memory_space<vmem>>, %arg4: memref<2560x16xf32, #tpu.memory_space<vmem>>, %arg5: memref<1x64xf32, #tpu.memory_space<vmem>>, %arg6: memref<2560x64xf32, #tpu.memory_space<vmem>>, %arg7: memref<2560x64xf32, #tpu.memory_space<vmem>>) attributes {dimension_semantics = [#tpu.dimension_semantics<arbitrary>], iteration_bounds = array<i64: 4>, scalar_prefetch = 0 : i64, scratch_operands = 0 : i64, tpu.core_type = #tpu.core_type<tc>, window_params = [{transform_indices = @transform_0, window_bounds = array<i64: 2560, 64>}, {transform_indices = @transform_1, window_bounds = array<i64: 2560, 64>}, {transform_indices = @transform_2, window_bounds = array<i64: 2560, 16>}, {transform_indices = @transform_3, window_bounds = array<i64: 2560, 16>}, {pipeline_mode = #tpu.pipeline_mode<synchronous>, transform_indices = @transform_4, window_bounds = array<i64: 1, 64>}, {transform_indices = @transform_5, window_bounds = array<i64: 2560, 64>}, {transform_indices = @transform_6, window_bounds = array<i64: 2560, 64>}]} {
    %get3A = arith.constant 0 : index
    %get3A_0 = arith.constant 0 : index
    %get3A_1 = vector.load %arg1[%get3A, %get3A_0] : memref<2560x64xf32, #tpu.memory_space<vmem>>, vector<2560x64xf32>
    %get3A_2 = arith.constant 0 : index
    %get3A_3 = arith.constant 0 : index
    %get3A_4 = vector.load %arg2[%get3A_2, %get3A_3] : memref<2560x64xf32, #tpu.memory_space<vmem>>, vector<2560x64xf32>
    %add3A = arith.addf %get3A_1, %get3A_4 : vector<2560x64xf32>
    %get3A_5 = arith.constant 0 : index
    %get3A_6 = arith.constant 0 : index
    %get3A_7 = vector.load %arg3[%get3A_5, %get3A_6] : memref<2560x16xf32, #tpu.memory_space<vmem>>, vector<2560x16xf32>
    %get3A_8 = arith.constant 0 : index
    %get3A_9 = arith.constant 0 : index
    %get3A_10 = vector.load %arg4[%get3A_8, %get3A_9] : memref<2560x16xf32, #tpu.memory_space<vmem>>, vector<2560x16xf32>
    %add3A_11 = arith.addf %get3A_7, %get3A_10 : vector<2560x16xf32>
    %get3A_12 = arith.constant 0 : index
    %get3A_13 = arith.constant 0 : index
    %get3A_14 = vector.load %arg5[%get3A_12, %get3A_13] : memref<1x64xf32, #tpu.memory_space<vmem>>, vector<1x64xf32>
    %get3A_15 = arith.constant 0 : index
    %get3A_16 = arith.constant 0 : index
    %get3A_17 = vector.load %arg6[%get3A_15, %get3A_16] : memref<2560x64xf32, #tpu.memory_space<vmem>>, vector<2560x64xf32>
    %reduce_sum3A = arith.constant dense<0.000000e+00> : vector<2560xf32>
    %reduce_sum3A_18 = vector.multi_reduction <add>, %add3A_11, %reduce_sum3A [1] : vector<2560x16xf32> to vector<2560xf32>
    %broadcast_in_dim3A = vector.shape_cast %reduce_sum3A_18 : vector<2560xf32> to vector<2560x1xf32>
    %mul3A = arith.constant 6.250000e-02 : f32
    %mul3A_19 = vector.broadcast %mul3A : f32 to vector<2560x1xf32>
    %mul3A_20 = arith.mulf %broadcast_in_dim3A, %mul3A_19 : vector<2560x1xf32>
    %max3A = arith.constant 1.000000e+00 : f32
    %max3A_21 = vector.broadcast %max3A : f32 to vector<2560x1xf32>
    %max3A_22 = arith.maximumf %mul3A_20, %max3A_21 : vector<2560x1xf32>
    %div3A = vector.broadcast %max3A_22 : vector<2560x1xf32> to vector<2560x64xf32>
    %div3A_23 = arith.divf %add3A, %div3A : vector<2560x64xf32>
    %add3A_24 = vector.broadcast %get3A_14 : vector<1x64xf32> to vector<2560x64xf32>
    %add3A_25 = arith.addf %div3A_23, %add3A_24 : vector<2560x64xf32>
    %add3A_26 = arith.addf %add3A_25, %get3A_17 : vector<2560x64xf32>
    %mul3A_27 = arith.mulf %add3A_26, %add3A_26 : vector<2560x64xf32>
    %reduce_sum3A_28 = arith.constant dense<0.000000e+00> : vector<2560xf32>
    %reduce_sum3A_29 = vector.multi_reduction <add>, %mul3A_27, %reduce_sum3A_28 [1] : vector<2560x64xf32> to vector<2560xf32>
    %broadcast_in_dim3A_30 = vector.shape_cast %reduce_sum3A_29 : vector<2560xf32> to vector<2560x1xf32>
    %sqrt3A = math.sqrt %broadcast_in_dim3A_30 : vector<2560x1xf32>
    %max3A_31 = arith.constant 9.99999996E-13 : f32
    %max3A_32 = vector.broadcast %max3A_31 : f32 to vector<2560x1xf32>
    %max3A_33 = arith.maximumf %sqrt3A, %max3A_32 : vector<2560x1xf32>
    %div3A_34 = vector.broadcast %max3A_33 : vector<2560x1xf32> to vector<2560x64xf32>
    %div3A_35 = arith.divf %add3A_26, %div3A_34 : vector<2560x64xf32>
    %swap3A = arith.constant 0 : index
    %swap3A_36 = arith.constant 0 : index
    %swap3A_37 = vector.load %arg7[%swap3A, %swap3A_36] : memref<2560x64xf32, #tpu.memory_space<vmem>>, vector<2560x64xf32>
    tpu.vector_store %arg7[%swap3A, %swap3A_36], %div3A_35 {strides = array<i32>} : memref<2560x64xf32, #tpu.memory_space<vmem>>, vector<2560x64xf32>,
    return
  }
  func.func @transform_0(%arg0: i32) -> (i32, i32) {
    %c0_i32 = arith.constant 0 : i32
    %c0_i32_0 = arith.constant 0 : i32
    return %arg0, %c0_i32 : i32, i32
  }
  func.func @transform_1(%arg0: i32) -> (i32, i32) {
    %c0_i32 = arith.constant 0 : i32
    %c0_i32_0 = arith.constant 0 : i32
    return %arg0, %c0_i32 : i32, i32
  }
  func.func @transform_2(%arg0: i32) -> (i32, i32) {
    %c0_i32 = arith.constant 0 : i32
    %c0_i32_0 = arith.constant 0 : i32
    return %arg0, %c0_i32 : i32, i32
  }
  func.func @transform_3(%arg0: i32) -> (i32, i32) {
    %c0_i32 = arith.constant 0 : i32
    %c0_i32_0 = arith.constant 0 : i32
    return %arg0, %c0_i32 : i32, i32
  }
  func.func @transform_4(%arg0: i32) -> (i32, i32) {
    %c0_i32 = arith.constant 0 : i32
    %c0_i32_0 = arith.constant 0 : i32
    %c0_i32_1 = arith.constant 0 : i32
    return %c0_i32, %c0_i32_0 : i32, i32
  }
  func.func @transform_5(%arg0: i32) -> (i32, i32) {
    %c0_i32 = arith.constant 0 : i32
    %c0_i32_0 = arith.constant 0 : i32
    return %arg0, %c0_i32 : i32, i32
  }
  func.func @transform_6(%arg0: i32) -> (i32, i32) {
    %c0_i32 = arith.constant 0 : i32
    %c0_i32_0 = arith.constant 0 : i32
    return %arg0, %c0_i32 : i32, i32
  }
}

module attributes {stable_mosaic.version = 14 : i64} {
  func.func @_matmul_z(%arg0: i32, %arg1: memref<2560x64xf32, #tpu.memory_space<vmem>>, %arg2: memref<64x128xf32, #tpu.memory_space<vmem>>, %arg3: memref<2560x128xf32, #tpu.memory_space<vmem>>) attributes {dimension_semantics = [#tpu.dimension_semantics<arbitrary>], iteration_bounds = array<i64: 4>, scalar_prefetch = 0 : i64, scratch_operands = 0 : i64, tpu.core_type = #tpu.core_type<tc>, window_params = [{transform_indices = @transform_0, window_bounds = array<i64: 2560, 64>}, {pipeline_mode = #tpu.pipeline_mode<synchronous>, transform_indices = @transform_1, window_bounds = array<i64: 64, 128>}, {transform_indices = @transform_2, window_bounds = array<i64: 2560, 128>}]} {
    %get3A = arith.constant 0 : index
    %get3A_0 = arith.constant 0 : index
    %get3A_1 = vector.load %arg1[%get3A, %get3A_0] : memref<2560x64xf32, #tpu.memory_space<vmem>>, vector<2560x64xf32>
    %get3A_2 = arith.constant 0 : index
    %get3A_3 = arith.constant 0 : index
    %get3A_4 = vector.load %arg2[%get3A_2, %get3A_3] : memref<64x128xf32, #tpu.memory_space<vmem>>, vector<64x128xf32>
    %dot_general3A = arith.constant dense<0.000000e+00> : vector<2560x128xf32>
    %dot_general3A_5 = tpu.matmul %get3A_1, %get3A_4, %dot_general3A {dimension_numbers = #tpu.dot_dimension_numbers<[1], [0], [0], [1], [0, 0, 1, 1], [], []>, transpose_lhs_hint = false} : vector<2560x64xf32>, vector<64x128xf32>, vector<2560x128xf32> -> vector<2560x128xf32>
    %swap3A = arith.constant 0 : index
    %swap3A_6 = arith.constant 0 : index
    %swap3A_7 = vector.load %arg3[%swap3A, %swap3A_6] : memref<2560x128xf32, #tpu.memory_space<vmem>>, vector<2560x128xf32>
    tpu.vector_store %arg3[%swap3A, %swap3A_6], %dot_general3A_5 {strides = array<i32>} : memref<2560x128xf32, #tpu.memory_space<vmem>>, vector<2560x128xf32>,
    return
  }
  func.func @transform_0(%arg0: i32) -> (i32, i32) {
    %c0_i32 = arith.constant 0 : i32
    %c0_i32_0 = arith.constant 0 : i32
    return %arg0, %c0_i32 : i32, i32
  }
  func.func @transform_1(%arg0: i32) -> (i32, i32) {
    %c0_i32 = arith.constant 0 : i32
    %c0_i32_0 = arith.constant 0 : i32
    %c0_i32_1 = arith.constant 0 : i32
    return %c0_i32, %c0_i32_0 : i32, i32
  }
  func.func @transform_2(%arg0: i32) -> (i32, i32) {
    %c0_i32 = arith.constant 0 : i32
    %c0_i32_0 = arith.constant 0 : i32
    return %arg0, %c0_i32 : i32, i32
  }
}

module attributes {stable_mosaic.version = 14 : i64} {
  func.func @_final_body(%arg0: i32, %arg1: memref<2560x64xf32, #tpu.memory_space<vmem>>, %arg2: memref<2560x64xf32, #tpu.memory_space<vmem>>, %arg3: memref<2560x16xf32, #tpu.memory_space<vmem>>, %arg4: memref<2560x16xf32, #tpu.memory_space<vmem>>, %arg5: memref<1x128xf32, #tpu.memory_space<vmem>>, %arg6: memref<2560x128xf32, #tpu.memory_space<vmem>>, %arg7: memref<64x128xf32, #tpu.memory_space<vmem>>, %arg8: memref<2560x128xf32, #tpu.memory_space<vmem>>) attributes {dimension_semantics = [#tpu.dimension_semantics<arbitrary>], iteration_bounds = array<i64: 4>, scalar_prefetch = 0 : i64, scratch_operands = 0 : i64, tpu.core_type = #tpu.core_type<tc>, window_params = [{transform_indices = @transform_0, window_bounds = array<i64: 2560, 64>}, {transform_indices = @transform_1, window_bounds = array<i64: 2560, 64>}, {transform_indices = @transform_2, window_bounds = array<i64: 2560, 16>}, {transform_indices = @transform_3, window_bounds = array<i64: 2560, 16>}, {pipeline_mode = #tpu.pipeline_mode<synchronous>, transform_indices = @transform_4, window_bounds = array<i64: 1, 128>}, {transform_indices = @transform_5, window_bounds = array<i64: 2560, 128>}, {pipeline_mode = #tpu.pipeline_mode<synchronous>, transform_indices = @transform_6, window_bounds = array<i64: 64, 128>}, {transform_indices = @transform_7, window_bounds = array<i64: 2560, 128>}]} {
    %get3A = arith.constant 0 : index
    %get3A_0 = arith.constant 0 : index
    %get3A_1 = vector.load %arg1[%get3A, %get3A_0] : memref<2560x64xf32, #tpu.memory_space<vmem>>, vector<2560x64xf32>
    %get3A_2 = arith.constant 0 : index
    %get3A_3 = arith.constant 0 : index
    %get3A_4 = vector.load %arg2[%get3A_2, %get3A_3] : memref<2560x64xf32, #tpu.memory_space<vmem>>, vector<2560x64xf32>
    %add3A = arith.addf %get3A_1, %get3A_4 : vector<2560x64xf32>
    %get3A_5 = arith.constant 0 : index
    %get3A_6 = arith.constant 0 : index
    %get3A_7 = vector.load %arg3[%get3A_5, %get3A_6] : memref<2560x16xf32, #tpu.memory_space<vmem>>, vector<2560x16xf32>
    %get3A_8 = arith.constant 0 : index
    %get3A_9 = arith.constant 0 : index
    %get3A_10 = vector.load %arg4[%get3A_8, %get3A_9] : memref<2560x16xf32, #tpu.memory_space<vmem>>, vector<2560x16xf32>
    %add3A_11 = arith.addf %get3A_7, %get3A_10 : vector<2560x16xf32>
    %reduce_sum3A = arith.constant dense<0.000000e+00> : vector<2560xf32>
    %reduce_sum3A_12 = vector.multi_reduction <add>, %add3A_11, %reduce_sum3A [1] : vector<2560x16xf32> to vector<2560xf32>
    %broadcast_in_dim3A = vector.shape_cast %reduce_sum3A_12 : vector<2560xf32> to vector<2560x1xf32>
    %mul3A = arith.constant 6.250000e-02 : f32
    %mul3A_13 = vector.broadcast %mul3A : f32 to vector<2560x1xf32>
    %mul3A_14 = arith.mulf %broadcast_in_dim3A, %mul3A_13 : vector<2560x1xf32>
    %max3A = arith.constant 1.000000e+00 : f32
    %max3A_15 = vector.broadcast %max3A : f32 to vector<2560x1xf32>
    %max3A_16 = arith.maximumf %mul3A_14, %max3A_15 : vector<2560x1xf32>
    %div3A = vector.broadcast %max3A_16 : vector<2560x1xf32> to vector<2560x64xf32>
    %div3A_17 = arith.divf %add3A, %div3A : vector<2560x64xf32>
    %get3A_18 = arith.constant 0 : index
    %get3A_19 = arith.constant 0 : index
    %get3A_20 = vector.load %arg7[%get3A_18, %get3A_19] : memref<64x128xf32, #tpu.memory_space<vmem>>, vector<64x128xf32>
    %dot_general3A = arith.constant dense<0.000000e+00> : vector<2560x128xf32>
    %dot_general3A_21 = tpu.matmul %div3A_17, %get3A_20, %dot_general3A {dimension_numbers = #tpu.dot_dimension_numbers<[1], [0], [0], [1], [0, 0, 1, 1], [], []>, transpose_lhs_hint = false} : vector<2560x64xf32>, vector<64x128xf32>, vector<2560x128xf32> -> vector<2560x128xf32>
    %get3A_22 = arith.constant 0 : index
    %get3A_23 = arith.constant 0 : index
    %get3A_24 = vector.load %arg5[%get3A_22, %get3A_23] : memref<1x128xf32, #tpu.memory_space<vmem>>, vector<1x128xf32>
    %add3A_25 = vector.broadcast %get3A_24 : vector<1x128xf32> to vector<2560x128xf32>
    %add3A_26 = arith.addf %dot_general3A_21, %add3A_25 : vector<2560x128xf32>
    %get3A_27 = arith.constant 0 : index
    %get3A_28 = arith.constant 0 : index
    %get3A_29 = vector.load %arg6[%get3A_27, %get3A_28] : memref<2560x128xf32, #tpu.memory_space<vmem>>, vector<2560x128xf32>
    %add3A_30 = arith.addf %add3A_26, %get3A_29 : vector<2560x128xf32>
    %mul3A_31 = arith.mulf %add3A_30, %add3A_30 : vector<2560x128xf32>
    %reduce_sum3A_32 = arith.constant dense<0.000000e+00> : vector<2560xf32>
    %reduce_sum3A_33 = vector.multi_reduction <add>, %mul3A_31, %reduce_sum3A_32 [1] : vector<2560x128xf32> to vector<2560xf32>
    %broadcast_in_dim3A_34 = vector.shape_cast %reduce_sum3A_33 : vector<2560xf32> to vector<2560x1xf32>
    %sqrt3A = math.sqrt %broadcast_in_dim3A_34 : vector<2560x1xf32>
    %max3A_35 = arith.constant 9.99999996E-13 : f32
    %max3A_36 = vector.broadcast %max3A_35 : f32 to vector<2560x1xf32>
    %max3A_37 = arith.maximumf %sqrt3A, %max3A_36 : vector<2560x1xf32>
    %div3A_38 = vector.broadcast %max3A_37 : vector<2560x1xf32> to vector<2560x128xf32>
    %div3A_39 = arith.divf %add3A_30, %div3A_38 : vector<2560x128xf32>
    %swap3A = arith.constant 0 : index
    %swap3A_40 = arith.constant 0 : index
    %swap3A_41 = vector.load %arg8[%swap3A, %swap3A_40] : memref<2560x128xf32, #tpu.memory_space<vmem>>, vector<2560x128xf32>
    tpu.vector_store %arg8[%swap3A, %swap3A_40], %div3A_39 {strides = array<i32>} : memref<2560x128xf32, #tpu.memory_space<vmem>>, vector<2560x128xf32>,
    return
  }
  func.func @transform_0(%arg0: i32) -> (i32, i32) {
    %c0_i32 = arith.constant 0 : i32
    %c0_i32_0 = arith.constant 0 : i32
    return %arg0, %c0_i32 : i32, i32
  }
  func.func @transform_1(%arg0: i32) -> (i32, i32) {
    %c0_i32 = arith.constant 0 : i32
    %c0_i32_0 = arith.constant 0 : i32
    return %arg0, %c0_i32 : i32, i32
  }
  func.func @transform_2(%arg0: i32) -> (i32, i32) {
    %c0_i32 = arith.constant 0 : i32
    %c0_i32_0 = arith.constant 0 : i32
    return %arg0, %c0_i32 : i32, i32
  }
  func.func @transform_3(%arg0: i32) -> (i32, i32) {
    %c0_i32 = arith.constant 0 : i32
    %c0_i32_0 = arith.constant 0 : i32
    return %arg0, %c0_i32 : i32, i32
  }
  func.func @transform_4(%arg0: i32) -> (i32, i32) {
    %c0_i32 = arith.constant 0 : i32
    %c0_i32_0 = arith.constant 0 : i32
    %c0_i32_1 = arith.constant 0 : i32
    return %c0_i32, %c0_i32_0 : i32, i32
  }
  func.func @transform_5(%arg0: i32) -> (i32, i32) {
    %c0_i32 = arith.constant 0 : i32
    %c0_i32_0 = arith.constant 0 : i32
    return %arg0, %c0_i32 : i32, i32
  }
  func.func @transform_6(%arg0: i32) -> (i32, i32) {
    %c0_i32 = arith.constant 0 : i32
    %c0_i32_0 = arith.constant 0 : i32
    %c0_i32_1 = arith.constant 0 : i32
    return %c0_i32, %c0_i32_0 : i32, i32
  }
  func.func @transform_7(%arg0: i32) -> (i32, i32) {
    %c0_i32 = arith.constant 0 : i32
    %c0_i32_0 = arith.constant 0 : i32
    return %arg0, %c0_i32 : i32, i32
  }
}

</mosaic_0001>

<sc_bundles>
// kernel: degscatter.3.cloned.1.call-start
scs
__scs_entry_jumppad:
0x0: {  	(pc) =	sbr.rel $0x88, $3  }
0x1: {  	(tag) =	ssettag $0x0;
	lr =	simm.s32 $0x1  }
0x2: {  	[smem:$0x3F91] =	sst lr;
	_ =	strace $0xD0000000  }
0x3: {  	_ = 	snop  }
0x4: {  	_ = 	snop  }
0x5: {  	_ = 	snop  }
0x6: {  	_ = 	snop  }
0x7: {  	_ = 	snop  }
__scs_overlays_trampoline_lowered:
0x8: {  	[smem:$0x3FA0] =	sst s0  }
0x9: {  	[smem:$0x3FA1] =	sst s1  }
0xa: {  	[smem:$0x3FA2] =	sst s2  }
0xb: {  	[smem:$0x3FA3] =	sst s3  }
0xc: {  	[smem:$0x3FA4] =	sst s4  }
0xd: {  	[smem:$0x3FA5] =	sst s5  }
0xe: {  	[smem:$0x3FA6] =	sst s6  }
0xf: {  	[smem:$0x3FA7] =	sst s7  }
0x10: {  	[smem:$0x3FA8] =	sst s8  }
0x11: {  	[smem:$0x3FA9] =	sst s9;
	s0 =	simm.s32 @!p0 $0x0  }
0x12: {  	s1 =	sld [smem:$0x3F8F];
	s0 =	simm.s32 @p0 $0x1  }
0x13: {  	[smem:$0x3FAA] =	sst s0;
	s0 =	simm.s32 @!p1 $0x0  }
0x14: {  	s2 =	sld [smem:$0x3F8E];
	s0 =	simm.s32 @p1 $0x1  }
0x15: {  	[smem:$0x3FAB] =	sst s0;
	s0 =	simm.s32 @!p2 $0x0  }
0x16: {  	s3 =	sld [smem:$0x3FDB];
	s0 =	simm.s32 @p2 $0x1  }
0x17: {  	s4 =	simm.s32 $0x1BF5;
	[smem:$0x3FAD] =	sst s0  }
0x18: {  	s0 =	sld [smem:$0x3F90];
	_ =	swait.ge [sflag:s4], $0x0  }
0x19: {  	s7 =	sld [smem:$0x3F91]  }
0x1a: {  	s8 =	sadd.s32 $0xFFFFE003, lr  }
0x1b: {  	s9 =	sadd.s32 $0xFFFFFEF7, lr;
	s5 =	simm.s32 $0xFFFFFFFF;
	p2 =	slt.u32 s8, $0xFFFFF086  }
0x1c: {  	p1 =	slt.u32 s9, $0xF7A;
	s5 =	simm.s32 @!p2 $0x0  }
0x1d: {  	s5 =	simm.s32 @p1 $0x1;
	p0 =	seq.s32 s7, s2  }
0x1e: {  	s7 =	smul.u32 @!p0 $0xF7A, s2;
	p2 =	seq.s32 @!p0 s5, $0x0  }
0x1f: {  	s9 =	smul.u32 $0xF7A, s1;
	s8 =	simm.s32 @!p0 $0x1BF5;
	p2 =	por !p2, p0  }
0x20: {  	[sflag:s8] =	ssyncset.s32 @!p0 $0xFFFFF086;
	s6 =	sadd.s32 @!p0 s3, s7;
	s7 =	simm.s32 @!p0 $0x108  }
0x21: {  	s3 =	sadd.s32 s3, s9;
	s6 =	sadd.s32 @!p0 $0x88, s6;
	s7 =	simm.s32 @p2 $0x1082  }
0x22: {  	[simem:s7], [sflag:s8] =	dma.local @!p0 [hbm:s6], $0xF7A  }
0x23: {  	s9 =	sor.u32 $0xD0000000, s2;
	s6 =	simm.s32 $0x108;
	_ =	swait.ge @!p0 [sflag:s8], $0x0  }
0x24: {  	s3 =	sadd.s32 $0x88, s3;
	s6 =	simm.s32 @!p1 $0x1082;
	[sflag:s4] =	ssyncset.s32 $0xFFFFF086  }
0x25: {  	[simem:s6], [sflag:s4] =	dma.local [hbm:s3], $0xF7A  }
0x26: {  	[smem:$0x3F91] =	sst s1;
	(tag) =	ssettag s2;
	_ =	strace s9  }
0x27: {  	s1 =	sld [smem:$0x3FA1]  }
0x28: {  	s2 =	sld [smem:$0x3FA2]  }
0x29: {  	s4 =	sld [smem:$0x3FA4]  }
0x2a: {  	p0 =	seq.s32 s5, $0x0;
	s5 =	sld [smem:$0x3FA5]  }
0x2b: {  	s6 =	sld [smem:$0x3FA6]  }
0x2c: {  	s7 =	sld [smem:$0x3FA7]  }
0x2d: {  	s3 =	simm.s32 $0x108;
	s8 =	sld [smem:$0x3FA8]  }
0x2e: {  	s3 =	simm.s32 @!p0 $0x1082;
	s9 =	sld [smem:$0x3FA9]  }
0x2f: {  	lr =	sadd.s32 s0, s3;
	s0 =	sld [smem:$0x3FA0]  }
0x30: {  	s3 =	sld [smem:$0x3FA3]  }
0x31: {  	[smem:$0x3FAC] =	sst s10  }
0x32: {  	s10 =	sld [smem:$0x3FAA];
	_ =	sdelay $0x3  }
0x33: {  	p0 =	seq.s32 s10, $0x1;
	s10 =	sld [smem:$0x3FAC];
	_ =	sdelay $0x3  }
0x34: {  	[smem:$0x3FAC] =	sst s10  }
0x35: {  	s10 =	sld [smem:$0x3FAB];
	_ =	sdelay $0x3  }
0x36: {  	p1 =	seq.s32 s10, $0x1;
	s10 =	sld [smem:$0x3FAC];
	_ =	sdelay $0x3  }
0x37: {  	[smem:$0x3FAC] =	sst s10  }
0x38: {  	s10 =	sld [smem:$0x3FAD]  }
0x39: {  	_ = 	snop;
	(pc) =	sbr.ind lr, $3  }
0x3a: {  	_ = 	snop  }
0x3b: {  	_ = 	snop  }
0x3c: {  	p2 =	seq.s32 s10, $0x1;
	s10 =	sld [smem:$0x3FAC]  }
0x3d: {  	_ =	shalt  }
0x3e: {  	_ =	shalt  }
0x3f: {  	_ =	shalt  }
0x40: {  	_ =	shalt  }
0x41: {  	_ =	shalt  }
0x42: {  	_ =	shalt  }
0x43: {  	_ =	shalt  }
0x44: {  	_ =	shalt  }
0x45: {  	_ =	shalt  }
0x46: {  	_ =	shalt  }
0x47: {  	_ =	shalt  }
0x48: {  	_ =	shalt  }
0x49: {  	_ =	shalt  }
0x4a: {  	_ =	shalt  }
0x4b: {  	_ =	shalt  }
0x4c: {  	_ =	shalt  }
0x4d: {  	_ =	shalt  }
0x4e: {  	_ =	shalt  }
0x4f: {  	_ =	shalt  }
0x50: {  	_ =	shalt  }
0x51: {  	_ =	shalt  }
0x52: {  	_ =	shalt  }
0x53: {  	_ =	shalt  }
0x54: {  	_ =	shalt  }
0x55: {  	_ =	shalt  }
0x56: {  	_ =	shalt  }
0x57: {  	_ =	shalt  }
0x58: {  	_ =	shalt  }
0x59: {  	_ =	shalt  }
0x5a: {  	_ =	shalt  }
0x5b: {  	_ =	shalt  }
0x5c: {  	_ =	shalt  }
0x5d: {  	_ =	shalt  }
0x5e: {  	_ =	shalt  }
0x5f: {  	_ =	shalt  }
0x60: {  	_ =	shalt  }
0x61: {  	_ =	shalt  }
0x62: {  	_ =	shalt  }
0x63: {  	_ =	shalt  }
0x64: {  	_ =	shalt  }
0x65: {  	_ =	shalt  }
0x66: {  	_ =	shalt  }
0x67: {  	_ =	shalt  }
0x68: {  	_ =	shalt  }
0x69: {  	_ =	shalt  }
0x6a: {  	_ =	shalt  }
0x6b: {  	_ =	shalt  }
0x6c: {  	_ =	shalt  }
0x6d: {  	_ =	shalt  }
0x6e: {  	_ =	shalt  }
0x6f: {  	_ =	shalt  }
0x70: {  	_ =	shalt  }
0x71: {  	_ =	shalt  }
0x72: {  	_ =	shalt  }
0x73: {  	_ =	shalt  }
0x74: {  	_ =	shalt  }
0x75: {  	_ =	shalt  }
0x76: {  	_ =	shalt  }
0x77: {  	_ =	shalt  }
0x78: {  	_ =	shalt  }
0x79: {  	_ =	shalt  }
0x7a: {  	_ =	shalt  }
0x7b: {  	_ =	shalt  }
0x7c: {  	_ =	shalt  }
0x7d: {  	_ =	shalt  }
0x7e: {  	_ =	shalt  }
0x7f: {  	_ =	shalt  }
0x80: {  	_ =	shalt  }
0x81: {  	_ =	shalt  }
0x82: {  	_ =	shalt  }
0x83: {  	_ =	shalt  }
0x84: {  	_ =	shalt  }
0x85: {  	_ =	shalt  }
0x86: {  	_ =	shalt  }
0x87: {  	_ =	shalt  }
.Lfunc_end0:
.L_simem_size_0:
called_computation_lowered:
.L_overlay_start_0:
0x88: {  	s2 =	sld [smem:$0x3FD9]  }
0x89: {  	s3 =	sld [smem:$0x3FFE];
	_ =	sdelay $0x1  }
0x8a: {  	s1 =	srdreg.scid  }
0x8b: {  	s0 =	sand.u32 $0x1, s1  }
0x8c: {  	s15 =	sshll.u32 s0, $0xA;
	s2 =	sadd.s32 s3, s2  }
0x8d: {  	s2 =	sadd.s32 s2, s15  }
0x8e: {  	[smem:$0x3FB8] =	sst s2  }
0x8f: {  	_ = 	snop  }
0x90: {  	s2 =	sld [smem:$0x3FD0];
	_ =	sdelay $0x2  }
0x91: {  	s16 =	simm.s32 $0xB;
	s4 =	simm.s32 $0x10  }
0x92: {  	[smem:s4], [sflag:s16] =	dma.local [hbm:s2], $0x1  }
0x93: {  	_ =	swait.eq [sflag:s16], $0x1  }
0x94: {  	[sflag:s16] =	ssyncset.done $0x0  }
0x95: {  	[sflag:s16] =	ssyncadd.s32 $0xFFFFFFFF  }
0x96: {  	s17 =	sld [smem:$0x10];
	(tm) =	ssettm $0x1  }
0x97: {  	s18 =	sld [smem:$0x3FFB];
	_ =	sdelay $0x3  }
0x98: {  	_ =	strace s18  }
0x99: {  	s2 =	sld [smem:$0x3FFC];
	_ =	sdelay $0x3  }
0x9a: {  	_ =	strace s2  }
0x9b: {  	s2 =	sld [smem:$0x3FFD];
	_ =	sdelay $0x3  }
0x9c: {  	_ =	strace s2  }
0x9d: {  	_ =	strace $0x8FFFFFFF  }
0x9e: {  	s19 =	sld [smem:$0x3FDB];
	_ =	sdelay $0x1  }
0x9f: {  	s20 =	simm.s32 $_scs_section_size  }
0xa0: {  	s5 =	simm.s32 $_size__tile_overlayer_lowered;
	s6 =	simm.s32 $_tile_overlayer_lowered  }
0xa1: {  	s7 =	simm.s32 $0x1BFF;
	s21 =	sshll.u32 s6, $0x1;
	s4 =	sadd.s32 s20, s19  }
0xa2: {  	s22 =	simm.s32 $0x0;
	s5 =	sshll.u32 s5, $0x1;
	s6 =	sadd.s32 s21, s4  }
0xa3: {  	[timem:s22], [sflag:s7] =	dma.local [hbm:s6], s5  }
0xa4: {  	_ =	swait.ge [sflag:s7], s5  }
0xa5: {  	s5 =	ssub.s32 $0x0, s5;
	[sflag:s7] =	ssyncset.done $0x0  }
0xa6: {  	[sflag:s7] =	ssyncadd.s32 s5;
	_ =	sdelay $0x1  }
0xa7: {  	s23 =	simm.s32 $0x1B8B  }
0xa8: {  	_ =	swait.ge [sflag:s23], $0x1  }
0xa9: {  	[sflag:s23] =	ssyncset.done $0x0  }
0xaa: {  	[sflag:s23] =	ssyncadd.s32 $0xFFFFFFFF  }
0xab: {  	s5 =	sld [smem:$0x0]  }
0xac: {  	s6 =	sand.u32 $0xFFFFFFFE, s1  }
0xad: {  	p0 =	sne.s32 s1, s6  }
0xae: {  	s6 =	sshll.u32 @p0 s6, $0xE  }
0xaf: {  	s6 =	sadd.s32 @p0 $0x11B8D, s6;
	s7 =	sshll.u32 @p0 s5, $0x11  }
0xb0: {  	s6 =	sor.u32 @p0 s7, s6  }
0xb1: {  	[sflag:s6] =	ssyncadd.remote.s32 @p0 $0x1;
	_ =	sdelay $0x1  }
0xb2: {  	s6 =	simm.s32 @p0 $0x1B8D  }
0xb3: {  	_ =	swait.eq @p0 [sflag:s6], $0x1  }
0xb4: {  	[sflag:s6] =	ssyncadd.s32 @p0 $0xFFFFFFFF  }
0xb5: {  	s7 =	sshll.u32 @!p0 s1, $0xE  }
0xb6: {  	s7 =	sor.u32 @!p0 $0x4000, s7;
	s6 =	simm.s32 @!p0 $0x1B8D  }
0xb7: {  	s5 =	sshll.u32 @!p0 s5, $0x11;
	s7 =	sadd.s32 @!p0 $0x11B8D, s7;
	_ =	swait.eq @!p0 [sflag:s6], $0x1  }
0xb8: {  	s5 =	sor.u32 @!p0 s5, s7;
	[sflag:s6] =	ssyncadd.s32 @!p0 $0xFFFFFFFF  }
0xb9: {  	s25 =	simm.s32 $0x1B8E;
	s24 =	sld [smem:$0x3FFE];
	[sflag:s5] =	ssyncadd.remote.s32 @!p0 $0x1  }
0xba: {  	s26 =	simm.s32 $execute0_lowered;
	[smem:$0x3FD2] =	sst s25  }
0xbb: {  	s6 =	sshll.u32 s26, $0x1;
	_ =	strace $0x80000049;
	[dreg:$0x1] =	wrdreg $0xFFFFFFFF  }
0xbc: {  	s28 =	simm.s32 $_size_execute0_lowered;
	s4 =	sadd.s32 s4, s6;
	[dreg:$0x0] =	wrdreg $0x0  }
0xbd: {  	s6 =	sshll.u32 s28, $0x1;
	[dreg:$0x2] =	wrdreg s4  }
0xbe: {  	[dreg:$0x3] =	wrdreg s6  }
0xbf: {  	[dreg:$0x4] =	wrdreg $0xC0  }
0xc0: {  	_ =	task [dreg:s22], $0x5FFFF  }
0xc1: {  	[dreg:$0x1] =	wrdreg $0xFFFFFFFF  }
0xc2: {  	[dreg:$0x0] =	wrdreg $0x60  }
0xc3: {  	[dreg:$0x2] =	wrdreg s24  }
0xc4: {  	[dreg:$0x3] =	wrdreg s17  }
0xc5: {  	[dreg:$0x4] =	wrdreg $0x32800  }
0xc6: {  	[dreg:$0x5] =	wrdreg $0x9  }
0xc7: {  	_ =	task.clear_ibuf [dreg:s22], $0x6FFFF;
	_ =	strace $0x90000049  }
0xc8: {  	s29 =	simm.s32 $0x9;
	_ =	strace $0x8000004B  }
0xc9: {  	_ =	swait.ge [sflag:s29], $0x1  }
0xca: {  	[sflag:s29] =	ssyncadd.s32 $0xFFFFFFFF  }
0xcb: {  	_ =	strace $0x9000004B  }
0xcc: {  	_ =	sfence  }
0xcd: {  	s30 =	sld [smem:$0x0];
	_ =	sdelay $0x2  }
0xce: {  	s31 =	sshll.u32 s1, $0xD;
	s1 =	sshrl.u32 s1, $0x2  }
0xcf: {  	s4 =	sand.u32 $0x4000, s31;
	s1 =	sadd.s32 s1, s30  }
0xd0: {  	s0 =	sor.u32 s4, s0;
	s1 =	sshll.u32 s1, $0x11  }
0xd1: {  	s0 =	sor.u32 s1, s0  }
0xd2: {  	s0 =	sadd.s32 $0x8F2B, s0  }
0xd3: {  	[sflag:s0] =	ssyncadd.remote.s32 $0x1  }
0xd4: {  	_ =	sfence.sel $0xFFFF  }
0xd5: {  	[dreg:$0x0] =	wrdreg $0xFFFFFFFF;
	(pc) =	sbr.abs _section_cstart, $3  }
0xd6: {  	[dreg:$0x1] =	wrdreg $0xFFFFFFFF  }
0xd7: {  	_ =	task.clear_ibuf [dreg:s22], $0x2FFFF;
	_ =	strace $0x9FFFFFFF  }
0xd8: {  	(tm) =	ssettm $0x7FFFFFFF  }
0xd9: {  	_ =	shalt  }
tec
execute0_lowered:
.L_overlay_start_1:
0x0: {  	(tag) =	ssettag $0x1  }
0x1: {  	s0 =	rddreg [dreg:$0x0]  }
0x2: {  	s20 =	rddreg [dreg:$0x1]  }
0x3: {  	s2 =	rddreg [dreg:$0x2];
	s3 =	srdreg.scid  }
0x4: {  	s1 =	stileid.u32;
	s23 =	simm.s32 $0x3000;
	s24 =	simm.s32 $0x2  }
0x5: {  	s25 =	simm.s32 $0x80;
	s26 =	simm.s32 $0x2800;
	s28 =	simm.s32 $0x1  }
0x6: {  	s29 =	simm.s32 $0x0;
	s16 =	sand.u32 $0x1, s3;
	s5 =	smul.u32 $0xA000, s1  }
0x7: {  	s4 =	sshll.u32 s1, $0x1;
	s3 =	simm.s32 $0x0;
	s22 =	smul.u32 $0x500, s1  }
0x8: {  	s4 =	sor.u32 s16, s4;
	s6 =	ssub.s32 $0x2, s16;
	s31 =	smul.u32 $0x5000, s16  }
0x9: {  	[smem:$0x7FF] =	sst s3;
	s4 =	smul.u32 $0x500, s4;
	s7 =	sshrl.u32 s6, $0x1  }
0xa: {  	_ =	strace $0x8000004A;
	s5 =	sshrl.u32 s5, $0x2;
	s6 =	ssub.s32 s6, s7  }
0xb: {  	s0 =	sadd.s32 s4, s0;
	s4 =	sadd.s32 s5, s2;
	s6 =	smax.u32 s6, $0x1  }
0xc: {  	s5 =	sadd.s32 $0x37200, s0;
	s7 =	sadd.s32 $0x280, s4;
	s8 =	sadd.s32 $0x500, s4  }
0xd: {  	s9 =	sadd.s32 $0x780, s4;
	s10 =	sadd.s32 $0xA00, s4;
	s11 =	sadd.s32 $0xC80, s4  }
0xe: {  	s12 =	sadd.s32 $0xF00, s4;
	s13 =	sadd.s32 $0x1180, s4;
	s14 =	sadd.s32 $0x1400, s4  }
0xf: {  	s15 =	sadd.s32 $0x1680, s4;
	s16 =	sadd.s32 $0x1900, s4;
	s17 =	sadd.s32 $0x1B80, s4  }
0x10: {  	s18 =	sadd.s32 $0x1E00, s4;
	s19 =	sadd.s32 $0x2080, s4;
	s0 =	sadd.s32 s31, s20  }
0x11: {  	v0 =	vimm.f32 $1.000000000e+00;
	v1 =	vimm.f32 $0.0e+00;
	s20 =	sadd.s32 $0x2300, s4;
	s21 =	sadd.s32 $0x2580, s4;
	s22 =	sadd.s32 s22, s0  }
.LBB2_1:
0x12: {  	s30 =	simm.s32 $0x40;
	s0 =	simm.s32 $0x0  }
.LBB2_2:
0x13: {  	p0 =	sne.s32 s30, $0x1FC0;
	[tilespmem:s0+$0x2800] =	vst v0;
	s0 =	smov.u32 s30;
	s30 =	sadd.s32 $0x40, s30  }
.Ltmp0:
0x14: {  	(pc) =	sbr.rel @p0 .LBB2_2-.Ltmp0, $2  }
0x15: {  	_ =	sdelay $0x2  }
0x16: {  	s0 =	sshra.s32 s0, $0x2  }
0x17: {  	[tilespmem:s0+$0x2800] =	vst v0  }
0x18: {  	[tilespmem:$0x3000] =	vst v1  }
0x19: {  	[tilespmem:$0x3010] =	vst v1  }
0x1a: {  	[tilespmem:$0x3020] =	vst v1  }
0x1b: {  	[tilespmem:$0x3030] =	vst v1  }
0x1c: {  	[tilespmem:$0x3040] =	vst v1  }
0x1d: {  	[tilespmem:$0x3050] =	vst v1  }
0x1e: {  	[tilespmem:$0x3060] =	vst v1  }
0x1f: {  	[tilespmem:$0x3070] =	vst v1  }
0x20: {  	[tilespmem:$0x3080] =	vst v1  }
0x21: {  	[tilespmem:$0x3090] =	vst v1  }
0x22: {  	[tilespmem:$0x30A0] =	vst v1  }
0x23: {  	[tilespmem:$0x30B0] =	vst v1  }
0x24: {  	[tilespmem:$0x30C0] =	vst v1  }
0x25: {  	[tilespmem:$0x30D0] =	vst v1  }
0x26: {  	[tilespmem:$0x30E0] =	vst v1  }
0x27: {  	[tilespmem:$0x30F0] =	vst v1  }
0x28: {  	[tilespmem:$0x3100] =	vst v1  }
0x29: {  	[tilespmem:$0x3110] =	vst v1  }
0x2a: {  	[tilespmem:$0x3120] =	vst v1  }
0x2b: {  	[tilespmem:$0x3130] =	vst v1  }
0x2c: {  	[tilespmem:$0x3140] =	vst v1  }
0x2d: {  	[tilespmem:$0x3150] =	vst v1  }
0x2e: {  	[tilespmem:$0x3160] =	vst v1  }
0x2f: {  	[tilespmem:$0x3170] =	vst v1  }
0x30: {  	[tilespmem:$0x3180] =	vst v1  }
0x31: {  	[tilespmem:$0x3190] =	vst v1  }
0x32: {  	[tilespmem:$0x31A0] =	vst v1  }
0x33: {  	[tilespmem:$0x31B0] =	vst v1  }
0x34: {  	[tilespmem:$0x31C0] =	vst v1  }
0x35: {  	[tilespmem:$0x31D0] =	vst v1  }
0x36: {  	[tilespmem:$0x31E0] =	vst v1  }
0x37: {  	[tilespmem:$0x31F0] =	vst v1  }
0x38: {  	[tilespmem:$0x3200] =	vst v1  }
0x39: {  	[tilespmem:$0x3210] =	vst v1  }
0x3a: {  	[tilespmem:$0x3220] =	vst v1  }
0x3b: {  	[tilespmem:$0x3230] =	vst v1  }
0x3c: {  	[tilespmem:$0x3240] =	vst v1  }
0x3d: {  	[tilespmem:$0x3250] =	vst v1  }
0x3e: {  	[tilespmem:$0x3260] =	vst v1  }
0x3f: {  	[tilespmem:$0x3270] =	vst v1  }
0x40: {  	[spmem:s4] =	stream.linear.scatter [tilespmem:s23], [sflag:$0x2], $0x280, $0x38;
	[tilespmem:$0x5A80] =	vst v63  }
0x41: {  	_ =	swait.ge [sflag:s24], $0x280  }
0x42: {  	[sflag:s24] =	ssyncset.done $0x0  }
0x43: {  	[sflag:s24] =	ssyncadd.s32 $0xFFFFFD80  }
0x44: {  	[spmem:s7] =	stream.linear.scatter [tilespmem:s23], [sflag:$0x2], $0x280, $0x38;
	[tilespmem:$0x5A80] =	vst v63  }
0x45: {  	_ =	swait.ge [sflag:s24], $0x280  }
0x46: {  	[sflag:s24] =	ssyncset.done $0x0  }
0x47: {  	[sflag:s24] =	ssyncadd.s32 $0xFFFFFD80  }
0x48: {  	[spmem:s8] =	stream.linear.scatter [tilespmem:s23], [sflag:$0x2], $0x280, $0x38;
	[tilespmem:$0x5A80] =	vst v63  }
0x49: {  	_ =	swait.ge [sflag:s24], $0x280  }
0x4a: {  	[sflag:s24] =	ssyncset.done $0x0  }
0x4b: {  	[sflag:s24] =	ssyncadd.s32 $0xFFFFFD80  }
0x4c: {  	[spmem:s9] =	stream.linear.scatter [tilespmem:s23], [sflag:$0x2], $0x280, $0x38;
	[tilespmem:$0x5A80] =	vst v63  }
0x4d: {  	_ =	swait.ge [sflag:s24], $0x280  }
0x4e: {  	[sflag:s24] =	ssyncset.done $0x0  }
0x4f: {  	[sflag:s24] =	ssyncadd.s32 $0xFFFFFD80  }
0x50: {  	[spmem:s10] =	stream.linear.scatter [tilespmem:s23], [sflag:$0x2], $0x280, $0x38;
	[tilespmem:$0x5A80] =	vst v63  }
0x51: {  	_ =	swait.ge [sflag:s24], $0x280  }
0x52: {  	[sflag:s24] =	ssyncset.done $0x0  }
0x53: {  	[sflag:s24] =	ssyncadd.s32 $0xFFFFFD80  }
0x54: {  	[spmem:s11] =	stream.linear.scatter [tilespmem:s23], [sflag:$0x2], $0x280, $0x38;
	[tilespmem:$0x5A80] =	vst v63  }
0x55: {  	_ =	swait.ge [sflag:s24], $0x280  }
0x56: {  	[sflag:s24] =	ssyncset.done $0x0  }
0x57: {  	[sflag:s24] =	ssyncadd.s32 $0xFFFFFD80  }
0x58: {  	[spmem:s12] =	stream.linear.scatter [tilespmem:s23], [sflag:$0x2], $0x280, $0x38;
	[tilespmem:$0x5A80] =	vst v63  }
0x59: {  	_ =	swait.ge [sflag:s24], $0x280  }
0x5a: {  	[sflag:s24] =	ssyncset.done $0x0  }
0x5b: {  	[sflag:s24] =	ssyncadd.s32 $0xFFFFFD80  }
0x5c: {  	[spmem:s13] =	stream.linear.scatter [tilespmem:s23], [sflag:$0x2], $0x280, $0x38;
	[tilespmem:$0x5A80] =	vst v63  }
0x5d: {  	_ =	swait.ge [sflag:s24], $0x280  }
0x5e: {  	[sflag:s24] =	ssyncset.done $0x0  }
0x5f: {  	[sflag:s24] =	ssyncadd.s32 $0xFFFFFD80  }
0x60: {  	[spmem:s14] =	stream.linear.scatter [tilespmem:s23], [sflag:$0x2], $0x280, $0x38;
	[tilespmem:$0x5A80] =	vst v63  }
0x61: {  	_ =	swait.ge [sflag:s24], $0x280  }
0x62: {  	[sflag:s24] =	ssyncset.done $0x0  }
0x63: {  	[sflag:s24] =	ssyncadd.s32 $0xFFFFFD80  }
0x64: {  	[spmem:s15] =	stream.linear.scatter [tilespmem:s23], [sflag:$0x2], $0x280, $0x38;
	[tilespmem:$0x5A80] =	vst v63  }
0x65: {  	_ =	swait.ge [sflag:s24], $0x280  }
0x66: {  	[sflag:s24] =	ssyncset.done $0x0  }
0x67: {  	[sflag:s24] =	ssyncadd.s32 $0xFFFFFD80  }
0x68: {  	[spmem:s16] =	stream.linear.scatter [tilespmem:s23], [sflag:$0x2], $0x280, $0x38;
	[tilespmem:$0x5A80] =	vst v63  }
0x69: {  	_ =	swait.ge [sflag:s24], $0x280  }
0x6a: {  	[sflag:s24] =	ssyncset.done $0x0  }
0x6b: {  	[sflag:s24] =	ssyncadd.s32 $0xFFFFFD80  }
0x6c: {  	[spmem:s17] =	stream.linear.scatter [tilespmem:s23], [sflag:$0x2], $0x280, $0x38;
	[tilespmem:$0x5A80] =	vst v63  }
0x6d: {  	_ =	swait.ge [sflag:s24], $0x280  }
0x6e: {  	[sflag:s24] =	ssyncset.done $0x0  }
0x6f: {  	[sflag:s24] =	ssyncadd.s32 $0xFFFFFD80  }
0x70: {  	[spmem:s18] =	stream.linear.scatter [tilespmem:s23], [sflag:$0x2], $0x280, $0x38;
	[tilespmem:$0x5A80] =	vst v63  }
0x71: {  	_ =	swait.ge [sflag:s24], $0x280  }
0x72: {  	[sflag:s24] =	ssyncset.done $0x0  }
0x73: {  	[sflag:s24] =	ssyncadd.s32 $0xFFFFFD80  }
0x74: {  	[spmem:s19] =	stream.linear.scatter [tilespmem:s23], [sflag:$0x2], $0x280, $0x38;
	[tilespmem:$0x5A80] =	vst v63  }
0x75: {  	_ =	swait.ge [sflag:s24], $0x280  }
0x76: {  	[sflag:s24] =	ssyncset.done $0x0  }
0x77: {  	[sflag:s24] =	ssyncadd.s32 $0xFFFFFD80  }
0x78: {  	[spmem:s20] =	stream.linear.scatter [tilespmem:s23], [sflag:$0x2], $0x280, $0x38;
	[tilespmem:$0x5A80] =	vst v63  }
0x79: {  	_ =	swait.ge [sflag:s24], $0x280  }
0x7a: {  	[sflag:s24] =	ssyncset.done $0x0  }
0x7b: {  	[sflag:s24] =	ssyncadd.s32 $0xFFFFFD80  }
0x7c: {  	[spmem:s21] =	stream.linear.scatter [tilespmem:s23], [sflag:$0x2], $0x280, $0x38;
	[tilespmem:$0x5A80] =	vst v63  }
0x7d: {  	_ =	swait.ge [sflag:s24], $0x280  }
0x7e: {  	[sflag:s24] =	ssyncset.done $0x0  }
0x7f: {  	s1 =	simm.s32 $0x0;
	[sflag:s24] =	ssyncadd.s32 $0xFFFFFD80  }
0x80: {  	[tilespmem:s1], [sflag:$0x2] =	stream.linear.gather [hbm4b:s5+s1], $0x2800, $0x38;
	[tilespmem:$0x5A80] =	vst v63  }
0x81: {  	_ =	swait.ge [sflag:s24], $0x2800  }
0x82: {  	[sflag:s24] =	ssyncset.done $0x0  }
0x83: {  	[sflag:s24] =	ssyncadd.s32 $0xFFFFD800  }
0x84: {  	s1 =	simm.s32 $0x0;
	[bflag:$0x0] =	sbarrier.arrive $0xFFFF  }
0x85: {  	[spmem:s2] =	stream.indirect.scatter.add.f32 [tilespmem:s26], [sflag:$0x1], $0x10, s1, s25, $0xb8;
	[tilespmem:$0x5A80] =	vst v63  }
0x86: {  	s1 =	simm.s32 $0x80  }
0x87: {  	[spmem:s2] =	stream.indirect.scatter.add.f32 [tilespmem:s26], [sflag:$0x1], $0x10, s1, s25, $0xb8;
	[tilespmem:$0x5A80] =	vst v63  }
0x88: {  	s1 =	simm.s32 $0x100  }
0x89: {  	[spmem:s2] =	stream.indirect.scatter.add.f32 [tilespmem:s26], [sflag:$0x1], $0x10, s1, s25, $0xb8;
	[tilespmem:$0x5A80] =	vst v63  }
0x8a: {  	s1 =	simm.s32 $0x180  }
0x8b: {  	[spmem:s2] =	stream.indirect.scatter.add.f32 [tilespmem:s26], [sflag:$0x1], $0x10, s1, s25, $0xb8;
	[tilespmem:$0x5A80] =	vst v63  }
0x8c: {  	s1 =	simm.s32 $0x200  }
0x8d: {  	[spmem:s2] =	stream.indirect.scatter.add.f32 [tilespmem:s26], [sflag:$0x1], $0x10, s1, s25, $0xb8;
	[tilespmem:$0x5A80] =	vst v63  }
0x8e: {  	s1 =	simm.s32 $0x280  }
0x8f: {  	[spmem:s2] =	stream.indirect.scatter.add.f32 [tilespmem:s26], [sflag:$0x1], $0x10, s1, s25, $0xb8;
	[tilespmem:$0x5A80] =	vst v63  }
0x90: {  	s1 =	simm.s32 $0x300  }
0x91: {  	[spmem:s2] =	stream.indirect.scatter.add.f32 [tilespmem:s26], [sflag:$0x1], $0x10, s1, s25, $0xb8;
	[tilespmem:$0x5A80] =	vst v63  }
0x92: {  	s1 =	simm.s32 $0x380  }
0x93: {  	[spmem:s2] =	stream.indirect.scatter.add.f32 [tilespmem:s26], [sflag:$0x1], $0x10, s1, s25, $0xb8;
	[tilespmem:$0x5A80] =	vst v63  }
0x94: {  	_ =	swait.ge [sflag:s28], $0x800  }
0x95: {  	[sflag:s28] =	ssyncset.done $0x0  }
0x96: {  	[sflag:s28] =	ssyncadd.s32 $0xFFFFF800  }
0x97: {  	_ =	swait.ge [sflag:s28], $0x800  }
0x98: {  	[sflag:s28] =	ssyncset.done $0x0  }
0x99: {  	[sflag:s28] =	ssyncadd.s32 $0xFFFFF800  }
0x9a: {  	_ =	swait.ge [sflag:s28], $0x800  }
0x9b: {  	[sflag:s28] =	ssyncset.done $0x0  }
0x9c: {  	[sflag:s28] =	ssyncadd.s32 $0xFFFFF800  }
0x9d: {  	_ =	swait.ge [sflag:s28], $0x800  }
0x9e: {  	[sflag:s28] =	ssyncset.done $0x0  }
0x9f: {  	[sflag:s28] =	ssyncadd.s32 $0xFFFFF800  }
0xa0: {  	_ =	swait.ge [sflag:s28], $0x800  }
0xa1: {  	[sflag:s28] =	ssyncset.done $0x0  }
0xa2: {  	[sflag:s28] =	ssyncadd.s32 $0xFFFFF800  }
0xa3: {  	_ =	swait.ge [sflag:s28], $0x800  }
0xa4: {  	[sflag:s28] =	ssyncset.done $0x0  }
0xa5: {  	[sflag:s28] =	ssyncadd.s32 $0xFFFFF800  }
0xa6: {  	_ =	swait.ge [sflag:s28], $0x800  }
0xa7: {  	[sflag:s28] =	ssyncset.done $0x0  }
0xa8: {  	[sflag:s28] =	ssyncadd.s32 $0xFFFFF800  }
0xa9: {  	_ =	swait.ge [sflag:s28], $0x800  }
0xaa: {  	s30 =	simm.s32 $0x1000;
	s31 =	simm.s32 $0x2000;
	[sflag:s28] =	ssyncset.done $0x0  }
.LBB2_4:
0xab: {  	s1 =	sshra.s32 s30, $0x2  }
0xac: {  	[sflag:s28] =	ssyncadd.s32 $0xFFFFF800;
	s30 =	smov.u32 s31;
	s0 =	sadd.s32 $0x1000, s31  }
0xad: {  	[spmem:s2] =	stream.indirect.scatter.add.f32 [tilespmem:s26], [sflag:$0x1], $0x10, s1, s25, $0xb8;
	[tilespmem:$0x5A80] =	vst v63  }
0xae: {  	p0 =	sne.s32 s31, $0x9000;
	s31 =	sadd.s32 $0x80, s1  }
0xaf: {  	[spmem:s2] =	stream.indirect.scatter.add.f32 [tilespmem:s26], [sflag:$0x1], $0x10, s31, s25, $0xb8;
	[tilespmem:$0x5A80] =	vst v63  }
0xb0: {  	s31 =	sadd.s32 $0x100, s1  }
0xb1: {  	[spmem:s2] =	stream.indirect.scatter.add.f32 [tilespmem:s26], [sflag:$0x1], $0x10, s31, s25, $0xb8;
	[tilespmem:$0x5A80] =	vst v63  }
0xb2: {  	s31 =	sadd.s32 $0x180, s1  }
0xb3: {  	[spmem:s2] =	stream.indirect.scatter.add.f32 [tilespmem:s26], [sflag:$0x1], $0x10, s31, s25, $0xb8;
	[tilespmem:$0x5A80] =	vst v63  }
0xb4: {  	s31 =	sadd.s32 $0x200, s1  }
0xb5: {  	[spmem:s2] =	stream.indirect.scatter.add.f32 [tilespmem:s26], [sflag:$0x1], $0x10, s31, s25, $0xb8;
	[tilespmem:$0x5A80] =	vst v63  }
0xb6: {  	s31 =	sadd.s32 $0x280, s1  }
0xb7: {  	[spmem:s2] =	stream.indirect.scatter.add.f32 [tilespmem:s26], [sflag:$0x1], $0x10, s31, s25, $0xb8;
	[tilespmem:$0x5A80] =	vst v63  }
0xb8: {  	s31 =	sadd.s32 $0x300, s1  }
0xb9: {  	[spmem:s2] =	stream.indirect.scatter.add.f32 [tilespmem:s26], [sflag:$0x1], $0x10, s31, s25, $0xb8;
	[tilespmem:$0x5A80] =	vst v63  }
0xba: {  	s1 =	sadd.s32 $0x380, s1  }
0xbb: {  	[spmem:s2] =	stream.indirect.scatter.add.f32 [tilespmem:s26], [sflag:$0x1], $0x10, s1, s25, $0xb8;
	[tilespmem:$0x5A80] =	vst v63  }
0xbc: {  	_ =	swait.ge [sflag:s28], $0x800  }
0xbd: {  	[sflag:s28] =	ssyncset.done $0x0  }
0xbe: {  	[sflag:s28] =	ssyncadd.s32 $0xFFFFF800  }
0xbf: {  	_ =	swait.ge [sflag:s28], $0x800  }
0xc0: {  	[sflag:s28] =	ssyncset.done $0x0  }
0xc1: {  	[sflag:s28] =	ssyncadd.s32 $0xFFFFF800  }
0xc2: {  	_ =	swait.ge [sflag:s28], $0x800  }
0xc3: {  	[sflag:s28] =	ssyncset.done $0x0  }
0xc4: {  	[sflag:s28] =	ssyncadd.s32 $0xFFFFF800  }
0xc5: {  	_ =	swait.ge [sflag:s28], $0x800  }
0xc6: {  	[sflag:s28] =	ssyncset.done $0x0  }
0xc7: {  	[sflag:s28] =	ssyncadd.s32 $0xFFFFF800  }
0xc8: {  	_ =	swait.ge [sflag:s28], $0x800  }
0xc9: {  	[sflag:s28] =	ssyncset.done $0x0  }
0xca: {  	[sflag:s28] =	ssyncadd.s32 $0xFFFFF800  }
0xcb: {  	_ =	swait.ge [sflag:s28], $0x800  }
0xcc: {  	[sflag:s28] =	ssyncset.done $0x0  }
0xcd: {  	[sflag:s28] =	ssyncadd.s32 $0xFFFFF800  }
.Ltmp1:
0xce: {  	_ =	swait.ge [sflag:s28], $0x800;
	(pc) =	sbr.rel @p0 .LBB2_4-.Ltmp1, $4  }
0xcf: {  	[sflag:s28] =	ssyncset.done $0x0  }
0xd0: {  	[sflag:s28] =	ssyncadd.s32 $0xFFFFF800  }
0xd1: {  	_ =	swait.ge [sflag:s28], $0x800  }
0xd2: {  	s31 =	smov.u32 s0;
	[sflag:s28] =	ssyncset.done $0x0  }
0xd3: {  	s0 =	sshra.s32 s30, $0x2;
	[sflag:s28] =	ssyncadd.s32 $0xFFFFF800  }
0xd4: {  	[spmem:s2] =	stream.indirect.scatter.add.f32 [tilespmem:s26], [sflag:$0x1], $0x10, s0, s25, $0xb8;
	[tilespmem:$0x5A80] =	vst v63  }
0xd5: {  	s1 =	sadd.s32 $0x80, s0  }
0xd6: {  	[spmem:s2] =	stream.indirect.scatter.add.f32 [tilespmem:s26], [sflag:$0x1], $0x10, s1, s25, $0xb8;
	[tilespmem:$0x5A80] =	vst v63  }
0xd7: {  	s1 =	sadd.s32 $0x100, s0  }
0xd8: {  	[spmem:s2] =	stream.indirect.scatter.add.f32 [tilespmem:s26], [sflag:$0x1], $0x10, s1, s25, $0xb8;
	[tilespmem:$0x5A80] =	vst v63  }
0xd9: {  	s1 =	sadd.s32 $0x180, s0  }
0xda: {  	[spmem:s2] =	stream.indirect.scatter.add.f32 [tilespmem:s26], [sflag:$0x1], $0x10, s1, s25, $0xb8;
	[tilespmem:$0x5A80] =	vst v63  }
0xdb: {  	s1 =	sadd.s32 $0x200, s0  }
0xdc: {  	[spmem:s2] =	stream.indirect.scatter.add.f32 [tilespmem:s26], [sflag:$0x1], $0x10, s1, s25, $0xb8;
	[tilespmem:$0x5A80] =	vst v63  }
0xdd: {  	s1 =	sadd.s32 $0x280, s0  }
0xde: {  	[spmem:s2] =	stream.indirect.scatter.add.f32 [tilespmem:s26], [sflag:$0x1], $0x10, s1, s25, $0xb8;
	[tilespmem:$0x5A80] =	vst v63  }
0xdf: {  	s1 =	sadd.s32 $0x300, s0  }
0xe0: {  	[spmem:s2] =	stream.indirect.scatter.add.f32 [tilespmem:s26], [sflag:$0x1], $0x10, s1, s25, $0xb8;
	[tilespmem:$0x5A80] =	vst v63  }
0xe1: {  	s0 =	sadd.s32 $0x380, s0  }
0xe2: {  	[spmem:s2] =	stream.indirect.scatter.add.f32 [tilespmem:s26], [sflag:$0x1], $0x10, s0, s25, $0xb8;
	[tilespmem:$0x5A80] =	vst v63  }
0xe3: {  	_ =	swait.ge [sflag:s28], $0x800  }
0xe4: {  	[sflag:s28] =	ssyncset.done $0x0  }
0xe5: {  	[sflag:s28] =	ssyncadd.s32 $0xFFFFF800  }
0xe6: {  	_ =	swait.ge [sflag:s28], $0x800  }
0xe7: {  	[sflag:s28] =	ssyncset.done $0x0  }
0xe8: {  	[sflag:s28] =	ssyncadd.s32 $0xFFFFF800  }
0xe9: {  	_ =	swait.ge [sflag:s28], $0x800  }
0xea: {  	[sflag:s28] =	ssyncset.done $0x0  }
0xeb: {  	[sflag:s28] =	ssyncadd.s32 $0xFFFFF800  }
0xec: {  	_ =	swait.ge [sflag:s28], $0x800  }
0xed: {  	[sflag:s28] =	ssyncset.done $0x0  }
0xee: {  	[sflag:s28] =	ssyncadd.s32 $0xFFFFF800  }
0xef: {  	_ =	swait.ge [sflag:s28], $0x800  }
0xf0: {  	[sflag:s28] =	ssyncset.done $0x0  }
0xf1: {  	[sflag:s28] =	ssyncadd.s32 $0xFFFFF800  }
0xf2: {  	_ =	swait.ge [sflag:s28], $0x800  }
0xf3: {  	[sflag:s28] =	ssyncset.done $0x0  }
0xf4: {  	[sflag:s28] =	ssyncadd.s32 $0xFFFFF800  }
0xf5: {  	_ =	swait.ge [sflag:s28], $0x800  }
0xf6: {  	[sflag:s28] =	ssyncset.done $0x0  }
0xf7: {  	[sflag:s28] =	ssyncadd.s32 $0xFFFFF800  }
0xf8: {  	_ =	swait.ge [sflag:s28], $0x800  }
0xf9: {  	[sflag:s28] =	ssyncset.done $0x0  }
0xfa: {  	[sflag:s28] =	ssyncadd.s32 $0xFFFFF800  }
0xfb: {  	[bflag:$0x0] =	sbarrier.arrive $0xFFFF  }
0xfc: {  	[tilespmem:s23], [sflag:$0x2] =	stream.linear.gather [spmem:s4], $0x280, $0x38;
	[tilespmem:$0x5A80] =	vst v63  }
0xfd: {  	_ =	swait.ge [sflag:s24], $0x280  }
0xfe: {  	[sflag:s24] =	ssyncset.done $0x0  }
0xff: {  	s1 =	sadd.s32 $0x0, s22;
	[sflag:s24] =	ssyncadd.s32 $0xFFFFFD80  }
0x100: {  	[hbm4b:s1+s3] =	stream.linear.scatter [tilespmem:s23], [sflag:$0x2], $0x280, $0x38;
	[tilespmem:$0x5A80] =	vst v63  }
0x101: {  	_ =	swait.ge [sflag:s24], $0x280  }
0x102: {  	s30 =	simm.s32 $0x50;
	s31 =	smov.u32 s4;
	[sflag:s24] =	ssyncset.done $0x0  }
.LBB2_6:
0x103: {  	p0 =	sne.s32 s30, $0x4B0;
	[sflag:s24] =	ssyncadd.s32 $0xFFFFFD80;
	s31 =	sadd.s32 $0x280, s31  }
0x104: {  	[tilespmem:s23], [sflag:$0x2] =	stream.linear.gather [spmem:s31], $0x280, $0x38;
	[tilespmem:$0x5A80] =	vst v63  }
0x105: {  	s0 =	smov.u32 s30;
	s30 =	sadd.s32 $0x50, s30;
	_ =	swait.ge [sflag:s24], $0x280  }
.Ltmp2:
0x106: {  	[sflag:s24] =	ssyncset.done $0x0;
	(pc) =	sbr.rel @p0 .LBB2_6-.Ltmp2, $4  }
0x107: {  	s0 =	sadd.s32 s0, s22;
	[sflag:s24] =	ssyncadd.s32 $0xFFFFFD80  }
0x108: {  	[hbm4b:s0+s3] =	stream.linear.scatter [tilespmem:s23], [sflag:$0x2], $0x280, $0x38;
	[tilespmem:$0x5A80] =	vst v63  }
0x109: {  	_ =	swait.ge [sflag:s24], $0x280  }
0x10a: {  	[sflag:s24] =	ssyncset.done $0x0  }
0x10b: {  	s29 =	sadd.s32 $0x1, s29  }
0x10c: {  	p0 =	sne.s32 s29, s6  }
.Ltmp3:
0x10d: {  	_ = 	snop;
	(pc) =	sbr.rel @p0 .LBB2_1-.Ltmp3, $2  }
0x10e: {  	_ =	sdelay $0x2  }
0x10f: {  	[sflag:s24] =	ssyncadd.s32 $0xFFFFFD80  }
0x110: {  	_ =	sfence.sel $0x180000  }
0x111: {  	[bflag:$0x0] =	sbarrier.arrive $0xFFFF  }
0x112: {  	_ =	strace $0x9000004A  }
0x113: {  	s0 =	stileid.u32;
	[bflag:$0x2] =	sbarrier.arrive $0xFFFF  }
0x114: {  	p0 =	sne.s32 s0, $0x0;
	s0 =	rddreg [dreg:$0x3]  }
0x115: {  	s0 =	sadd.s32 @!p0 $0x100000, s0  }
0x116: {  	[sflag:s0] =	ssyncadd.tile.s32 @!p0 $0x1;
	_ =	shalt  }
.Lfunc_end2:
_tile_overlayer_lowered:
.L_overlay_start_2:
0x117: {  	(tag) =	ssettag $0x2  }
0x118: {  	s0 =	rddreg [dreg:$0x0];
	s2 =	stileid.u32  }
0x119: {  	s1 =	rddreg [dreg:$0x1];
	p0 =	sne.s32 s2, $0x0  }
0x11a: {  	s3 =	rddreg [dreg:$0x2];
	[bflag:$0x3] =	sbarrier.arrive $0xFFFF;
	s2 =	simm.s32 @!p0 $0x1C02  }
0x11b: {  	[timem:s3], [sflag:s2] =	dma.local @!p0 [hbm:s0], s1  }
0x11c: {  	s0 =	simm.s32 @!p0 $0x2  }
0x11d: {  	_ =	swait.ge @!p0 [sflag:s0], s1  }
0x11e: {  	s1 =	ssub.s32 @!p0 $0x0, s1;
	[sflag:s0] =	ssyncset.done @!p0 $0x0  }
0x11f: {  	[sflag:s0] =	ssyncadd.s32 @!p0 s1  }
0x120: {  	[bflag:$0x3] =	sbarrier.arrive $0xFFFF  }
0x121: {  	_ =	shalt  }

// kernel: segsum64.12.cloned.1.call-start
scs
__scs_entry_jumppad:
0x0: {  	(pc) =	sbr.rel $0x88, $3  }
0x1: {  	(tag) =	ssettag $0x0;
	lr =	simm.s32 $0x1  }
0x2: {  	[smem:$0x3F91] =	sst lr;
	_ =	strace $0xD0000000  }
0x3: {  	_ = 	snop  }
0x4: {  	_ = 	snop  }
0x5: {  	_ = 	snop  }
0x6: {  	_ = 	snop  }
0x7: {  	_ = 	snop  }
__scs_overlays_trampoline_lowered:
0x8: {  	[smem:$0x3FA0] =	sst s0  }
0x9: {  	[smem:$0x3FA1] =	sst s1  }
0xa: {  	[smem:$0x3FA2] =	sst s2  }
0xb: {  	[smem:$0x3FA3] =	sst s3  }
0xc: {  	[smem:$0x3FA4] =	sst s4  }
0xd: {  	[smem:$0x3FA5] =	sst s5  }
0xe: {  	[smem:$0x3FA6] =	sst s6  }
0xf: {  	[smem:$0x3FA7] =	sst s7  }
0x10: {  	[smem:$0x3FA8] =	sst s8  }
0x11: {  	[smem:$0x3FA9] =	sst s9;
	s0 =	simm.s32 @!p0 $0x0  }
0x12: {  	s1 =	sld [smem:$0x3F8F];
	s0 =	simm.s32 @p0 $0x1  }
0x13: {  	[smem:$0x3FAA] =	sst s0;
	s0 =	simm.s32 @!p1 $0x0  }
0x14: {  	s2 =	sld [smem:$0x3F8E];
	s0 =	simm.s32 @p1 $0x1  }
0x15: {  	[smem:$0x3FAB] =	sst s0;
	s0 =	simm.s32 @!p2 $0x0  }
0x16: {  	s3 =	sld [smem:$0x3FDB];
	s0 =	simm.s32 @p2 $0x1  }
0x17: {  	s4 =	simm.s32 $0x1BF5;
	[smem:$0x3FAD] =	sst s0  }
0x18: {  	s0 =	sld [smem:$0x3F90];
	_ =	swait.ge [sflag:s4], $0x0  }
0x19: {  	s7 =	sld [smem:$0x3F91]  }
0x1a: {  	s8 =	sadd.s32 $0xFFFFE003, lr  }
0x1b: {  	s9 =	sadd.s32 $0xFFFFFEF7, lr;
	s5 =	simm.s32 $0xFFFFFFFF;
	p2 =	slt.u32 s8, $0xFFFFF086  }
0x1c: {  	p1 =	slt.u32 s9, $0xF7A;
	s5 =	simm.s32 @!p2 $0x0  }
0x1d: {  	s5 =	simm.s32 @p1 $0x1;
	p0 =	seq.s32 s7, s2  }
0x1e: {  	s7 =	smul.u32 @!p0 $0xF7A, s2;
	p2 =	seq.s32 @!p0 s5, $0x0  }
0x1f: {  	s9 =	smul.u32 $0xF7A, s1;
	s8 =	simm.s32 @!p0 $0x1BF5;
	p2 =	por !p2, p0  }
0x20: {  	[sflag:s8] =	ssyncset.s32 @!p0 $0xFFFFF086;
	s6 =	sadd.s32 @!p0 s3, s7;
	s7 =	simm.s32 @!p0 $0x108  }
0x21: {  	s3 =	sadd.s32 s3, s9;
	s6 =	sadd.s32 @!p0 $0x88, s6;
	s7 =	simm.s32 @p2 $0x1082  }
0x22: {  	[simem:s7], [sflag:s8] =	dma.local @!p0 [hbm:s6], $0xF7A  }
0x23: {  	s9 =	sor.u32 $0xD0000000, s2;
	s6 =	simm.s32 $0x108;
	_ =	swait.ge @!p0 [sflag:s8], $0x0  }
0x24: {  	s3 =	sadd.s32 $0x88, s3;
	s6 =	simm.s32 @!p1 $0x1082;
	[sflag:s4] =	ssyncset.s32 $0xFFFFF086  }
0x25: {  	[simem:s6], [sflag:s4] =	dma.local [hbm:s3], $0xF7A  }
0x26: {  	[smem:$0x3F91] =	sst s1;
	(tag) =	ssettag s2;
	_ =	strace s9  }
0x27: {  	s1 =	sld [smem:$0x3FA1]  }
0x28: {  	s2 =	sld [smem:$0x3FA2]  }
0x29: {  	s4 =	sld [smem:$0x3FA4]  }
0x2a: {  	p0 =	seq.s32 s5, $0x0;
	s5 =	sld [smem:$0x3FA5]  }
0x2b: {  	s6 =	sld [smem:$0x3FA6]  }
0x2c: {  	s7 =	sld [smem:$0x3FA7]  }
0x2d: {  	s3 =	simm.s32 $0x108;
	s8 =	sld [smem:$0x3FA8]  }
0x2e: {  	s3 =	simm.s32 @!p0 $0x1082;
	s9 =	sld [smem:$0x3FA9]  }
0x2f: {  	lr =	sadd.s32 s0, s3;
	s0 =	sld [smem:$0x3FA0]  }
0x30: {  	s3 =	sld [smem:$0x3FA3]  }
0x31: {  	[smem:$0x3FAC] =	sst s10  }
0x32: {  	s10 =	sld [smem:$0x3FAA];
	_ =	sdelay $0x3  }
0x33: {  	p0 =	seq.s32 s10, $0x1;
	s10 =	sld [smem:$0x3FAC];
	_ =	sdelay $0x3  }
0x34: {  	[smem:$0x3FAC] =	sst s10  }
0x35: {  	s10 =	sld [smem:$0x3FAB];
	_ =	sdelay $0x3  }
0x36: {  	p1 =	seq.s32 s10, $0x1;
	s10 =	sld [smem:$0x3FAC];
	_ =	sdelay $0x3  }
0x37: {  	[smem:$0x3FAC] =	sst s10  }
0x38: {  	s10 =	sld [smem:$0x3FAD]  }
0x39: {  	_ = 	snop;
	(pc) =	sbr.ind lr, $3  }
0x3a: {  	_ = 	snop  }
0x3b: {  	_ = 	snop  }
0x3c: {  	p2 =	seq.s32 s10, $0x1;
	s10 =	sld [smem:$0x3FAC]  }
0x3d: {  	_ =	shalt  }
0x3e: {  	_ =	shalt  }
0x3f: {  	_ =	shalt  }
0x40: {  	_ =	shalt  }
0x41: {  	_ =	shalt  }
0x42: {  	_ =	shalt  }
0x43: {  	_ =	shalt  }
0x44: {  	_ =	shalt  }
0x45: {  	_ =	shalt  }
0x46: {  	_ =	shalt  }
0x47: {  	_ =	shalt  }
0x48: {  	_ =	shalt  }
0x49: {  	_ =	shalt  }
0x4a: {  	_ =	shalt  }
0x4b: {  	_ =	shalt  }
0x4c: {  	_ =	shalt  }
0x4d: {  	_ =	shalt  }
0x4e: {  	_ =	shalt  }
0x4f: {  	_ =	shalt  }
0x50: {  	_ =	shalt  }
0x51: {  	_ =	shalt  }
0x52: {  	_ =	shalt  }
0x53: {  	_ =	shalt  }
0x54: {  	_ =	shalt  }
0x55: {  	_ =	shalt  }
0x56: {  	_ =	shalt  }
0x57: {  	_ =	shalt  }
0x58: {  	_ =	shalt  }
0x59: {  	_ =	shalt  }
0x5a: {  	_ =	shalt  }
0x5b: {  	_ =	shalt  }
0x5c: {  	_ =	shalt  }
0x5d: {  	_ =	shalt  }
0x5e: {  	_ =	shalt  }
0x5f: {  	_ =	shalt  }
0x60: {  	_ =	shalt  }
0x61: {  	_ =	shalt  }
0x62: {  	_ =	shalt  }
0x63: {  	_ =	shalt  }
0x64: {  	_ =	shalt  }
0x65: {  	_ =	shalt  }
0x66: {  	_ =	shalt  }
0x67: {  	_ =	shalt  }
0x68: {  	_ =	shalt  }
0x69: {  	_ =	shalt  }
0x6a: {  	_ =	shalt  }
0x6b: {  	_ =	shalt  }
0x6c: {  	_ =	shalt  }
0x6d: {  	_ =	shalt  }
0x6e: {  	_ =	shalt  }
0x6f: {  	_ =	shalt  }
0x70: {  	_ =	shalt  }
0x71: {  	_ =	shalt  }
0x72: {  	_ =	shalt  }
0x73: {  	_ =	shalt  }
0x74: {  	_ =	shalt  }
0x75: {  	_ =	shalt  }
0x76: {  	_ =	shalt  }
0x77: {  	_ =	shalt  }
0x78: {  	_ =	shalt  }
0x79: {  	_ =	shalt  }
0x7a: {  	_ =	shalt  }
0x7b: {  	_ =	shalt  }
0x7c: {  	_ =	shalt  }
0x7d: {  	_ =	shalt  }
0x7e: {  	_ =	shalt  }
0x7f: {  	_ =	shalt  }
0x80: {  	_ =	shalt  }
0x81: {  	_ =	shalt  }
0x82: {  	_ =	shalt  }
0x83: {  	_ =	shalt  }
0x84: {  	_ =	shalt  }
0x85: {  	_ =	shalt  }
0x86: {  	_ =	shalt  }
0x87: {  	_ =	shalt  }
.Lfunc_end0:
.L_simem_size_0:
called_computation.3_lowered:
.L_overlay_start_0:
0x88: {  	s2 =	sld [smem:$0x3FD9]  }
0x89: {  	s3 =	sld [smem:$0x3FFE];
	_ =	sdelay $0x1  }
0x8a: {  	s1 =	srdreg.scid  }
0x8b: {  	s0 =	sand.u32 $0x1, s1  }
0x8c: {  	s14 =	sshll.u32 s0, $0xA;
	s2 =	sadd.s32 s3, s2  }
0x8d: {  	s2 =	sadd.s32 s2, s14  }
0x8e: {  	[smem:$0x3FB8] =	sst s2  }
0x8f: {  	_ = 	snop  }
0x90: {  	s2 =	sld [smem:$0x3FD0];
	_ =	sdelay $0x2  }
0x91: {  	s15 =	simm.s32 $0xB;
	s4 =	simm.s32 $0x10  }
0x92: {  	[smem:s4], [sflag:s15] =	dma.local [hbm:s2], $0x1  }
0x93: {  	_ =	swait.eq [sflag:s15], $0x1  }
0x94: {  	[sflag:s15] =	ssyncset.done $0x0  }
0x95: {  	[sflag:s15] =	ssyncadd.s32 $0xFFFFFFFF  }
0x96: {  	s16 =	sld [smem:$0x11];
	(tm) =	ssettm $0x1  }
0x97: {  	s17 =	sld [smem:$0x3FFB];
	_ =	sdelay $0x3  }
0x98: {  	_ =	strace s17  }
0x99: {  	s3 =	sld [smem:$0x3FFC];
	_ =	sdelay $0x3  }
0x9a: {  	_ =	strace s3  }
0x9b: {  	s3 =	sld [smem:$0x3FFD];
	_ =	sdelay $0x3  }
0x9c: {  	_ =	strace s3  }
0x9d: {  	_ =	strace $0x8FFFFFFF  }
0x9e: {  	s18 =	sld [smem:$0x3FDB];
	_ =	sdelay $0x1  }
0x9f: {  	s19 =	simm.s32 $_scs_section_size  }
0xa0: {  	s5 =	simm.s32 $_size__tile_overlayer_lowered;
	s6 =	simm.s32 $_tile_overlayer_lowered  }
0xa1: {  	s22 =	simm.s32 $0x1BFF;
	s21 =	sshll.u32 s6, $0x1;
	s3 =	sadd.s32 s19, s18  }
0xa2: {  	s7 =	simm.s32 $0x0;
	s20 =	sshll.u32 s5, $0x1;
	s5 =	sadd.s32 s21, s3  }
0xa3: {  	[timem:s7], [sflag:s22] =	dma.local [hbm:s5], s20  }
0xa4: {  	_ =	swait.ge [sflag:s22], s20  }
0xa5: {  	s4 =	ssub.s32 $0x0, s20;
	[sflag:s22] =	ssyncset.done $0x0  }
0xa6: {  	[sflag:s22] =	ssyncadd.s32 s4;
	_ =	sdelay $0x1  }
0xa7: {  	s23 =	simm.s32 $0x1B8B  }
0xa8: {  	_ =	swait.ge [sflag:s23], $0x1  }
0xa9: {  	[sflag:s23] =	ssyncset.done $0x0  }
0xaa: {  	s25 =	simm.s32 $0x1B8E;
	s24 =	sld [smem:$0x3FFE];
	[sflag:s23] =	ssyncadd.s32 $0xFFFFFFFF  }
0xab: {  	s26 =	simm.s32 $execute0_lowered;
	[smem:$0x3FD2] =	sst s25  }
0xac: {  	s5 =	sshll.u32 s26, $0x1;
	_ =	strace $0x8000004F;
	[dreg:$0x1] =	wrdreg $0xFFFFFFFF  }
0xad: {  	s28 =	simm.s32 $_size_execute0_lowered;
	s3 =	sadd.s32 s3, s5;
	[dreg:$0x0] =	wrdreg $0x0  }
0xae: {  	s5 =	sshll.u32 s28, $0x1;
	[dreg:$0x2] =	wrdreg s3  }
0xaf: {  	[dreg:$0x3] =	wrdreg s5  }
0xb0: {  	[dreg:$0x4] =	wrdreg $0xC0  }
0xb1: {  	_ =	task [dreg:s7], $0x5FFFF  }
0xb2: {  	[dreg:$0x1] =	wrdreg $0xFFFFFFFF  }
0xb3: {  	[dreg:$0x0] =	wrdreg $0x60  }
0xb4: {  	[dreg:$0x2] =	wrdreg s16  }
0xb5: {  	[dreg:$0x3] =	wrdreg s24  }
0xb6: {  	[dreg:$0x4] =	wrdreg $0xA8000  }
0xb7: {  	[dreg:$0x5] =	wrdreg $0x9  }
0xb8: {  	_ =	task.clear_ibuf [dreg:s7], $0x6FFFF;
	_ =	strace $0x9000004F  }
0xb9: {  	s29 =	simm.s32 $0x9;
	_ =	strace $0x80000051  }
0xba: {  	_ =	swait.ge [sflag:s29], $0x1  }
0xbb: {  	[sflag:s29] =	ssyncadd.s32 $0xFFFFFFFF  }
0xbc: {  	_ =	strace $0x90000051  }
0xbd: {  	_ =	sfence  }
0xbe: {  	s30 =	sld [smem:$0x0];
	_ =	sdelay $0x2  }
0xbf: {  	s31 =	sshll.u32 s1, $0xD;
	s1 =	sshrl.u32 s1, $0x2  }
0xc0: {  	s3 =	sand.u32 $0x4000, s31;
	s1 =	sadd.s32 s1, s30  }
0xc1: {  	s0 =	sor.u32 s3, s0;
	s1 =	sshll.u32 s1, $0x11  }
0xc2: {  	s0 =	sor.u32 s1, s0  }
0xc3: {  	s0 =	sadd.s32 $0x8F2B, s0  }
0xc4: {  	[sflag:s0] =	ssyncadd.remote.s32 $0x1  }
0xc5: {  	_ =	sfence.sel $0xFFFF  }
0xc6: {  	[dreg:$0x0] =	wrdreg $0xFFFFFFFF;
	(pc) =	sbr.abs _section_cstart, $3  }
0xc7: {  	[dreg:$0x1] =	wrdreg $0xFFFFFFFF  }
0xc8: {  	_ =	task.clear_ibuf [dreg:s7], $0x2FFFF;
	_ =	strace $0x9FFFFFFF  }
0xc9: {  	(tm) =	ssettm $0x7FFFFFFF  }
tec
execute0_lowered:
.L_overlay_start_1:
0x0: {  	(tag) =	ssettag $0x1  }
0x1: {  	s1 =	rddreg [dreg:$0x0]  }
0x2: {  	s0 =	rddreg [dreg:$0x1]  }
0x3: {  	s2 =	rddreg [dreg:$0x2]  }
0x4: {  	s3 =	simm.s32 $0x0;
	s4 =	srdreg.scid;
	s11 =	stileid.u32  }
0x5: {  	s28 =	simm.s32 $0x2800;
	s29 =	simm.s32 $0x2;
	s30 =	simm.s32 $0x80  }
0x6: {  	s31 =	simm.s32 $0x4800;
	[smem:$0x7FF] =	sst s3;
	s4 =	sand.u32 $0x1, s4  }
0x7: {  	s6 =	sadd.s32 $0x2D200, s0;
	s7 =	smul.u32 $0x28000, s11;
	s15 =	ssub.s32 $0x2, s4  }
0x8: {  	s8 =	sadd.s32 $0x37200, s0;
	s5 =	smul.u32 $0x14000, s4;
	s9 =	sshrl.u32 s15, $0x1  }
0x9: {  	s10 =	sshll.u32 s11, $0x1;
	s7 =	sshrl.u32 s7, $0x2;
	s9 =	ssub.s32 s15, s9  }
0xa: {  	s0 =	sadd.s32 s5, s0;
	s5 =	sadd.s32 s7, s2;
	s16 =	smax.u32 s9, $0x1  }
0xb: {  	_ =	strace $0x80000050;
	s17 =	sadd.s32 $0xA00, s5;
	[dreg:$0x4] =	wrdreg s16  }
0xc: {  	s25 =	smul.u32 $0x1400, s11;
	s18 =	sadd.s32 $0x1400, s5;
	[dreg:$0x5] =	wrdreg s17  }
0xd: {  	s4 =	sor.u32 s4, s10;
	s19 =	sadd.s32 $0x1E00, s5;
	[dreg:$0x6] =	wrdreg s18  }
0xe: {  	s4 =	smul.u32 $0x500, s4;
	s20 =	sadd.s32 $0x2800, s5;
	[dreg:$0x7] =	wrdreg s19  }
0xf: {  	s7 =	simm.s32 $0x0;
	s21 =	sadd.s32 $0x3200, s5;
	[dreg:$0x8] =	wrdreg s20  }
0x10: {  	s22 =	sadd.s32 $0x3C00, s5;
	s23 =	sadd.s32 $0x4600, s5;
	[dreg:$0x9] =	wrdreg s21  }
0x11: {  	s24 =	sadd.s32 $0x5000, s5;
	s15 =	sadd.s32 $0x5A00, s5;
	[dreg:$0xa] =	wrdreg s22  }
0x12: {  	s26 =	sadd.s32 $0x280, s4;
	s0 =	sadd.s32 s25, s0;
	[dreg:$0xb] =	wrdreg s23  }
0x13: {  	[dreg:$0xc] =	wrdreg s24;
	s16 =	sadd.s32 $0x6400, s5;
	s17 =	sadd.s32 $0x6E00, s5  }
0x14: {  	s18 =	sadd.s32 $0x7800, s5;
	s19 =	sadd.s32 $0x8200, s5;
	s20 =	sadd.s32 s6, s4  }
0x15: {  	s21 =	sadd.s32 s8, s4;
	s22 =	sadd.s32 s6, s26;
	s23 =	sadd.s32 s8, s26  }
0x16: {  	s24 =	sadd.s32 $0x8C00, s5;
	s25 =	sadd.s32 $0x91200, s0;
	s26 =	sadd.s32 $0x9600, s5  }
0x17: {  	v0 =	vimm.f32 $0.0e+00;
	s0 =	simm.s32 $0x100;
	s4 =	simm.s32 $0x6800;
	s6 =	simm.s32 $0x1  }
.LBB2_1:
0x18: {  	s9 =	simm.s32 $0x100;
	s8 =	simm.s32 $0x0  }
.LBB2_2:
0x19: {  	p0 =	sne.s32 s9, $0x2700;
	[tilespmem:s8+$0x2830] =	vst v0;
	s10 =	smov.u32 s9;
	s9 =	sadd.s32 $0x100, s9  }
.Ltmp0:
0x1a: {  	[tilespmem:s8+$0x2820] =	vst v0;
	(pc) =	sbr.rel @p0 .LBB2_2-.Ltmp0, $3  }
0x1b: {  	[tilespmem:s8+$0x2800] =	vst v0  }
0x1c: {  	[tilespmem:s8+$0x2810] =	vst v0;
	_ =	sdelay $0x1  }
0x1d: {  	s8 =	sshra.s32 s10, $0x2  }
0x1e: {  	[tilespmem:s8+$0x2830] =	vst v0  }
0x1f: {  	[tilespmem:s8+$0x2820] =	vst v0  }
0x20: {  	[tilespmem:s8+$0x2800] =	vst v0  }
0x21: {  	[tilespmem:s8+$0x2810] =	vst v0  }
0x22: {  	[spmem:s5] =	stream.linear.scatter [tilespmem:s28], [sflag:$0x2], $0xA00, $0x38;
	[tilespmem:$0x14800] =	vst v63  }
0x23: {  	_ =	swait.ge [sflag:s29], $0xA00  }
0x24: {  	[sflag:s29] =	ssyncset.done $0x0  }
0x25: {  	s12 =	rddreg [dreg:$0x5];
	[sflag:s29] =	ssyncadd.s32 $0xFFFFF600  }
0x26: {  	[spmem:s12] =	stream.linear.scatter [tilespmem:s28], [sflag:$0x2], $0xA00, $0x38;
	[tilespmem:$0x14800] =	vst v63  }
0x27: {  	_ =	swait.ge [sflag:s29], $0xA00  }
0x28: {  	[sflag:s29] =	ssyncset.done $0x0  }
0x29: {  	s13 =	rddreg [dreg:$0x6];
	[sflag:s29] =	ssyncadd.s32 $0xFFFFF600  }
0x2a: {  	[spmem:s13] =	stream.linear.scatter [tilespmem:s28], [sflag:$0x2], $0xA00, $0x38;
	[tilespmem:$0x14800] =	vst v63  }
0x2b: {  	_ =	swait.ge [sflag:s29], $0xA00  }
0x2c: {  	[sflag:s29] =	ssyncset.done $0x0  }
0x2d: {  	s14 =	rddreg [dreg:$0x7];
	[sflag:s29] =	ssyncadd.s32 $0xFFFFF600  }
0x2e: {  	[spmem:s14] =	stream.linear.scatter [tilespmem:s28], [sflag:$0x2], $0xA00, $0x38;
	[tilespmem:$0x14800] =	vst v63  }
0x2f: {  	_ =	swait.ge [sflag:s29], $0xA00  }
0x30: {  	[sflag:s29] =	ssyncset.done $0x0  }
0x31: {  	s9 =	rddreg [dreg:$0x8];
	[sflag:s29] =	ssyncadd.s32 $0xFFFFF600  }
0x32: {  	[spmem:s9] =	stream.linear.scatter [tilespmem:s28], [sflag:$0x2], $0xA00, $0x38;
	[tilespmem:$0x14800] =	vst v63  }
0x33: {  	_ =	swait.ge [sflag:s29], $0xA00  }
0x34: {  	[sflag:s29] =	ssyncset.done $0x0  }
0x35: {  	s10 =	rddreg [dreg:$0x9];
	[sflag:s29] =	ssyncadd.s32 $0xFFFFF600  }
0x36: {  	[spmem:s10] =	stream.linear.scatter [tilespmem:s28], [sflag:$0x2], $0xA00, $0x38;
	[tilespmem:$0x14800] =	vst v63  }
0x37: {  	_ =	swait.ge [sflag:s29], $0xA00  }
0x38: {  	[sflag:s29] =	ssyncset.done $0x0  }
0x39: {  	s11 =	rddreg [dreg:$0xa];
	[sflag:s29] =	ssyncadd.s32 $0xFFFFF600  }
0x3a: {  	[spmem:s11] =	stream.linear.scatter [tilespmem:s28], [sflag:$0x2], $0xA00, $0x38;
	[tilespmem:$0x14800] =	vst v63  }
0x3b: {  	_ =	swait.ge [sflag:s29], $0xA00  }
0x3c: {  	[sflag:s29] =	ssyncset.done $0x0  }
0x3d: {  	s12 =	rddreg [dreg:$0xb];
	[sflag:s29] =	ssyncadd.s32 $0xFFFFF600  }
0x3e: {  	[spmem:s12] =	stream.linear.scatter [tilespmem:s28], [sflag:$0x2], $0xA00, $0x38;
	[tilespmem:$0x14800] =	vst v63  }
0x3f: {  	_ =	swait.ge [sflag:s29], $0xA00  }
0x40: {  	[sflag:s29] =	ssyncset.done $0x0  }
0x41: {  	s13 =	rddreg [dreg:$0xc];
	[sflag:s29] =	ssyncadd.s32 $0xFFFFF600  }
0x42: {  	[spmem:s13] =	stream.linear.scatter [tilespmem:s28], [sflag:$0x2], $0xA00, $0x38;
	[tilespmem:$0x14800] =	vst v63  }
0x43: {  	_ =	swait.ge [sflag:s29], $0xA00  }
0x44: {  	[sflag:s29] =	ssyncset.done $0x0  }
0x45: {  	[sflag:s29] =	ssyncadd.s32 $0xFFFFF600  }
0x46: {  	[spmem:s15] =	stream.linear.scatter [tilespmem:s28], [sflag:$0x2], $0xA00, $0x38;
	[tilespmem:$0x14800] =	vst v63  }
0x47: {  	_ =	swait.ge [sflag:s29], $0xA00  }
0x48: {  	[sflag:s29] =	ssyncset.done $0x0  }
0x49: {  	[sflag:s29] =	ssyncadd.s32 $0xFFFFF600  }
0x4a: {  	[spmem:s16] =	stream.linear.scatter [tilespmem:s28], [sflag:$0x2], $0xA00, $0x38;
	[tilespmem:$0x14800] =	vst v63  }
0x4b: {  	_ =	swait.ge [sflag:s29], $0xA00  }
0x4c: {  	[sflag:s29] =	ssyncset.done $0x0  }
0x4d: {  	[sflag:s29] =	ssyncadd.s32 $0xFFFFF600  }
0x4e: {  	[spmem:s17] =	stream.linear.scatter [tilespmem:s28], [sflag:$0x2], $0xA00, $0x38;
	[tilespmem:$0x14800] =	vst v63  }
0x4f: {  	_ =	swait.ge [sflag:s29], $0xA00  }
0x50: {  	[sflag:s29] =	ssyncset.done $0x0  }
0x51: {  	[sflag:s29] =	ssyncadd.s32 $0xFFFFF600  }
0x52: {  	[spmem:s18] =	stream.linear.scatter [tilespmem:s28], [sflag:$0x2], $0xA00, $0x38;
	[tilespmem:$0x14800] =	vst v63  }
0x53: {  	_ =	swait.ge [sflag:s29], $0xA00  }
0x54: {  	[sflag:s29] =	ssyncset.done $0x0  }
0x55: {  	[sflag:s29] =	ssyncadd.s32 $0xFFFFF600  }
0x56: {  	[spmem:s19] =	stream.linear.scatter [tilespmem:s28], [sflag:$0x2], $0xA00, $0x38;
	[tilespmem:$0x14800] =	vst v63  }
0x57: {  	_ =	swait.ge [sflag:s29], $0xA00  }
0x58: {  	[sflag:s29] =	ssyncset.done $0x0  }
0x59: {  	[sflag:s29] =	ssyncadd.s32 $0xFFFFF600  }
0x5a: {  	[spmem:s24] =	stream.linear.scatter [tilespmem:s28], [sflag:$0x2], $0xA00, $0x38;
	[tilespmem:$0x14800] =	vst v63  }
0x5b: {  	_ =	swait.ge [sflag:s29], $0xA00  }
0x5c: {  	[sflag:s29] =	ssyncset.done $0x0  }
0x5d: {  	[sflag:s29] =	ssyncadd.s32 $0xFFFFF600  }
0x5e: {  	[spmem:s26] =	stream.linear.scatter [tilespmem:s28], [sflag:$0x2], $0xA00, $0x38;
	[tilespmem:$0x14800] =	vst v63  }
0x5f: {  	_ =	swait.ge [sflag:s29], $0xA00  }
0x60: {  	[sflag:s29] =	ssyncset.done $0x0  }
0x61: {  	[sflag:s29] =	ssyncadd.s32 $0xFFFFF600  }
0x62: {  	s8 =	simm.s32 $0x0;
	[bflag:$0x0] =	sbarrier.arrive $0xFFFF  }
0x63: {  	[tilespmem:s8], [sflag:$0x2] =	stream.linear.gather [hbm4b:s20+s8], $0x1400, $0x38;
	[tilespmem:$0x14800] =	vst v63  }
0x64: {  	_ =	swait.ge [sflag:s29], $0x1400  }
0x65: {  	[sflag:s29] =	ssyncset.done $0x0  }
0x66: {  	s9 =	simm.s32 $0x1400;
	[sflag:s29] =	ssyncadd.s32 $0xFFFFEC00  }
0x67: {  	[tilespmem:s9], [sflag:$0x2] =	stream.linear.gather [hbm4b:s21+s8], $0x1400, $0x38;
	[tilespmem:$0x14800] =	vst v63  }
0x68: {  	_ =	swait.ge [sflag:s29], $0x1400  }
0x69: {  	[sflag:s29] =	ssyncset.done $0x0  }
0x6a: {  	[sflag:s29] =	ssyncadd.s32 $0xFFFFEC00  }
0x6b: {  	[tilespmem:s28], [sflag:$0x1] =	stream.indirect.gather [hbm4b:s1+s30], $0x40, s8, s30, $0xb8;
	[tilespmem:$0x14800] =	vst v63  }
0x6c: {  	p0 =	por $0x0, $0x0;
	s10 =	simm.s32 $0x18000  }
0x6d: {  	[tilespmem:s31], [sflag:$0x1] =	stream.indirect.gather [hbm4b:s1+s30], $0x40, s30, s30, $0xb8;
	[tilespmem:$0x14800] =	vst v63  }
0x6e: {  	s10 =	sand.u32 @!p0 $0x18000, s10  }
0x6f: {  	[tilespmem:s4], [sflag:$0x1] =	stream.indirect.gather [hbm4b:s1+s30], $0x40, s0, s30, $0xb8;
	[tilespmem:$0x14800] =	vst v63  }
0x70: {  	s10 =	sshrl.u32 @!p0 s10, $0x2;
	_ =	swait.ge [sflag:s6], $0x2000  }
0x71: {  	s14 =	simm.s32 $0x0;
	s10 =	sadd.s32 @!p0 $0x2800, s10;
	[sflag:s6] =	ssyncset.done $0x0  }
0x72: {  	s11 =	simm.s32 $0x180;
	s12 =	simm.s32 @!p0 $0x80;
	[sflag:s6] =	ssyncadd.s32 $0xFFFFE000  }
0x73: {  	[tilespmem:s10], [sflag:$0x1] =	stream.indirect.gather @!p0 [hbm4b:s1+s12], $0x40, s11, s12, $0xb8;
	[tilespmem:$0x14800] =	vst v63  }
0x74: {  	s10 =	sand.u32 $0x18000, s14  }
0x75: {  	s10 =	sshrl.u32 s10, $0x2  }
0x76: {  	s11 =	simm.s32 $0x1480;
	s10 =	sadd.s32 $0x2800, s10  }
0x77: {  	[spmem:s2] =	stream.indirect.scatter.add.f32 [tilespmem:s10], [sflag:$0x2], $0x40, s9, s30, $0xb8;
	[tilespmem:$0x14800] =	vst v63  }
0x78: {  	s9 =	simm.s32 $0x20000;
	s10 =	simm.s32 $0x200;
	_ =	swait.ge [sflag:s29], $0x2000  }
.LBB2_4:
0x79: {  	[sflag:s29] =	ssyncset.done $0x0  }
0x7a: {  	s8 =	sadd.s32 $0x1, s8;
	s12 =	smov.u32 s9;
	s9 =	sadd.s32 $0x8000, s9  }
0x7b: {  	p1 =	sgt.u32 s8, $0x24;
	p0 =	sne.s32 s9, $0x158000;
	[sflag:s29] =	ssyncadd.s32 $0xFFFFE000  }
0x7c: {  	_ =	swait.ge [sflag:s6], $0x2000;
	s13 =	sand.u32 @!p1 $0x18000, s12;
	s14 =	simm.s32 @!p1 $0x80  }
0x7d: {  	s12 =	sadd.s32 $0xFFFE8000, s12;
	[sflag:s6] =	ssyncset.done $0x0;
	s13 =	sshrl.u32 @!p1 s13, $0x2  }
0x7e: {  	s12 =	sand.u32 $0x18000, s12;
	[sflag:s6] =	ssyncadd.s32 $0xFFFFE000;
	s13 =	sadd.s32 @!p1 $0x2800, s13  }
0x7f: {  	[tilespmem:s13], [sflag:$0x1] =	stream.indirect.gather @!p1 [hbm4b:s1+s14], $0x40, s10, s14, $0xb8;
	[tilespmem:$0x14800] =	vst v63  }
.Ltmp1:
0x80: {  	_ = 	snop;
	(pc) =	sbr.rel @p0 .LBB2_4-.Ltmp1, $4  }
0x81: {  	s12 =	sshrl.u32 s12, $0x2  }
0x82: {  	s12 =	sadd.s32 $0x2800, s12  }
0x83: {  	[spmem:s2] =	stream.indirect.scatter.add.f32 [tilespmem:s12], [sflag:$0x2], $0x40, s11, s30, $0xb8;
	[tilespmem:$0x14800] =	vst v63  }
0x84: {  	s10 =	sadd.s32 $0x80, s10;
	s11 =	sadd.s32 $0x80, s11;
	_ =	swait.ge [sflag:s29], $0x2000  }
0x85: {  	[sflag:s29] =	ssyncset.done $0x0  }
0x86: {  	s8 =	simm.s32 $0x0;
	[sflag:s29] =	ssyncadd.s32 $0xFFFFE000  }
0x87: {  	[tilespmem:s8], [sflag:$0x2] =	stream.linear.gather [hbm4b:s22+s8], $0x1400, $0x38;
	[tilespmem:$0x14800] =	vst v63  }
0x88: {  	_ =	swait.ge [sflag:s29], $0x1400  }
0x89: {  	[sflag:s29] =	ssyncset.done $0x0  }
0x8a: {  	s9 =	simm.s32 $0x1400;
	[sflag:s29] =	ssyncadd.s32 $0xFFFFEC00  }
0x8b: {  	[tilespmem:s9], [sflag:$0x2] =	stream.linear.gather [hbm4b:s23+s8], $0x1400, $0x38;
	[tilespmem:$0x14800] =	vst v63  }
0x8c: {  	_ =	swait.ge [sflag:s29], $0x1400  }
0x8d: {  	[sflag:s29] =	ssyncset.done $0x0  }
0x8e: {  	[sflag:s29] =	ssyncadd.s32 $0xFFFFEC00  }
0x8f: {  	[tilespmem:s28], [sflag:$0x1] =	stream.indirect.gather [hbm4b:s1+s30], $0x40, s8, s30, $0xb8;
	[tilespmem:$0x14800] =	vst v63  }
0x90: {  	s10 =	simm.s32 $0x180  }
0x91: {  	[tilespmem:s31], [sflag:$0x1] =	stream.indirect.gather [hbm4b:s1+s30], $0x40, s30, s30, $0xb8;
	[tilespmem:$0x14800] =	vst v63  }
0x92: {  	s11 =	simm.s32 $0x18000;
	p0 =	por $0x0, $0x0;
	s13 =	simm.s32 $0x0  }
0x93: {  	[tilespmem:s4], [sflag:$0x1] =	stream.indirect.gather [hbm4b:s1+s30], $0x40, s0, s30, $0xb8;
	[tilespmem:$0x14800] =	vst v63  }
0x94: {  	s11 =	sand.u32 @!p0 $0x18000, s11;
	s12 =	simm.s32 @!p0 $0x80;
	_ =	swait.ge [sflag:s6], $0x2000  }
0x95: {  	s13 =	sand.u32 $0x18000, s13;
	s11 =	sshrl.u32 @!p0 s11, $0x2;
	[sflag:s6] =	ssyncset.done $0x0  }
0x96: {  	s14 =	sshrl.u32 s13, $0x2;
	s11 =	sadd.s32 @!p0 $0x2800, s11;
	[sflag:s6] =	ssyncadd.s32 $0xFFFFE000  }
0x97: {  	[tilespmem:s11], [sflag:$0x1] =	stream.indirect.gather @!p0 [hbm4b:s1+s12], $0x40, s10, s12, $0xb8;
	[tilespmem:$0x14800] =	vst v63  }
0x98: {  	s10 =	sadd.s32 $0x2800, s14;
	s11 =	simm.s32 $0x1480  }
0x99: {  	[spmem:s2] =	stream.indirect.scatter.add.f32 [tilespmem:s10], [sflag:$0x2], $0x40, s9, s30, $0xb8;
	[tilespmem:$0x14800] =	vst v63  }
0x9a: {  	s9 =	simm.s32 $0x20000;
	s10 =	simm.s32 $0x200;
	_ =	swait.ge [sflag:s29], $0x2000  }
.LBB2_6:
0x9b: {  	[sflag:s29] =	ssyncset.done $0x0  }
0x9c: {  	s8 =	sadd.s32 $0x1, s8;
	s12 =	smov.u32 s9;
	s9 =	sadd.s32 $0x8000, s9  }
0x9d: {  	p1 =	sgt.u32 s8, $0x24;
	p0 =	sne.s32 s9, $0x158000;
	[sflag:s29] =	ssyncadd.s32 $0xFFFFE000  }
0x9e: {  	_ =	swait.ge [sflag:s6], $0x2000;
	s13 =	sand.u32 @!p1 $0x18000, s12;
	s14 =	simm.s32 @!p1 $0x80  }
0x9f: {  	s12 =	sadd.s32 $0xFFFE8000, s12;
	[sflag:s6] =	ssyncset.done $0x0;
	s13 =	sshrl.u32 @!p1 s13, $0x2  }
0xa0: {  	s12 =	sand.u32 $0x18000, s12;
	[sflag:s6] =	ssyncadd.s32 $0xFFFFE000;
	s13 =	sadd.s32 @!p1 $0x2800, s13  }
0xa1: {  	[tilespmem:s13], [sflag:$0x1] =	stream.indirect.gather @!p1 [hbm4b:s1+s14], $0x40, s10, s14, $0xb8;
	[tilespmem:$0x14800] =	vst v63  }
.Ltmp2:
0xa2: {  	_ = 	snop;
	(pc) =	sbr.rel @p0 .LBB2_6-.Ltmp2, $4  }
0xa3: {  	s12 =	sshrl.u32 s12, $0x2  }
0xa4: {  	s12 =	sadd.s32 $0x2800, s12  }
0xa5: {  	[spmem:s2] =	stream.indirect.scatter.add.f32 [tilespmem:s12], [sflag:$0x2], $0x40, s11, s30, $0xb8;
	[tilespmem:$0x14800] =	vst v63  }
0xa6: {  	s10 =	sadd.s32 $0x80, s10;
	s11 =	sadd.s32 $0x80, s11;
	_ =	swait.ge [sflag:s29], $0x2000  }
0xa7: {  	[sflag:s29] =	ssyncset.done $0x0  }
0xa8: {  	[sflag:s29] =	ssyncadd.s32 $0xFFFFE000  }
0xa9: {  	[bflag:$0x0] =	sbarrier.arrive $0xFFFF  }
0xaa: {  	[tilespmem:s28], [sflag:$0x2] =	stream.linear.gather [spmem:s5], $0xA00, $0x38;
	[tilespmem:$0x14800] =	vst v63  }
0xab: {  	_ =	swait.ge [sflag:s29], $0xA00  }
0xac: {  	[sflag:s29] =	ssyncset.done $0x0  }
0xad: {  	s8 =	sadd.s32 $0x0, s25;
	[sflag:s29] =	ssyncadd.s32 $0xFFFFF600  }
0xae: {  	[hbm4b:s8+s3] =	stream.linear.scatter [tilespmem:s28], [sflag:$0x2], $0xA00, $0x38;
	[tilespmem:$0x14800] =	vst v63  }
0xaf: {  	_ =	swait.ge [sflag:s29], $0xA00  }
0xb0: {  	s9 =	smov.u32 s5;
	s8 =	simm.s32 $0x140;
	[sflag:s29] =	ssyncset.done $0x0  }
.LBB2_8:
0xb1: {  	p0 =	sne.s32 s8, $0x12C0;
	[sflag:s29] =	ssyncadd.s32 $0xFFFFF600;
	s9 =	sadd.s32 $0xA00, s9  }
0xb2: {  	[tilespmem:s28], [sflag:$0x2] =	stream.linear.gather [spmem:s9], $0xA00, $0x38;
	[tilespmem:$0x14800] =	vst v63  }
0xb3: {  	s10 =	smov.u32 s8;
	s8 =	sadd.s32 $0x140, s8;
	_ =	swait.ge [sflag:s29], $0xA00  }
.Ltmp3:
0xb4: {  	[sflag:s29] =	ssyncset.done $0x0;
	(pc) =	sbr.rel @p0 .LBB2_8-.Ltmp3, $4  }
0xb5: {  	s10 =	sadd.s32 s10, s25;
	[sflag:s29] =	ssyncadd.s32 $0xFFFFF600  }
0xb6: {  	[hbm4b:s10+s3] =	stream.linear.scatter [tilespmem:s28], [sflag:$0x2], $0xA00, $0x38;
	[tilespmem:$0x14800] =	vst v63  }
0xb7: {  	_ =	swait.ge [sflag:s29], $0xA00  }
0xb8: {  	[sflag:s29] =	ssyncset.done $0x0  }
0xb9: {  	s7 =	sadd.s32 $0x1, s7;
	s8 =	rddreg [dreg:$0x4]  }
0xba: {  	p0 =	sne.s32 s7, s8  }
.Ltmp4:
0xbb: {  	_ = 	snop;
	(pc) =	sbr.rel @p0 .LBB2_1-.Ltmp4, $2  }
0xbc: {  	_ =	sdelay $0x2  }
0xbd: {  	[sflag:s29] =	ssyncadd.s32 $0xFFFFF600  }
0xbe: {  	_ =	sfence.sel $0x180000  }
0xbf: {  	[bflag:$0x0] =	sbarrier.arrive $0xFFFF  }
0xc0: {  	_ =	strace $0x90000050  }
0xc1: {  	s0 =	stileid.u32;
	[bflag:$0x2] =	sbarrier.arrive $0xFFFF  }
0xc2: {  	p0 =	sne.s32 s0, $0x0;
	s0 =	rddreg [dreg:$0x3]  }
0xc3: {  	s0 =	sadd.s32 @!p0 $0x100000, s0  }
0xc4: {  	[sflag:s0] =	ssyncadd.tile.s32 @!p0 $0x1;
	_ =	shalt  }
.Lfunc_end2:
_tile_overlayer_lowered:
.L_overlay_start_2:
0xc5: {  	(tag) =	ssettag $0x2  }
0xc6: {  	s0 =	rddreg [dreg:$0x0];
	s2 =	stileid.u32  }
0xc7: {  	s1 =	rddreg [dreg:$0x1];
	p0 =	sne.s32 s2, $0x0  }
0xc8: {  	s3 =	rddreg [dreg:$0x2];
	[bflag:$0x3] =	sbarrier.arrive $0xFFFF;
	s2 =	simm.s32 @!p0 $0x1C02  }
0xc9: {  	[timem:s3], [sflag:s2] =	dma.local @!p0 [hbm:s0], s1  }
0xca: {  	s0 =	simm.s32 @!p0 $0x2  }
0xcb: {  	_ =	swait.ge @!p0 [sflag:s0], s1  }
0xcc: {  	s1 =	ssub.s32 @!p0 $0x0, s1;
	[sflag:s0] =	ssyncset.done @!p0 $0x0  }
0xcd: {  	[sflag:s0] =	ssyncadd.s32 @!p0 s1  }
0xce: {  	[bflag:$0x3] =	sbarrier.arrive $0xFFFF  }
0xcf: {  	_ =	shalt  }

// kernel: segsum64.15.cloned.1.call-start
scs
__scs_entry_jumppad:
0x0: {  	(pc) =	sbr.rel $0x88, $3  }
0x1: {  	(tag) =	ssettag $0x0;
	lr =	simm.s32 $0x1  }
0x2: {  	[smem:$0x3F91] =	sst lr;
	_ =	strace $0xD0000000  }
0x3: {  	_ = 	snop  }
0x4: {  	_ = 	snop  }
0x5: {  	_ = 	snop  }
0x6: {  	_ = 	snop  }
0x7: {  	_ = 	snop  }
__scs_overlays_trampoline_lowered:
0x8: {  	[smem:$0x3FA0] =	sst s0  }
0x9: {  	[smem:$0x3FA1] =	sst s1  }
0xa: {  	[smem:$0x3FA2] =	sst s2  }
0xb: {  	[smem:$0x3FA3] =	sst s3  }
0xc: {  	[smem:$0x3FA4] =	sst s4  }
0xd: {  	[smem:$0x3FA5] =	sst s5  }
0xe: {  	[smem:$0x3FA6] =	sst s6  }
0xf: {  	[smem:$0x3FA7] =	sst s7  }
0x10: {  	[smem:$0x3FA8] =	sst s8  }
0x11: {  	[smem:$0x3FA9] =	sst s9;
	s0 =	simm.s32 @!p0 $0x0  }
0x12: {  	s1 =	sld [smem:$0x3F8F];
	s0 =	simm.s32 @p0 $0x1  }
0x13: {  	[smem:$0x3FAA] =	sst s0;
	s0 =	simm.s32 @!p1 $0x0  }
0x14: {  	s2 =	sld [smem:$0x3F8E];
	s0 =	simm.s32 @p1 $0x1  }
0x15: {  	[smem:$0x3FAB] =	sst s0;
	s0 =	simm.s32 @!p2 $0x0  }
0x16: {  	s3 =	sld [smem:$0x3FDB];
	s0 =	simm.s32 @p2 $0x1  }
0x17: {  	s4 =	simm.s32 $0x1BF5;
	[smem:$0x3FAD] =	sst s0  }
0x18: {  	s0 =	sld [smem:$0x3F90];
	_ =	swait.ge [sflag:s4], $0x0  }
0x19: {  	s7 =	sld [smem:$0x3F91]  }
0x1a: {  	s8 =	sadd.s32 $0xFFFFE003, lr  }
0x1b: {  	s9 =	sadd.s32 $0xFFFFFEF7, lr;
	s5 =	simm.s32 $0xFFFFFFFF;
	p2 =	slt.u32 s8, $0xFFFFF086  }
0x1c: {  	p1 =	slt.u32 s9, $0xF7A;
	s5 =	simm.s32 @!p2 $0x0  }
0x1d: {  	s5 =	simm.s32 @p1 $0x1;
	p0 =	seq.s32 s7, s2  }
0x1e: {  	s7 =	smul.u32 @!p0 $0xF7A, s2;
	p2 =	seq.s32 @!p0 s5, $0x0  }
0x1f: {  	s9 =	smul.u32 $0xF7A, s1;
	s8 =	simm.s32 @!p0 $0x1BF5;
	p2 =	por !p2, p0  }
0x20: {  	[sflag:s8] =	ssyncset.s32 @!p0 $0xFFFFF086;
	s6 =	sadd.s32 @!p0 s3, s7;
	s7 =	simm.s32 @!p0 $0x108  }
0x21: {  	s3 =	sadd.s32 s3, s9;
	s6 =	sadd.s32 @!p0 $0x88, s6;
	s7 =	simm.s32 @p2 $0x1082  }
0x22: {  	[simem:s7], [sflag:s8] =	dma.local @!p0 [hbm:s6], $0xF7A  }
0x23: {  	s9 =	sor.u32 $0xD0000000, s2;
	s6 =	simm.s32 $0x108;
	_ =	swait.ge @!p0 [sflag:s8], $0x0  }
0x24: {  	s3 =	sadd.s32 $0x88, s3;
	s6 =	simm.s32 @!p1 $0x1082;
	[sflag:s4] =	ssyncset.s32 $0xFFFFF086  }
0x25: {  	[simem:s6], [sflag:s4] =	dma.local [hbm:s3], $0xF7A  }
0x26: {  	[smem:$0x3F91] =	sst s1;
	(tag) =	ssettag s2;
	_ =	strace s9  }
0x27: {  	s1 =	sld [smem:$0x3FA1]  }
0x28: {  	s2 =	sld [smem:$0x3FA2]  }
0x29: {  	s4 =	sld [smem:$0x3FA4]  }
0x2a: {  	p0 =	seq.s32 s5, $0x0;
	s5 =	sld [smem:$0x3FA5]  }
0x2b: {  	s6 =	sld [smem:$0x3FA6]  }
0x2c: {  	s7 =	sld [smem:$0x3FA7]  }
0x2d: {  	s3 =	simm.s32 $0x108;
	s8 =	sld [smem:$0x3FA8]  }
0x2e: {  	s3 =	simm.s32 @!p0 $0x1082;
	s9 =	sld [smem:$0x3FA9]  }
0x2f: {  	lr =	sadd.s32 s0, s3;
	s0 =	sld [smem:$0x3FA0]  }
0x30: {  	s3 =	sld [smem:$0x3FA3]  }
0x31: {  	[smem:$0x3FAC] =	sst s10  }
0x32: {  	s10 =	sld [smem:$0x3FAA];
	_ =	sdelay $0x3  }
0x33: {  	p0 =	seq.s32 s10, $0x1;
	s10 =	sld [smem:$0x3FAC];
	_ =	sdelay $0x3  }
0x34: {  	[smem:$0x3FAC] =	sst s10  }
0x35: {  	s10 =	sld [smem:$0x3FAB];
	_ =	sdelay $0x3  }
0x36: {  	p1 =	seq.s32 s10, $0x1;
	s10 =	sld [smem:$0x3FAC];
	_ =	sdelay $0x3  }
0x37: {  	[smem:$0x3FAC] =	sst s10  }
0x38: {  	s10 =	sld [smem:$0x3FAD]  }
0x39: {  	_ = 	snop;
	(pc) =	sbr.ind lr, $3  }
0x3a: {  	_ = 	snop  }
0x3b: {  	_ = 	snop  }
0x3c: {  	p2 =	seq.s32 s10, $0x1;
	s10 =	sld [smem:$0x3FAC]  }
0x3d: {  	_ =	shalt  }
0x3e: {  	_ =	shalt  }
0x3f: {  	_ =	shalt  }
0x40: {  	_ =	shalt  }
0x41: {  	_ =	shalt  }
0x42: {  	_ =	shalt  }
0x43: {  	_ =	shalt  }
0x44: {  	_ =	shalt  }
0x45: {  	_ =	shalt  }
0x46: {  	_ =	shalt  }
0x47: {  	_ =	shalt  }
0x48: {  	_ =	shalt  }
0x49: {  	_ =	shalt  }
0x4a: {  	_ =	shalt  }
0x4b: {  	_ =	shalt  }
0x4c: {  	_ =	shalt  }
0x4d: {  	_ =	shalt  }
0x4e: {  	_ =	shalt  }
0x4f: {  	_ =	shalt  }
0x50: {  	_ =	shalt  }
0x51: {  	_ =	shalt  }
0x52: {  	_ =	shalt  }
0x53: {  	_ =	shalt  }
0x54: {  	_ =	shalt  }
0x55: {  	_ =	shalt  }
0x56: {  	_ =	shalt  }
0x57: {  	_ =	shalt  }
0x58: {  	_ =	shalt  }
0x59: {  	_ =	shalt  }
0x5a: {  	_ =	shalt  }
0x5b: {  	_ =	shalt  }
0x5c: {  	_ =	shalt  }
0x5d: {  	_ =	shalt  }
0x5e: {  	_ =	shalt  }
0x5f: {  	_ =	shalt  }
0x60: {  	_ =	shalt  }
0x61: {  	_ =	shalt  }
0x62: {  	_ =	shalt  }
0x63: {  	_ =	shalt  }
0x64: {  	_ =	shalt  }
0x65: {  	_ =	shalt  }
0x66: {  	_ =	shalt  }
0x67: {  	_ =	shalt  }
0x68: {  	_ =	shalt  }
0x69: {  	_ =	shalt  }
0x6a: {  	_ =	shalt  }
0x6b: {  	_ =	shalt  }
0x6c: {  	_ =	shalt  }
0x6d: {  	_ =	shalt  }
0x6e: {  	_ =	shalt  }
0x6f: {  	_ =	shalt  }
0x70: {  	_ =	shalt  }
0x71: {  	_ =	shalt  }
0x72: {  	_ =	shalt  }
0x73: {  	_ =	shalt  }
0x74: {  	_ =	shalt  }
0x75: {  	_ =	shalt  }
0x76: {  	_ =	shalt  }
0x77: {  	_ =	shalt  }
0x78: {  	_ =	shalt  }
0x79: {  	_ =	shalt  }
0x7a: {  	_ =	shalt  }
0x7b: {  	_ =	shalt  }
0x7c: {  	_ =	shalt  }
0x7d: {  	_ =	shalt  }
0x7e: {  	_ =	shalt  }
0x7f: {  	_ =	shalt  }
0x80: {  	_ =	shalt  }
0x81: {  	_ =	shalt  }
0x82: {  	_ =	shalt  }
0x83: {  	_ =	shalt  }
0x84: {  	_ =	shalt  }
0x85: {  	_ =	shalt  }
0x86: {  	_ =	shalt  }
0x87: {  	_ =	shalt  }
.Lfunc_end0:
.L_simem_size_0:
called_computation.4_lowered:
.L_overlay_start_0:
0x88: {  	s2 =	sld [smem:$0x3FD9]  }
0x89: {  	s3 =	sld [smem:$0x3FFE];
	_ =	sdelay $0x1  }
0x8a: {  	s1 =	srdreg.scid  }
0x8b: {  	s0 =	sand.u32 $0x1, s1  }
0x8c: {  	s14 =	sshll.u32 s0, $0xA;
	s2 =	sadd.s32 s3, s2  }
0x8d: {  	s2 =	sadd.s32 s2, s14  }
0x8e: {  	[smem:$0x3FB8] =	sst s2  }
0x8f: {  	_ = 	snop  }
0x90: {  	s2 =	sld [smem:$0x3FD0];
	_ =	sdelay $0x2  }
0x91: {  	s15 =	simm.s32 $0xB;
	s4 =	simm.s32 $0x10  }
0x92: {  	[smem:s4], [sflag:s15] =	dma.local [hbm:s2], $0x1  }
0x93: {  	_ =	swait.eq [sflag:s15], $0x1  }
0x94: {  	[sflag:s15] =	ssyncset.done $0x0  }
0x95: {  	[sflag:s15] =	ssyncadd.s32 $0xFFFFFFFF  }
0x96: {  	s16 =	sld [smem:$0x11];
	(tm) =	ssettm $0x1  }
0x97: {  	s17 =	sld [smem:$0x3FFB];
	_ =	sdelay $0x3  }
0x98: {  	_ =	strace s17  }
0x99: {  	s3 =	sld [smem:$0x3FFC];
	_ =	sdelay $0x3  }
0x9a: {  	_ =	strace s3  }
0x9b: {  	s3 =	sld [smem:$0x3FFD];
	_ =	sdelay $0x3  }
0x9c: {  	_ =	strace s3  }
0x9d: {  	_ =	strace $0x8FFFFFFF  }
0x9e: {  	s18 =	sld [smem:$0x3FDB];
	_ =	sdelay $0x1  }
0x9f: {  	s19 =	simm.s32 $_scs_section_size  }
0xa0: {  	s5 =	simm.s32 $_size__tile_overlayer_lowered;
	s6 =	simm.s32 $_tile_overlayer_lowered  }
0xa1: {  	s22 =	simm.s32 $0x1BFF;
	s21 =	sshll.u32 s6, $0x1;
	s3 =	sadd.s32 s19, s18  }
0xa2: {  	s7 =	simm.s32 $0x0;
	s20 =	sshll.u32 s5, $0x1;
	s5 =	sadd.s32 s21, s3  }
0xa3: {  	[timem:s7], [sflag:s22] =	dma.local [hbm:s5], s20  }
0xa4: {  	_ =	swait.ge [sflag:s22], s20  }
0xa5: {  	s4 =	ssub.s32 $0x0, s20;
	[sflag:s22] =	ssyncset.done $0x0  }
0xa6: {  	[sflag:s22] =	ssyncadd.s32 s4;
	_ =	sdelay $0x1  }
0xa7: {  	s23 =	simm.s32 $0x1B8B  }
0xa8: {  	_ =	swait.ge [sflag:s23], $0x1  }
0xa9: {  	[sflag:s23] =	ssyncset.done $0x0  }
0xaa: {  	s25 =	simm.s32 $0x1B8E;
	s24 =	sld [smem:$0x3FFE];
	[sflag:s23] =	ssyncadd.s32 $0xFFFFFFFF  }
0xab: {  	s26 =	simm.s32 $execute0_lowered;
	[smem:$0x3FD2] =	sst s25  }
0xac: {  	s5 =	sshll.u32 s26, $0x1;
	_ =	strace $0x80000052;
	[dreg:$0x1] =	wrdreg $0xFFFFFFFF  }
0xad: {  	s28 =	simm.s32 $_size_execute0_lowered;
	s3 =	sadd.s32 s3, s5;
	[dreg:$0x0] =	wrdreg $0x0  }
0xae: {  	s5 =	sshll.u32 s28, $0x1;
	[dreg:$0x2] =	wrdreg s3  }
0xaf: {  	[dreg:$0x3] =	wrdreg s5  }
0xb0: {  	[dreg:$0x4] =	wrdreg $0xC0  }
0xb1: {  	_ =	task [dreg:s7], $0x5FFFF  }
0xb2: {  	[dreg:$0x1] =	wrdreg $0xFFFFFFFF  }
0xb3: {  	[dreg:$0x0] =	wrdreg $0x60  }
0xb4: {  	[dreg:$0x2] =	wrdreg s16  }
0xb5: {  	[dreg:$0x3] =	wrdreg s24  }
0xb6: {  	[dreg:$0x4] =	wrdreg $0xA8000  }
0xb7: {  	[dreg:$0x5] =	wrdreg $0x9  }
0xb8: {  	_ =	task.clear_ibuf [dreg:s7], $0x6FFFF;
	_ =	strace $0x90000052  }
0xb9: {  	s29 =	simm.s32 $0x9;
	_ =	strace $0x80000054  }
0xba: {  	_ =	swait.ge [sflag:s29], $0x1  }
0xbb: {  	[sflag:s29] =	ssyncadd.s32 $0xFFFFFFFF  }
0xbc: {  	_ =	strace $0x90000054  }
0xbd: {  	_ =	sfence  }
0xbe: {  	s30 =	sld [smem:$0x0];
	_ =	sdelay $0x2  }
0xbf: {  	s31 =	sshll.u32 s1, $0xD;
	s1 =	sshrl.u32 s1, $0x2  }
0xc0: {  	s3 =	sand.u32 $0x4000, s31;
	s1 =	sadd.s32 s1, s30  }
0xc1: {  	s0 =	sor.u32 s3, s0;
	s1 =	sshll.u32 s1, $0x11  }
0xc2: {  	s0 =	sor.u32 s1, s0  }
0xc3: {  	s0 =	sadd.s32 $0x8F2B, s0  }
0xc4: {  	[sflag:s0] =	ssyncadd.remote.s32 $0x1  }
0xc5: {  	_ =	sfence.sel $0xFFFF  }
0xc6: {  	[dreg:$0x0] =	wrdreg $0xFFFFFFFF;
	(pc) =	sbr.abs _section_cstart, $3  }
0xc7: {  	[dreg:$0x1] =	wrdreg $0xFFFFFFFF  }
0xc8: {  	_ =	task.clear_ibuf [dreg:s7], $0x2FFFF;
	_ =	strace $0x9FFFFFFF  }
0xc9: {  	(tm) =	ssettm $0x7FFFFFFF  }
tec
execute0_lowered:
.L_overlay_start_1:
0x0: {  	(tag) =	ssettag $0x1  }
0x1: {  	s1 =	rddreg [dreg:$0x0]  }
0x2: {  	s0 =	rddreg [dreg:$0x1]  }
0x3: {  	s2 =	rddreg [dreg:$0x2]  }
0x4: {  	s3 =	simm.s32 $0x0;
	s4 =	srdreg.scid;
	s11 =	stileid.u32  }
0x5: {  	s28 =	simm.s32 $0x2800;
	s29 =	simm.s32 $0x2;
	s30 =	simm.s32 $0x80  }
0x6: {  	s31 =	simm.s32 $0x4800;
	[smem:$0x7FF] =	sst s3;
	s4 =	sand.u32 $0x1, s4  }
0x7: {  	s6 =	sadd.s32 $0x2D200, s0;
	s7 =	smul.u32 $0x28000, s11;
	s15 =	ssub.s32 $0x2, s4  }
0x8: {  	s8 =	sadd.s32 $0x37200, s0;
	s5 =	smul.u32 $0x14000, s4;
	s9 =	sshrl.u32 s15, $0x1  }
0x9: {  	s10 =	sshll.u32 s11, $0x1;
	s7 =	sshrl.u32 s7, $0x2;
	s9 =	ssub.s32 s15, s9  }
0xa: {  	s0 =	sadd.s32 s5, s0;
	s5 =	sadd.s32 s7, s2;
	s16 =	smax.u32 s9, $0x1  }
0xb: {  	_ =	strace $0x80000053;
	s17 =	sadd.s32 $0xA00, s5;
	[dreg:$0x4] =	wrdreg s16  }
0xc: {  	s25 =	smul.u32 $0x1400, s11;
	s18 =	sadd.s32 $0x1400, s5;
	[dreg:$0x5] =	wrdreg s17  }
0xd: {  	s4 =	sor.u32 s4, s10;
	s19 =	sadd.s32 $0x1E00, s5;
	[dreg:$0x6] =	wrdreg s18  }
0xe: {  	s4 =	smul.u32 $0x500, s4;
	s20 =	sadd.s32 $0x2800, s5;
	[dreg:$0x7] =	wrdreg s19  }
0xf: {  	s7 =	simm.s32 $0x0;
	s21 =	sadd.s32 $0x3200, s5;
	[dreg:$0x8] =	wrdreg s20  }
0x10: {  	s22 =	sadd.s32 $0x3C00, s5;
	s23 =	sadd.s32 $0x4600, s5;
	[dreg:$0x9] =	wrdreg s21  }
0x11: {  	s24 =	sadd.s32 $0x5000, s5;
	s15 =	sadd.s32 $0x5A00, s5;
	[dreg:$0xa] =	wrdreg s22  }
0x12: {  	s26 =	sadd.s32 $0x280, s4;
	s0 =	sadd.s32 s25, s0;
	[dreg:$0xb] =	wrdreg s23  }
0x13: {  	[dreg:$0xc] =	wrdreg s24;
	s16 =	sadd.s32 $0x6400, s5;
	s17 =	sadd.s32 $0x6E00, s5  }
0x14: {  	s18 =	sadd.s32 $0x7800, s5;
	s19 =	sadd.s32 $0x8200, s5;
	s20 =	sadd.s32 s6, s4  }
0x15: {  	s21 =	sadd.s32 s8, s4;
	s22 =	sadd.s32 s6, s26;
	s23 =	sadd.s32 s8, s26  }
0x16: {  	s24 =	sadd.s32 $0x8C00, s5;
	s25 =	sadd.s32 $0x5200, s0;
	s26 =	sadd.s32 $0x9600, s5  }
0x17: {  	v0 =	vimm.f32 $0.0e+00;
	s0 =	simm.s32 $0x100;
	s4 =	simm.s32 $0x6800;
	s6 =	simm.s32 $0x1  }
.LBB2_1:
0x18: {  	s9 =	simm.s32 $0x100;
	s8 =	simm.s32 $0x0  }
.LBB2_2:
0x19: {  	p0 =	sne.s32 s9, $0x2700;
	[tilespmem:s8+$0x2830] =	vst v0;
	s10 =	smov.u32 s9;
	s9 =	sadd.s32 $0x100, s9  }
.Ltmp0:
0x1a: {  	[tilespmem:s8+$0x2820] =	vst v0;
	(pc) =	sbr.rel @p0 .LBB2_2-.Ltmp0, $3  }
0x1b: {  	[tilespmem:s8+$0x2800] =	vst v0  }
0x1c: {  	[tilespmem:s8+$0x2810] =	vst v0;
	_ =	sdelay $0x1  }
0x1d: {  	s8 =	sshra.s32 s10, $0x2  }
0x1e: {  	[tilespmem:s8+$0x2830] =	vst v0  }
0x1f: {  	[tilespmem:s8+$0x2820] =	vst v0  }
0x20: {  	[tilespmem:s8+$0x2800] =	vst v0  }
0x21: {  	[tilespmem:s8+$0x2810] =	vst v0  }
0x22: {  	[spmem:s5] =	stream.linear.scatter [tilespmem:s28], [sflag:$0x2], $0xA00, $0x38;
	[tilespmem:$0x14800] =	vst v63  }
0x23: {  	_ =	swait.ge [sflag:s29], $0xA00  }
0x24: {  	[sflag:s29] =	ssyncset.done $0x0  }
0x25: {  	s12 =	rddreg [dreg:$0x5];
	[sflag:s29] =	ssyncadd.s32 $0xFFFFF600  }
0x26: {  	[spmem:s12] =	stream.linear.scatter [tilespmem:s28], [sflag:$0x2], $0xA00, $0x38;
	[tilespmem:$0x14800] =	vst v63  }
0x27: {  	_ =	swait.ge [sflag:s29], $0xA00  }
0x28: {  	[sflag:s29] =	ssyncset.done $0x0  }
0x29: {  	s13 =	rddreg [dreg:$0x6];
	[sflag:s29] =	ssyncadd.s32 $0xFFFFF600  }
0x2a: {  	[spmem:s13] =	stream.linear.scatter [tilespmem:s28], [sflag:$0x2], $0xA00, $0x38;
	[tilespmem:$0x14800] =	vst v63  }
0x2b: {  	_ =	swait.ge [sflag:s29], $0xA00  }
0x2c: {  	[sflag:s29] =	ssyncset.done $0x0  }
0x2d: {  	s14 =	rddreg [dreg:$0x7];
	[sflag:s29] =	ssyncadd.s32 $0xFFFFF600  }
0x2e: {  	[spmem:s14] =	stream.linear.scatter [tilespmem:s28], [sflag:$0x2], $0xA00, $0x38;
	[tilespmem:$0x14800] =	vst v63  }
0x2f: {  	_ =	swait.ge [sflag:s29], $0xA00  }
0x30: {  	[sflag:s29] =	ssyncset.done $0x0  }
0x31: {  	s9 =	rddreg [dreg:$0x8];
	[sflag:s29] =	ssyncadd.s32 $0xFFFFF600  }
0x32: {  	[spmem:s9] =	stream.linear.scatter [tilespmem:s28], [sflag:$0x2], $0xA00, $0x38;
	[tilespmem:$0x14800] =	vst v63  }
0x33: {  	_ =	swait.ge [sflag:s29], $0xA00  }
0x34: {  	[sflag:s29] =	ssyncset.done $0x0  }
0x35: {  	s10 =	rddreg [dreg:$0x9];
	[sflag:s29] =	ssyncadd.s32 $0xFFFFF600  }
0x36: {  	[spmem:s10] =	stream.linear.scatter [tilespmem:s28], [sflag:$0x2], $0xA00, $0x38;
	[tilespmem:$0x14800] =	vst v63  }
0x37: {  	_ =	swait.ge [sflag:s29], $0xA00  }
0x38: {  	[sflag:s29] =	ssyncset.done $0x0  }
0x39: {  	s11 =	rddreg [dreg:$0xa];
	[sflag:s29] =	ssyncadd.s32 $0xFFFFF600  }
0x3a: {  	[spmem:s11] =	stream.linear.scatter [tilespmem:s28], [sflag:$0x2], $0xA00, $0x38;
	[tilespmem:$0x14800] =	vst v63  }
0x3b: {  	_ =	swait.ge [sflag:s29], $0xA00  }
0x3c: {  	[sflag:s29] =	ssyncset.done $0x0  }
0x3d: {  	s12 =	rddreg [dreg:$0xb];
	[sflag:s29] =	ssyncadd.s32 $0xFFFFF600  }
0x3e: {  	[spmem:s12] =	stream.linear.scatter [tilespmem:s28], [sflag:$0x2], $0xA00, $0x38;
	[tilespmem:$0x14800] =	vst v63  }
0x3f: {  	_ =	swait.ge [sflag:s29], $0xA00  }
0x40: {  	[sflag:s29] =	ssyncset.done $0x0  }
0x41: {  	s13 =	rddreg [dreg:$0xc];
	[sflag:s29] =	ssyncadd.s32 $0xFFFFF600  }
0x42: {  	[spmem:s13] =	stream.linear.scatter [tilespmem:s28], [sflag:$0x2], $0xA00, $0x38;
	[tilespmem:$0x14800] =	vst v63  }
0x43: {  	_ =	swait.ge [sflag:s29], $0xA00  }
0x44: {  	[sflag:s29] =	ssyncset.done $0x0  }
0x45: {  	[sflag:s29] =	ssyncadd.s32 $0xFFFFF600  }
0x46: {  	[spmem:s15] =	stream.linear.scatter [tilespmem:s28], [sflag:$0x2], $0xA00, $0x38;
	[tilespmem:$0x14800] =	vst v63  }
0x47: {  	_ =	swait.ge [sflag:s29], $0xA00  }
0x48: {  	[sflag:s29] =	ssyncset.done $0x0  }
0x49: {  	[sflag:s29] =	ssyncadd.s32 $0xFFFFF600  }
0x4a: {  	[spmem:s16] =	stream.linear.scatter [tilespmem:s28], [sflag:$0x2], $0xA00, $0x38;
	[tilespmem:$0x14800] =	vst v63  }
0x4b: {  	_ =	swait.ge [sflag:s29], $0xA00  }
0x4c: {  	[sflag:s29] =	ssyncset.done $0x0  }
0x4d: {  	[sflag:s29] =	ssyncadd.s32 $0xFFFFF600  }
0x4e: {  	[spmem:s17] =	stream.linear.scatter [tilespmem:s28], [sflag:$0x2], $0xA00, $0x38;
	[tilespmem:$0x14800] =	vst v63  }
0x4f: {  	_ =	swait.ge [sflag:s29], $0xA00  }
0x50: {  	[sflag:s29] =	ssyncset.done $0x0  }
0x51: {  	[sflag:s29] =	ssyncadd.s32 $0xFFFFF600  }
0x52: {  	[spmem:s18] =	stream.linear.scatter [tilespmem:s28], [sflag:$0x2], $0xA00, $0x38;
	[tilespmem:$0x14800] =	vst v63  }
0x53: {  	_ =	swait.ge [sflag:s29], $0xA00  }
0x54: {  	[sflag:s29] =	ssyncset.done $0x0  }
0x55: {  	[sflag:s29] =	ssyncadd.s32 $0xFFFFF600  }
0x56: {  	[spmem:s19] =	stream.linear.scatter [tilespmem:s28], [sflag:$0x2], $0xA00, $0x38;
	[tilespmem:$0x14800] =	vst v63  }
0x57: {  	_ =	swait.ge [sflag:s29], $0xA00  }
0x58: {  	[sflag:s29] =	ssyncset.done $0x0  }
0x59: {  	[sflag:s29] =	ssyncadd.s32 $0xFFFFF600  }
0x5a: {  	[spmem:s24] =	stream.linear.scatter [tilespmem:s28], [sflag:$0x2], $0xA00, $0x38;
	[tilespmem:$0x14800] =	vst v63  }
0x5b: {  	_ =	swait.ge [sflag:s29], $0xA00  }
0x5c: {  	[sflag:s29] =	ssyncset.done $0x0  }
0x5d: {  	[sflag:s29] =	ssyncadd.s32 $0xFFFFF600  }
0x5e: {  	[spmem:s26] =	stream.linear.scatter [tilespmem:s28], [sflag:$0x2], $0xA00, $0x38;
	[tilespmem:$0x14800] =	vst v63  }
0x5f: {  	_ =	swait.ge [sflag:s29], $0xA00  }
0x60: {  	[sflag:s29] =	ssyncset.done $0x0  }
0x61: {  	[sflag:s29] =	ssyncadd.s32 $0xFFFFF600  }
0x62: {  	s8 =	simm.s32 $0x0;
	[bflag:$0x0] =	sbarrier.arrive $0xFFFF  }
0x63: {  	[tilespmem:s8], [sflag:$0x2] =	stream.linear.gather [hbm4b:s20+s8], $0x1400, $0x38;
	[tilespmem:$0x14800] =	vst v63  }
0x64: {  	_ =	swait.ge [sflag:s29], $0x1400  }
0x65: {  	[sflag:s29] =	ssyncset.done $0x0  }
0x66: {  	s9 =	simm.s32 $0x1400;
	[sflag:s29] =	ssyncadd.s32 $0xFFFFEC00  }
0x67: {  	[tilespmem:s9], [sflag:$0x2] =	stream.linear.gather [hbm4b:s21+s8], $0x1400, $0x38;
	[tilespmem:$0x14800] =	vst v63  }
0x68: {  	_ =	swait.ge [sflag:s29], $0x1400  }
0x69: {  	[sflag:s29] =	ssyncset.done $0x0  }
0x6a: {  	[sflag:s29] =	ssyncadd.s32 $0xFFFFEC00  }
0x6b: {  	[tilespmem:s28], [sflag:$0x1] =	stream.indirect.gather [hbm4b:s1+s30], $0x40, s8, s30, $0xb8;
	[tilespmem:$0x14800] =	vst v63  }
0x6c: {  	p0 =	por $0x0, $0x0;
	s10 =	simm.s32 $0x18000  }
0x6d: {  	[tilespmem:s31], [sflag:$0x1] =	stream.indirect.gather [hbm4b:s1+s30], $0x40, s30, s30, $0xb8;
	[tilespmem:$0x14800] =	vst v63  }
0x6e: {  	s10 =	sand.u32 @!p0 $0x18000, s10  }
0x6f: {  	[tilespmem:s4], [sflag:$0x1] =	stream.indirect.gather [hbm4b:s1+s30], $0x40, s0, s30, $0xb8;
	[tilespmem:$0x14800] =	vst v63  }
0x70: {  	s10 =	sshrl.u32 @!p0 s10, $0x2;
	_ =	swait.ge [sflag:s6], $0x2000  }
0x71: {  	s14 =	simm.s32 $0x0;
	s10 =	sadd.s32 @!p0 $0x2800, s10;
	[sflag:s6] =	ssyncset.done $0x0  }
0x72: {  	s11 =	simm.s32 $0x180;
	s12 =	simm.s32 @!p0 $0x80;
	[sflag:s6] =	ssyncadd.s32 $0xFFFFE000  }
0x73: {  	[tilespmem:s10], [sflag:$0x1] =	stream.indirect.gather @!p0 [hbm4b:s1+s12], $0x40, s11, s12, $0xb8;
	[tilespmem:$0x14800] =	vst v63  }
0x74: {  	s10 =	sand.u32 $0x18000, s14  }
0x75: {  	s10 =	sshrl.u32 s10, $0x2  }
0x76: {  	s11 =	simm.s32 $0x1480;
	s10 =	sadd.s32 $0x2800, s10  }
0x77: {  	[spmem:s2] =	stream.indirect.scatter.add.f32 [tilespmem:s10], [sflag:$0x2], $0x40, s9, s30, $0xb8;
	[tilespmem:$0x14800] =	vst v63  }
0x78: {  	s9 =	simm.s32 $0x20000;
	s10 =	simm.s32 $0x200;
	_ =	swait.ge [sflag:s29], $0x2000  }
.LBB2_4:
0x79: {  	[sflag:s29] =	ssyncset.done $0x0  }
0x7a: {  	s8 =	sadd.s32 $0x1, s8;
	s12 =	smov.u32 s9;
	s9 =	sadd.s32 $0x8000, s9  }
0x7b: {  	p1 =	sgt.u32 s8, $0x24;
	p0 =	sne.s32 s9, $0x158000;
	[sflag:s29] =	ssyncadd.s32 $0xFFFFE000  }
0x7c: {  	_ =	swait.ge [sflag:s6], $0x2000;
	s13 =	sand.u32 @!p1 $0x18000, s12;
	s14 =	simm.s32 @!p1 $0x80  }
0x7d: {  	s12 =	sadd.s32 $0xFFFE8000, s12;
	[sflag:s6] =	ssyncset.done $0x0;
	s13 =	sshrl.u32 @!p1 s13, $0x2  }
0x7e: {  	s12 =	sand.u32 $0x18000, s12;
	[sflag:s6] =	ssyncadd.s32 $0xFFFFE000;
	s13 =	sadd.s32 @!p1 $0x2800, s13  }
0x7f: {  	[tilespmem:s13], [sflag:$0x1] =	stream.indirect.gather @!p1 [hbm4b:s1+s14], $0x40, s10, s14, $0xb8;
	[tilespmem:$0x14800] =	vst v63  }
.Ltmp1:
0x80: {  	_ = 	snop;
	(pc) =	sbr.rel @p0 .LBB2_4-.Ltmp1, $4  }
0x81: {  	s12 =	sshrl.u32 s12, $0x2  }
0x82: {  	s12 =	sadd.s32 $0x2800, s12  }
0x83: {  	[spmem:s2] =	stream.indirect.scatter.add.f32 [tilespmem:s12], [sflag:$0x2], $0x40, s11, s30, $0xb8;
	[tilespmem:$0x14800] =	vst v63  }
0x84: {  	s10 =	sadd.s32 $0x80, s10;
	s11 =	sadd.s32 $0x80, s11;
	_ =	swait.ge [sflag:s29], $0x2000  }
0x85: {  	[sflag:s29] =	ssyncset.done $0x0  }
0x86: {  	s8 =	simm.s32 $0x0;
	[sflag:s29] =	ssyncadd.s32 $0xFFFFE000  }
0x87: {  	[tilespmem:s8], [sflag:$0x2] =	stream.linear.gather [hbm4b:s22+s8], $0x1400, $0x38;
	[tilespmem:$0x14800] =	vst v63  }
0x88: {  	_ =	swait.ge [sflag:s29], $0x1400  }
0x89: {  	[sflag:s29] =	ssyncset.done $0x0  }
0x8a: {  	s9 =	simm.s32 $0x1400;
	[sflag:s29] =	ssyncadd.s32 $0xFFFFEC00  }
0x8b: {  	[tilespmem:s9], [sflag:$0x2] =	stream.linear.gather [hbm4b:s23+s8], $0x1400, $0x38;
	[tilespmem:$0x14800] =	vst v63  }
0x8c: {  	_ =	swait.ge [sflag:s29], $0x1400  }
0x8d: {  	[sflag:s29] =	ssyncset.done $0x0  }
0x8e: {  	[sflag:s29] =	ssyncadd.s32 $0xFFFFEC00  }
0x8f: {  	[tilespmem:s28], [sflag:$0x1] =	stream.indirect.gather [hbm4b:s1+s30], $0x40, s8, s30, $0xb8;
	[tilespmem:$0x14800] =	vst v63  }
0x90: {  	s10 =	simm.s32 $0x180  }
0x91: {  	[tilespmem:s31], [sflag:$0x1] =	stream.indirect.gather [hbm4b:s1+s30], $0x40, s30, s30, $0xb8;
	[tilespmem:$0x14800] =	vst v63  }
0x92: {  	s11 =	simm.s32 $0x18000;
	p0 =	por $0x0, $0x0;
	s13 =	simm.s32 $0x0  }
0x93: {  	[tilespmem:s4], [sflag:$0x1] =	stream.indirect.gather [hbm4b:s1+s30], $0x40, s0, s30, $0xb8;
	[tilespmem:$0x14800] =	vst v63  }
0x94: {  	s11 =	sand.u32 @!p0 $0x18000, s11;
	s12 =	simm.s32 @!p0 $0x80;
	_ =	swait.ge [sflag:s6], $0x2000  }
0x95: {  	s13 =	sand.u32 $0x18000, s13;
	s11 =	sshrl.u32 @!p0 s11, $0x2;
	[sflag:s6] =	ssyncset.done $0x0  }
0x96: {  	s14 =	sshrl.u32 s13, $0x2;
	s11 =	sadd.s32 @!p0 $0x2800, s11;
	[sflag:s6] =	ssyncadd.s32 $0xFFFFE000  }
0x97: {  	[tilespmem:s11], [sflag:$0x1] =	stream.indirect.gather @!p0 [hbm4b:s1+s12], $0x40, s10, s12, $0xb8;
	[tilespmem:$0x14800] =	vst v63  }
0x98: {  	s10 =	sadd.s32 $0x2800, s14;
	s11 =	simm.s32 $0x1480  }
0x99: {  	[spmem:s2] =	stream.indirect.scatter.add.f32 [tilespmem:s10], [sflag:$0x2], $0x40, s9, s30, $0xb8;
	[tilespmem:$0x14800] =	vst v63  }
0x9a: {  	s9 =	simm.s32 $0x20000;
	s10 =	simm.s32 $0x200;
	_ =	swait.ge [sflag:s29], $0x2000  }
.LBB2_6:
0x9b: {  	[sflag:s29] =	ssyncset.done $0x0  }
0x9c: {  	s8 =	sadd.s32 $0x1, s8;
	s12 =	smov.u32 s9;
	s9 =	sadd.s32 $0x8000, s9  }
0x9d: {  	p1 =	sgt.u32 s8, $0x24;
	p0 =	sne.s32 s9, $0x158000;
	[sflag:s29] =	ssyncadd.s32 $0xFFFFE000  }
0x9e: {  	_ =	swait.ge [sflag:s6], $0x2000;
	s13 =	sand.u32 @!p1 $0x18000, s12;
	s14 =	simm.s32 @!p1 $0x80  }
0x9f: {  	s12 =	sadd.s32 $0xFFFE8000, s12;
	[sflag:s6] =	ssyncset.done $0x0;
	s13 =	sshrl.u32 @!p1 s13, $0x2  }
0xa0: {  	s12 =	sand.u32 $0x18000, s12;
	[sflag:s6] =	ssyncadd.s32 $0xFFFFE000;
	s13 =	sadd.s32 @!p1 $0x2800, s13  }
0xa1: {  	[tilespmem:s13], [sflag:$0x1] =	stream.indirect.gather @!p1 [hbm4b:s1+s14], $0x40, s10, s14, $0xb8;
	[tilespmem:$0x14800] =	vst v63  }
.Ltmp2:
0xa2: {  	_ = 	snop;
	(pc) =	sbr.rel @p0 .LBB2_6-.Ltmp2, $4  }
0xa3: {  	s12 =	sshrl.u32 s12, $0x2  }
0xa4: {  	s12 =	sadd.s32 $0x2800, s12  }
0xa5: {  	[spmem:s2] =	stream.indirect.scatter.add.f32 [tilespmem:s12], [sflag:$0x2], $0x40, s11, s30, $0xb8;
	[tilespmem:$0x14800] =	vst v63  }
0xa6: {  	s10 =	sadd.s32 $0x80, s10;
	s11 =	sadd.s32 $0x80, s11;
	_ =	swait.ge [sflag:s29], $0x2000  }
0xa7: {  	[sflag:s29] =	ssyncset.done $0x0  }
0xa8: {  	[sflag:s29] =	ssyncadd.s32 $0xFFFFE000  }
0xa9: {  	[bflag:$0x0] =	sbarrier.arrive $0xFFFF  }
0xaa: {  	[tilespmem:s28], [sflag:$0x2] =	stream.linear.gather [spmem:s5], $0xA00, $0x38;
	[tilespmem:$0x14800] =	vst v63  }
0xab: {  	_ =	swait.ge [sflag:s29], $0xA00  }
0xac: {  	[sflag:s29] =	ssyncset.done $0x0  }
0xad: {  	s8 =	sadd.s32 $0x0, s25;
	[sflag:s29] =	ssyncadd.s32 $0xFFFFF600  }
0xae: {  	[hbm4b:s8+s3] =	stream.linear.scatter [tilespmem:s28], [sflag:$0x2], $0xA00, $0x38;
	[tilespmem:$0x14800] =	vst v63  }
0xaf: {  	_ =	swait.ge [sflag:s29], $0xA00  }
0xb0: {  	s9 =	smov.u32 s5;
	s8 =	simm.s32 $0x140;
	[sflag:s29] =	ssyncset.done $0x0  }
.LBB2_8:
0xb1: {  	p0 =	sne.s32 s8, $0x12C0;
	[sflag:s29] =	ssyncadd.s32 $0xFFFFF600;
	s9 =	sadd.s32 $0xA00, s9  }
0xb2: {  	[tilespmem:s28], [sflag:$0x2] =	stream.linear.gather [spmem:s9], $0xA00, $0x38;
	[tilespmem:$0x14800] =	vst v63  }
0xb3: {  	s10 =	smov.u32 s8;
	s8 =	sadd.s32 $0x140, s8;
	_ =	swait.ge [sflag:s29], $0xA00  }
.Ltmp3:
0xb4: {  	[sflag:s29] =	ssyncset.done $0x0;
	(pc) =	sbr.rel @p0 .LBB2_8-.Ltmp3, $4  }
0xb5: {  	s10 =	sadd.s32 s10, s25;
	[sflag:s29] =	ssyncadd.s32 $0xFFFFF600  }
0xb6: {  	[hbm4b:s10+s3] =	stream.linear.scatter [tilespmem:s28], [sflag:$0x2], $0xA00, $0x38;
	[tilespmem:$0x14800] =	vst v63  }
0xb7: {  	_ =	swait.ge [sflag:s29], $0xA00  }
0xb8: {  	[sflag:s29] =	ssyncset.done $0x0  }
0xb9: {  	s7 =	sadd.s32 $0x1, s7;
	s8 =	rddreg [dreg:$0x4]  }
0xba: {  	p0 =	sne.s32 s7, s8  }
.Ltmp4:
0xbb: {  	_ = 	snop;
	(pc) =	sbr.rel @p0 .LBB2_1-.Ltmp4, $2  }
0xbc: {  	_ =	sdelay $0x2  }
0xbd: {  	[sflag:s29] =	ssyncadd.s32 $0xFFFFF600  }
0xbe: {  	_ =	sfence.sel $0x180000  }
0xbf: {  	[bflag:$0x0] =	sbarrier.arrive $0xFFFF  }
0xc0: {  	_ =	strace $0x90000053  }
0xc1: {  	s0 =	stileid.u32;
	[bflag:$0x2] =	sbarrier.arrive $0xFFFF  }
0xc2: {  	p0 =	sne.s32 s0, $0x0;
	s0 =	rddreg [dreg:$0x3]  }
0xc3: {  	s0 =	sadd.s32 @!p0 $0x100000, s0  }
0xc4: {  	[sflag:s0] =	ssyncadd.tile.s32 @!p0 $0x1;
	_ =	shalt  }
.Lfunc_end2:
_tile_overlayer_lowered:
.L_overlay_start_2:
0xc5: {  	(tag) =	ssettag $0x2  }
0xc6: {  	s0 =	rddreg [dreg:$0x0];
	s2 =	stileid.u32  }
0xc7: {  	s1 =	rddreg [dreg:$0x1];
	p0 =	sne.s32 s2, $0x0  }
0xc8: {  	s3 =	rddreg [dreg:$0x2];
	[bflag:$0x3] =	sbarrier.arrive $0xFFFF;
	s2 =	simm.s32 @!p0 $0x1C02  }
0xc9: {  	[timem:s3], [sflag:s2] =	dma.local @!p0 [hbm:s0], s1  }
0xca: {  	s0 =	simm.s32 @!p0 $0x2  }
0xcb: {  	_ =	swait.ge @!p0 [sflag:s0], s1  }
0xcc: {  	s1 =	ssub.s32 @!p0 $0x0, s1;
	[sflag:s0] =	ssyncset.done @!p0 $0x0  }
0xcd: {  	[sflag:s0] =	ssyncadd.s32 @!p0 s1  }
0xce: {  	[bflag:$0x3] =	sbarrier.arrive $0xFFFF  }
0xcf: {  	_ =	shalt  }

// kernel: segsum64.6.cloned.1.call-start
scs
__scs_entry_jumppad:
0x0: {  	(pc) =	sbr.rel $0x88, $3  }
0x1: {  	(tag) =	ssettag $0x0;
	lr =	simm.s32 $0x1  }
0x2: {  	[smem:$0x3F91] =	sst lr;
	_ =	strace $0xD0000000  }
0x3: {  	_ = 	snop  }
0x4: {  	_ = 	snop  }
0x5: {  	_ = 	snop  }
0x6: {  	_ = 	snop  }
0x7: {  	_ = 	snop  }
__scs_overlays_trampoline_lowered:
0x8: {  	[smem:$0x3FA0] =	sst s0  }
0x9: {  	[smem:$0x3FA1] =	sst s1  }
0xa: {  	[smem:$0x3FA2] =	sst s2  }
0xb: {  	[smem:$0x3FA3] =	sst s3  }
0xc: {  	[smem:$0x3FA4] =	sst s4  }
0xd: {  	[smem:$0x3FA5] =	sst s5  }
0xe: {  	[smem:$0x3FA6] =	sst s6  }
0xf: {  	[smem:$0x3FA7] =	sst s7  }
0x10: {  	[smem:$0x3FA8] =	sst s8  }
0x11: {  	[smem:$0x3FA9] =	sst s9;
	s0 =	simm.s32 @!p0 $0x0  }
0x12: {  	s1 =	sld [smem:$0x3F8F];
	s0 =	simm.s32 @p0 $0x1  }
0x13: {  	[smem:$0x3FAA] =	sst s0;
	s0 =	simm.s32 @!p1 $0x0  }
0x14: {  	s2 =	sld [smem:$0x3F8E];
	s0 =	simm.s32 @p1 $0x1  }
0x15: {  	[smem:$0x3FAB] =	sst s0;
	s0 =	simm.s32 @!p2 $0x0  }
0x16: {  	s3 =	sld [smem:$0x3FDB];
	s0 =	simm.s32 @p2 $0x1  }
0x17: {  	s4 =	simm.s32 $0x1BF5;
	[smem:$0x3FAD] =	sst s0  }
0x18: {  	s0 =	sld [smem:$0x3F90];
	_ =	swait.ge [sflag:s4], $0x0  }
0x19: {  	s7 =	sld [smem:$0x3F91]  }
0x1a: {  	s8 =	sadd.s32 $0xFFFFE003, lr  }
0x1b: {  	s9 =	sadd.s32 $0xFFFFFEF7, lr;
	s5 =	simm.s32 $0xFFFFFFFF;
	p2 =	slt.u32 s8, $0xFFFFF086  }
0x1c: {  	p1 =	slt.u32 s9, $0xF7A;
	s5 =	simm.s32 @!p2 $0x0  }
0x1d: {  	s5 =	simm.s32 @p1 $0x1;
	p0 =	seq.s32 s7, s2  }
0x1e: {  	s7 =	smul.u32 @!p0 $0xF7A, s2;
	p2 =	seq.s32 @!p0 s5, $0x0  }
0x1f: {  	s9 =	smul.u32 $0xF7A, s1;
	s8 =	simm.s32 @!p0 $0x1BF5;
	p2 =	por !p2, p0  }
0x20: {  	[sflag:s8] =	ssyncset.s32 @!p0 $0xFFFFF086;
	s6 =	sadd.s32 @!p0 s3, s7;
	s7 =	simm.s32 @!p0 $0x108  }
0x21: {  	s3 =	sadd.s32 s3, s9;
	s6 =	sadd.s32 @!p0 $0x88, s6;
	s7 =	simm.s32 @p2 $0x1082  }
0x22: {  	[simem:s7], [sflag:s8] =	dma.local @!p0 [hbm:s6], $0xF7A  }
0x23: {  	s9 =	sor.u32 $0xD0000000, s2;
	s6 =	simm.s32 $0x108;
	_ =	swait.ge @!p0 [sflag:s8], $0x0  }
0x24: {  	s3 =	sadd.s32 $0x88, s3;
	s6 =	simm.s32 @!p1 $0x1082;
	[sflag:s4] =	ssyncset.s32 $0xFFFFF086  }
0x25: {  	[simem:s6], [sflag:s4] =	dma.local [hbm:s3], $0xF7A  }
0x26: {  	[smem:$0x3F91] =	sst s1;
	(tag) =	ssettag s2;
	_ =	strace s9  }
0x27: {  	s1 =	sld [smem:$0x3FA1]  }
0x28: {  	s2 =	sld [smem:$0x3FA2]  }
0x29: {  	s4 =	sld [smem:$0x3FA4]  }
0x2a: {  	p0 =	seq.s32 s5, $0x0;
	s5 =	sld [smem:$0x3FA5]  }
0x2b: {  	s6 =	sld [smem:$0x3FA6]  }
0x2c: {  	s7 =	sld [smem:$0x3FA7]  }
0x2d: {  	s3 =	simm.s32 $0x108;
	s8 =	sld [smem:$0x3FA8]  }
0x2e: {  	s3 =	simm.s32 @!p0 $0x1082;
	s9 =	sld [smem:$0x3FA9]  }
0x2f: {  	lr =	sadd.s32 s0, s3;
	s0 =	sld [smem:$0x3FA0]  }
0x30: {  	s3 =	sld [smem:$0x3FA3]  }
0x31: {  	[smem:$0x3FAC] =	sst s10  }
0x32: {  	s10 =	sld [smem:$0x3FAA];
	_ =	sdelay $0x3  }
0x33: {  	p0 =	seq.s32 s10, $0x1;
	s10 =	sld [smem:$0x3FAC];
	_ =	sdelay $0x3  }
0x34: {  	[smem:$0x3FAC] =	sst s10  }
0x35: {  	s10 =	sld [smem:$0x3FAB];
	_ =	sdelay $0x3  }
0x36: {  	p1 =	seq.s32 s10, $0x1;
	s10 =	sld [smem:$0x3FAC];
	_ =	sdelay $0x3  }
0x37: {  	[smem:$0x3FAC] =	sst s10  }
0x38: {  	s10 =	sld [smem:$0x3FAD]  }
0x39: {  	_ = 	snop;
	(pc) =	sbr.ind lr, $3  }
0x3a: {  	_ = 	snop  }
0x3b: {  	_ = 	snop  }
0x3c: {  	p2 =	seq.s32 s10, $0x1;
	s10 =	sld [smem:$0x3FAC]  }
0x3d: {  	_ =	shalt  }
0x3e: {  	_ =	shalt  }
0x3f: {  	_ =	shalt  }
0x40: {  	_ =	shalt  }
0x41: {  	_ =	shalt  }
0x42: {  	_ =	shalt  }
0x43: {  	_ =	shalt  }
0x44: {  	_ =	shalt  }
0x45: {  	_ =	shalt  }
0x46: {  	_ =	shalt  }
0x47: {  	_ =	shalt  }
0x48: {  	_ =	shalt  }
0x49: {  	_ =	shalt  }
0x4a: {  	_ =	shalt  }
0x4b: {  	_ =	shalt  }
0x4c: {  	_ =	shalt  }
0x4d: {  	_ =	shalt  }
0x4e: {  	_ =	shalt  }
0x4f: {  	_ =	shalt  }
0x50: {  	_ =	shalt  }
0x51: {  	_ =	shalt  }
0x52: {  	_ =	shalt  }
0x53: {  	_ =	shalt  }
0x54: {  	_ =	shalt  }
0x55: {  	_ =	shalt  }
0x56: {  	_ =	shalt  }
0x57: {  	_ =	shalt  }
0x58: {  	_ =	shalt  }
0x59: {  	_ =	shalt  }
0x5a: {  	_ =	shalt  }
0x5b: {  	_ =	shalt  }
0x5c: {  	_ =	shalt  }
0x5d: {  	_ =	shalt  }
0x5e: {  	_ =	shalt  }
0x5f: {  	_ =	shalt  }
0x60: {  	_ =	shalt  }
0x61: {  	_ =	shalt  }
0x62: {  	_ =	shalt  }
0x63: {  	_ =	shalt  }
0x64: {  	_ =	shalt  }
0x65: {  	_ =	shalt  }
0x66: {  	_ =	shalt  }
0x67: {  	_ =	shalt  }
0x68: {  	_ =	shalt  }
0x69: {  	_ =	shalt  }
0x6a: {  	_ =	shalt  }
0x6b: {  	_ =	shalt  }
0x6c: {  	_ =	shalt  }
0x6d: {  	_ =	shalt  }
0x6e: {  	_ =	shalt  }
0x6f: {  	_ =	shalt  }
0x70: {  	_ =	shalt  }
0x71: {  	_ =	shalt  }
0x72: {  	_ =	shalt  }
0x73: {  	_ =	shalt  }
0x74: {  	_ =	shalt  }
0x75: {  	_ =	shalt  }
0x76: {  	_ =	shalt  }
0x77: {  	_ =	shalt  }
0x78: {  	_ =	shalt  }
0x79: {  	_ =	shalt  }
0x7a: {  	_ =	shalt  }
0x7b: {  	_ =	shalt  }
0x7c: {  	_ =	shalt  }
0x7d: {  	_ =	shalt  }
0x7e: {  	_ =	shalt  }
0x7f: {  	_ =	shalt  }
0x80: {  	_ =	shalt  }
0x81: {  	_ =	shalt  }
0x82: {  	_ =	shalt  }
0x83: {  	_ =	shalt  }
0x84: {  	_ =	shalt  }
0x85: {  	_ =	shalt  }
0x86: {  	_ =	shalt  }
0x87: {  	_ =	shalt  }
.Lfunc_end0:
.L_simem_size_0:
called_computation.1_lowered:
.L_overlay_start_0:
0x88: {  	s2 =	sld [smem:$0x3FD9]  }
0x89: {  	s3 =	sld [smem:$0x3FFE];
	_ =	sdelay $0x1  }
0x8a: {  	s1 =	srdreg.scid  }
0x8b: {  	s0 =	sand.u32 $0x1, s1  }
0x8c: {  	s14 =	sshll.u32 s0, $0xA;
	s2 =	sadd.s32 s3, s2  }
0x8d: {  	s2 =	sadd.s32 s2, s14  }
0x8e: {  	[smem:$0x3FB8] =	sst s2  }
0x8f: {  	_ = 	snop  }
0x90: {  	s2 =	sld [smem:$0x3FD0];
	_ =	sdelay $0x2  }
0x91: {  	s15 =	simm.s32 $0xB;
	s4 =	simm.s32 $0x10  }
0x92: {  	[smem:s4], [sflag:s15] =	dma.local [hbm:s2], $0x1  }
0x93: {  	_ =	swait.eq [sflag:s15], $0x1  }
0x94: {  	[sflag:s15] =	ssyncset.done $0x0  }
0x95: {  	[sflag:s15] =	ssyncadd.s32 $0xFFFFFFFF  }
0x96: {  	s16 =	sld [smem:$0x11];
	(tm) =	ssettm $0x1  }
0x97: {  	s17 =	sld [smem:$0x3FFB];
	_ =	sdelay $0x3  }
0x98: {  	_ =	strace s17  }
0x99: {  	s3 =	sld [smem:$0x3FFC];
	_ =	sdelay $0x3  }
0x9a: {  	_ =	strace s3  }
0x9b: {  	s3 =	sld [smem:$0x3FFD];
	_ =	sdelay $0x3  }
0x9c: {  	_ =	strace s3  }
0x9d: {  	_ =	strace $0x8FFFFFFF  }
0x9e: {  	s18 =	sld [smem:$0x3FDB];
	_ =	sdelay $0x1  }
0x9f: {  	s19 =	simm.s32 $_scs_section_size  }
0xa0: {  	s5 =	simm.s32 $_size__tile_overlayer_lowered;
	s6 =	simm.s32 $_tile_overlayer_lowered  }
0xa1: {  	s22 =	simm.s32 $0x1BFF;
	s21 =	sshll.u32 s6, $0x1;
	s3 =	sadd.s32 s19, s18  }
0xa2: {  	s7 =	simm.s32 $0x0;
	s20 =	sshll.u32 s5, $0x1;
	s5 =	sadd.s32 s21, s3  }
0xa3: {  	[timem:s7], [sflag:s22] =	dma.local [hbm:s5], s20  }
0xa4: {  	_ =	swait.ge [sflag:s22], s20  }
0xa5: {  	s4 =	ssub.s32 $0x0, s20;
	[sflag:s22] =	ssyncset.done $0x0  }
0xa6: {  	[sflag:s22] =	ssyncadd.s32 s4;
	_ =	sdelay $0x1  }
0xa7: {  	s23 =	simm.s32 $0x1B8B  }
0xa8: {  	_ =	swait.ge [sflag:s23], $0x1  }
0xa9: {  	[sflag:s23] =	ssyncset.done $0x0  }
0xaa: {  	s25 =	simm.s32 $0x1B8E;
	s24 =	sld [smem:$0x3FFE];
	[sflag:s23] =	ssyncadd.s32 $0xFFFFFFFF  }
0xab: {  	s26 =	simm.s32 $execute0_lowered;
	[smem:$0x3FD2] =	sst s25  }
0xac: {  	s5 =	sshll.u32 s26, $0x1;
	_ =	strace $0x80000046;
	[dreg:$0x1] =	wrdreg $0xFFFFFFFF  }
0xad: {  	s28 =	simm.s32 $_size_execute0_lowered;
	s3 =	sadd.s32 s3, s5;
	[dreg:$0x0] =	wrdreg $0x0  }
0xae: {  	s5 =	sshll.u32 s28, $0x1;
	[dreg:$0x2] =	wrdreg s3  }
0xaf: {  	[dreg:$0x3] =	wrdreg s5  }
0xb0: {  	[dreg:$0x4] =	wrdreg $0xC0  }
0xb1: {  	_ =	task [dreg:s7], $0x5FFFF  }
0xb2: {  	[dreg:$0x1] =	wrdreg $0xFFFFFFFF  }
0xb3: {  	[dreg:$0x0] =	wrdreg $0x60  }
0xb4: {  	[dreg:$0x2] =	wrdreg s16  }
0xb5: {  	[dreg:$0x3] =	wrdreg s24  }
0xb6: {  	[dreg:$0x4] =	wrdreg $0xA8000  }
0xb7: {  	[dreg:$0x5] =	wrdreg $0xA  }
0xb8: {  	_ =	task.clear_ibuf [dreg:s7], $0x6FFFF;
	_ =	strace $0x90000046  }
0xb9: {  	s29 =	simm.s32 $0xA;
	_ =	strace $0x80000048  }
0xba: {  	_ =	swait.ge [sflag:s29], $0x1  }
0xbb: {  	[sflag:s29] =	ssyncadd.s32 $0xFFFFFFFF  }
0xbc: {  	_ =	strace $0x90000048  }
0xbd: {  	_ =	sfence  }
0xbe: {  	s30 =	sld [smem:$0x0];
	_ =	sdelay $0x2  }
0xbf: {  	s31 =	sshll.u32 s1, $0xD;
	s1 =	sshrl.u32 s1, $0x2  }
0xc0: {  	s3 =	sand.u32 $0x4000, s31;
	s1 =	sadd.s32 s1, s30  }
0xc1: {  	s0 =	sor.u32 s3, s0;
	s1 =	sshll.u32 s1, $0x11  }
0xc2: {  	s0 =	sor.u32 s1, s0  }
0xc3: {  	s0 =	sadd.s32 $0x8F2B, s0  }
0xc4: {  	[sflag:s0] =	ssyncadd.remote.s32 $0x1  }
0xc5: {  	_ =	sfence.sel $0xFFFF  }
0xc6: {  	[dreg:$0x0] =	wrdreg $0xFFFFFFFF;
	(pc) =	sbr.abs _section_cstart, $3  }
0xc7: {  	[dreg:$0x1] =	wrdreg $0xFFFFFFFF  }
0xc8: {  	_ =	task.clear_ibuf [dreg:s7], $0x2FFFF;
	_ =	strace $0x9FFFFFFF  }
0xc9: {  	(tm) =	ssettm $0x7FFFFFFF  }
tec
execute0_lowered:
.L_overlay_start_1:
0x0: {  	(tag) =	ssettag $0x1  }
0x1: {  	s1 =	rddreg [dreg:$0x0]  }
0x2: {  	s0 =	rddreg [dreg:$0x1]  }
0x3: {  	s2 =	rddreg [dreg:$0x2]  }
0x4: {  	s3 =	simm.s32 $0x0;
	s4 =	srdreg.scid;
	s11 =	stileid.u32  }
0x5: {  	s28 =	simm.s32 $0x2800;
	s29 =	simm.s32 $0x2;
	s30 =	simm.s32 $0x80  }
0x6: {  	s31 =	simm.s32 $0x4800;
	[smem:$0x7FF] =	sst s3;
	s4 =	sand.u32 $0x1, s4  }
0x7: {  	s6 =	sadd.s32 $0x2D200, s0;
	s7 =	smul.u32 $0x28000, s11;
	s15 =	ssub.s32 $0x2, s4  }
0x8: {  	s8 =	sadd.s32 $0x37200, s0;
	s5 =	smul.u32 $0x14000, s4;
	s9 =	sshrl.u32 s15, $0x1  }
0x9: {  	s10 =	sshll.u32 s11, $0x1;
	s7 =	sshrl.u32 s7, $0x2;
	s9 =	ssub.s32 s15, s9  }
0xa: {  	s0 =	sadd.s32 s5, s0;
	s5 =	sadd.s32 s7, s2;
	s16 =	smax.u32 s9, $0x1  }
0xb: {  	_ =	strace $0x80000047;
	s17 =	sadd.s32 $0xA00, s5;
	[dreg:$0x4] =	wrdreg s16  }
0xc: {  	s25 =	smul.u32 $0x1400, s11;
	s18 =	sadd.s32 $0x1400, s5;
	[dreg:$0x5] =	wrdreg s17  }
0xd: {  	s4 =	sor.u32 s4, s10;
	s19 =	sadd.s32 $0x1E00, s5;
	[dreg:$0x6] =	wrdreg s18  }
0xe: {  	s4 =	smul.u32 $0x500, s4;
	s20 =	sadd.s32 $0x2800, s5;
	[dreg:$0x7] =	wrdreg s19  }
0xf: {  	s7 =	simm.s32 $0x0;
	s21 =	sadd.s32 $0x3200, s5;
	[dreg:$0x8] =	wrdreg s20  }
0x10: {  	s22 =	sadd.s32 $0x3C00, s5;
	s23 =	sadd.s32 $0x4600, s5;
	[dreg:$0x9] =	wrdreg s21  }
0x11: {  	s24 =	sadd.s32 $0x5000, s5;
	s15 =	sadd.s32 $0x5A00, s5;
	[dreg:$0xa] =	wrdreg s22  }
0x12: {  	s26 =	sadd.s32 $0x280, s4;
	s0 =	sadd.s32 s25, s0;
	[dreg:$0xb] =	wrdreg s23  }
0x13: {  	[dreg:$0xc] =	wrdreg s24;
	s16 =	sadd.s32 $0x6400, s5;
	s17 =	sadd.s32 $0x6E00, s5  }
0x14: {  	s18 =	sadd.s32 $0x7800, s5;
	s19 =	sadd.s32 $0x8200, s5;
	s20 =	sadd.s32 s6, s4  }
0x15: {  	s21 =	sadd.s32 s8, s4;
	s22 =	sadd.s32 s6, s26;
	s23 =	sadd.s32 s8, s26  }
0x16: {  	s24 =	sadd.s32 $0x8C00, s5;
	s25 =	sadd.s32 $0x41200, s0;
	s26 =	sadd.s32 $0x9600, s5  }
0x17: {  	v0 =	vimm.f32 $0.0e+00;
	s0 =	simm.s32 $0x100;
	s4 =	simm.s32 $0x6800;
	s6 =	simm.s32 $0x1  }
.LBB2_1:
0x18: {  	s9 =	simm.s32 $0x100;
	s8 =	simm.s32 $0x0  }
.LBB2_2:
0x19: {  	p0 =	sne.s32 s9, $0x2700;
	[tilespmem:s8+$0x2830] =	vst v0;
	s10 =	smov.u32 s9;
	s9 =	sadd.s32 $0x100, s9  }
.Ltmp0:
0x1a: {  	[tilespmem:s8+$0x2820] =	vst v0;
	(pc) =	sbr.rel @p0 .LBB2_2-.Ltmp0, $3  }
0x1b: {  	[tilespmem:s8+$0x2800] =	vst v0  }
0x1c: {  	[tilespmem:s8+$0x2810] =	vst v0;
	_ =	sdelay $0x1  }
0x1d: {  	s8 =	sshra.s32 s10, $0x2  }
0x1e: {  	[tilespmem:s8+$0x2830] =	vst v0  }
0x1f: {  	[tilespmem:s8+$0x2820] =	vst v0  }
0x20: {  	[tilespmem:s8+$0x2800] =	vst v0  }
0x21: {  	[tilespmem:s8+$0x2810] =	vst v0  }
0x22: {  	[spmem:s5] =	stream.linear.scatter [tilespmem:s28], [sflag:$0x2], $0xA00, $0x38;
	[tilespmem:$0x14800] =	vst v63  }
0x23: {  	_ =	swait.ge [sflag:s29], $0xA00  }
0x24: {  	[sflag:s29] =	ssyncset.done $0x0  }
0x25: {  	s12 =	rddreg [dreg:$0x5];
	[sflag:s29] =	ssyncadd.s32 $0xFFFFF600  }
0x26: {  	[spmem:s12] =	stream.linear.scatter [tilespmem:s28], [sflag:$0x2], $0xA00, $0x38;
	[tilespmem:$0x14800] =	vst v63  }
0x27: {  	_ =	swait.ge [sflag:s29], $0xA00  }
0x28: {  	[sflag:s29] =	ssyncset.done $0x0  }
0x29: {  	s13 =	rddreg [dreg:$0x6];
	[sflag:s29] =	ssyncadd.s32 $0xFFFFF600  }
0x2a: {  	[spmem:s13] =	stream.linear.scatter [tilespmem:s28], [sflag:$0x2], $0xA00, $0x38;
	[tilespmem:$0x14800] =	vst v63  }
0x2b: {  	_ =	swait.ge [sflag:s29], $0xA00  }
0x2c: {  	[sflag:s29] =	ssyncset.done $0x0  }
0x2d: {  	s14 =	rddreg [dreg:$0x7];
	[sflag:s29] =	ssyncadd.s32 $0xFFFFF600  }
0x2e: {  	[spmem:s14] =	stream.linear.scatter [tilespmem:s28], [sflag:$0x2], $0xA00, $0x38;
	[tilespmem:$0x14800] =	vst v63  }
0x2f: {  	_ =	swait.ge [sflag:s29], $0xA00  }
0x30: {  	[sflag:s29] =	ssyncset.done $0x0  }
0x31: {  	s9 =	rddreg [dreg:$0x8];
	[sflag:s29] =	ssyncadd.s32 $0xFFFFF600  }
0x32: {  	[spmem:s9] =	stream.linear.scatter [tilespmem:s28], [sflag:$0x2], $0xA00, $0x38;
	[tilespmem:$0x14800] =	vst v63  }
0x33: {  	_ =	swait.ge [sflag:s29], $0xA00  }
0x34: {  	[sflag:s29] =	ssyncset.done $0x0  }
0x35: {  	s10 =	rddreg [dreg:$0x9];
	[sflag:s29] =	ssyncadd.s32 $0xFFFFF600  }
0x36: {  	[spmem:s10] =	stream.linear.scatter [tilespmem:s28], [sflag:$0x2], $0xA00, $0x38;
	[tilespmem:$0x14800] =	vst v63  }
0x37: {  	_ =	swait.ge [sflag:s29], $0xA00  }
0x38: {  	[sflag:s29] =	ssyncset.done $0x0  }
0x39: {  	s11 =	rddreg [dreg:$0xa];
	[sflag:s29] =	ssyncadd.s32 $0xFFFFF600  }
0x3a: {  	[spmem:s11] =	stream.linear.scatter [tilespmem:s28], [sflag:$0x2], $0xA00, $0x38;
	[tilespmem:$0x14800] =	vst v63  }
0x3b: {  	_ =	swait.ge [sflag:s29], $0xA00  }
0x3c: {  	[sflag:s29] =	ssyncset.done $0x0  }
0x3d: {  	s12 =	rddreg [dreg:$0xb];
	[sflag:s29] =	ssyncadd.s32 $0xFFFFF600  }
0x3e: {  	[spmem:s12] =	stream.linear.scatter [tilespmem:s28], [sflag:$0x2], $0xA00, $0x38;
	[tilespmem:$0x14800] =	vst v63  }
0x3f: {  	_ =	swait.ge [sflag:s29], $0xA00  }
0x40: {  	[sflag:s29] =	ssyncset.done $0x0  }
0x41: {  	s13 =	rddreg [dreg:$0xc];
	[sflag:s29] =	ssyncadd.s32 $0xFFFFF600  }
0x42: {  	[spmem:s13] =	stream.linear.scatter [tilespmem:s28], [sflag:$0x2], $0xA00, $0x38;
	[tilespmem:$0x14800] =	vst v63  }
0x43: {  	_ =	swait.ge [sflag:s29], $0xA00  }
0x44: {  	[sflag:s29] =	ssyncset.done $0x0  }
0x45: {  	[sflag:s29] =	ssyncadd.s32 $0xFFFFF600  }
0x46: {  	[spmem:s15] =	stream.linear.scatter [tilespmem:s28], [sflag:$0x2], $0xA00, $0x38;
	[tilespmem:$0x14800] =	vst v63  }
0x47: {  	_ =	swait.ge [sflag:s29], $0xA00  }
0x48: {  	[sflag:s29] =	ssyncset.done $0x0  }
0x49: {  	[sflag:s29] =	ssyncadd.s32 $0xFFFFF600  }
0x4a: {  	[spmem:s16] =	stream.linear.scatter [tilespmem:s28], [sflag:$0x2], $0xA00, $0x38;
	[tilespmem:$0x14800] =	vst v63  }
0x4b: {  	_ =	swait.ge [sflag:s29], $0xA00  }
0x4c: {  	[sflag:s29] =	ssyncset.done $0x0  }
0x4d: {  	[sflag:s29] =	ssyncadd.s32 $0xFFFFF600  }
0x4e: {  	[spmem:s17] =	stream.linear.scatter [tilespmem:s28], [sflag:$0x2], $0xA00, $0x38;
	[tilespmem:$0x14800] =	vst v63  }
0x4f: {  	_ =	swait.ge [sflag:s29], $0xA00  }
0x50: {  	[sflag:s29] =	ssyncset.done $0x0  }
0x51: {  	[sflag:s29] =	ssyncadd.s32 $0xFFFFF600  }
0x52: {  	[spmem:s18] =	stream.linear.scatter [tilespmem:s28], [sflag:$0x2], $0xA00, $0x38;
	[tilespmem:$0x14800] =	vst v63  }
0x53: {  	_ =	swait.ge [sflag:s29], $0xA00  }
0x54: {  	[sflag:s29] =	ssyncset.done $0x0  }
0x55: {  	[sflag:s29] =	ssyncadd.s32 $0xFFFFF600  }
0x56: {  	[spmem:s19] =	stream.linear.scatter [tilespmem:s28], [sflag:$0x2], $0xA00, $0x38;
	[tilespmem:$0x14800] =	vst v63  }
0x57: {  	_ =	swait.ge [sflag:s29], $0xA00  }
0x58: {  	[sflag:s29] =	ssyncset.done $0x0  }
0x59: {  	[sflag:s29] =	ssyncadd.s32 $0xFFFFF600  }
0x5a: {  	[spmem:s24] =	stream.linear.scatter [tilespmem:s28], [sflag:$0x2], $0xA00, $0x38;
	[tilespmem:$0x14800] =	vst v63  }
0x5b: {  	_ =	swait.ge [sflag:s29], $0xA00  }
0x5c: {  	[sflag:s29] =	ssyncset.done $0x0  }
0x5d: {  	[sflag:s29] =	ssyncadd.s32 $0xFFFFF600  }
0x5e: {  	[spmem:s26] =	stream.linear.scatter [tilespmem:s28], [sflag:$0x2], $0xA00, $0x38;
	[tilespmem:$0x14800] =	vst v63  }
0x5f: {  	_ =	swait.ge [sflag:s29], $0xA00  }
0x60: {  	[sflag:s29] =	ssyncset.done $0x0  }
0x61: {  	[sflag:s29] =	ssyncadd.s32 $0xFFFFF600  }
0x62: {  	s8 =	simm.s32 $0x0;
	[bflag:$0x0] =	sbarrier.arrive $0xFFFF  }
0x63: {  	[tilespmem:s8], [sflag:$0x2] =	stream.linear.gather [hbm4b:s20+s8], $0x1400, $0x38;
	[tilespmem:$0x14800] =	vst v63  }
0x64: {  	_ =	swait.ge [sflag:s29], $0x1400  }
0x65: {  	[sflag:s29] =	ssyncset.done $0x0  }
0x66: {  	s9 =	simm.s32 $0x1400;
	[sflag:s29] =	ssyncadd.s32 $0xFFFFEC00  }
0x67: {  	[tilespmem:s9], [sflag:$0x2] =	stream.linear.gather [hbm4b:s21+s8], $0x1400, $0x38;
	[tilespmem:$0x14800] =	vst v63  }
0x68: {  	_ =	swait.ge [sflag:s29], $0x1400  }
0x69: {  	[sflag:s29] =	ssyncset.done $0x0  }
0x6a: {  	[sflag:s29] =	ssyncadd.s32 $0xFFFFEC00  }
0x6b: {  	[tilespmem:s28], [sflag:$0x1] =	stream.indirect.gather [hbm4b:s1+s30], $0x40, s8, s30, $0xb8;
	[tilespmem:$0x14800] =	vst v63  }
0x6c: {  	p0 =	por $0x0, $0x0;
	s10 =	simm.s32 $0x18000  }
0x6d: {  	[tilespmem:s31], [sflag:$0x1] =	stream.indirect.gather [hbm4b:s1+s30], $0x40, s30, s30, $0xb8;
	[tilespmem:$0x14800] =	vst v63  }
0x6e: {  	s10 =	sand.u32 @!p0 $0x18000, s10  }
0x6f: {  	[tilespmem:s4], [sflag:$0x1] =	stream.indirect.gather [hbm4b:s1+s30], $0x40, s0, s30, $0xb8;
	[tilespmem:$0x14800] =	vst v63  }
0x70: {  	s10 =	sshrl.u32 @!p0 s10, $0x2;
	_ =	swait.ge [sflag:s6], $0x2000  }
0x71: {  	s14 =	simm.s32 $0x0;
	s10 =	sadd.s32 @!p0 $0x2800, s10;
	[sflag:s6] =	ssyncset.done $0x0  }
0x72: {  	s11 =	simm.s32 $0x180;
	s12 =	simm.s32 @!p0 $0x80;
	[sflag:s6] =	ssyncadd.s32 $0xFFFFE000  }
0x73: {  	[tilespmem:s10], [sflag:$0x1] =	stream.indirect.gather @!p0 [hbm4b:s1+s12], $0x40, s11, s12, $0xb8;
	[tilespmem:$0x14800] =	vst v63  }
0x74: {  	s10 =	sand.u32 $0x18000, s14  }
0x75: {  	s10 =	sshrl.u32 s10, $0x2  }
0x76: {  	s11 =	simm.s32 $0x1480;
	s10 =	sadd.s32 $0x2800, s10  }
0x77: {  	[spmem:s2] =	stream.indirect.scatter.add.f32 [tilespmem:s10], [sflag:$0x2], $0x40, s9, s30, $0xb8;
	[tilespmem:$0x14800] =	vst v63  }
0x78: {  	s9 =	simm.s32 $0x20000;
	s10 =	simm.s32 $0x200;
	_ =	swait.ge [sflag:s29], $0x2000  }
.LBB2_4:
0x79: {  	[sflag:s29] =	ssyncset.done $0x0  }
0x7a: {  	s8 =	sadd.s32 $0x1, s8;
	s12 =	smov.u32 s9;
	s9 =	sadd.s32 $0x8000, s9  }
0x7b: {  	p1 =	sgt.u32 s8, $0x24;
	p0 =	sne.s32 s9, $0x158000;
	[sflag:s29] =	ssyncadd.s32 $0xFFFFE000  }
0x7c: {  	_ =	swait.ge [sflag:s6], $0x2000;
	s13 =	sand.u32 @!p1 $0x18000, s12;
	s14 =	simm.s32 @!p1 $0x80  }
0x7d: {  	s12 =	sadd.s32 $0xFFFE8000, s12;
	[sflag:s6] =	ssyncset.done $0x0;
	s13 =	sshrl.u32 @!p1 s13, $0x2  }
0x7e: {  	s12 =	sand.u32 $0x18000, s12;
	[sflag:s6] =	ssyncadd.s32 $0xFFFFE000;
	s13 =	sadd.s32 @!p1 $0x2800, s13  }
0x7f: {  	[tilespmem:s13], [sflag:$0x1] =	stream.indirect.gather @!p1 [hbm4b:s1+s14], $0x40, s10, s14, $0xb8;
	[tilespmem:$0x14800] =	vst v63  }
.Ltmp1:
0x80: {  	_ = 	snop;
	(pc) =	sbr.rel @p0 .LBB2_4-.Ltmp1, $4  }
0x81: {  	s12 =	sshrl.u32 s12, $0x2  }
0x82: {  	s12 =	sadd.s32 $0x2800, s12  }
0x83: {  	[spmem:s2] =	stream.indirect.scatter.add.f32 [tilespmem:s12], [sflag:$0x2], $0x40, s11, s30, $0xb8;
	[tilespmem:$0x14800] =	vst v63  }
0x84: {  	s10 =	sadd.s32 $0x80, s10;
	s11 =	sadd.s32 $0x80, s11;
	_ =	swait.ge [sflag:s29], $0x2000  }
0x85: {  	[sflag:s29] =	ssyncset.done $0x0  }
0x86: {  	s8 =	simm.s32 $0x0;
	[sflag:s29] =	ssyncadd.s32 $0xFFFFE000  }
0x87: {  	[tilespmem:s8], [sflag:$0x2] =	stream.linear.gather [hbm4b:s22+s8], $0x1400, $0x38;
	[tilespmem:$0x14800] =	vst v63  }
0x88: {  	_ =	swait.ge [sflag:s29], $0x1400  }
0x89: {  	[sflag:s29] =	ssyncset.done $0x0  }
0x8a: {  	s9 =	simm.s32 $0x1400;
	[sflag:s29] =	ssyncadd.s32 $0xFFFFEC00  }
0x8b: {  	[tilespmem:s9], [sflag:$0x2] =	stream.linear.gather [hbm4b:s23+s8], $0x1400, $0x38;
	[tilespmem:$0x14800] =	vst v63  }
0x8c: {  	_ =	swait.ge [sflag:s29], $0x1400  }
0x8d: {  	[sflag:s29] =	ssyncset.done $0x0  }
0x8e: {  	[sflag:s29] =	ssyncadd.s32 $0xFFFFEC00  }
0x8f: {  	[tilespmem:s28], [sflag:$0x1] =	stream.indirect.gather [hbm4b:s1+s30], $0x40, s8, s30, $0xb8;
	[tilespmem:$0x14800] =	vst v63  }
0x90: {  	s10 =	simm.s32 $0x180  }
0x91: {  	[tilespmem:s31], [sflag:$0x1] =	stream.indirect.gather [hbm4b:s1+s30], $0x40, s30, s30, $0xb8;
	[tilespmem:$0x14800] =	vst v63  }
0x92: {  	s11 =	simm.s32 $0x18000;
	p0 =	por $0x0, $0x0;
	s13 =	simm.s32 $0x0  }
0x93: {  	[tilespmem:s4], [sflag:$0x1] =	stream.indirect.gather [hbm4b:s1+s30], $0x40, s0, s30, $0xb8;
	[tilespmem:$0x14800] =	vst v63  }
0x94: {  	s11 =	sand.u32 @!p0 $0x18000, s11;
	s12 =	simm.s32 @!p0 $0x80;
	_ =	swait.ge [sflag:s6], $0x2000  }
0x95: {  	s13 =	sand.u32 $0x18000, s13;
	s11 =	sshrl.u32 @!p0 s11, $0x2;
	[sflag:s6] =	ssyncset.done $0x0  }
0x96: {  	s14 =	sshrl.u32 s13, $0x2;
	s11 =	sadd.s32 @!p0 $0x2800, s11;
	[sflag:s6] =	ssyncadd.s32 $0xFFFFE000  }
0x97: {  	[tilespmem:s11], [sflag:$0x1] =	stream.indirect.gather @!p0 [hbm4b:s1+s12], $0x40, s10, s12, $0xb8;
	[tilespmem:$0x14800] =	vst v63  }
0x98: {  	s10 =	sadd.s32 $0x2800, s14;
	s11 =	simm.s32 $0x1480  }
0x99: {  	[spmem:s2] =	stream.indirect.scatter.add.f32 [tilespmem:s10], [sflag:$0x2], $0x40, s9, s30, $0xb8;
	[tilespmem:$0x14800] =	vst v63  }
0x9a: {  	s9 =	simm.s32 $0x20000;
	s10 =	simm.s32 $0x200;
	_ =	swait.ge [sflag:s29], $0x2000  }
.LBB2_6:
0x9b: {  	[sflag:s29] =	ssyncset.done $0x0  }
0x9c: {  	s8 =	sadd.s32 $0x1, s8;
	s12 =	smov.u32 s9;
	s9 =	sadd.s32 $0x8000, s9  }
0x9d: {  	p1 =	sgt.u32 s8, $0x24;
	p0 =	sne.s32 s9, $0x158000;
	[sflag:s29] =	ssyncadd.s32 $0xFFFFE000  }
0x9e: {  	_ =	swait.ge [sflag:s6], $0x2000;
	s13 =	sand.u32 @!p1 $0x18000, s12;
	s14 =	simm.s32 @!p1 $0x80  }
0x9f: {  	s12 =	sadd.s32 $0xFFFE8000, s12;
	[sflag:s6] =	ssyncset.done $0x0;
	s13 =	sshrl.u32 @!p1 s13, $0x2  }
0xa0: {  	s12 =	sand.u32 $0x18000, s12;
	[sflag:s6] =	ssyncadd.s32 $0xFFFFE000;
	s13 =	sadd.s32 @!p1 $0x2800, s13  }
0xa1: {  	[tilespmem:s13], [sflag:$0x1] =	stream.indirect.gather @!p1 [hbm4b:s1+s14], $0x40, s10, s14, $0xb8;
	[tilespmem:$0x14800] =	vst v63  }
.Ltmp2:
0xa2: {  	_ = 	snop;
	(pc) =	sbr.rel @p0 .LBB2_6-.Ltmp2, $4  }
0xa3: {  	s12 =	sshrl.u32 s12, $0x2  }
0xa4: {  	s12 =	sadd.s32 $0x2800, s12  }
0xa5: {  	[spmem:s2] =	stream.indirect.scatter.add.f32 [tilespmem:s12], [sflag:$0x2], $0x40, s11, s30, $0xb8;
	[tilespmem:$0x14800] =	vst v63  }
0xa6: {  	s10 =	sadd.s32 $0x80, s10;
	s11 =	sadd.s32 $0x80, s11;
	_ =	swait.ge [sflag:s29], $0x2000  }
0xa7: {  	[sflag:s29] =	ssyncset.done $0x0  }
0xa8: {  	[sflag:s29] =	ssyncadd.s32 $0xFFFFE000  }
0xa9: {  	[bflag:$0x0] =	sbarrier.arrive $0xFFFF  }
0xaa: {  	[tilespmem:s28], [sflag:$0x2] =	stream.linear.gather [spmem:s5], $0xA00, $0x38;
	[tilespmem:$0x14800] =	vst v63  }
0xab: {  	_ =	swait.ge [sflag:s29], $0xA00  }
0xac: {  	[sflag:s29] =	ssyncset.done $0x0  }
0xad: {  	s8 =	sadd.s32 $0x0, s25;
	[sflag:s29] =	ssyncadd.s32 $0xFFFFF600  }
0xae: {  	[hbm4b:s8+s3] =	stream.linear.scatter [tilespmem:s28], [sflag:$0x2], $0xA00, $0x38;
	[tilespmem:$0x14800] =	vst v63  }
0xaf: {  	_ =	swait.ge [sflag:s29], $0xA00  }
0xb0: {  	s9 =	smov.u32 s5;
	s8 =	simm.s32 $0x140;
	[sflag:s29] =	ssyncset.done $0x0  }
.LBB2_8:
0xb1: {  	p0 =	sne.s32 s8, $0x12C0;
	[sflag:s29] =	ssyncadd.s32 $0xFFFFF600;
	s9 =	sadd.s32 $0xA00, s9  }
0xb2: {  	[tilespmem:s28], [sflag:$0x2] =	stream.linear.gather [spmem:s9], $0xA00, $0x38;
	[tilespmem:$0x14800] =	vst v63  }
0xb3: {  	s10 =	smov.u32 s8;
	s8 =	sadd.s32 $0x140, s8;
	_ =	swait.ge [sflag:s29], $0xA00  }
.Ltmp3:
0xb4: {  	[sflag:s29] =	ssyncset.done $0x0;
	(pc) =	sbr.rel @p0 .LBB2_8-.Ltmp3, $4  }
0xb5: {  	s10 =	sadd.s32 s10, s25;
	[sflag:s29] =	ssyncadd.s32 $0xFFFFF600  }
0xb6: {  	[hbm4b:s10+s3] =	stream.linear.scatter [tilespmem:s28], [sflag:$0x2], $0xA00, $0x38;
	[tilespmem:$0x14800] =	vst v63  }
0xb7: {  	_ =	swait.ge [sflag:s29], $0xA00  }
0xb8: {  	[sflag:s29] =	ssyncset.done $0x0  }
0xb9: {  	s7 =	sadd.s32 $0x1, s7;
	s8 =	rddreg [dreg:$0x4]  }
0xba: {  	p0 =	sne.s32 s7, s8  }
.Ltmp4:
0xbb: {  	_ = 	snop;
	(pc) =	sbr.rel @p0 .LBB2_1-.Ltmp4, $2  }
0xbc: {  	_ =	sdelay $0x2  }
0xbd: {  	[sflag:s29] =	ssyncadd.s32 $0xFFFFF600  }
0xbe: {  	_ =	sfence.sel $0x180000  }
0xbf: {  	[bflag:$0x0] =	sbarrier.arrive $0xFFFF  }
0xc0: {  	_ =	strace $0x90000047  }
0xc1: {  	s0 =	stileid.u32;
	[bflag:$0x2] =	sbarrier.arrive $0xFFFF  }
0xc2: {  	p0 =	sne.s32 s0, $0x0;
	s0 =	rddreg [dreg:$0x3]  }
0xc3: {  	s0 =	sadd.s32 @!p0 $0x100000, s0  }
0xc4: {  	[sflag:s0] =	ssyncadd.tile.s32 @!p0 $0x1;
	_ =	shalt  }
.Lfunc_end2:
_tile_overlayer_lowered:
.L_overlay_start_2:
0xc5: {  	(tag) =	ssettag $0x2  }
0xc6: {  	s0 =	rddreg [dreg:$0x0];
	s2 =	stileid.u32  }
0xc7: {  	s1 =	rddreg [dreg:$0x1];
	p0 =	sne.s32 s2, $0x0  }
0xc8: {  	s3 =	rddreg [dreg:$0x2];
	[bflag:$0x3] =	sbarrier.arrive $0xFFFF;
	s2 =	simm.s32 @!p0 $0x1C02  }
0xc9: {  	[timem:s3], [sflag:s2] =	dma.local @!p0 [hbm:s0], s1  }
0xca: {  	s0 =	simm.s32 @!p0 $0x2  }
0xcb: {  	_ =	swait.ge @!p0 [sflag:s0], s1  }
0xcc: {  	s1 =	ssub.s32 @!p0 $0x0, s1;
	[sflag:s0] =	ssyncset.done @!p0 $0x0  }
0xcd: {  	[sflag:s0] =	ssyncadd.s32 @!p0 s1  }
0xce: {  	[bflag:$0x3] =	sbarrier.arrive $0xFFFF  }
0xcf: {  	_ =	shalt  }

// kernel: segsum64.9.cloned.1.call-start
scs
__scs_entry_jumppad:
0x0: {  	(pc) =	sbr.rel $0x88, $3  }
0x1: {  	(tag) =	ssettag $0x0;
	lr =	simm.s32 $0x1  }
0x2: {  	[smem:$0x3F91] =	sst lr;
	_ =	strace $0xD0000000  }
0x3: {  	_ = 	snop  }
0x4: {  	_ = 	snop  }
0x5: {  	_ = 	snop  }
0x6: {  	_ = 	snop  }
0x7: {  	_ = 	snop  }
__scs_overlays_trampoline_lowered:
0x8: {  	[smem:$0x3FA0] =	sst s0  }
0x9: {  	[smem:$0x3FA1] =	sst s1  }
0xa: {  	[smem:$0x3FA2] =	sst s2  }
0xb: {  	[smem:$0x3FA3] =	sst s3  }
0xc: {  	[smem:$0x3FA4] =	sst s4  }
0xd: {  	[smem:$0x3FA5] =	sst s5  }
0xe: {  	[smem:$0x3FA6] =	sst s6  }
0xf: {  	[smem:$0x3FA7] =	sst s7  }
0x10: {  	[smem:$0x3FA8] =	sst s8  }
0x11: {  	[smem:$0x3FA9] =	sst s9;
	s0 =	simm.s32 @!p0 $0x0  }
0x12: {  	s1 =	sld [smem:$0x3F8F];
	s0 =	simm.s32 @p0 $0x1  }
0x13: {  	[smem:$0x3FAA] =	sst s0;
	s0 =	simm.s32 @!p1 $0x0  }
0x14: {  	s2 =	sld [smem:$0x3F8E];
	s0 =	simm.s32 @p1 $0x1  }
0x15: {  	[smem:$0x3FAB] =	sst s0;
	s0 =	simm.s32 @!p2 $0x0  }
0x16: {  	s3 =	sld [smem:$0x3FDB];
	s0 =	simm.s32 @p2 $0x1  }
0x17: {  	s4 =	simm.s32 $0x1BF5;
	[smem:$0x3FAD] =	sst s0  }
0x18: {  	s0 =	sld [smem:$0x3F90];
	_ =	swait.ge [sflag:s4], $0x0  }
0x19: {  	s7 =	sld [smem:$0x3F91]  }
0x1a: {  	s8 =	sadd.s32 $0xFFFFE003, lr  }
0x1b: {  	s9 =	sadd.s32 $0xFFFFFEF7, lr;
	s5 =	simm.s32 $0xFFFFFFFF;
	p2 =	slt.u32 s8, $0xFFFFF086  }
0x1c: {  	p1 =	slt.u32 s9, $0xF7A;
	s5 =	simm.s32 @!p2 $0x0  }
0x1d: {  	s5 =	simm.s32 @p1 $0x1;
	p0 =	seq.s32 s7, s2  }
0x1e: {  	s7 =	smul.u32 @!p0 $0xF7A, s2;
	p2 =	seq.s32 @!p0 s5, $0x0  }
0x1f: {  	s9 =	smul.u32 $0xF7A, s1;
	s8 =	simm.s32 @!p0 $0x1BF5;
	p2 =	por !p2, p0  }
0x20: {  	[sflag:s8] =	ssyncset.s32 @!p0 $0xFFFFF086;
	s6 =	sadd.s32 @!p0 s3, s7;
	s7 =	simm.s32 @!p0 $0x108  }
0x21: {  	s3 =	sadd.s32 s3, s9;
	s6 =	sadd.s32 @!p0 $0x88, s6;
	s7 =	simm.s32 @p2 $0x1082  }
0x22: {  	[simem:s7], [sflag:s8] =	dma.local @!p0 [hbm:s6], $0xF7A  }
0x23: {  	s9 =	sor.u32 $0xD0000000, s2;
	s6 =	simm.s32 $0x108;
	_ =	swait.ge @!p0 [sflag:s8], $0x0  }
0x24: {  	s3 =	sadd.s32 $0x88, s3;
	s6 =	simm.s32 @!p1 $0x1082;
	[sflag:s4] =	ssyncset.s32 $0xFFFFF086  }
0x25: {  	[simem:s6], [sflag:s4] =	dma.local [hbm:s3], $0xF7A  }
0x26: {  	[smem:$0x3F91] =	sst s1;
	(tag) =	ssettag s2;
	_ =	strace s9  }
0x27: {  	s1 =	sld [smem:$0x3FA1]  }
0x28: {  	s2 =	sld [smem:$0x3FA2]  }
0x29: {  	s4 =	sld [smem:$0x3FA4]  }
0x2a: {  	p0 =	seq.s32 s5, $0x0;
	s5 =	sld [smem:$0x3FA5]  }
0x2b: {  	s6 =	sld [smem:$0x3FA6]  }
0x2c: {  	s7 =	sld [smem:$0x3FA7]  }
0x2d: {  	s3 =	simm.s32 $0x108;
	s8 =	sld [smem:$0x3FA8]  }
0x2e: {  	s3 =	simm.s32 @!p0 $0x1082;
	s9 =	sld [smem:$0x3FA9]  }
0x2f: {  	lr =	sadd.s32 s0, s3;
	s0 =	sld [smem:$0x3FA0]  }
0x30: {  	s3 =	sld [smem:$0x3FA3]  }
0x31: {  	[smem:$0x3FAC] =	sst s10  }
0x32: {  	s10 =	sld [smem:$0x3FAA];
	_ =	sdelay $0x3  }
0x33: {  	p0 =	seq.s32 s10, $0x1;
	s10 =	sld [smem:$0x3FAC];
	_ =	sdelay $0x3  }
0x34: {  	[smem:$0x3FAC] =	sst s10  }
0x35: {  	s10 =	sld [smem:$0x3FAB];
	_ =	sdelay $0x3  }
0x36: {  	p1 =	seq.s32 s10, $0x1;
	s10 =	sld [smem:$0x3FAC];
	_ =	sdelay $0x3  }
0x37: {  	[smem:$0x3FAC] =	sst s10  }
0x38: {  	s10 =	sld [smem:$0x3FAD]  }
0x39: {  	_ = 	snop;
	(pc) =	sbr.ind lr, $3  }
0x3a: {  	_ = 	snop  }
0x3b: {  	_ = 	snop  }
0x3c: {  	p2 =	seq.s32 s10, $0x1;
	s10 =	sld [smem:$0x3FAC]  }
0x3d: {  	_ =	shalt  }
0x3e: {  	_ =	shalt  }
0x3f: {  	_ =	shalt  }
0x40: {  	_ =	shalt  }
0x41: {  	_ =	shalt  }
0x42: {  	_ =	shalt  }
0x43: {  	_ =	shalt  }
0x44: {  	_ =	shalt  }
0x45: {  	_ =	shalt  }
0x46: {  	_ =	shalt  }
0x47: {  	_ =	shalt  }
0x48: {  	_ =	shalt  }
0x49: {  	_ =	shalt  }
0x4a: {  	_ =	shalt  }
0x4b: {  	_ =	shalt  }
0x4c: {  	_ =	shalt  }
0x4d: {  	_ =	shalt  }
0x4e: {  	_ =	shalt  }
0x4f: {  	_ =	shalt  }
0x50: {  	_ =	shalt  }
0x51: {  	_ =	shalt  }
0x52: {  	_ =	shalt  }
0x53: {  	_ =	shalt  }
0x54: {  	_ =	shalt  }
0x55: {  	_ =	shalt  }
0x56: {  	_ =	shalt  }
0x57: {  	_ =	shalt  }
0x58: {  	_ =	shalt  }
0x59: {  	_ =	shalt  }
0x5a: {  	_ =	shalt  }
0x5b: {  	_ =	shalt  }
0x5c: {  	_ =	shalt  }
0x5d: {  	_ =	shalt  }
0x5e: {  	_ =	shalt  }
0x5f: {  	_ =	shalt  }
0x60: {  	_ =	shalt  }
0x61: {  	_ =	shalt  }
0x62: {  	_ =	shalt  }
0x63: {  	_ =	shalt  }
0x64: {  	_ =	shalt  }
0x65: {  	_ =	shalt  }
0x66: {  	_ =	shalt  }
0x67: {  	_ =	shalt  }
0x68: {  	_ =	shalt  }
0x69: {  	_ =	shalt  }
0x6a: {  	_ =	shalt  }
0x6b: {  	_ =	shalt  }
0x6c: {  	_ =	shalt  }
0x6d: {  	_ =	shalt  }
0x6e: {  	_ =	shalt  }
0x6f: {  	_ =	shalt  }
0x70: {  	_ =	shalt  }
0x71: {  	_ =	shalt  }
0x72: {  	_ =	shalt  }
0x73: {  	_ =	shalt  }
0x74: {  	_ =	shalt  }
0x75: {  	_ =	shalt  }
0x76: {  	_ =	shalt  }
0x77: {  	_ =	shalt  }
0x78: {  	_ =	shalt  }
0x79: {  	_ =	shalt  }
0x7a: {  	_ =	shalt  }
0x7b: {  	_ =	shalt  }
0x7c: {  	_ =	shalt  }
0x7d: {  	_ =	shalt  }
0x7e: {  	_ =	shalt  }
0x7f: {  	_ =	shalt  }
0x80: {  	_ =	shalt  }
0x81: {  	_ =	shalt  }
0x82: {  	_ =	shalt  }
0x83: {  	_ =	shalt  }
0x84: {  	_ =	shalt  }
0x85: {  	_ =	shalt  }
0x86: {  	_ =	shalt  }
0x87: {  	_ =	shalt  }
.Lfunc_end0:
.L_simem_size_0:
called_computation.2_lowered:
.L_overlay_start_0:
0x88: {  	s2 =	sld [smem:$0x3FD9]  }
0x89: {  	s3 =	sld [smem:$0x3FFE];
	_ =	sdelay $0x1  }
0x8a: {  	s1 =	srdreg.scid  }
0x8b: {  	s0 =	sand.u32 $0x1, s1  }
0x8c: {  	s14 =	sshll.u32 s0, $0xA;
	s2 =	sadd.s32 s3, s2  }
0x8d: {  	s2 =	sadd.s32 s2, s14  }
0x8e: {  	[smem:$0x3FB8] =	sst s2  }
0x8f: {  	_ = 	snop  }
0x90: {  	s2 =	sld [smem:$0x3FD0];
	_ =	sdelay $0x2  }
0x91: {  	s15 =	simm.s32 $0xB;
	s4 =	simm.s32 $0x10  }
0x92: {  	[smem:s4], [sflag:s15] =	dma.local [hbm:s2], $0x1  }
0x93: {  	_ =	swait.eq [sflag:s15], $0x1  }
0x94: {  	[sflag:s15] =	ssyncset.done $0x0  }
0x95: {  	[sflag:s15] =	ssyncadd.s32 $0xFFFFFFFF  }
0x96: {  	s16 =	sld [smem:$0x11];
	(tm) =	ssettm $0x1  }
0x97: {  	s17 =	sld [smem:$0x3FFB];
	_ =	sdelay $0x3  }
0x98: {  	_ =	strace s17  }
0x99: {  	s3 =	sld [smem:$0x3FFC];
	_ =	sdelay $0x3  }
0x9a: {  	_ =	strace s3  }
0x9b: {  	s3 =	sld [smem:$0x3FFD];
	_ =	sdelay $0x3  }
0x9c: {  	_ =	strace s3  }
0x9d: {  	_ =	strace $0x8FFFFFFF  }
0x9e: {  	s18 =	sld [smem:$0x3FDB];
	_ =	sdelay $0x1  }
0x9f: {  	s19 =	simm.s32 $_scs_section_size  }
0xa0: {  	s5 =	simm.s32 $_size__tile_overlayer_lowered;
	s6 =	simm.s32 $_tile_overlayer_lowered  }
0xa1: {  	s22 =	simm.s32 $0x1BFF;
	s21 =	sshll.u32 s6, $0x1;
	s3 =	sadd.s32 s19, s18  }
0xa2: {  	s7 =	simm.s32 $0x0;
	s20 =	sshll.u32 s5, $0x1;
	s5 =	sadd.s32 s21, s3  }
0xa3: {  	[timem:s7], [sflag:s22] =	dma.local [hbm:s5], s20  }
0xa4: {  	_ =	swait.ge [sflag:s22], s20  }
0xa5: {  	s4 =	ssub.s32 $0x0, s20;
	[sflag:s22] =	ssyncset.done $0x0  }
0xa6: {  	[sflag:s22] =	ssyncadd.s32 s4;
	_ =	sdelay $0x1  }
0xa7: {  	s23 =	simm.s32 $0x1B8B  }
0xa8: {  	_ =	swait.ge [sflag:s23], $0x1  }
0xa9: {  	[sflag:s23] =	ssyncset.done $0x0  }
0xaa: {  	s25 =	simm.s32 $0x1B8E;
	s24 =	sld [smem:$0x3FFE];
	[sflag:s23] =	ssyncadd.s32 $0xFFFFFFFF  }
0xab: {  	s26 =	simm.s32 $execute0_lowered;
	[smem:$0x3FD2] =	sst s25  }
0xac: {  	s5 =	sshll.u32 s26, $0x1;
	_ =	strace $0x8000004C;
	[dreg:$0x1] =	wrdreg $0xFFFFFFFF  }
0xad: {  	s28 =	simm.s32 $_size_execute0_lowered;
	s3 =	sadd.s32 s3, s5;
	[dreg:$0x0] =	wrdreg $0x0  }
0xae: {  	s5 =	sshll.u32 s28, $0x1;
	[dreg:$0x2] =	wrdreg s3  }
0xaf: {  	[dreg:$0x3] =	wrdreg s5  }
0xb0: {  	[dreg:$0x4] =	wrdreg $0xC0  }
0xb1: {  	_ =	task [dreg:s7], $0x5FFFF  }
0xb2: {  	[dreg:$0x1] =	wrdreg $0xFFFFFFFF  }
0xb3: {  	[dreg:$0x0] =	wrdreg $0x60  }
0xb4: {  	[dreg:$0x2] =	wrdreg s16  }
0xb5: {  	[dreg:$0x3] =	wrdreg s24  }
0xb6: {  	[dreg:$0x4] =	wrdreg $0xA8000  }
0xb7: {  	[dreg:$0x5] =	wrdreg $0x9  }
0xb8: {  	_ =	task.clear_ibuf [dreg:s7], $0x6FFFF;
	_ =	strace $0x9000004C  }
0xb9: {  	s29 =	simm.s32 $0x9;
	_ =	strace $0x8000004E  }
0xba: {  	_ =	swait.ge [sflag:s29], $0x1  }
0xbb: {  	[sflag:s29] =	ssyncadd.s32 $0xFFFFFFFF  }
0xbc: {  	_ =	strace $0x9000004E  }
0xbd: {  	_ =	sfence  }
0xbe: {  	s30 =	sld [smem:$0x0];
	_ =	sdelay $0x2  }
0xbf: {  	s31 =	sshll.u32 s1, $0xD;
	s1 =	sshrl.u32 s1, $0x2  }
0xc0: {  	s3 =	sand.u32 $0x4000, s31;
	s1 =	sadd.s32 s1, s30  }
0xc1: {  	s0 =	sor.u32 s3, s0;
	s1 =	sshll.u32 s1, $0x11  }
0xc2: {  	s0 =	sor.u32 s1, s0  }
0xc3: {  	s0 =	sadd.s32 $0x8F2B, s0  }
0xc4: {  	[sflag:s0] =	ssyncadd.remote.s32 $0x1  }
0xc5: {  	_ =	sfence.sel $0xFFFF  }
0xc6: {  	[dreg:$0x0] =	wrdreg $0xFFFFFFFF;
	(pc) =	sbr.abs _section_cstart, $3  }
0xc7: {  	[dreg:$0x1] =	wrdreg $0xFFFFFFFF  }
0xc8: {  	_ =	task.clear_ibuf [dreg:s7], $0x2FFFF;
	_ =	strace $0x9FFFFFFF  }
0xc9: {  	(tm) =	ssettm $0x7FFFFFFF  }
tec
execute0_lowered:
.L_overlay_start_1:
0x0: {  	(tag) =	ssettag $0x1  }
0x1: {  	s1 =	rddreg [dreg:$0x0]  }
0x2: {  	s0 =	rddreg [dreg:$0x1]  }
0x3: {  	s2 =	rddreg [dreg:$0x2]  }
0x4: {  	s3 =	simm.s32 $0x0;
	s4 =	srdreg.scid;
	s11 =	stileid.u32  }
0x5: {  	s28 =	simm.s32 $0x2800;
	s29 =	simm.s32 $0x2;
	s30 =	simm.s32 $0x80  }
0x6: {  	s31 =	simm.s32 $0x4800;
	[smem:$0x7FF] =	sst s3;
	s4 =	sand.u32 $0x1, s4  }
0x7: {  	s6 =	sadd.s32 $0x2D200, s0;
	s7 =	smul.u32 $0x28000, s11;
	s15 =	ssub.s32 $0x2, s4  }
0x8: {  	s8 =	sadd.s32 $0x37200, s0;
	s5 =	smul.u32 $0x14000, s4;
	s9 =	sshrl.u32 s15, $0x1  }
0x9: {  	s10 =	sshll.u32 s11, $0x1;
	s7 =	sshrl.u32 s7, $0x2;
	s9 =	ssub.s32 s15, s9  }
0xa: {  	s0 =	sadd.s32 s5, s0;
	s5 =	sadd.s32 s7, s2;
	s16 =	smax.u32 s9, $0x1  }
0xb: {  	_ =	strace $0x8000004D;
	s17 =	sadd.s32 $0xA00, s5;
	[dreg:$0x4] =	wrdreg s16  }
0xc: {  	s25 =	smul.u32 $0x1400, s11;
	s18 =	sadd.s32 $0x1400, s5;
	[dreg:$0x5] =	wrdreg s17  }
0xd: {  	s4 =	sor.u32 s4, s10;
	s19 =	sadd.s32 $0x1E00, s5;
	[dreg:$0x6] =	wrdreg s18  }
0xe: {  	s4 =	smul.u32 $0x500, s4;
	s20 =	sadd.s32 $0x2800, s5;
	[dreg:$0x7] =	wrdreg s19  }
0xf: {  	s7 =	simm.s32 $0x0;
	s21 =	sadd.s32 $0x3200, s5;
	[dreg:$0x8] =	wrdreg s20  }
0x10: {  	s22 =	sadd.s32 $0x3C00, s5;
	s23 =	sadd.s32 $0x4600, s5;
	[dreg:$0x9] =	wrdreg s21  }
0x11: {  	s24 =	sadd.s32 $0x5000, s5;
	s15 =	sadd.s32 $0x5A00, s5;
	[dreg:$0xa] =	wrdreg s22  }
0x12: {  	s26 =	sadd.s32 $0x280, s4;
	s0 =	sadd.s32 s25, s0;
	[dreg:$0xb] =	wrdreg s23  }
0x13: {  	[dreg:$0xc] =	wrdreg s24;
	s16 =	sadd.s32 $0x6400, s5;
	s17 =	sadd.s32 $0x6E00, s5  }
0x14: {  	s18 =	sadd.s32 $0x7800, s5;
	s19 =	sadd.s32 $0x8200, s5;
	s20 =	sadd.s32 s6, s4  }
0x15: {  	s21 =	sadd.s32 s8, s4;
	s22 =	sadd.s32 s6, s26;
	s23 =	sadd.s32 s8, s26  }
0x16: {  	s24 =	sadd.s32 $0x8C00, s5;
	s25 =	sadd.s32 $0x91200, s0;
	s26 =	sadd.s32 $0x9600, s5  }
0x17: {  	v0 =	vimm.f32 $0.0e+00;
	s0 =	simm.s32 $0x100;
	s4 =	simm.s32 $0x6800;
	s6 =	simm.s32 $0x1  }
.LBB2_1:
0x18: {  	s9 =	simm.s32 $0x100;
	s8 =	simm.s32 $0x0  }
.LBB2_2:
0x19: {  	p0 =	sne.s32 s9, $0x2700;
	[tilespmem:s8+$0x2830] =	vst v0;
	s10 =	smov.u32 s9;
	s9 =	sadd.s32 $0x100, s9  }
.Ltmp0:
0x1a: {  	[tilespmem:s8+$0x2820] =	vst v0;
	(pc) =	sbr.rel @p0 .LBB2_2-.Ltmp0, $3  }
0x1b: {  	[tilespmem:s8+$0x2800] =	vst v0  }
0x1c: {  	[tilespmem:s8+$0x2810] =	vst v0;
	_ =	sdelay $0x1  }
0x1d: {  	s8 =	sshra.s32 s10, $0x2  }
0x1e: {  	[tilespmem:s8+$0x2830] =	vst v0  }
0x1f: {  	[tilespmem:s8+$0x2820] =	vst v0  }
0x20: {  	[tilespmem:s8+$0x2800] =	vst v0  }
0x21: {  	[tilespmem:s8+$0x2810] =	vst v0  }
0x22: {  	[spmem:s5] =	stream.linear.scatter [tilespmem:s28], [sflag:$0x2], $0xA00, $0x38;
	[tilespmem:$0x14800] =	vst v63  }
0x23: {  	_ =	swait.ge [sflag:s29], $0xA00  }
0x24: {  	[sflag:s29] =	ssyncset.done $0x0  }
0x25: {  	s12 =	rddreg [dreg:$0x5];
	[sflag:s29] =	ssyncadd.s32 $0xFFFFF600  }
0x26: {  	[spmem:s12] =	stream.linear.scatter [tilespmem:s28], [sflag:$0x2], $0xA00, $0x38;
	[tilespmem:$0x14800] =	vst v63  }
0x27: {  	_ =	swait.ge [sflag:s29], $0xA00  }
0x28: {  	[sflag:s29] =	ssyncset.done $0x0  }
0x29: {  	s13 =	rddreg [dreg:$0x6];
	[sflag:s29] =	ssyncadd.s32 $0xFFFFF600  }
0x2a: {  	[spmem:s13] =	stream.linear.scatter [tilespmem:s28], [sflag:$0x2], $0xA00, $0x38;
	[tilespmem:$0x14800] =	vst v63  }
0x2b: {  	_ =	swait.ge [sflag:s29], $0xA00  }
0x2c: {  	[sflag:s29] =	ssyncset.done $0x0  }
0x2d: {  	s14 =	rddreg [dreg:$0x7];
	[sflag:s29] =	ssyncadd.s32 $0xFFFFF600  }
0x2e: {  	[spmem:s14] =	stream.linear.scatter [tilespmem:s28], [sflag:$0x2], $0xA00, $0x38;
	[tilespmem:$0x14800] =	vst v63  }
0x2f: {  	_ =	swait.ge [sflag:s29], $0xA00  }
0x30: {  	[sflag:s29] =	ssyncset.done $0x0  }
0x31: {  	s9 =	rddreg [dreg:$0x8];
	[sflag:s29] =	ssyncadd.s32 $0xFFFFF600  }
0x32: {  	[spmem:s9] =	stream.linear.scatter [tilespmem:s28], [sflag:$0x2], $0xA00, $0x38;
	[tilespmem:$0x14800] =	vst v63  }
0x33: {  	_ =	swait.ge [sflag:s29], $0xA00  }
0x34: {  	[sflag:s29] =	ssyncset.done $0x0  }
0x35: {  	s10 =	rddreg [dreg:$0x9];
	[sflag:s29] =	ssyncadd.s32 $0xFFFFF600  }
0x36: {  	[spmem:s10] =	stream.linear.scatter [tilespmem:s28], [sflag:$0x2], $0xA00, $0x38;
	[tilespmem:$0x14800] =	vst v63  }
0x37: {  	_ =	swait.ge [sflag:s29], $0xA00  }
0x38: {  	[sflag:s29] =	ssyncset.done $0x0  }
0x39: {  	s11 =	rddreg [dreg:$0xa];
	[sflag:s29] =	ssyncadd.s32 $0xFFFFF600  }
0x3a: {  	[spmem:s11] =	stream.linear.scatter [tilespmem:s28], [sflag:$0x2], $0xA00, $0x38;
	[tilespmem:$0x14800] =	vst v63  }
0x3b: {  	_ =	swait.ge [sflag:s29], $0xA00  }
0x3c: {  	[sflag:s29] =	ssyncset.done $0x0  }
0x3d: {  	s12 =	rddreg [dreg:$0xb];
	[sflag:s29] =	ssyncadd.s32 $0xFFFFF600  }
0x3e: {  	[spmem:s12] =	stream.linear.scatter [tilespmem:s28], [sflag:$0x2], $0xA00, $0x38;
	[tilespmem:$0x14800] =	vst v63  }
0x3f: {  	_ =	swait.ge [sflag:s29], $0xA00  }
0x40: {  	[sflag:s29] =	ssyncset.done $0x0  }
0x41: {  	s13 =	rddreg [dreg:$0xc];
	[sflag:s29] =	ssyncadd.s32 $0xFFFFF600  }
0x42: {  	[spmem:s13] =	stream.linear.scatter [tilespmem:s28], [sflag:$0x2], $0xA00, $0x38;
	[tilespmem:$0x14800] =	vst v63  }
0x43: {  	_ =	swait.ge [sflag:s29], $0xA00  }
0x44: {  	[sflag:s29] =	ssyncset.done $0x0  }
0x45: {  	[sflag:s29] =	ssyncadd.s32 $0xFFFFF600  }
0x46: {  	[spmem:s15] =	stream.linear.scatter [tilespmem:s28], [sflag:$0x2], $0xA00, $0x38;
	[tilespmem:$0x14800] =	vst v63  }
0x47: {  	_ =	swait.ge [sflag:s29], $0xA00  }
0x48: {  	[sflag:s29] =	ssyncset.done $0x0  }
0x49: {  	[sflag:s29] =	ssyncadd.s32 $0xFFFFF600  }
0x4a: {  	[spmem:s16] =	stream.linear.scatter [tilespmem:s28], [sflag:$0x2], $0xA00, $0x38;
	[tilespmem:$0x14800] =	vst v63  }
0x4b: {  	_ =	swait.ge [sflag:s29], $0xA00  }
0x4c: {  	[sflag:s29] =	ssyncset.done $0x0  }
0x4d: {  	[sflag:s29] =	ssyncadd.s32 $0xFFFFF600  }
0x4e: {  	[spmem:s17] =	stream.linear.scatter [tilespmem:s28], [sflag:$0x2], $0xA00, $0x38;
	[tilespmem:$0x14800] =	vst v63  }
0x4f: {  	_ =	swait.ge [sflag:s29], $0xA00  }
0x50: {  	[sflag:s29] =	ssyncset.done $0x0  }
0x51: {  	[sflag:s29] =	ssyncadd.s32 $0xFFFFF600  }
0x52: {  	[spmem:s18] =	stream.linear.scatter [tilespmem:s28], [sflag:$0x2], $0xA00, $0x38;
	[tilespmem:$0x14800] =	vst v63  }
0x53: {  	_ =	swait.ge [sflag:s29], $0xA00  }
0x54: {  	[sflag:s29] =	ssyncset.done $0x0  }
0x55: {  	[sflag:s29] =	ssyncadd.s32 $0xFFFFF600  }
0x56: {  	[spmem:s19] =	stream.linear.scatter [tilespmem:s28], [sflag:$0x2], $0xA00, $0x38;
	[tilespmem:$0x14800] =	vst v63  }
0x57: {  	_ =	swait.ge [sflag:s29], $0xA00  }
0x58: {  	[sflag:s29] =	ssyncset.done $0x0  }
0x59: {  	[sflag:s29] =	ssyncadd.s32 $0xFFFFF600  }
0x5a: {  	[spmem:s24] =	stream.linear.scatter [tilespmem:s28], [sflag:$0x2], $0xA00, $0x38;
	[tilespmem:$0x14800] =	vst v63  }
0x5b: {  	_ =	swait.ge [sflag:s29], $0xA00  }
0x5c: {  	[sflag:s29] =	ssyncset.done $0x0  }
0x5d: {  	[sflag:s29] =	ssyncadd.s32 $0xFFFFF600  }
0x5e: {  	[spmem:s26] =	stream.linear.scatter [tilespmem:s28], [sflag:$0x2], $0xA00, $0x38;
	[tilespmem:$0x14800] =	vst v63  }
0x5f: {  	_ =	swait.ge [sflag:s29], $0xA00  }
0x60: {  	[sflag:s29] =	ssyncset.done $0x0  }
0x61: {  	[sflag:s29] =	ssyncadd.s32 $0xFFFFF600  }
0x62: {  	s8 =	simm.s32 $0x0;
	[bflag:$0x0] =	sbarrier.arrive $0xFFFF  }
0x63: {  	[tilespmem:s8], [sflag:$0x2] =	stream.linear.gather [hbm4b:s20+s8], $0x1400, $0x38;
	[tilespmem:$0x14800] =	vst v63  }
0x64: {  	_ =	swait.ge [sflag:s29], $0x1400  }
0x65: {  	[sflag:s29] =	ssyncset.done $0x0  }
0x66: {  	s9 =	simm.s32 $0x1400;
	[sflag:s29] =	ssyncadd.s32 $0xFFFFEC00  }
0x67: {  	[tilespmem:s9], [sflag:$0x2] =	stream.linear.gather [hbm4b:s21+s8], $0x1400, $0x38;
	[tilespmem:$0x14800] =	vst v63  }
0x68: {  	_ =	swait.ge [sflag:s29], $0x1400  }
0x69: {  	[sflag:s29] =	ssyncset.done $0x0  }
0x6a: {  	[sflag:s29] =	ssyncadd.s32 $0xFFFFEC00  }
0x6b: {  	[tilespmem:s28], [sflag:$0x1] =	stream.indirect.gather [hbm4b:s1+s30], $0x40, s8, s30, $0xb8;
	[tilespmem:$0x14800] =	vst v63  }
0x6c: {  	p0 =	por $0x0, $0x0;
	s10 =	simm.s32 $0x18000  }
0x6d: {  	[tilespmem:s31], [sflag:$0x1] =	stream.indirect.gather [hbm4b:s1+s30], $0x40, s30, s30, $0xb8;
	[tilespmem:$0x14800] =	vst v63  }
0x6e: {  	s10 =	sand.u32 @!p0 $0x18000, s10  }
0x6f: {  	[tilespmem:s4], [sflag:$0x1] =	stream.indirect.gather [hbm4b:s1+s30], $0x40, s0, s30, $0xb8;
	[tilespmem:$0x14800] =	vst v63  }
0x70: {  	s10 =	sshrl.u32 @!p0 s10, $0x2;
	_ =	swait.ge [sflag:s6], $0x2000  }
0x71: {  	s14 =	simm.s32 $0x0;
	s10 =	sadd.s32 @!p0 $0x2800, s10;
	[sflag:s6] =	ssyncset.done $0x0  }
0x72: {  	s11 =	simm.s32 $0x180;
	s12 =	simm.s32 @!p0 $0x80;
	[sflag:s6] =	ssyncadd.s32 $0xFFFFE000  }
0x73: {  	[tilespmem:s10], [sflag:$0x1] =	stream.indirect.gather @!p0 [hbm4b:s1+s12], $0x40, s11, s12, $0xb8;
	[tilespmem:$0x14800] =	vst v63  }
0x74: {  	s10 =	sand.u32 $0x18000, s14  }
0x75: {  	s10 =	sshrl.u32 s10, $0x2  }
0x76: {  	s11 =	simm.s32 $0x1480;
	s10 =	sadd.s32 $0x2800, s10  }
0x77: {  	[spmem:s2] =	stream.indirect.scatter.add.f32 [tilespmem:s10], [sflag:$0x2], $0x40, s9, s30, $0xb8;
	[tilespmem:$0x14800] =	vst v63  }
0x78: {  	s9 =	simm.s32 $0x20000;
	s10 =	simm.s32 $0x200;
	_ =	swait.ge [sflag:s29], $0x2000  }
.LBB2_4:
0x79: {  	[sflag:s29] =	ssyncset.done $0x0  }
0x7a: {  	s8 =	sadd.s32 $0x1, s8;
	s12 =	smov.u32 s9;
	s9 =	sadd.s32 $0x8000, s9  }
0x7b: {  	p1 =	sgt.u32 s8, $0x24;
	p0 =	sne.s32 s9, $0x158000;
	[sflag:s29] =	ssyncadd.s32 $0xFFFFE000  }
0x7c: {  	_ =	swait.ge [sflag:s6], $0x2000;
	s13 =	sand.u32 @!p1 $0x18000, s12;
	s14 =	simm.s32 @!p1 $0x80  }
0x7d: {  	s12 =	sadd.s32 $0xFFFE8000, s12;
	[sflag:s6] =	ssyncset.done $0x0;
	s13 =	sshrl.u32 @!p1 s13, $0x2  }
0x7e: {  	s12 =	sand.u32 $0x18000, s12;
	[sflag:s6] =	ssyncadd.s32 $0xFFFFE000;
	s13 =	sadd.s32 @!p1 $0x2800, s13  }
0x7f: {  	[tilespmem:s13], [sflag:$0x1] =	stream.indirect.gather @!p1 [hbm4b:s1+s14], $0x40, s10, s14, $0xb8;
	[tilespmem:$0x14800] =	vst v63  }
.Ltmp1:
0x80: {  	_ = 	snop;
	(pc) =	sbr.rel @p0 .LBB2_4-.Ltmp1, $4  }
0x81: {  	s12 =	sshrl.u32 s12, $0x2  }
0x82: {  	s12 =	sadd.s32 $0x2800, s12  }
0x83: {  	[spmem:s2] =	stream.indirect.scatter.add.f32 [tilespmem:s12], [sflag:$0x2], $0x40, s11, s30, $0xb8;
	[tilespmem:$0x14800] =	vst v63  }
0x84: {  	s10 =	sadd.s32 $0x80, s10;
	s11 =	sadd.s32 $0x80, s11;
	_ =	swait.ge [sflag:s29], $0x2000  }
0x85: {  	[sflag:s29] =	ssyncset.done $0x0  }
0x86: {  	s8 =	simm.s32 $0x0;
	[sflag:s29] =	ssyncadd.s32 $0xFFFFE000  }
0x87: {  	[tilespmem:s8], [sflag:$0x2] =	stream.linear.gather [hbm4b:s22+s8], $0x1400, $0x38;
	[tilespmem:$0x14800] =	vst v63  }
0x88: {  	_ =	swait.ge [sflag:s29], $0x1400  }
0x89: {  	[sflag:s29] =	ssyncset.done $0x0  }
0x8a: {  	s9 =	simm.s32 $0x1400;
	[sflag:s29] =	ssyncadd.s32 $0xFFFFEC00  }
0x8b: {  	[tilespmem:s9], [sflag:$0x2] =	stream.linear.gather [hbm4b:s23+s8], $0x1400, $0x38;
	[tilespmem:$0x14800] =	vst v63  }
0x8c: {  	_ =	swait.ge [sflag:s29], $0x1400  }
0x8d: {  	[sflag:s29] =	ssyncset.done $0x0  }
0x8e: {  	[sflag:s29] =	ssyncadd.s32 $0xFFFFEC00  }
0x8f: {  	[tilespmem:s28], [sflag:$0x1] =	stream.indirect.gather [hbm4b:s1+s30], $0x40, s8, s30, $0xb8;
	[tilespmem:$0x14800] =	vst v63  }
0x90: {  	s10 =	simm.s32 $0x180  }
0x91: {  	[tilespmem:s31], [sflag:$0x1] =	stream.indirect.gather [hbm4b:s1+s30], $0x40, s30, s30, $0xb8;
	[tilespmem:$0x14800] =	vst v63  }
0x92: {  	s11 =	simm.s32 $0x18000;
	p0 =	por $0x0, $0x0;
	s13 =	simm.s32 $0x0  }
0x93: {  	[tilespmem:s4], [sflag:$0x1] =	stream.indirect.gather [hbm4b:s1+s30], $0x40, s0, s30, $0xb8;
	[tilespmem:$0x14800] =	vst v63  }
0x94: {  	s11 =	sand.u32 @!p0 $0x18000, s11;
	s12 =	simm.s32 @!p0 $0x80;
	_ =	swait.ge [sflag:s6], $0x2000  }
0x95: {  	s13 =	sand.u32 $0x18000, s13;
	s11 =	sshrl.u32 @!p0 s11, $0x2;
	[sflag:s6] =	ssyncset.done $0x0  }
0x96: {  	s14 =	sshrl.u32 s13, $0x2;
	s11 =	sadd.s32 @!p0 $0x2800, s11;
	[sflag:s6] =	ssyncadd.s32 $0xFFFFE000  }
0x97: {  	[tilespmem:s11], [sflag:$0x1] =	stream.indirect.gather @!p0 [hbm4b:s1+s12], $0x40, s10, s12, $0xb8;
	[tilespmem:$0x14800] =	vst v63  }
0x98: {  	s10 =	sadd.s32 $0x2800, s14;
	s11 =	simm.s32 $0x1480  }
0x99: {  	[spmem:s2] =	stream.indirect.scatter.add.f32 [tilespmem:s10], [sflag:$0x2], $0x40, s9, s30, $0xb8;
	[tilespmem:$0x14800] =	vst v63  }
0x9a: {  	s9 =	simm.s32 $0x20000;
	s10 =	simm.s32 $0x200;
	_ =	swait.ge [sflag:s29], $0x2000  }
.LBB2_6:
0x9b: {  	[sflag:s29] =	ssyncset.done $0x0  }
0x9c: {  	s8 =	sadd.s32 $0x1, s8;
	s12 =	smov.u32 s9;
	s9 =	sadd.s32 $0x8000, s9  }
0x9d: {  	p1 =	sgt.u32 s8, $0x24;
	p0 =	sne.s32 s9, $0x158000;
	[sflag:s29] =	ssyncadd.s32 $0xFFFFE000  }
0x9e: {  	_ =	swait.ge [sflag:s6], $0x2000;
	s13 =	sand.u32 @!p1 $0x18000, s12;
	s14 =	simm.s32 @!p1 $0x80  }
0x9f: {  	s12 =	sadd.s32 $0xFFFE8000, s12;
	[sflag:s6] =	ssyncset.done $0x0;
	s13 =	sshrl.u32 @!p1 s13, $0x2  }
0xa0: {  	s12 =	sand.u32 $0x18000, s12;
	[sflag:s6] =	ssyncadd.s32 $0xFFFFE000;
	s13 =	sadd.s32 @!p1 $0x2800, s13  }
0xa1: {  	[tilespmem:s13], [sflag:$0x1] =	stream.indirect.gather @!p1 [hbm4b:s1+s14], $0x40, s10, s14, $0xb8;
	[tilespmem:$0x14800] =	vst v63  }
.Ltmp2:
0xa2: {  	_ = 	snop;
	(pc) =	sbr.rel @p0 .LBB2_6-.Ltmp2, $4  }
0xa3: {  	s12 =	sshrl.u32 s12, $0x2  }
0xa4: {  	s12 =	sadd.s32 $0x2800, s12  }
0xa5: {  	[spmem:s2] =	stream.indirect.scatter.add.f32 [tilespmem:s12], [sflag:$0x2], $0x40, s11, s30, $0xb8;
	[tilespmem:$0x14800] =	vst v63  }
0xa6: {  	s10 =	sadd.s32 $0x80, s10;
	s11 =	sadd.s32 $0x80, s11;
	_ =	swait.ge [sflag:s29], $0x2000  }
0xa7: {  	[sflag:s29] =	ssyncset.done $0x0  }
0xa8: {  	[sflag:s29] =	ssyncadd.s32 $0xFFFFE000  }
0xa9: {  	[bflag:$0x0] =	sbarrier.arrive $0xFFFF  }
0xaa: {  	[tilespmem:s28], [sflag:$0x2] =	stream.linear.gather [spmem:s5], $0xA00, $0x38;
	[tilespmem:$0x14800] =	vst v63  }
0xab: {  	_ =	swait.ge [sflag:s29], $0xA00  }
0xac: {  	[sflag:s29] =	ssyncset.done $0x0  }
0xad: {  	s8 =	sadd.s32 $0x0, s25;
	[sflag:s29] =	ssyncadd.s32 $0xFFFFF600  }
0xae: {  	[hbm4b:s8+s3] =	stream.linear.scatter [tilespmem:s28], [sflag:$0x2], $0xA00, $0x38;
	[tilespmem:$0x14800] =	vst v63  }
0xaf: {  	_ =	swait.ge [sflag:s29], $0xA00  }
0xb0: {  	s9 =	smov.u32 s5;
	s8 =	simm.s32 $0x140;
	[sflag:s29] =	ssyncset.done $0x0  }
.LBB2_8:
0xb1: {  	p0 =	sne.s32 s8, $0x12C0;
	[sflag:s29] =	ssyncadd.s32 $0xFFFFF600;
	s9 =	sadd.s32 $0xA00, s9  }
0xb2: {  	[tilespmem:s28], [sflag:$0x2] =	stream.linear.gather [spmem:s9], $0xA00, $0x38;
	[tilespmem:$0x14800] =	vst v63  }
0xb3: {  	s10 =	smov.u32 s8;
	s8 =	sadd.s32 $0x140, s8;
	_ =	swait.ge [sflag:s29], $0xA00  }
.Ltmp3:
0xb4: {  	[sflag:s29] =	ssyncset.done $0x0;
	(pc) =	sbr.rel @p0 .LBB2_8-.Ltmp3, $4  }
0xb5: {  	s10 =	sadd.s32 s10, s25;
	[sflag:s29] =	ssyncadd.s32 $0xFFFFF600  }
0xb6: {  	[hbm4b:s10+s3] =	stream.linear.scatter [tilespmem:s28], [sflag:$0x2], $0xA00, $0x38;
	[tilespmem:$0x14800] =	vst v63  }
0xb7: {  	_ =	swait.ge [sflag:s29], $0xA00  }
0xb8: {  	[sflag:s29] =	ssyncset.done $0x0  }
0xb9: {  	s7 =	sadd.s32 $0x1, s7;
	s8 =	rddreg [dreg:$0x4]  }
0xba: {  	p0 =	sne.s32 s7, s8  }
.Ltmp4:
0xbb: {  	_ = 	snop;
	(pc) =	sbr.rel @p0 .LBB2_1-.Ltmp4, $2  }
0xbc: {  	_ =	sdelay $0x2  }
0xbd: {  	[sflag:s29] =	ssyncadd.s32 $0xFFFFF600  }
0xbe: {  	_ =	sfence.sel $0x180000  }
0xbf: {  	[bflag:$0x0] =	sbarrier.arrive $0xFFFF  }
0xc0: {  	_ =	strace $0x9000004D  }
0xc1: {  	s0 =	stileid.u32;
	[bflag:$0x2] =	sbarrier.arrive $0xFFFF  }
0xc2: {  	p0 =	sne.s32 s0, $0x0;
	s0 =	rddreg [dreg:$0x3]  }
0xc3: {  	s0 =	sadd.s32 @!p0 $0x100000, s0  }
0xc4: {  	[sflag:s0] =	ssyncadd.tile.s32 @!p0 $0x1;
	_ =	shalt  }
.Lfunc_end2:
_tile_overlayer_lowered:
.L_overlay_start_2:
0xc5: {  	(tag) =	ssettag $0x2  }
0xc6: {  	s0 =	rddreg [dreg:$0x0];
	s2 =	stileid.u32  }
0xc7: {  	s1 =	rddreg [dreg:$0x1];
	p0 =	sne.s32 s2, $0x0  }
0xc8: {  	s3 =	rddreg [dreg:$0x2];
	[bflag:$0x3] =	sbarrier.arrive $0xFFFF;
	s2 =	simm.s32 @!p0 $0x1C02  }
0xc9: {  	[timem:s3], [sflag:s2] =	dma.local @!p0 [hbm:s0], s1  }
0xca: {  	s0 =	simm.s32 @!p0 $0x2  }
0xcb: {  	_ =	swait.ge @!p0 [sflag:s0], s1  }
0xcc: {  	s1 =	ssub.s32 @!p0 $0x0, s1;
	[sflag:s0] =	ssyncset.done @!p0 $0x0  }
0xcd: {  	[sflag:s0] =	ssyncadd.s32 @!p0 s1  }
0xce: {  	[bflag:$0x3] =	sbarrier.arrive $0xFFFF  }
0xcf: {  	_ =	shalt  }

</sc_bundles>
